<compile_context>
chip_gen: v7x
topology: tpu7x:2x2x1
jax: 0.10.2.dev20260603
libtpu: 0.0.44.dev20260713+nightly
codegen_flags: <defaults>
</compile_context>

<pallas_src>
import functools
import math

import jax
import jax.numpy as jnp
from jax import lax
from jax.experimental import pallas as pl
from jax.experimental.pallas import tpu as pltpu
from jax.experimental.pallas import tpu_sc as plsc

NUM_NODES = 10000
NUM_EDGES = 320000
EMB_DIM = 128
_EPS = float(-math.log(1.0 - NUM_EDGES / (NUM_NODES ** 2 - NUM_NODES)))

CHUNK = 80
GROUPS = CHUNK // 16
NBUF = 3
NACC = 4


def _make_kernel(num_edges):
    info = plsc.get_sparse_core_info()
    nc, ns, nl = info.num_cores, info.num_subcores, info.num_lanes
    nw = nc * ns
    epw = num_edges // nw
    nsub = epw // CHUNK
    assert epw * nw == num_edges and nsub * CHUNK == epw and nl == 16
    assert nsub > NBUF

    mesh = plsc.VectorSubcoreMesh(core_axis_name="c", subcore_axis_name="s")

    @functools.partial(
        pl.kernel,
        mesh=mesh,
        out_type=jax.ShapeDtypeStruct((num_edges,), jnp.float32),
        compiler_params=pltpu.CompilerParams(
            needs_layout_passes=False, skip_device_barrier=True),
        scratch_types=[
            pltpu.VMEM((nsub, CHUNK), jnp.int32),
            pltpu.VMEM((nsub, CHUNK), jnp.int32),
            [pltpu.VMEM((CHUNK, EMB_DIM), jnp.float32) for _ in range(NBUF)],
            [pltpu.VMEM((CHUNK, EMB_DIM), jnp.float32) for _ in range(NBUF)],
            [pltpu.VMEM((CHUNK,), jnp.float32) for _ in range(NBUF)],
            pltpu.VMEM((16, 16), jnp.float32),
            [pltpu.SemaphoreType.DMA for _ in range(NBUF)],
            [pltpu.SemaphoreType.DMA for _ in range(NBUF)],
            [pltpu.SemaphoreType.DMA for _ in range(NBUF)],
        ],
    )
    def k(emb_hbm, e1_hbm, e2_hbm, out_hbm,
          idx1_v, idx2_v, rows1, rows2, outs, tmp, sems1, sems2, semo):
        wid = lax.axis_index("s") * nc + lax.axis_index("c")
        pltpu.sync_copy(e1_hbm.at[wid], idx1_v)
        pltpu.sync_copy(e2_hbm.at[wid], idx2_v)
        base_w = wid * epw

        lanes = lax.iota(jnp.int32, 16)

        def start_gathers(j, b):
            pltpu.async_copy(emb_hbm.at[idx1_v.at[j]], rows1[b], sems1[b])
            pltpu.async_copy(emb_hbm.at[idx2_v.at[j]], rows2[b], sems2[b])

        def wait_gathers(j, b):
            pltpu.make_async_copy(
                emb_hbm.at[idx1_v.at[j]], rows1[b], sems1[b]).wait()
            pltpu.make_async_copy(
                emb_hbm.at[idx2_v.at[j]], rows2[b], sems2[b]).wait()

        def out_ref(j):
            return out_hbm.at[pl.ds(base_w + j * CHUNK, CHUNK)]

        def compute(b, tmp):
            def group_body(g, _):
                row0 = g * 16
                for e0 in range(0, 16, 4):
                    accs = [None] * 4
                    for kk in range(8):
                        for d in range(4):
                            r = row0 + e0 + d
                            m = (rows1[b][r, pl.ds(16 * kk, 16)]
                                 * rows2[b][r, pl.ds(16 * kk, 16)])
                            accs[d] = m if kk == 0 else accs[d] + m
                    for d in range(4):
                        tmp[e0 + d, :] = accs[d]
                res = plsc.load_gather(tmp, [lanes, jnp.zeros((16,), jnp.int32)])
                for col in range(1, 16):
                    res = res + plsc.load_gather(
                        tmp, [lanes, jnp.full((16,), col, jnp.int32)])
                probs = 1.0 - jnp.exp(-(res + _EPS))
                outs[b][pl.ds(row0, 16)] = probs
                return 0

            lax.fori_loop(0, GROUPS, group_body, 0)

        for b in range(NBUF):
            start_gathers(b, b)

        def outer_body(j0, _):
            for b in range(NBUF):
                j = j0 * NBUF + b

                @pl.when(j < nsub)
                def _():
                    wait_gathers(j, b)
                    @pl.when(j >= NBUF)
                    def _():
                        pltpu.make_async_copy(
                            outs[b], out_ref(j - NBUF), semo[b]).wait()
                    compute(b, tmp)

                    @pl.when(j + NBUF < nsub)
                    def _():
                        start_gathers(j + NBUF, b)
                    pltpu.async_copy(outs[b], out_ref(j), semo[b])
            return 0

        n_outer = (nsub + NBUF - 1) // NBUF
        lax.fori_loop(0, n_outer, outer_body, 0)

        for c in range(nsub - NBUF, nsub):
            pltpu.make_async_copy(outs[c % NBUF], out_ref(c), semo[c % NBUF]).wait()

    return k


@jax.jit
def kernel(emb, idx):
    info = plsc.get_sparse_core_info()
    nw = info.num_cores * info.num_subcores
    quantum = nw * CHUNK
    n_pad = (NUM_EDGES + quantum - 1) // quantum * quantum
    epw = n_pad // nw
    nsub = epw // CHUNK
    idx_p = jnp.pad(idx, ((0, n_pad - NUM_EDGES), (0, 0)))
    e1 = idx_p[:, 0].reshape(nw, nsub, CHUNK)
    e2 = idx_p[:, 1].reshape(nw, nsub, CHUNK)
    out = _make_kernel(n_pad)(emb, e1, e2)
    return out[:NUM_EDGES] if n_pad != NUM_EDGES else out

# --- scband reference (transcript-rebuilt; emitter-appended) ---
"""Pipeline reference for scband-berpo-decoder-4844723110418 (READ-ONLY COPY).

The authoritative reference and input builder live on the scoring server;
editing this copy changes nothing except your own understanding.
"""

import jax, jax.numpy as jnp
import numpy as np

NUM_NODES = 10000
NUM_EDGES = 320000
EMB_DIM = 128
EPS = float(-np.log(1.0 - NUM_EDGES / (NUM_NODES ** 2 - NUM_NODES)))


def setup_inputs(seed: int = 0) -> dict:
    key = jax.random.key(seed)
    k1, k2 = jax.random.split(key)
    emb = jax.random.normal(k1, (NUM_NODES, EMB_DIM), dtype=jnp.float32)
    idx = jax.random.randint(k2, (NUM_EDGES, 2), 0, NUM_NODES, dtype=jnp.int32)
    return {"emb": emb, "idx": idx}


def reference(emb, idx):
    # BerpoDecoder.forward_batch: gather endpoint embeddings, dot product,
    # add eps, convert Poisson rate to Bernoulli prob: p = 1 - exp(-logits).
    e1 = idx[:, 0]
    e2 = idx[:, 1]
    emb1 = jnp.take(emb, e1, axis=0)
    emb2 = jnp.take(emb, e2, axis=0)
    logits = jnp.sum(emb1 * emb2, axis=1) + EPS
    probs = 1.0 - jnp.exp(-logits)
    return probs

if __name__ == "__main__":
    import jax
    _d = setup_inputs()
    print(jax.jit(kernel)(*tuple(_d.values())))

</pallas_src>

<mosaic_0001>
#map = affine_map<(d0, d1) -> (0, 0)>
#map1 = affine_map<(d0, d1) -> (0, 0, 0)>
#map2 = affine_map<(d0, d1) -> (0)>
module attributes {stable_mosaic.version = 14 : i64} {
  func.func @k(%arg0: i32, %arg1: i32, %arg2: memref<10000x128xf32, #tpu.memory_space<hbm>>, %arg3: memref<32x125x80xi32, #tpu.memory_space<hbm>>, %arg4: memref<32x125x80xi32, #tpu.memory_space<hbm>>, %arg5: memref<320000xf32, #tpu.memory_space<hbm>>, %arg6: memref<125x80xi32, #tpu.memory_space<vmem>>, %arg7: memref<125x80xi32, #tpu.memory_space<vmem>>, %arg8: memref<80x128xf32, #tpu.memory_space<vmem>>, %arg9: memref<80x128xf32, #tpu.memory_space<vmem>>, %arg10: memref<80x128xf32, #tpu.memory_space<vmem>>, %arg11: memref<80x128xf32, #tpu.memory_space<vmem>>, %arg12: memref<80x128xf32, #tpu.memory_space<vmem>>, %arg13: memref<80x128xf32, #tpu.memory_space<vmem>>, %arg14: memref<80xf32, #tpu.memory_space<vmem>>, %arg15: memref<80xf32, #tpu.memory_space<vmem>>, %arg16: memref<80xf32, #tpu.memory_space<vmem>>, %arg17: memref<16x16xf32, #tpu.memory_space<vmem>>, %arg18: memref<!tpu.dma_semaphore, #tpu.memory_space<semaphore_mem>>, %arg19: memref<!tpu.dma_semaphore, #tpu.memory_space<semaphore_mem>>, %arg20: memref<!tpu.dma_semaphore, #tpu.memory_space<semaphore_mem>>, %arg21: memref<!tpu.dma_semaphore, #tpu.memory_space<semaphore_mem>>, %arg22: memref<!tpu.dma_semaphore, #tpu.memory_space<semaphore_mem>>, %arg23: memref<!tpu.dma_semaphore, #tpu.memory_space<semaphore_mem>>, %arg24: memref<!tpu.dma_semaphore, #tpu.memory_space<semaphore_mem>>, %arg25: memref<!tpu.dma_semaphore, #tpu.memory_space<semaphore_mem>>, %arg26: memref<!tpu.dma_semaphore, #tpu.memory_space<semaphore_mem>>) attributes {dimension_semantics = [#tpu.dimension_semantics<core_parallel>, #tpu.dimension_semantics<subcore_parallel>], iteration_bounds = array<i64: 2, 16>, scalar_prefetch = 0 : i64, scratch_operands = 21 : i64, tpu.core_type = #tpu.core_type<sc_vector_subcore>, window_params = [{transform_indices = #map}, {transform_indices = #map1}, {transform_indices = #map1}, {transform_indices = #map2}]} {
    %mul3A = arith.constant 2 : i32
    %mul3A_0 = arith.muli %arg1, %mul3A : i32
    %add3A = arith.addi %mul3A_0, %arg0 : i32
    "tpu.region"() ({
      %run_scoped3A = tpu.sem_alloc : memref<!tpu.dma_semaphore, #tpu.memory_space<semaphore_mem>>
      %dma_start3A_61 = arith.constant 0 : i32
      %dma_start3A_62 = arith.constant 0 : i32
      %dma_start3A_63 = tpu.memref_slice %arg3[%add3A, %dma_start3A_61, %dma_start3A_62] : memref<32x125x80xi32, #tpu.memory_space<hbm>> -> memref<1x125x80xi32, #tpu.memory_space<hbm>>
      %dma_start3A_64 = tpu.memref_squeeze %dma_start3A_63 : memref<1x125x80xi32, #tpu.memory_space<hbm>> -> memref<125x80xi32, #tpu.memory_space<hbm>>
      %dma_start3A_65 = arith.constant 0 : i32
      %dma_start3A_66 = arith.constant 0 : i32
      %dma_start3A_67 = tpu.memref_slice %arg3[%add3A, %dma_start3A_65, %dma_start3A_66] : memref<32x125x80xi32, #tpu.memory_space<hbm>> -> memref<1x125x80xi32, #tpu.memory_space<hbm>>
      %dma_start3A_68 = tpu.memref_squeeze %dma_start3A_67 : memref<1x125x80xi32, #tpu.memory_space<hbm>> -> memref<125x80xi32, #tpu.memory_space<hbm>>
      tpu.enqueue_dma source(%dma_start3A_68 : memref<125x80xi32, #tpu.memory_space<hbm>>) target(%arg6 : memref<125x80xi32, #tpu.memory_space<vmem>>) target_semaphore(%run_scoped3A : memref<!tpu.dma_semaphore, #tpu.memory_space<semaphore_mem>>)
      %dma_wait3A_69 = arith.constant 0 : i32
      %dma_wait3A_70 = arith.constant 0 : i32
      %dma_wait3A_71 = tpu.memref_slice %arg3[%add3A, %dma_wait3A_69, %dma_wait3A_70] : memref<32x125x80xi32, #tpu.memory_space<hbm>> -> memref<1x125x80xi32, #tpu.memory_space<hbm>>
      %dma_wait3A_72 = tpu.memref_squeeze %dma_wait3A_71 : memref<1x125x80xi32, #tpu.memory_space<hbm>> -> memref<125x80xi32, #tpu.memory_space<hbm>>
      %dma_wait3A_73 = arith.constant 0 : i32
      %dma_wait3A_74 = arith.constant 0 : i32
      %dma_wait3A_75 = tpu.memref_slice %arg3[%add3A, %dma_wait3A_73, %dma_wait3A_74] : memref<32x125x80xi32, #tpu.memory_space<hbm>> -> memref<1x125x80xi32, #tpu.memory_space<hbm>>
      %dma_wait3A_76 = tpu.memref_squeeze %dma_wait3A_75 : memref<1x125x80xi32, #tpu.memory_space<hbm>> -> memref<125x80xi32, #tpu.memory_space<hbm>>
      tpu.wait_dma2 semaphore(%run_scoped3A : memref<!tpu.dma_semaphore, #tpu.memory_space<semaphore_mem>>) src(%dma_wait3A_76 : memref<125x80xi32, #tpu.memory_space<hbm>>) dst(%arg6 : memref<125x80xi32, #tpu.memory_space<vmem>>)
      tpu.yield
    }) : () -> ()
    "tpu.region"() ({
      %run_scoped3A = tpu.sem_alloc : memref<!tpu.dma_semaphore, #tpu.memory_space<semaphore_mem>>
      %dma_start3A_61 = arith.constant 0 : i32
      %dma_start3A_62 = arith.constant 0 : i32
      %dma_start3A_63 = tpu.memref_slice %arg4[%add3A, %dma_start3A_61, %dma_start3A_62] : memref<32x125x80xi32, #tpu.memory_space<hbm>> -> memref<1x125x80xi32, #tpu.memory_space<hbm>>
      %dma_start3A_64 = tpu.memref_squeeze %dma_start3A_63 : memref<1x125x80xi32, #tpu.memory_space<hbm>> -> memref<125x80xi32, #tpu.memory_space<hbm>>
      %dma_start3A_65 = arith.constant 0 : i32
      %dma_start3A_66 = arith.constant 0 : i32
      %dma_start3A_67 = tpu.memref_slice %arg4[%add3A, %dma_start3A_65, %dma_start3A_66] : memref<32x125x80xi32, #tpu.memory_space<hbm>> -> memref<1x125x80xi32, #tpu.memory_space<hbm>>
      %dma_start3A_68 = tpu.memref_squeeze %dma_start3A_67 : memref<1x125x80xi32, #tpu.memory_space<hbm>> -> memref<125x80xi32, #tpu.memory_space<hbm>>
      tpu.enqueue_dma source(%dma_start3A_68 : memref<125x80xi32, #tpu.memory_space<hbm>>) target(%arg7 : memref<125x80xi32, #tpu.memory_space<vmem>>) target_semaphore(%run_scoped3A : memref<!tpu.dma_semaphore, #tpu.memory_space<semaphore_mem>>)
      %dma_wait3A_69 = arith.constant 0 : i32
      %dma_wait3A_70 = arith.constant 0 : i32
      %dma_wait3A_71 = tpu.memref_slice %arg4[%add3A, %dma_wait3A_69, %dma_wait3A_70] : memref<32x125x80xi32, #tpu.memory_space<hbm>> -> memref<1x125x80xi32, #tpu.memory_space<hbm>>
      %dma_wait3A_72 = tpu.memref_squeeze %dma_wait3A_71 : memref<1x125x80xi32, #tpu.memory_space<hbm>> -> memref<125x80xi32, #tpu.memory_space<hbm>>
      %dma_wait3A_73 = arith.constant 0 : i32
      %dma_wait3A_74 = arith.constant 0 : i32
      %dma_wait3A_75 = tpu.memref_slice %arg4[%add3A, %dma_wait3A_73, %dma_wait3A_74] : memref<32x125x80xi32, #tpu.memory_space<hbm>> -> memref<1x125x80xi32, #tpu.memory_space<hbm>>
      %dma_wait3A_76 = tpu.memref_squeeze %dma_wait3A_75 : memref<1x125x80xi32, #tpu.memory_space<hbm>> -> memref<125x80xi32, #tpu.memory_space<hbm>>
      tpu.wait_dma2 semaphore(%run_scoped3A : memref<!tpu.dma_semaphore, #tpu.memory_space<semaphore_mem>>) src(%dma_wait3A_76 : memref<125x80xi32, #tpu.memory_space<hbm>>) dst(%arg7 : memref<125x80xi32, #tpu.memory_space<vmem>>)
      tpu.yield
    }) : () -> ()
    %mul3A_1 = arith.constant 10000 : i32
    %mul3A_2 = arith.muli %add3A, %mul3A_1 : i32
    %iota3A = tpu.iota {dimensions = array<i32: 0>} : vector<16xi32>
    %dma_start3A = arith.constant 0 : i32
    %dma_start3A_3 = arith.constant 0 : i32
    %dma_start3A_4 = tpu.memref_slice %arg6[%dma_start3A, %dma_start3A_3] : memref<125x80xi32, #tpu.memory_space<vmem>> -> memref<1x80xi32, #tpu.memory_space<vmem>>
    %dma_start3A_5 = tpu.memref_squeeze %dma_start3A_4 : memref<1x80xi32, #tpu.memory_space<vmem>> -> memref<80xi32, #tpu.memory_space<vmem>>
    %dma_start3A_6 = arith.constant 0 : i32
    %dma_start3A_7 = arith.constant 0 : i32
    %dma_start3A_8 = tpu.memref_slice %arg2[%dma_start3A_6, %dma_start3A_7] : memref<10000x128xf32, #tpu.memory_space<hbm>> -> memref<10000x128xf32, #tpu.memory_space<hbm>>
    tpu.enqueue_indirect_dma source(%dma_start3A_8 : memref<10000x128xf32, #tpu.memory_space<hbm>>) target(%arg8 : memref<80x128xf32, #tpu.memory_space<vmem>>) offsets(%dma_start3A_5 : memref<80xi32, #tpu.memory_space<vmem>>) semaphore(%arg18 : memref<!tpu.dma_semaphore, #tpu.memory_space<semaphore_mem>>)
    %dma_start3A_9 = arith.constant 0 : i32
    %dma_start3A_10 = arith.constant 0 : i32
    %dma_start3A_11 = tpu.memref_slice %arg7[%dma_start3A_9, %dma_start3A_10] : memref<125x80xi32, #tpu.memory_space<vmem>> -> memref<1x80xi32, #tpu.memory_space<vmem>>
    %dma_start3A_12 = tpu.memref_squeeze %dma_start3A_11 : memref<1x80xi32, #tpu.memory_space<vmem>> -> memref<80xi32, #tpu.memory_space<vmem>>
    %dma_start3A_13 = arith.constant 0 : i32
    %dma_start3A_14 = arith.constant 0 : i32
    %dma_start3A_15 = tpu.memref_slice %arg2[%dma_start3A_13, %dma_start3A_14] : memref<10000x128xf32, #tpu.memory_space<hbm>> -> memref<10000x128xf32, #tpu.memory_space<hbm>>
    tpu.enqueue_indirect_dma source(%dma_start3A_15 : memref<10000x128xf32, #tpu.memory_space<hbm>>) target(%arg11 : memref<80x128xf32, #tpu.memory_space<vmem>>) offsets(%dma_start3A_12 : memref<80xi32, #tpu.memory_space<vmem>>) semaphore(%arg21 : memref<!tpu.dma_semaphore, #tpu.memory_space<semaphore_mem>>)
    %dma_start3A_16 = arith.constant 1 : i32
    %dma_start3A_17 = arith.constant 0 : i32
    %dma_start3A_18 = tpu.memref_slice %arg6[%dma_start3A_16, %dma_start3A_17] : memref<125x80xi32, #tpu.memory_space<vmem>> -> memref<1x80xi32, #tpu.memory_space<vmem>>
    %dma_start3A_19 = tpu.memref_squeeze %dma_start3A_18 : memref<1x80xi32, #tpu.memory_space<vmem>> -> memref<80xi32, #tpu.memory_space<vmem>>
    %dma_start3A_20 = arith.constant 0 : i32
    %dma_start3A_21 = arith.constant 0 : i32
    %dma_start3A_22 = tpu.memref_slice %arg2[%dma_start3A_20, %dma_start3A_21] : memref<10000x128xf32, #tpu.memory_space<hbm>> -> memref<10000x128xf32, #tpu.memory_space<hbm>>
    tpu.enqueue_indirect_dma source(%dma_start3A_22 : memref<10000x128xf32, #tpu.memory_space<hbm>>) target(%arg9 : memref<80x128xf32, #tpu.memory_space<vmem>>) offsets(%dma_start3A_19 : memref<80xi32, #tpu.memory_space<vmem>>) semaphore(%arg19 : memref<!tpu.dma_semaphore, #tpu.memory_space<semaphore_mem>>)
    %dma_start3A_23 = arith.constant 1 : i32
    %dma_start3A_24 = arith.constant 0 : i32
    %dma_start3A_25 = tpu.memref_slice %arg7[%dma_start3A_23, %dma_start3A_24] : memref<125x80xi32, #tpu.memory_space<vmem>> -> memref<1x80xi32, #tpu.memory_space<vmem>>
    %dma_start3A_26 = tpu.memref_squeeze %dma_start3A_25 : memref<1x80xi32, #tpu.memory_space<vmem>> -> memref<80xi32, #tpu.memory_space<vmem>>
    %dma_start3A_27 = arith.constant 0 : i32
    %dma_start3A_28 = arith.constant 0 : i32
    %dma_start3A_29 = tpu.memref_slice %arg2[%dma_start3A_27, %dma_start3A_28] : memref<10000x128xf32, #tpu.memory_space<hbm>> -> memref<10000x128xf32, #tpu.memory_space<hbm>>
    tpu.enqueue_indirect_dma source(%dma_start3A_29 : memref<10000x128xf32, #tpu.memory_space<hbm>>) target(%arg12 : memref<80x128xf32, #tpu.memory_space<vmem>>) offsets(%dma_start3A_26 : memref<80xi32, #tpu.memory_space<vmem>>) semaphore(%arg22 : memref<!tpu.dma_semaphore, #tpu.memory_space<semaphore_mem>>)
    %dma_start3A_30 = arith.constant 2 : i32
    %dma_start3A_31 = arith.constant 0 : i32
    %dma_start3A_32 = tpu.memref_slice %arg6[%dma_start3A_30, %dma_start3A_31] : memref<125x80xi32, #tpu.memory_space<vmem>> -> memref<1x80xi32, #tpu.memory_space<vmem>>
    %dma_start3A_33 = tpu.memref_squeeze %dma_start3A_32 : memref<1x80xi32, #tpu.memory_space<vmem>> -> memref<80xi32, #tpu.memory_space<vmem>>
    %dma_start3A_34 = arith.constant 0 : i32
    %dma_start3A_35 = arith.constant 0 : i32
    %dma_start3A_36 = tpu.memref_slice %arg2[%dma_start3A_34, %dma_start3A_35] : memref<10000x128xf32, #tpu.memory_space<hbm>> -> memref<10000x128xf32, #tpu.memory_space<hbm>>
    tpu.enqueue_indirect_dma source(%dma_start3A_36 : memref<10000x128xf32, #tpu.memory_space<hbm>>) target(%arg10 : memref<80x128xf32, #tpu.memory_space<vmem>>) offsets(%dma_start3A_33 : memref<80xi32, #tpu.memory_space<vmem>>) semaphore(%arg20 : memref<!tpu.dma_semaphore, #tpu.memory_space<semaphore_mem>>)
    %dma_start3A_37 = arith.constant 2 : i32
    %dma_start3A_38 = arith.constant 0 : i32
    %dma_start3A_39 = tpu.memref_slice %arg7[%dma_start3A_37, %dma_start3A_38] : memref<125x80xi32, #tpu.memory_space<vmem>> -> memref<1x80xi32, #tpu.memory_space<vmem>>
    %dma_start3A_40 = tpu.memref_squeeze %dma_start3A_39 : memref<1x80xi32, #tpu.memory_space<vmem>> -> memref<80xi32, #tpu.memory_space<vmem>>
    %dma_start3A_41 = arith.constant 0 : i32
    %dma_start3A_42 = arith.constant 0 : i32
    %dma_start3A_43 = tpu.memref_slice %arg2[%dma_start3A_41, %dma_start3A_42] : memref<10000x128xf32, #tpu.memory_space<hbm>> -> memref<10000x128xf32, #tpu.memory_space<hbm>>
    tpu.enqueue_indirect_dma source(%dma_start3A_43 : memref<10000x128xf32, #tpu.memory_space<hbm>>) target(%arg13 : memref<80x128xf32, #tpu.memory_space<vmem>>) offsets(%dma_start3A_40 : memref<80xi32, #tpu.memory_space<vmem>>) semaphore(%arg23 : memref<!tpu.dma_semaphore, #tpu.memory_space<semaphore_mem>>)
    %scan3A = arith.constant 0 : i32
    %scan3A_44 = arith.constant 0 : i32
    %scan3A_45 = arith.constant 42 : i32
    %scan3A_46 = arith.addi %scan3A_44, %scan3A_45 : i32
    %scan3A_47 = arith.constant 1 : i32
    %scan3A_48 = scf.for %scan3A_61 = %scan3A_44 to %scan3A_46 step %scan3A_47 iter_args(%scan3A_62 = %scan3A) -> (i32)  : i32 {
      %mul3A_63 = arith.constant 3 : i32
      %mul3A_64 = arith.muli %scan3A_61, %mul3A_63 : i32
      %add3A_65 = arith.constant 0 : i32
      %add3A_66 = arith.addi %mul3A_64, %add3A_65 : i32
      %lt3A = arith.constant 125 : i32
      %lt3A_67 = arith.cmpi slt, %add3A_66, %lt3A : i32
      %convert_element_type3A = arith.extui %lt3A_67 : i1 to i32
      %cond3A = arith.constant 0 : i32
      %cond3A_68 = arith.cmpi ne, %convert_element_type3A, %cond3A : i32
      scf.if %cond3A_68 {
        %dma_wait3A_88 = arith.constant 0 : i32
        %dma_wait3A_89 = tpu.memref_slice %arg6[%add3A_66, %dma_wait3A_88] : memref<125x80xi32, #tpu.memory_space<vmem>> -> memref<1x80xi32, #tpu.memory_space<vmem>>
        %dma_wait3A_90 = tpu.memref_squeeze %dma_wait3A_89 : memref<1x80xi32, #tpu.memory_space<vmem>> -> memref<80xi32, #tpu.memory_space<vmem>>
        %dma_wait3A_91 = arith.constant 0 : i32
        %dma_wait3A_92 = arith.constant 0 : i32
        %dma_wait3A_93 = tpu.memref_slice %arg2[%dma_wait3A_91, %dma_wait3A_92] : memref<10000x128xf32, #tpu.memory_space<hbm>> -> memref<10000x128xf32, #tpu.memory_space<hbm>>
        tpu.wait_indirect_dma semaphore(%arg18 : memref<!tpu.dma_semaphore, #tpu.memory_space<semaphore_mem>>) src(%dma_wait3A_93 : memref<10000x128xf32, #tpu.memory_space<hbm>>) dst(%arg8 : memref<80x128xf32, #tpu.memory_space<vmem>>)
        %dma_wait3A_94 = arith.constant 0 : i32
        %dma_wait3A_95 = tpu.memref_slice %arg7[%add3A_66, %dma_wait3A_94] : memref<125x80xi32, #tpu.memory_space<vmem>> -> memref<1x80xi32, #tpu.memory_space<vmem>>
        %dma_wait3A_96 = tpu.memref_squeeze %dma_wait3A_95 : memref<1x80xi32, #tpu.memory_space<vmem>> -> memref<80xi32, #tpu.memory_space<vmem>>
        %dma_wait3A_97 = arith.constant 0 : i32
        %dma_wait3A_98 = arith.constant 0 : i32
        %dma_wait3A_99 = tpu.memref_slice %arg2[%dma_wait3A_97, %dma_wait3A_98] : memref<10000x128xf32, #tpu.memory_space<hbm>> -> memref<10000x128xf32, #tpu.memory_space<hbm>>
        tpu.wait_indirect_dma semaphore(%arg21 : memref<!tpu.dma_semaphore, #tpu.memory_space<semaphore_mem>>) src(%dma_wait3A_99 : memref<10000x128xf32, #tpu.memory_space<hbm>>) dst(%arg11 : memref<80x128xf32, #tpu.memory_space<vmem>>)
        %ge3A = arith.constant 3 : i32
        %ge3A_100 = arith.cmpi sge, %add3A_66, %ge3A : i32
        %convert_element_type3A_101 = arith.extui %ge3A_100 : i1 to i32
        %cond3A_102 = arith.constant 0 : i32
        %cond3A_103 = arith.cmpi ne, %convert_element_type3A_101, %cond3A_102 : i32
        scf.if %cond3A_103 {
          %sub3A = arith.constant 3 : i32
          %sub3A_123 = arith.subi %add3A_66, %sub3A : i32
          %mul3A_124 = arith.constant 80 : i32
          %mul3A_125 = arith.muli %sub3A_123, %mul3A_124 : i32
          %add3A_126 = arith.addi %mul3A_2, %mul3A_125 : i32
          %dma_wait3A_127 = tpu.memref_slice %arg5[%add3A_126] : memref<320000xf32, #tpu.memory_space<hbm>> -> memref<80xf32, #tpu.memory_space<hbm>>
          %dma_wait3A_128 = tpu.memref_slice %arg5[%add3A_126] : memref<320000xf32, #tpu.memory_space<hbm>> -> memref<80xf32, #tpu.memory_space<hbm>>
          tpu.wait_dma2 semaphore(%arg24 : memref<!tpu.dma_semaphore, #tpu.memory_space<semaphore_mem>>) src(%arg14 : memref<80xf32, #tpu.memory_space<vmem>>) dst(%dma_wait3A_128 : memref<80xf32, #tpu.memory_space<hbm>>)
        } else {
        }
        %scan3A_104 = arith.constant 0 : i32
        %scan3A_105 = arith.constant 0 : i32
        %scan3A_106 = arith.constant 5 : i32
        %scan3A_107 = arith.addi %scan3A_105, %scan3A_106 : i32
        %scan3A_108 = arith.constant 1 : i32
        %scan3A_109 = scf.for %scan3A_123 = %scan3A_105 to %scan3A_107 step %scan3A_108 iter_args(%scan3A_124 = %scan3A_104) -> (i32)  : i32 {
          %mul3A_125 = arith.constant 16 : i32
          %mul3A_126 = arith.muli %scan3A_123, %mul3A_125 : i32
          %add3A_127 = arith.constant 0 : i32
          %add3A_128 = arith.addi %mul3A_126, %add3A_127 : i32
          %add3A_129 = arith.constant 0 : i32
          %add3A_130 = arith.addi %add3A_128, %add3A_129 : i32
          %get3A = arith.index_cast %add3A_130 : i32 to index
          %get3A_131 = arith.constant 0 : index
          %get3A_132 = tpu.vector_load %arg8[%get3A, %get3A_131] {strides = array<i32>} : memref<80x128xf32, #tpu.memory_space<vmem>>, vector<16xf32>,
          %get3A_133 = arith.index_cast %add3A_130 : i32 to index
          %get3A_134 = arith.constant 0 : index
          %get3A_135 = tpu.vector_load %arg11[%get3A_133, %get3A_134] {strides = array<i32>} : memref<80x128xf32, #tpu.memory_space<vmem>>, vector<16xf32>,
          %mul3A_136 = arith.mulf %get3A_132, %get3A_135 : vector<16xf32>
          %add3A_137 = arith.constant 0 : i32
          %add3A_138 = arith.addi %mul3A_126, %add3A_137 : i32
          %add3A_139 = arith.constant 1 : i32
          %add3A_140 = arith.addi %add3A_138, %add3A_139 : i32
          %get3A_141 = arith.index_cast %add3A_140 : i32 to index
          %get3A_142 = arith.constant 0 : index
          %get3A_143 = tpu.vector_load %arg8[%get3A_141, %get3A_142] {strides = array<i32>} : memref<80x128xf32, #tpu.memory_space<vmem>>, vector<16xf32>,
          %get3A_144 = arith.index_cast %add3A_140 : i32 to index
          %get3A_145 = arith.constant 0 : index
          %get3A_146 = tpu.vector_load %arg11[%get3A_144, %get3A_145] {strides = array<i32>} : memref<80x128xf32, #tpu.memory_space<vmem>>, vector<16xf32>,
          %mul3A_147 = arith.mulf %get3A_143, %get3A_146 : vector<16xf32>
          %add3A_148 = arith.constant 0 : i32
          %add3A_149 = arith.addi %mul3A_126, %add3A_148 : i32
          %add3A_150 = arith.constant 2 : i32
          %add3A_151 = arith.addi %add3A_149, %add3A_150 : i32
          %get3A_152 = arith.index_cast %add3A_151 : i32 to index
          %get3A_153 = arith.constant 0 : index
          %get3A_154 = tpu.vector_load %arg8[%get3A_152, %get3A_153] {strides = array<i32>} : memref<80x128xf32, #tpu.memory_space<vmem>>, vector<16xf32>,
          %get3A_155 = arith.index_cast %add3A_151 : i32 to index
          %get3A_156 = arith.constant 0 : index
          %get3A_157 = tpu.vector_load %arg11[%get3A_155, %get3A_156] {strides = array<i32>} : memref<80x128xf32, #tpu.memory_space<vmem>>, vector<16xf32>,
          %mul3A_158 = arith.mulf %get3A_154, %get3A_157 : vector<16xf32>
          %add3A_159 = arith.constant 0 : i32
          %add3A_160 = arith.addi %mul3A_126, %add3A_159 : i32
          %add3A_161 = arith.constant 3 : i32
          %add3A_162 = arith.addi %add3A_160, %add3A_161 : i32
          %get3A_163 = arith.index_cast %add3A_162 : i32 to index
          %get3A_164 = arith.constant 0 : index
          %get3A_165 = tpu.vector_load %arg8[%get3A_163, %get3A_164] {strides = array<i32>} : memref<80x128xf32, #tpu.memory_space<vmem>>, vector<16xf32>,
          %get3A_166 = arith.index_cast %add3A_162 : i32 to index
          %get3A_167 = arith.constant 0 : index
          %get3A_168 = tpu.vector_load %arg11[%get3A_166, %get3A_167] {strides = array<i32>} : memref<80x128xf32, #tpu.memory_space<vmem>>, vector<16xf32>,
          %mul3A_169 = arith.mulf %get3A_165, %get3A_168 : vector<16xf32>
          %add3A_170 = arith.constant 0 : i32
          %add3A_171 = arith.addi %mul3A_126, %add3A_170 : i32
          %add3A_172 = arith.constant 0 : i32
          %add3A_173 = arith.addi %add3A_171, %add3A_172 : i32
          %get3A_174 = arith.index_cast %add3A_173 : i32 to index
          %get3A_175 = arith.constant 16 : index
          %get3A_176 = tpu.vector_load %arg8[%get3A_174, %get3A_175] {strides = array<i32>} : memref<80x128xf32, #tpu.memory_space<vmem>>, vector<16xf32>,
          %get3A_177 = arith.index_cast %add3A_173 : i32 to index
          %get3A_178 = arith.constant 16 : index
          %get3A_179 = tpu.vector_load %arg11[%get3A_177, %get3A_178] {strides = array<i32>} : memref<80x128xf32, #tpu.memory_space<vmem>>, vector<16xf32>,
          %mul3A_180 = arith.mulf %get3A_176, %get3A_179 : vector<16xf32>
          %add3A_181 = arith.addf %mul3A_136, %mul3A_180 : vector<16xf32>
          %add3A_182 = arith.constant 0 : i32
          %add3A_183 = arith.addi %mul3A_126, %add3A_182 : i32
          %add3A_184 = arith.constant 1 : i32
          %add3A_185 = arith.addi %add3A_183, %add3A_184 : i32
          %get3A_186 = arith.index_cast %add3A_185 : i32 to index
          %get3A_187 = arith.constant 16 : index
          %get3A_188 = tpu.vector_load %arg8[%get3A_186, %get3A_187] {strides = array<i32>} : memref<80x128xf32, #tpu.memory_space<vmem>>, vector<16xf32>,
          %get3A_189 = arith.index_cast %add3A_185 : i32 to index
          %get3A_190 = arith.constant 16 : index
          %get3A_191 = tpu.vector_load %arg11[%get3A_189, %get3A_190] {strides = array<i32>} : memref<80x128xf32, #tpu.memory_space<vmem>>, vector<16xf32>,
          %mul3A_192 = arith.mulf %get3A_188, %get3A_191 : vector<16xf32>
          %add3A_193 = arith.addf %mul3A_147, %mul3A_192 : vector<16xf32>
          %add3A_194 = arith.constant 0 : i32
          %add3A_195 = arith.addi %mul3A_126, %add3A_194 : i32
          %add3A_196 = arith.constant 2 : i32
          %add3A_197 = arith.addi %add3A_195, %add3A_196 : i32
          %get3A_198 = arith.index_cast %add3A_197 : i32 to index
          %get3A_199 = arith.constant 16 : index
          %get3A_200 = tpu.vector_load %arg8[%get3A_198, %get3A_199] {strides = array<i32>} : memref<80x128xf32, #tpu.memory_space<vmem>>, vector<16xf32>,
          %get3A_201 = arith.index_cast %add3A_197 : i32 to index
          %get3A_202 = arith.constant 16 : index
          %get3A_203 = tpu.vector_load %arg11[%get3A_201, %get3A_202] {strides = array<i32>} : memref<80x128xf32, #tpu.memory_space<vmem>>, vector<16xf32>,
          %mul3A_204 = arith.mulf %get3A_200, %get3A_203 : vector<16xf32>
          %add3A_205 = arith.addf %mul3A_158, %mul3A_204 : vector<16xf32>
          %add3A_206 = arith.constant 0 : i32
          %add3A_207 = arith.addi %mul3A_126, %add3A_206 : i32
          %add3A_208 = arith.constant 3 : i32
          %add3A_209 = arith.addi %add3A_207, %add3A_208 : i32
          %get3A_210 = arith.index_cast %add3A_209 : i32 to index
          %get3A_211 = arith.constant 16 : index
          %get3A_212 = tpu.vector_load %arg8[%get3A_210, %get3A_211] {strides = array<i32>} : memref<80x128xf32, #tpu.memory_space<vmem>>, vector<16xf32>,
          %get3A_213 = arith.index_cast %add3A_209 : i32 to index
          %get3A_214 = arith.constant 16 : index
          %get3A_215 = tpu.vector_load %arg11[%get3A_213, %get3A_214] {strides = array<i32>} : memref<80x128xf32, #tpu.memory_space<vmem>>, vector<16xf32>,
          %mul3A_216 = arith.mulf %get3A_212, %get3A_215 : vector<16xf32>
          %add3A_217 = arith.addf %mul3A_169, %mul3A_216 : vector<16xf32>
          %add3A_218 = arith.constant 0 : i32
          %add3A_219 = arith.addi %mul3A_126, %add3A_218 : i32
          %add3A_220 = arith.constant 0 : i32
          %add3A_221 = arith.addi %add3A_219, %add3A_220 : i32
          %get3A_222 = arith.index_cast %add3A_221 : i32 to index
          %get3A_223 = arith.constant 32 : index
          %get3A_224 = tpu.vector_load %arg8[%get3A_222, %get3A_223] {strides = array<i32>} : memref<80x128xf32, #tpu.memory_space<vmem>>, vector<16xf32>,
          %get3A_225 = arith.index_cast %add3A_221 : i32 to index
          %get3A_226 = arith.constant 32 : index
          %get3A_227 = tpu.vector_load %arg11[%get3A_225, %get3A_226] {strides = array<i32>} : memref<80x128xf32, #tpu.memory_space<vmem>>, vector<16xf32>,
          %mul3A_228 = arith.mulf %get3A_224, %get3A_227 : vector<16xf32>
          %add3A_229 = arith.addf %add3A_181, %mul3A_228 : vector<16xf32>
          %add3A_230 = arith.constant 0 : i32
          %add3A_231 = arith.addi %mul3A_126, %add3A_230 : i32
          %add3A_232 = arith.constant 1 : i32
          %add3A_233 = arith.addi %add3A_231, %add3A_232 : i32
          %get3A_234 = arith.index_cast %add3A_233 : i32 to index
          %get3A_235 = arith.constant 32 : index
          %get3A_236 = tpu.vector_load %arg8[%get3A_234, %get3A_235] {strides = array<i32>} : memref<80x128xf32, #tpu.memory_space<vmem>>, vector<16xf32>,
          %get3A_237 = arith.index_cast %add3A_233 : i32 to index
          %get3A_238 = arith.constant 32 : index
          %get3A_239 = tpu.vector_load %arg11[%get3A_237, %get3A_238] {strides = array<i32>} : memref<80x128xf32, #tpu.memory_space<vmem>>, vector<16xf32>,
          %mul3A_240 = arith.mulf %get3A_236, %get3A_239 : vector<16xf32>
          %add3A_241 = arith.addf %add3A_193, %mul3A_240 : vector<16xf32>
          %add3A_242 = arith.constant 0 : i32
          %add3A_243 = arith.addi %mul3A_126, %add3A_242 : i32
          %add3A_244 = arith.constant 2 : i32
          %add3A_245 = arith.addi %add3A_243, %add3A_244 : i32
          %get3A_246 = arith.index_cast %add3A_245 : i32 to index
          %get3A_247 = arith.constant 32 : index
          %get3A_248 = tpu.vector_load %arg8[%get3A_246, %get3A_247] {strides = array<i32>} : memref<80x128xf32, #tpu.memory_space<vmem>>, vector<16xf32>,
          %get3A_249 = arith.index_cast %add3A_245 : i32 to index
          %get3A_250 = arith.constant 32 : index
          %get3A_251 = tpu.vector_load %arg11[%get3A_249, %get3A_250] {strides = array<i32>} : memref<80x128xf32, #tpu.memory_space<vmem>>, vector<16xf32>,
          %mul3A_252 = arith.mulf %get3A_248, %get3A_251 : vector<16xf32>
          %add3A_253 = arith.addf %add3A_205, %mul3A_252 : vector<16xf32>
          %add3A_254 = arith.constant 0 : i32
          %add3A_255 = arith.addi %mul3A_126, %add3A_254 : i32
          %add3A_256 = arith.constant 3 : i32
          %add3A_257 = arith.addi %add3A_255, %add3A_256 : i32
          %get3A_258 = arith.index_cast %add3A_257 : i32 to index
          %get3A_259 = arith.constant 32 : index
          %get3A_260 = tpu.vector_load %arg8[%get3A_258, %get3A_259] {strides = array<i32>} : memref<80x128xf32, #tpu.memory_space<vmem>>, vector<16xf32>,
          %get3A_261 = arith.index_cast %add3A_257 : i32 to index
          %get3A_262 = arith.constant 32 : index
          %get3A_263 = tpu.vector_load %arg11[%get3A_261, %get3A_262] {strides = array<i32>} : memref<80x128xf32, #tpu.memory_space<vmem>>, vector<16xf32>,
          %mul3A_264 = arith.mulf %get3A_260, %get3A_263 : vector<16xf32>
          %add3A_265 = arith.addf %add3A_217, %mul3A_264 : vector<16xf32>
          %add3A_266 = arith.constant 0 : i32
          %add3A_267 = arith.addi %mul3A_126, %add3A_266 : i32
          %add3A_268 = arith.constant 0 : i32
          %add3A_269 = arith.addi %add3A_267, %add3A_268 : i32
          %get3A_270 = arith.index_cast %add3A_269 : i32 to index
          %get3A_271 = arith.constant 48 : index
          %get3A_272 = tpu.vector_load %arg8[%get3A_270, %get3A_271] {strides = array<i32>} : memref<80x128xf32, #tpu.memory_space<vmem>>, vector<16xf32>,
          %get3A_273 = arith.index_cast %add3A_269 : i32 to index
          %get3A_274 = arith.constant 48 : index
          %get3A_275 = tpu.vector_load %arg11[%get3A_273, %get3A_274] {strides = array<i32>} : memref<80x128xf32, #tpu.memory_space<vmem>>, vector<16xf32>,
          %mul3A_276 = arith.mulf %get3A_272, %get3A_275 : vector<16xf32>
          %add3A_277 = arith.addf %add3A_229, %mul3A_276 : vector<16xf32>
          %add3A_278 = arith.constant 0 : i32
          %add3A_279 = arith.addi %mul3A_126, %add3A_278 : i32
          %add3A_280 = arith.constant 1 : i32
          %add3A_281 = arith.addi %add3A_279, %add3A_280 : i32
          %get3A_282 = arith.index_cast %add3A_281 : i32 to index
          %get3A_283 = arith.constant 48 : index
          %get3A_284 = tpu.vector_load %arg8[%get3A_282, %get3A_283] {strides = array<i32>} : memref<80x128xf32, #tpu.memory_space<vmem>>, vector<16xf32>,
          %get3A_285 = arith.index_cast %add3A_281 : i32 to index
          %get3A_286 = arith.constant 48 : index
          %get3A_287 = tpu.vector_load %arg11[%get3A_285, %get3A_286] {strides = array<i32>} : memref<80x128xf32, #tpu.memory_space<vmem>>, vector<16xf32>,
          %mul3A_288 = arith.mulf %get3A_284, %get3A_287 : vector<16xf32>
          %add3A_289 = arith.addf %add3A_241, %mul3A_288 : vector<16xf32>
          %add3A_290 = arith.constant 0 : i32
          %add3A_291 = arith.addi %mul3A_126, %add3A_290 : i32
          %add3A_292 = arith.constant 2 : i32
          %add3A_293 = arith.addi %add3A_291, %add3A_292 : i32
          %get3A_294 = arith.index_cast %add3A_293 : i32 to index
          %get3A_295 = arith.constant 48 : index
          %get3A_296 = tpu.vector_load %arg8[%get3A_294, %get3A_295] {strides = array<i32>} : memref<80x128xf32, #tpu.memory_space<vmem>>, vector<16xf32>,
          %get3A_297 = arith.index_cast %add3A_293 : i32 to index
          %get3A_298 = arith.constant 48 : index
          %get3A_299 = tpu.vector_load %arg11[%get3A_297, %get3A_298] {strides = array<i32>} : memref<80x128xf32, #tpu.memory_space<vmem>>, vector<16xf32>,
          %mul3A_300 = arith.mulf %get3A_296, %get3A_299 : vector<16xf32>
          %add3A_301 = arith.addf %add3A_253, %mul3A_300 : vector<16xf32>
          %add3A_302 = arith.constant 0 : i32
          %add3A_303 = arith.addi %mul3A_126, %add3A_302 : i32
          %add3A_304 = arith.constant 3 : i32
          %add3A_305 = arith.addi %add3A_303, %add3A_304 : i32
          %get3A_306 = arith.index_cast %add3A_305 : i32 to index
          %get3A_307 = arith.constant 48 : index
          %get3A_308 = tpu.vector_load %arg8[%get3A_306, %get3A_307] {strides = array<i32>} : memref<80x128xf32, #tpu.memory_space<vmem>>, vector<16xf32>,
          %get3A_309 = arith.index_cast %add3A_305 : i32 to index
          %get3A_310 = arith.constant 48 : index
          %get3A_311 = tpu.vector_load %arg11[%get3A_309, %get3A_310] {strides = array<i32>} : memref<80x128xf32, #tpu.memory_space<vmem>>, vector<16xf32>,
          %mul3A_312 = arith.mulf %get3A_308, %get3A_311 : vector<16xf32>
          %add3A_313 = arith.addf %add3A_265, %mul3A_312 : vector<16xf32>
          %add3A_314 = arith.constant 0 : i32
          %add3A_315 = arith.addi %mul3A_126, %add3A_314 : i32
          %add3A_316 = arith.constant 0 : i32
          %add3A_317 = arith.addi %add3A_315, %add3A_316 : i32
          %get3A_318 = arith.index_cast %add3A_317 : i32 to index
          %get3A_319 = arith.constant 64 : index
          %get3A_320 = tpu.vector_load %arg8[%get3A_318, %get3A_319] {strides = array<i32>} : memref<80x128xf32, #tpu.memory_space<vmem>>, vector<16xf32>,
          %get3A_321 = arith.index_cast %add3A_317 : i32 to index
          %get3A_322 = arith.constant 64 : index
          %get3A_323 = tpu.vector_load %arg11[%get3A_321, %get3A_322] {strides = array<i32>} : memref<80x128xf32, #tpu.memory_space<vmem>>, vector<16xf32>,
          %mul3A_324 = arith.mulf %get3A_320, %get3A_323 : vector<16xf32>
          %add3A_325 = arith.addf %add3A_277, %mul3A_324 : vector<16xf32>
          %add3A_326 = arith.constant 0 : i32
          %add3A_327 = arith.addi %mul3A_126, %add3A_326 : i32
          %add3A_328 = arith.constant 1 : i32
          %add3A_329 = arith.addi %add3A_327, %add3A_328 : i32
          %get3A_330 = arith.index_cast %add3A_329 : i32 to index
          %get3A_331 = arith.constant 64 : index
          %get3A_332 = tpu.vector_load %arg8[%get3A_330, %get3A_331] {strides = array<i32>} : memref<80x128xf32, #tpu.memory_space<vmem>>, vector<16xf32>,
          %get3A_333 = arith.index_cast %add3A_329 : i32 to index
          %get3A_334 = arith.constant 64 : index
          %get3A_335 = tpu.vector_load %arg11[%get3A_333, %get3A_334] {strides = array<i32>} : memref<80x128xf32, #tpu.memory_space<vmem>>, vector<16xf32>,
          %mul3A_336 = arith.mulf %get3A_332, %get3A_335 : vector<16xf32>
          %add3A_337 = arith.addf %add3A_289, %mul3A_336 : vector<16xf32>
          %add3A_338 = arith.constant 0 : i32
          %add3A_339 = arith.addi %mul3A_126, %add3A_338 : i32
          %add3A_340 = arith.constant 2 : i32
          %add3A_341 = arith.addi %add3A_339, %add3A_340 : i32
          %get3A_342 = arith.index_cast %add3A_341 : i32 to index
          %get3A_343 = arith.constant 64 : index
          %get3A_344 = tpu.vector_load %arg8[%get3A_342, %get3A_343] {strides = array<i32>} : memref<80x128xf32, #tpu.memory_space<vmem>>, vector<16xf32>,
          %get3A_345 = arith.index_cast %add3A_341 : i32 to index
          %get3A_346 = arith.constant 64 : index
          %get3A_347 = tpu.vector_load %arg11[%get3A_345, %get3A_346] {strides = array<i32>} : memref<80x128xf32, #tpu.memory_space<vmem>>, vector<16xf32>,
          %mul3A_348 = arith.mulf %get3A_344, %get3A_347 : vector<16xf32>
          %add3A_349 = arith.addf %add3A_301, %mul3A_348 : vector<16xf32>
          %add3A_350 = arith.constant 0 : i32
          %add3A_351 = arith.addi %mul3A_126, %add3A_350 : i32
          %add3A_352 = arith.constant 3 : i32
          %add3A_353 = arith.addi %add3A_351, %add3A_352 : i32
          %get3A_354 = arith.index_cast %add3A_353 : i32 to index
          %get3A_355 = arith.constant 64 : index
          %get3A_356 = tpu.vector_load %arg8[%get3A_354, %get3A_355] {strides = array<i32>} : memref<80x128xf32, #tpu.memory_space<vmem>>, vector<16xf32>,
          %get3A_357 = arith.index_cast %add3A_353 : i32 to index
          %get3A_358 = arith.constant 64 : index
          %get3A_359 = tpu.vector_load %arg11[%get3A_357, %get3A_358] {strides = array<i32>} : memref<80x128xf32, #tpu.memory_space<vmem>>, vector<16xf32>,
          %mul3A_360 = arith.mulf %get3A_356, %get3A_359 : vector<16xf32>
          %add3A_361 = arith.addf %add3A_313, %mul3A_360 : vector<16xf32>
          %add3A_362 = arith.constant 0 : i32
          %add3A_363 = arith.addi %mul3A_126, %add3A_362 : i32
          %add3A_364 = arith.constant 0 : i32
          %add3A_365 = arith.addi %add3A_363, %add3A_364 : i32
          %get3A_366 = arith.index_cast %add3A_365 : i32 to index
          %get3A_367 = arith.constant 80 : index
          %get3A_368 = tpu.vector_load %arg8[%get3A_366, %get3A_367] {strides = array<i32>} : memref<80x128xf32, #tpu.memory_space<vmem>>, vector<16xf32>,
          %get3A_369 = arith.index_cast %add3A_365 : i32 to index
          %get3A_370 = arith.constant 80 : index
          %get3A_371 = tpu.vector_load %arg11[%get3A_369, %get3A_370] {strides = array<i32>} : memref<80x128xf32, #tpu.memory_space<vmem>>, vector<16xf32>,
          %mul3A_372 = arith.mulf %get3A_368, %get3A_371 : vector<16xf32>
          %add3A_373 = arith.addf %add3A_325, %mul3A_372 : vector<16xf32>
          %add3A_374 = arith.constant 0 : i32
          %add3A_375 = arith.addi %mul3A_126, %add3A_374 : i32
          %add3A_376 = arith.constant 1 : i32
          %add3A_377 = arith.addi %add3A_375, %add3A_376 : i32
          %get3A_378 = arith.index_cast %add3A_377 : i32 to index
          %get3A_379 = arith.constant 80 : index
          %get3A_380 = tpu.vector_load %arg8[%get3A_378, %get3A_379] {strides = array<i32>} : memref<80x128xf32, #tpu.memory_space<vmem>>, vector<16xf32>,
          %get3A_381 = arith.index_cast %add3A_377 : i32 to index
          %get3A_382 = arith.constant 80 : index
          %get3A_383 = tpu.vector_load %arg11[%get3A_381, %get3A_382] {strides = array<i32>} : memref<80x128xf32, #tpu.memory_space<vmem>>, vector<16xf32>,
          %mul3A_384 = arith.mulf %get3A_380, %get3A_383 : vector<16xf32>
          %add3A_385 = arith.addf %add3A_337, %mul3A_384 : vector<16xf32>
          %add3A_386 = arith.constant 0 : i32
          %add3A_387 = arith.addi %mul3A_126, %add3A_386 : i32
          %add3A_388 = arith.constant 2 : i32
          %add3A_389 = arith.addi %add3A_387, %add3A_388 : i32
          %get3A_390 = arith.index_cast %add3A_389 : i32 to index
          %get3A_391 = arith.constant 80 : index
          %get3A_392 = tpu.vector_load %arg8[%get3A_390, %get3A_391] {strides = array<i32>} : memref<80x128xf32, #tpu.memory_space<vmem>>, vector<16xf32>,
          %get3A_393 = arith.index_cast %add3A_389 : i32 to index
          %get3A_394 = arith.constant 80 : index
          %get3A_395 = tpu.vector_load %arg11[%get3A_393, %get3A_394] {strides = array<i32>} : memref<80x128xf32, #tpu.memory_space<vmem>>, vector<16xf32>,
          %mul3A_396 = arith.mulf %get3A_392, %get3A_395 : vector<16xf32>
          %add3A_397 = arith.addf %add3A_349, %mul3A_396 : vector<16xf32>
          %add3A_398 = arith.constant 0 : i32
          %add3A_399 = arith.addi %mul3A_126, %add3A_398 : i32
          %add3A_400 = arith.constant 3 : i32
          %add3A_401 = arith.addi %add3A_399, %add3A_400 : i32
          %get3A_402 = arith.index_cast %add3A_401 : i32 to index
          %get3A_403 = arith.constant 80 : index
          %get3A_404 = tpu.vector_load %arg8[%get3A_402, %get3A_403] {strides = array<i32>} : memref<80x128xf32, #tpu.memory_space<vmem>>, vector<16xf32>,
          %get3A_405 = arith.index_cast %add3A_401 : i32 to index
          %get3A_406 = arith.constant 80 : index
          %get3A_407 = tpu.vector_load %arg11[%get3A_405, %get3A_406] {strides = array<i32>} : memref<80x128xf32, #tpu.memory_space<vmem>>, vector<16xf32>,
          %mul3A_408 = arith.mulf %get3A_404, %get3A_407 : vector<16xf32>
          %add3A_409 = arith.addf %add3A_361, %mul3A_408 : vector<16xf32>
          %add3A_410 = arith.constant 0 : i32
          %add3A_411 = arith.addi %mul3A_126, %add3A_410 : i32
          %add3A_412 = arith.constant 0 : i32
          %add3A_413 = arith.addi %add3A_411, %add3A_412 : i32
          %get3A_414 = arith.index_cast %add3A_413 : i32 to index
          %get3A_415 = arith.constant 96 : index
          %get3A_416 = tpu.vector_load %arg8[%get3A_414, %get3A_415] {strides = array<i32>} : memref<80x128xf32, #tpu.memory_space<vmem>>, vector<16xf32>,
          %get3A_417 = arith.index_cast %add3A_413 : i32 to index
          %get3A_418 = arith.constant 96 : index
          %get3A_419 = tpu.vector_load %arg11[%get3A_417, %get3A_418] {strides = array<i32>} : memref<80x128xf32, #tpu.memory_space<vmem>>, vector<16xf32>,
          %mul3A_420 = arith.mulf %get3A_416, %get3A_419 : vector<16xf32>
          %add3A_421 = arith.addf %add3A_373, %mul3A_420 : vector<16xf32>
          %add3A_422 = arith.constant 0 : i32
          %add3A_423 = arith.addi %mul3A_126, %add3A_422 : i32
          %add3A_424 = arith.constant 1 : i32
          %add3A_425 = arith.addi %add3A_423, %add3A_424 : i32
          %get3A_426 = arith.index_cast %add3A_425 : i32 to index
          %get3A_427 = arith.constant 96 : index
          %get3A_428 = tpu.vector_load %arg8[%get3A_426, %get3A_427] {strides = array<i32>} : memref<80x128xf32, #tpu.memory_space<vmem>>, vector<16xf32>,
          %get3A_429 = arith.index_cast %add3A_425 : i32 to index
          %get3A_430 = arith.constant 96 : index
          %get3A_431 = tpu.vector_load %arg11[%get3A_429, %get3A_430] {strides = array<i32>} : memref<80x128xf32, #tpu.memory_space<vmem>>, vector<16xf32>,
          %mul3A_432 = arith.mulf %get3A_428, %get3A_431 : vector<16xf32>
          %add3A_433 = arith.addf %add3A_385, %mul3A_432 : vector<16xf32>
          %add3A_434 = arith.constant 0 : i32
          %add3A_435 = arith.addi %mul3A_126, %add3A_434 : i32
          %add3A_436 = arith.constant 2 : i32
          %add3A_437 = arith.addi %add3A_435, %add3A_436 : i32
          %get3A_438 = arith.index_cast %add3A_437 : i32 to index
          %get3A_439 = arith.constant 96 : index
          %get3A_440 = tpu.vector_load %arg8[%get3A_438, %get3A_439] {strides = array<i32>} : memref<80x128xf32, #tpu.memory_space<vmem>>, vector<16xf32>,
          %get3A_441 = arith.index_cast %add3A_437 : i32 to index
          %get3A_442 = arith.constant 96 : index
          %get3A_443 = tpu.vector_load %arg11[%get3A_441, %get3A_442] {strides = array<i32>} : memref<80x128xf32, #tpu.memory_space<vmem>>, vector<16xf32>,
          %mul3A_444 = arith.mulf %get3A_440, %get3A_443 : vector<16xf32>
          %add3A_445 = arith.addf %add3A_397, %mul3A_444 : vector<16xf32>
          %add3A_446 = arith.constant 0 : i32
          %add3A_447 = arith.addi %mul3A_126, %add3A_446 : i32
          %add3A_448 = arith.constant 3 : i32
          %add3A_449 = arith.addi %add3A_447, %add3A_448 : i32
          %get3A_450 = arith.index_cast %add3A_449 : i32 to index
          %get3A_451 = arith.constant 96 : index
          %get3A_452 = tpu.vector_load %arg8[%get3A_450, %get3A_451] {strides = array<i32>} : memref<80x128xf32, #tpu.memory_space<vmem>>, vector<16xf32>,
          %get3A_453 = arith.index_cast %add3A_449 : i32 to index
          %get3A_454 = arith.constant 96 : index
          %get3A_455 = tpu.vector_load %arg11[%get3A_453, %get3A_454] {strides = array<i32>} : memref<80x128xf32, #tpu.memory_space<vmem>>, vector<16xf32>,
          %mul3A_456 = arith.mulf %get3A_452, %get3A_455 : vector<16xf32>
          %add3A_457 = arith.addf %add3A_409, %mul3A_456 : vector<16xf32>
          %add3A_458 = arith.constant 0 : i32
          %add3A_459 = arith.addi %mul3A_126, %add3A_458 : i32
          %add3A_460 = arith.constant 0 : i32
          %add3A_461 = arith.addi %add3A_459, %add3A_460 : i32
          %get3A_462 = arith.index_cast %add3A_461 : i32 to index
          %get3A_463 = arith.constant 112 : index
          %get3A_464 = tpu.vector_load %arg8[%get3A_462, %get3A_463] {strides = array<i32>} : memref<80x128xf32, #tpu.memory_space<vmem>>, vector<16xf32>,
          %get3A_465 = arith.index_cast %add3A_461 : i32 to index
          %get3A_466 = arith.constant 112 : index
          %get3A_467 = tpu.vector_load %arg11[%get3A_465, %get3A_466] {strides = array<i32>} : memref<80x128xf32, #tpu.memory_space<vmem>>, vector<16xf32>,
          %mul3A_468 = arith.mulf %get3A_464, %get3A_467 : vector<16xf32>
          %add3A_469 = arith.addf %add3A_421, %mul3A_468 : vector<16xf32>
          %add3A_470 = arith.constant 0 : i32
          %add3A_471 = arith.addi %mul3A_126, %add3A_470 : i32
          %add3A_472 = arith.constant 1 : i32
          %add3A_473 = arith.addi %add3A_471, %add3A_472 : i32
          %get3A_474 = arith.index_cast %add3A_473 : i32 to index
          %get3A_475 = arith.constant 112 : index
          %get3A_476 = tpu.vector_load %arg8[%get3A_474, %get3A_475] {strides = array<i32>} : memref<80x128xf32, #tpu.memory_space<vmem>>, vector<16xf32>,
          %get3A_477 = arith.index_cast %add3A_473 : i32 to index
          %get3A_478 = arith.constant 112 : index
          %get3A_479 = tpu.vector_load %arg11[%get3A_477, %get3A_478] {strides = array<i32>} : memref<80x128xf32, #tpu.memory_space<vmem>>, vector<16xf32>,
          %mul3A_480 = arith.mulf %get3A_476, %get3A_479 : vector<16xf32>
          %add3A_481 = arith.addf %add3A_433, %mul3A_480 : vector<16xf32>
          %add3A_482 = arith.constant 0 : i32
          %add3A_483 = arith.addi %mul3A_126, %add3A_482 : i32
          %add3A_484 = arith.constant 2 : i32
          %add3A_485 = arith.addi %add3A_483, %add3A_484 : i32
          %get3A_486 = arith.index_cast %add3A_485 : i32 to index
          %get3A_487 = arith.constant 112 : index
          %get3A_488 = tpu.vector_load %arg8[%get3A_486, %get3A_487] {strides = array<i32>} : memref<80x128xf32, #tpu.memory_space<vmem>>, vector<16xf32>,
          %get3A_489 = arith.index_cast %add3A_485 : i32 to index
          %get3A_490 = arith.constant 112 : index
          %get3A_491 = tpu.vector_load %arg11[%get3A_489, %get3A_490] {strides = array<i32>} : memref<80x128xf32, #tpu.memory_space<vmem>>, vector<16xf32>,
          %mul3A_492 = arith.mulf %get3A_488, %get3A_491 : vector<16xf32>
          %add3A_493 = arith.addf %add3A_445, %mul3A_492 : vector<16xf32>
          %add3A_494 = arith.constant 0 : i32
          %add3A_495 = arith.addi %mul3A_126, %add3A_494 : i32
          %add3A_496 = arith.constant 3 : i32
          %add3A_497 = arith.addi %add3A_495, %add3A_496 : i32
          %get3A_498 = arith.index_cast %add3A_497 : i32 to index
          %get3A_499 = arith.constant 112 : index
          %get3A_500 = tpu.vector_load %arg8[%get3A_498, %get3A_499] {strides = array<i32>} : memref<80x128xf32, #tpu.memory_space<vmem>>, vector<16xf32>,
          %get3A_501 = arith.index_cast %add3A_497 : i32 to index
          %get3A_502 = arith.constant 112 : index
          %get3A_503 = tpu.vector_load %arg11[%get3A_501, %get3A_502] {strides = array<i32>} : memref<80x128xf32, #tpu.memory_space<vmem>>, vector<16xf32>,
          %mul3A_504 = arith.mulf %get3A_500, %get3A_503 : vector<16xf32>
          %add3A_505 = arith.addf %add3A_457, %mul3A_504 : vector<16xf32>
          %swap3A = arith.constant 0 : i32
          %swap3A_506 = arith.index_cast %swap3A : i32 to index
          %swap3A_507 = arith.constant 0 : index
          %swap3A_508 = tpu.vector_load %arg17[%swap3A_506, %swap3A_507] {strides = array<i32>} : memref<16x16xf32, #tpu.memory_space<vmem>>, vector<16xf32>,
          tpu.vector_store %arg17[%swap3A_506, %swap3A_507], %add3A_469 {strides = array<i32>} : memref<16x16xf32, #tpu.memory_space<vmem>>, vector<16xf32>,
          %swap3A_509 = arith.constant 1 : i32
          %swap3A_510 = arith.index_cast %swap3A_509 : i32 to index
          %swap3A_511 = arith.constant 0 : index
          %swap3A_512 = tpu.vector_load %arg17[%swap3A_510, %swap3A_511] {strides = array<i32>} : memref<16x16xf32, #tpu.memory_space<vmem>>, vector<16xf32>,
          tpu.vector_store %arg17[%swap3A_510, %swap3A_511], %add3A_481 {strides = array<i32>} : memref<16x16xf32, #tpu.memory_space<vmem>>, vector<16xf32>,
          %swap3A_513 = arith.constant 2 : i32
          %swap3A_514 = arith.index_cast %swap3A_513 : i32 to index
          %swap3A_515 = arith.constant 0 : index
          %swap3A_516 = tpu.vector_load %arg17[%swap3A_514, %swap3A_515] {strides = array<i32>} : memref<16x16xf32, #tpu.memory_space<vmem>>, vector<16xf32>,
          tpu.vector_store %arg17[%swap3A_514, %swap3A_515], %add3A_493 {strides = array<i32>} : memref<16x16xf32, #tpu.memory_space<vmem>>, vector<16xf32>,
          %swap3A_517 = arith.constant 3 : i32
          %swap3A_518 = arith.index_cast %swap3A_517 : i32 to index
          %swap3A_519 = arith.constant 0 : index
          %swap3A_520 = tpu.vector_load %arg17[%swap3A_518, %swap3A_519] {strides = array<i32>} : memref<16x16xf32, #tpu.memory_space<vmem>>, vector<16xf32>,
          tpu.vector_store %arg17[%swap3A_518, %swap3A_519], %add3A_505 {strides = array<i32>} : memref<16x16xf32, #tpu.memory_space<vmem>>, vector<16xf32>,
          %add3A_521 = arith.constant 4 : i32
          %add3A_522 = arith.addi %mul3A_126, %add3A_521 : i32
          %add3A_523 = arith.constant 0 : i32
          %add3A_524 = arith.addi %add3A_522, %add3A_523 : i32
          %get3A_525 = arith.index_cast %add3A_524 : i32 to index
          %get3A_526 = arith.constant 0 : index
          %get3A_527 = tpu.vector_load %arg8[%get3A_525, %get3A_526] {strides = array<i32>} : memref<80x128xf32, #tpu.memory_space<vmem>>, vector<16xf32>,
          %get3A_528 = arith.index_cast %add3A_524 : i32 to index
          %get3A_529 = arith.constant 0 : index
          %get3A_530 = tpu.vector_load %arg11[%get3A_528, %get3A_529] {strides = array<i32>} : memref<80x128xf32, #tpu.memory_space<vmem>>, vector<16xf32>,
          %mul3A_531 = arith.mulf %get3A_527, %get3A_530 : vector<16xf32>
          %add3A_532 = arith.constant 4 : i32
          %add3A_533 = arith.addi %mul3A_126, %add3A_532 : i32
          %add3A_534 = arith.constant 1 : i32
          %add3A_535 = arith.addi %add3A_533, %add3A_534 : i32
          %get3A_536 = arith.index_cast %add3A_535 : i32 to index
          %get3A_537 = arith.constant 0 : index
          %get3A_538 = tpu.vector_load %arg8[%get3A_536, %get3A_537] {strides = array<i32>} : memref<80x128xf32, #tpu.memory_space<vmem>>, vector<16xf32>,
          %get3A_539 = arith.index_cast %add3A_535 : i32 to index
          %get3A_540 = arith.constant 0 : index
          %get3A_541 = tpu.vector_load %arg11[%get3A_539, %get3A_540] {strides = array<i32>} : memref<80x128xf32, #tpu.memory_space<vmem>>, vector<16xf32>,
          %mul3A_542 = arith.mulf %get3A_538, %get3A_541 : vector<16xf32>
          %add3A_543 = arith.constant 4 : i32
          %add3A_544 = arith.addi %mul3A_126, %add3A_543 : i32
          %add3A_545 = arith.constant 2 : i32
          %add3A_546 = arith.addi %add3A_544, %add3A_545 : i32
          %get3A_547 = arith.index_cast %add3A_546 : i32 to index
          %get3A_548 = arith.constant 0 : index
          %get3A_549 = tpu.vector_load %arg8[%get3A_547, %get3A_548] {strides = array<i32>} : memref<80x128xf32, #tpu.memory_space<vmem>>, vector<16xf32>,
          %get3A_550 = arith.index_cast %add3A_546 : i32 to index
          %get3A_551 = arith.constant 0 : index
          %get3A_552 = tpu.vector_load %arg11[%get3A_550, %get3A_551] {strides = array<i32>} : memref<80x128xf32, #tpu.memory_space<vmem>>, vector<16xf32>,
          %mul3A_553 = arith.mulf %get3A_549, %get3A_552 : vector<16xf32>
          %add3A_554 = arith.constant 4 : i32
          %add3A_555 = arith.addi %mul3A_126, %add3A_554 : i32
          %add3A_556 = arith.constant 3 : i32
          %add3A_557 = arith.addi %add3A_555, %add3A_556 : i32
          %get3A_558 = arith.index_cast %add3A_557 : i32 to index
          %get3A_559 = arith.constant 0 : index
          %get3A_560 = tpu.vector_load %arg8[%get3A_558, %get3A_559] {strides = array<i32>} : memref<80x128xf32, #tpu.memory_space<vmem>>, vector<16xf32>,
          %get3A_561 = arith.index_cast %add3A_557 : i32 to index
          %get3A_562 = arith.constant 0 : index
          %get3A_563 = tpu.vector_load %arg11[%get3A_561, %get3A_562] {strides = array<i32>} : memref<80x128xf32, #tpu.memory_space<vmem>>, vector<16xf32>,
          %mul3A_564 = arith.mulf %get3A_560, %get3A_563 : vector<16xf32>
          %add3A_565 = arith.constant 4 : i32
          %add3A_566 = arith.addi %mul3A_126, %add3A_565 : i32
          %add3A_567 = arith.constant 0 : i32
          %add3A_568 = arith.addi %add3A_566, %add3A_567 : i32
          %get3A_569 = arith.index_cast %add3A_568 : i32 to index
          %get3A_570 = arith.constant 16 : index
          %get3A_571 = tpu.vector_load %arg8[%get3A_569, %get3A_570] {strides = array<i32>} : memref<80x128xf32, #tpu.memory_space<vmem>>, vector<16xf32>,
          %get3A_572 = arith.index_cast %add3A_568 : i32 to index
          %get3A_573 = arith.constant 16 : index
          %get3A_574 = tpu.vector_load %arg11[%get3A_572, %get3A_573] {strides = array<i32>} : memref<80x128xf32, #tpu.memory_space<vmem>>, vector<16xf32>,
          %mul3A_575 = arith.mulf %get3A_571, %get3A_574 : vector<16xf32>
          %add3A_576 = arith.addf %mul3A_531, %mul3A_575 : vector<16xf32>
          %add3A_577 = arith.constant 4 : i32
          %add3A_578 = arith.addi %mul3A_126, %add3A_577 : i32
          %add3A_579 = arith.constant 1 : i32
          %add3A_580 = arith.addi %add3A_578, %add3A_579 : i32
          %get3A_581 = arith.index_cast %add3A_580 : i32 to index
          %get3A_582 = arith.constant 16 : index
          %get3A_583 = tpu.vector_load %arg8[%get3A_581, %get3A_582] {strides = array<i32>} : memref<80x128xf32, #tpu.memory_space<vmem>>, vector<16xf32>,
          %get3A_584 = arith.index_cast %add3A_580 : i32 to index
          %get3A_585 = arith.constant 16 : index
          %get3A_586 = tpu.vector_load %arg11[%get3A_584, %get3A_585] {strides = array<i32>} : memref<80x128xf32, #tpu.memory_space<vmem>>, vector<16xf32>,
          %mul3A_587 = arith.mulf %get3A_583, %get3A_586 : vector<16xf32>
          %add3A_588 = arith.addf %mul3A_542, %mul3A_587 : vector<16xf32>
          %add3A_589 = arith.constant 4 : i32
          %add3A_590 = arith.addi %mul3A_126, %add3A_589 : i32
          %add3A_591 = arith.constant 2 : i32
          %add3A_592 = arith.addi %add3A_590, %add3A_591 : i32
          %get3A_593 = arith.index_cast %add3A_592 : i32 to index
          %get3A_594 = arith.constant 16 : index
          %get3A_595 = tpu.vector_load %arg8[%get3A_593, %get3A_594] {strides = array<i32>} : memref<80x128xf32, #tpu.memory_space<vmem>>, vector<16xf32>,
          %get3A_596 = arith.index_cast %add3A_592 : i32 to index
          %get3A_597 = arith.constant 16 : index
          %get3A_598 = tpu.vector_load %arg11[%get3A_596, %get3A_597] {strides = array<i32>} : memref<80x128xf32, #tpu.memory_space<vmem>>, vector<16xf32>,
          %mul3A_599 = arith.mulf %get3A_595, %get3A_598 : vector<16xf32>
          %add3A_600 = arith.addf %mul3A_553, %mul3A_599 : vector<16xf32>
          %add3A_601 = arith.constant 4 : i32
          %add3A_602 = arith.addi %mul3A_126, %add3A_601 : i32
          %add3A_603 = arith.constant 3 : i32
          %add3A_604 = arith.addi %add3A_602, %add3A_603 : i32
          %get3A_605 = arith.index_cast %add3A_604 : i32 to index
          %get3A_606 = arith.constant 16 : index
          %get3A_607 = tpu.vector_load %arg8[%get3A_605, %get3A_606] {strides = array<i32>} : memref<80x128xf32, #tpu.memory_space<vmem>>, vector<16xf32>,
          %get3A_608 = arith.index_cast %add3A_604 : i32 to index
          %get3A_609 = arith.constant 16 : index
          %get3A_610 = tpu.vector_load %arg11[%get3A_608, %get3A_609] {strides = array<i32>} : memref<80x128xf32, #tpu.memory_space<vmem>>, vector<16xf32>,
          %mul3A_611 = arith.mulf %get3A_607, %get3A_610 : vector<16xf32>
          %add3A_612 = arith.addf %mul3A_564, %mul3A_611 : vector<16xf32>
          %add3A_613 = arith.constant 4 : i32
          %add3A_614 = arith.addi %mul3A_126, %add3A_613 : i32
          %add3A_615 = arith.constant 0 : i32
          %add3A_616 = arith.addi %add3A_614, %add3A_615 : i32
          %get3A_617 = arith.index_cast %add3A_616 : i32 to index
          %get3A_618 = arith.constant 32 : index
          %get3A_619 = tpu.vector_load %arg8[%get3A_617, %get3A_618] {strides = array<i32>} : memref<80x128xf32, #tpu.memory_space<vmem>>, vector<16xf32>,
          %get3A_620 = arith.index_cast %add3A_616 : i32 to index
          %get3A_621 = arith.constant 32 : index
          %get3A_622 = tpu.vector_load %arg11[%get3A_620, %get3A_621] {strides = array<i32>} : memref<80x128xf32, #tpu.memory_space<vmem>>, vector<16xf32>,
          %mul3A_623 = arith.mulf %get3A_619, %get3A_622 : vector<16xf32>
          %add3A_624 = arith.addf %add3A_576, %mul3A_623 : vector<16xf32>
          %add3A_625 = arith.constant 4 : i32
          %add3A_626 = arith.addi %mul3A_126, %add3A_625 : i32
          %add3A_627 = arith.constant 1 : i32
          %add3A_628 = arith.addi %add3A_626, %add3A_627 : i32
          %get3A_629 = arith.index_cast %add3A_628 : i32 to index
          %get3A_630 = arith.constant 32 : index
          %get3A_631 = tpu.vector_load %arg8[%get3A_629, %get3A_630] {strides = array<i32>} : memref<80x128xf32, #tpu.memory_space<vmem>>, vector<16xf32>,
          %get3A_632 = arith.index_cast %add3A_628 : i32 to index
          %get3A_633 = arith.constant 32 : index
          %get3A_634 = tpu.vector_load %arg11[%get3A_632, %get3A_633] {strides = array<i32>} : memref<80x128xf32, #tpu.memory_space<vmem>>, vector<16xf32>,
          %mul3A_635 = arith.mulf %get3A_631, %get3A_634 : vector<16xf32>
          %add3A_636 = arith.addf %add3A_588, %mul3A_635 : vector<16xf32>
          %add3A_637 = arith.constant 4 : i32
          %add3A_638 = arith.addi %mul3A_126, %add3A_637 : i32
          %add3A_639 = arith.constant 2 : i32
          %add3A_640 = arith.addi %add3A_638, %add3A_639 : i32
          %get3A_641 = arith.index_cast %add3A_640 : i32 to index
          %get3A_642 = arith.constant 32 : index
          %get3A_643 = tpu.vector_load %arg8[%get3A_641, %get3A_642] {strides = array<i32>} : memref<80x128xf32, #tpu.memory_space<vmem>>, vector<16xf32>,
          %get3A_644 = arith.index_cast %add3A_640 : i32 to index
          %get3A_645 = arith.constant 32 : index
          %get3A_646 = tpu.vector_load %arg11[%get3A_644, %get3A_645] {strides = array<i32>} : memref<80x128xf32, #tpu.memory_space<vmem>>, vector<16xf32>,
          %mul3A_647 = arith.mulf %get3A_643, %get3A_646 : vector<16xf32>
          %add3A_648 = arith.addf %add3A_600, %mul3A_647 : vector<16xf32>
          %add3A_649 = arith.constant 4 : i32
          %add3A_650 = arith.addi %mul3A_126, %add3A_649 : i32
          %add3A_651 = arith.constant 3 : i32
          %add3A_652 = arith.addi %add3A_650, %add3A_651 : i32
          %get3A_653 = arith.index_cast %add3A_652 : i32 to index
          %get3A_654 = arith.constant 32 : index
          %get3A_655 = tpu.vector_load %arg8[%get3A_653, %get3A_654] {strides = array<i32>} : memref<80x128xf32, #tpu.memory_space<vmem>>, vector<16xf32>,
          %get3A_656 = arith.index_cast %add3A_652 : i32 to index
          %get3A_657 = arith.constant 32 : index
          %get3A_658 = tpu.vector_load %arg11[%get3A_656, %get3A_657] {strides = array<i32>} : memref<80x128xf32, #tpu.memory_space<vmem>>, vector<16xf32>,
          %mul3A_659 = arith.mulf %get3A_655, %get3A_658 : vector<16xf32>
          %add3A_660 = arith.addf %add3A_612, %mul3A_659 : vector<16xf32>
          %add3A_661 = arith.constant 4 : i32
          %add3A_662 = arith.addi %mul3A_126, %add3A_661 : i32
          %add3A_663 = arith.constant 0 : i32
          %add3A_664 = arith.addi %add3A_662, %add3A_663 : i32
          %get3A_665 = arith.index_cast %add3A_664 : i32 to index
          %get3A_666 = arith.constant 48 : index
          %get3A_667 = tpu.vector_load %arg8[%get3A_665, %get3A_666] {strides = array<i32>} : memref<80x128xf32, #tpu.memory_space<vmem>>, vector<16xf32>,
          %get3A_668 = arith.index_cast %add3A_664 : i32 to index
          %get3A_669 = arith.constant 48 : index
          %get3A_670 = tpu.vector_load %arg11[%get3A_668, %get3A_669] {strides = array<i32>} : memref<80x128xf32, #tpu.memory_space<vmem>>, vector<16xf32>,
          %mul3A_671 = arith.mulf %get3A_667, %get3A_670 : vector<16xf32>
          %add3A_672 = arith.addf %add3A_624, %mul3A_671 : vector<16xf32>
          %add3A_673 = arith.constant 4 : i32
          %add3A_674 = arith.addi %mul3A_126, %add3A_673 : i32
          %add3A_675 = arith.constant 1 : i32
          %add3A_676 = arith.addi %add3A_674, %add3A_675 : i32
          %get3A_677 = arith.index_cast %add3A_676 : i32 to index
          %get3A_678 = arith.constant 48 : index
          %get3A_679 = tpu.vector_load %arg8[%get3A_677, %get3A_678] {strides = array<i32>} : memref<80x128xf32, #tpu.memory_space<vmem>>, vector<16xf32>,
          %get3A_680 = arith.index_cast %add3A_676 : i32 to index
          %get3A_681 = arith.constant 48 : index
          %get3A_682 = tpu.vector_load %arg11[%get3A_680, %get3A_681] {strides = array<i32>} : memref<80x128xf32, #tpu.memory_space<vmem>>, vector<16xf32>,
          %mul3A_683 = arith.mulf %get3A_679, %get3A_682 : vector<16xf32>
          %add3A_684 = arith.addf %add3A_636, %mul3A_683 : vector<16xf32>
          %add3A_685 = arith.constant 4 : i32
          %add3A_686 = arith.addi %mul3A_126, %add3A_685 : i32
          %add3A_687 = arith.constant 2 : i32
          %add3A_688 = arith.addi %add3A_686, %add3A_687 : i32
          %get3A_689 = arith.index_cast %add3A_688 : i32 to index
          %get3A_690 = arith.constant 48 : index
          %get3A_691 = tpu.vector_load %arg8[%get3A_689, %get3A_690] {strides = array<i32>} : memref<80x128xf32, #tpu.memory_space<vmem>>, vector<16xf32>,
          %get3A_692 = arith.index_cast %add3A_688 : i32 to index
          %get3A_693 = arith.constant 48 : index
          %get3A_694 = tpu.vector_load %arg11[%get3A_692, %get3A_693] {strides = array<i32>} : memref<80x128xf32, #tpu.memory_space<vmem>>, vector<16xf32>,
          %mul3A_695 = arith.mulf %get3A_691, %get3A_694 : vector<16xf32>
          %add3A_696 = arith.addf %add3A_648, %mul3A_695 : vector<16xf32>
          %add3A_697 = arith.constant 4 : i32
          %add3A_698 = arith.addi %mul3A_126, %add3A_697 : i32
          %add3A_699 = arith.constant 3 : i32
          %add3A_700 = arith.addi %add3A_698, %add3A_699 : i32
          %get3A_701 = arith.index_cast %add3A_700 : i32 to index
          %get3A_702 = arith.constant 48 : index
          %get3A_703 = tpu.vector_load %arg8[%get3A_701, %get3A_702] {strides = array<i32>} : memref<80x128xf32, #tpu.memory_space<vmem>>, vector<16xf32>,
          %get3A_704 = arith.index_cast %add3A_700 : i32 to index
          %get3A_705 = arith.constant 48 : index
          %get3A_706 = tpu.vector_load %arg11[%get3A_704, %get3A_705] {strides = array<i32>} : memref<80x128xf32, #tpu.memory_space<vmem>>, vector<16xf32>,
          %mul3A_707 = arith.mulf %get3A_703, %get3A_706 : vector<16xf32>
          %add3A_708 = arith.addf %add3A_660, %mul3A_707 : vector<16xf32>
          %add3A_709 = arith.constant 4 : i32
          %add3A_710 = arith.addi %mul3A_126, %add3A_709 : i32
          %add3A_711 = arith.constant 0 : i32
          %add3A_712 = arith.addi %add3A_710, %add3A_711 : i32
          %get3A_713 = arith.index_cast %add3A_712 : i32 to index
          %get3A_714 = arith.constant 64 : index
          %get3A_715 = tpu.vector_load %arg8[%get3A_713, %get3A_714] {strides = array<i32>} : memref<80x128xf32, #tpu.memory_space<vmem>>, vector<16xf32>,
          %get3A_716 = arith.index_cast %add3A_712 : i32 to index
          %get3A_717 = arith.constant 64 : index
          %get3A_718 = tpu.vector_load %arg11[%get3A_716, %get3A_717] {strides = array<i32>} : memref<80x128xf32, #tpu.memory_space<vmem>>, vector<16xf32>,
          %mul3A_719 = arith.mulf %get3A_715, %get3A_718 : vector<16xf32>
          %add3A_720 = arith.addf %add3A_672, %mul3A_719 : vector<16xf32>
          %add3A_721 = arith.constant 4 : i32
          %add3A_722 = arith.addi %mul3A_126, %add3A_721 : i32
          %add3A_723 = arith.constant 1 : i32
          %add3A_724 = arith.addi %add3A_722, %add3A_723 : i32
          %get3A_725 = arith.index_cast %add3A_724 : i32 to index
          %get3A_726 = arith.constant 64 : index
          %get3A_727 = tpu.vector_load %arg8[%get3A_725, %get3A_726] {strides = array<i32>} : memref<80x128xf32, #tpu.memory_space<vmem>>, vector<16xf32>,
          %get3A_728 = arith.index_cast %add3A_724 : i32 to index
          %get3A_729 = arith.constant 64 : index
          %get3A_730 = tpu.vector_load %arg11[%get3A_728, %get3A_729] {strides = array<i32>} : memref<80x128xf32, #tpu.memory_space<vmem>>, vector<16xf32>,
          %mul3A_731 = arith.mulf %get3A_727, %get3A_730 : vector<16xf32>
          %add3A_732 = arith.addf %add3A_684, %mul3A_731 : vector<16xf32>
          %add3A_733 = arith.constant 4 : i32
          %add3A_734 = arith.addi %mul3A_126, %add3A_733 : i32
          %add3A_735 = arith.constant 2 : i32
          %add3A_736 = arith.addi %add3A_734, %add3A_735 : i32
          %get3A_737 = arith.index_cast %add3A_736 : i32 to index
          %get3A_738 = arith.constant 64 : index
          %get3A_739 = tpu.vector_load %arg8[%get3A_737, %get3A_738] {strides = array<i32>} : memref<80x128xf32, #tpu.memory_space<vmem>>, vector<16xf32>,
          %get3A_740 = arith.index_cast %add3A_736 : i32 to index
          %get3A_741 = arith.constant 64 : index
          %get3A_742 = tpu.vector_load %arg11[%get3A_740, %get3A_741] {strides = array<i32>} : memref<80x128xf32, #tpu.memory_space<vmem>>, vector<16xf32>,
          %mul3A_743 = arith.mulf %get3A_739, %get3A_742 : vector<16xf32>
          %add3A_744 = arith.addf %add3A_696, %mul3A_743 : vector<16xf32>
          %add3A_745 = arith.constant 4 : i32
          %add3A_746 = arith.addi %mul3A_126, %add3A_745 : i32
          %add3A_747 = arith.constant 3 : i32
          %add3A_748 = arith.addi %add3A_746, %add3A_747 : i32
          %get3A_749 = arith.index_cast %add3A_748 : i32 to index
          %get3A_750 = arith.constant 64 : index
          %get3A_751 = tpu.vector_load %arg8[%get3A_749, %get3A_750] {strides = array<i32>} : memref<80x128xf32, #tpu.memory_space<vmem>>, vector<16xf32>,
          %get3A_752 = arith.index_cast %add3A_748 : i32 to index
          %get3A_753 = arith.constant 64 : index
          %get3A_754 = tpu.vector_load %arg11[%get3A_752, %get3A_753] {strides = array<i32>} : memref<80x128xf32, #tpu.memory_space<vmem>>, vector<16xf32>,
          %mul3A_755 = arith.mulf %get3A_751, %get3A_754 : vector<16xf32>
          %add3A_756 = arith.addf %add3A_708, %mul3A_755 : vector<16xf32>
          %add3A_757 = arith.constant 4 : i32
          %add3A_758 = arith.addi %mul3A_126, %add3A_757 : i32
          %add3A_759 = arith.constant 0 : i32
          %add3A_760 = arith.addi %add3A_758, %add3A_759 : i32
          %get3A_761 = arith.index_cast %add3A_760 : i32 to index
          %get3A_762 = arith.constant 80 : index
          %get3A_763 = tpu.vector_load %arg8[%get3A_761, %get3A_762] {strides = array<i32>} : memref<80x128xf32, #tpu.memory_space<vmem>>, vector<16xf32>,
          %get3A_764 = arith.index_cast %add3A_760 : i32 to index
          %get3A_765 = arith.constant 80 : index
          %get3A_766 = tpu.vector_load %arg11[%get3A_764, %get3A_765] {strides = array<i32>} : memref<80x128xf32, #tpu.memory_space<vmem>>, vector<16xf32>,
          %mul3A_767 = arith.mulf %get3A_763, %get3A_766 : vector<16xf32>
          %add3A_768 = arith.addf %add3A_720, %mul3A_767 : vector<16xf32>
          %add3A_769 = arith.constant 4 : i32
          %add3A_770 = arith.addi %mul3A_126, %add3A_769 : i32
          %add3A_771 = arith.constant 1 : i32
          %add3A_772 = arith.addi %add3A_770, %add3A_771 : i32
          %get3A_773 = arith.index_cast %add3A_772 : i32 to index
          %get3A_774 = arith.constant 80 : index
          %get3A_775 = tpu.vector_load %arg8[%get3A_773, %get3A_774] {strides = array<i32>} : memref<80x128xf32, #tpu.memory_space<vmem>>, vector<16xf32>,
          %get3A_776 = arith.index_cast %add3A_772 : i32 to index
          %get3A_777 = arith.constant 80 : index
          %get3A_778 = tpu.vector_load %arg11[%get3A_776, %get3A_777] {strides = array<i32>} : memref<80x128xf32, #tpu.memory_space<vmem>>, vector<16xf32>,
          %mul3A_779 = arith.mulf %get3A_775, %get3A_778 : vector<16xf32>
          %add3A_780 = arith.addf %add3A_732, %mul3A_779 : vector<16xf32>
          %add3A_781 = arith.constant 4 : i32
          %add3A_782 = arith.addi %mul3A_126, %add3A_781 : i32
          %add3A_783 = arith.constant 2 : i32
          %add3A_784 = arith.addi %add3A_782, %add3A_783 : i32
          %get3A_785 = arith.index_cast %add3A_784 : i32 to index
          %get3A_786 = arith.constant 80 : index
          %get3A_787 = tpu.vector_load %arg8[%get3A_785, %get3A_786] {strides = array<i32>} : memref<80x128xf32, #tpu.memory_space<vmem>>, vector<16xf32>,
          %get3A_788 = arith.index_cast %add3A_784 : i32 to index
          %get3A_789 = arith.constant 80 : index
          %get3A_790 = tpu.vector_load %arg11[%get3A_788, %get3A_789] {strides = array<i32>} : memref<80x128xf32, #tpu.memory_space<vmem>>, vector<16xf32>,
          %mul3A_791 = arith.mulf %get3A_787, %get3A_790 : vector<16xf32>
          %add3A_792 = arith.addf %add3A_744, %mul3A_791 : vector<16xf32>
          %add3A_793 = arith.constant 4 : i32
          %add3A_794 = arith.addi %mul3A_126, %add3A_793 : i32
          %add3A_795 = arith.constant 3 : i32
          %add3A_796 = arith.addi %add3A_794, %add3A_795 : i32
          %get3A_797 = arith.index_cast %add3A_796 : i32 to index
          %get3A_798 = arith.constant 80 : index
          %get3A_799 = tpu.vector_load %arg8[%get3A_797, %get3A_798] {strides = array<i32>} : memref<80x128xf32, #tpu.memory_space<vmem>>, vector<16xf32>,
          %get3A_800 = arith.index_cast %add3A_796 : i32 to index
          %get3A_801 = arith.constant 80 : index
          %get3A_802 = tpu.vector_load %arg11[%get3A_800, %get3A_801] {strides = array<i32>} : memref<80x128xf32, #tpu.memory_space<vmem>>, vector<16xf32>,
          %mul3A_803 = arith.mulf %get3A_799, %get3A_802 : vector<16xf32>
          %add3A_804 = arith.addf %add3A_756, %mul3A_803 : vector<16xf32>
          %add3A_805 = arith.constant 4 : i32
          %add3A_806 = arith.addi %mul3A_126, %add3A_805 : i32
          %add3A_807 = arith.constant 0 : i32
          %add3A_808 = arith.addi %add3A_806, %add3A_807 : i32
          %get3A_809 = arith.index_cast %add3A_808 : i32 to index
          %get3A_810 = arith.constant 96 : index
          %get3A_811 = tpu.vector_load %arg8[%get3A_809, %get3A_810] {strides = array<i32>} : memref<80x128xf32, #tpu.memory_space<vmem>>, vector<16xf32>,
          %get3A_812 = arith.index_cast %add3A_808 : i32 to index
          %get3A_813 = arith.constant 96 : index
          %get3A_814 = tpu.vector_load %arg11[%get3A_812, %get3A_813] {strides = array<i32>} : memref<80x128xf32, #tpu.memory_space<vmem>>, vector<16xf32>,
          %mul3A_815 = arith.mulf %get3A_811, %get3A_814 : vector<16xf32>
          %add3A_816 = arith.addf %add3A_768, %mul3A_815 : vector<16xf32>
          %add3A_817 = arith.constant 4 : i32
          %add3A_818 = arith.addi %mul3A_126, %add3A_817 : i32
          %add3A_819 = arith.constant 1 : i32
          %add3A_820 = arith.addi %add3A_818, %add3A_819 : i32
          %get3A_821 = arith.index_cast %add3A_820 : i32 to index
          %get3A_822 = arith.constant 96 : index
          %get3A_823 = tpu.vector_load %arg8[%get3A_821, %get3A_822] {strides = array<i32>} : memref<80x128xf32, #tpu.memory_space<vmem>>, vector<16xf32>,
          %get3A_824 = arith.index_cast %add3A_820 : i32 to index
          %get3A_825 = arith.constant 96 : index
          %get3A_826 = tpu.vector_load %arg11[%get3A_824, %get3A_825] {strides = array<i32>} : memref<80x128xf32, #tpu.memory_space<vmem>>, vector<16xf32>,
          %mul3A_827 = arith.mulf %get3A_823, %get3A_826 : vector<16xf32>
          %add3A_828 = arith.addf %add3A_780, %mul3A_827 : vector<16xf32>
          %add3A_829 = arith.constant 4 : i32
          %add3A_830 = arith.addi %mul3A_126, %add3A_829 : i32
          %add3A_831 = arith.constant 2 : i32
          %add3A_832 = arith.addi %add3A_830, %add3A_831 : i32
          %get3A_833 = arith.index_cast %add3A_832 : i32 to index
          %get3A_834 = arith.constant 96 : index
          %get3A_835 = tpu.vector_load %arg8[%get3A_833, %get3A_834] {strides = array<i32>} : memref<80x128xf32, #tpu.memory_space<vmem>>, vector<16xf32>,
          %get3A_836 = arith.index_cast %add3A_832 : i32 to index
          %get3A_837 = arith.constant 96 : index
          %get3A_838 = tpu.vector_load %arg11[%get3A_836, %get3A_837] {strides = array<i32>} : memref<80x128xf32, #tpu.memory_space<vmem>>, vector<16xf32>,
          %mul3A_839 = arith.mulf %get3A_835, %get3A_838 : vector<16xf32>
          %add3A_840 = arith.addf %add3A_792, %mul3A_839 : vector<16xf32>
          %add3A_841 = arith.constant 4 : i32
          %add3A_842 = arith.addi %mul3A_126, %add3A_841 : i32
          %add3A_843 = arith.constant 3 : i32
          %add3A_844 = arith.addi %add3A_842, %add3A_843 : i32
          %get3A_845 = arith.index_cast %add3A_844 : i32 to index
          %get3A_846 = arith.constant 96 : index
          %get3A_847 = tpu.vector_load %arg8[%get3A_845, %get3A_846] {strides = array<i32>} : memref<80x128xf32, #tpu.memory_space<vmem>>, vector<16xf32>,
          %get3A_848 = arith.index_cast %add3A_844 : i32 to index
          %get3A_849 = arith.constant 96 : index
          %get3A_850 = tpu.vector_load %arg11[%get3A_848, %get3A_849] {strides = array<i32>} : memref<80x128xf32, #tpu.memory_space<vmem>>, vector<16xf32>,
          %mul3A_851 = arith.mulf %get3A_847, %get3A_850 : vector<16xf32>
          %add3A_852 = arith.addf %add3A_804, %mul3A_851 : vector<16xf32>
          %add3A_853 = arith.constant 4 : i32
          %add3A_854 = arith.addi %mul3A_126, %add3A_853 : i32
          %add3A_855 = arith.constant 0 : i32
          %add3A_856 = arith.addi %add3A_854, %add3A_855 : i32
          %get3A_857 = arith.index_cast %add3A_856 : i32 to index
          %get3A_858 = arith.constant 112 : index
          %get3A_859 = tpu.vector_load %arg8[%get3A_857, %get3A_858] {strides = array<i32>} : memref<80x128xf32, #tpu.memory_space<vmem>>, vector<16xf32>,
          %get3A_860 = arith.index_cast %add3A_856 : i32 to index
          %get3A_861 = arith.constant 112 : index
          %get3A_862 = tpu.vector_load %arg11[%get3A_860, %get3A_861] {strides = array<i32>} : memref<80x128xf32, #tpu.memory_space<vmem>>, vector<16xf32>,
          %mul3A_863 = arith.mulf %get3A_859, %get3A_862 : vector<16xf32>
          %add3A_864 = arith.addf %add3A_816, %mul3A_863 : vector<16xf32>
          %add3A_865 = arith.constant 4 : i32
          %add3A_866 = arith.addi %mul3A_126, %add3A_865 : i32
          %add3A_867 = arith.constant 1 : i32
          %add3A_868 = arith.addi %add3A_866, %add3A_867 : i32
          %get3A_869 = arith.index_cast %add3A_868 : i32 to index
          %get3A_870 = arith.constant 112 : index
          %get3A_871 = tpu.vector_load %arg8[%get3A_869, %get3A_870] {strides = array<i32>} : memref<80x128xf32, #tpu.memory_space<vmem>>, vector<16xf32>,
          %get3A_872 = arith.index_cast %add3A_868 : i32 to index
          %get3A_873 = arith.constant 112 : index
          %get3A_874 = tpu.vector_load %arg11[%get3A_872, %get3A_873] {strides = array<i32>} : memref<80x128xf32, #tpu.memory_space<vmem>>, vector<16xf32>,
          %mul3A_875 = arith.mulf %get3A_871, %get3A_874 : vector<16xf32>
          %add3A_876 = arith.addf %add3A_828, %mul3A_875 : vector<16xf32>
          %add3A_877 = arith.constant 4 : i32
          %add3A_878 = arith.addi %mul3A_126, %add3A_877 : i32
          %add3A_879 = arith.constant 2 : i32
          %add3A_880 = arith.addi %add3A_878, %add3A_879 : i32
          %get3A_881 = arith.index_cast %add3A_880 : i32 to index
          %get3A_882 = arith.constant 112 : index
          %get3A_883 = tpu.vector_load %arg8[%get3A_881, %get3A_882] {strides = array<i32>} : memref<80x128xf32, #tpu.memory_space<vmem>>, vector<16xf32>,
          %get3A_884 = arith.index_cast %add3A_880 : i32 to index
          %get3A_885 = arith.constant 112 : index
          %get3A_886 = tpu.vector_load %arg11[%get3A_884, %get3A_885] {strides = array<i32>} : memref<80x128xf32, #tpu.memory_space<vmem>>, vector<16xf32>,
          %mul3A_887 = arith.mulf %get3A_883, %get3A_886 : vector<16xf32>
          %add3A_888 = arith.addf %add3A_840, %mul3A_887 : vector<16xf32>
          %add3A_889 = arith.constant 4 : i32
          %add3A_890 = arith.addi %mul3A_126, %add3A_889 : i32
          %add3A_891 = arith.constant 3 : i32
          %add3A_892 = arith.addi %add3A_890, %add3A_891 : i32
          %get3A_893 = arith.index_cast %add3A_892 : i32 to index
          %get3A_894 = arith.constant 112 : index
          %get3A_895 = tpu.vector_load %arg8[%get3A_893, %get3A_894] {strides = array<i32>} : memref<80x128xf32, #tpu.memory_space<vmem>>, vector<16xf32>,
          %get3A_896 = arith.index_cast %add3A_892 : i32 to index
          %get3A_897 = arith.constant 112 : index
          %get3A_898 = tpu.vector_load %arg11[%get3A_896, %get3A_897] {strides = array<i32>} : memref<80x128xf32, #tpu.memory_space<vmem>>, vector<16xf32>,
          %mul3A_899 = arith.mulf %get3A_895, %get3A_898 : vector<16xf32>
          %add3A_900 = arith.addf %add3A_852, %mul3A_899 : vector<16xf32>
          %swap3A_901 = arith.constant 4 : i32
          %swap3A_902 = arith.index_cast %swap3A_901 : i32 to index
          %swap3A_903 = arith.constant 0 : index
          %swap3A_904 = tpu.vector_load %arg17[%swap3A_902, %swap3A_903] {strides = array<i32>} : memref<16x16xf32, #tpu.memory_space<vmem>>, vector<16xf32>,
          tpu.vector_store %arg17[%swap3A_902, %swap3A_903], %add3A_864 {strides = array<i32>} : memref<16x16xf32, #tpu.memory_space<vmem>>, vector<16xf32>,
          %swap3A_905 = arith.constant 5 : i32
          %swap3A_906 = arith.index_cast %swap3A_905 : i32 to index
          %swap3A_907 = arith.constant 0 : index
          %swap3A_908 = tpu.vector_load %arg17[%swap3A_906, %swap3A_907] {strides = array<i32>} : memref<16x16xf32, #tpu.memory_space<vmem>>, vector<16xf32>,
          tpu.vector_store %arg17[%swap3A_906, %swap3A_907], %add3A_876 {strides = array<i32>} : memref<16x16xf32, #tpu.memory_space<vmem>>, vector<16xf32>,
          %swap3A_909 = arith.constant 6 : i32
          %swap3A_910 = arith.index_cast %swap3A_909 : i32 to index
          %swap3A_911 = arith.constant 0 : index
          %swap3A_912 = tpu.vector_load %arg17[%swap3A_910, %swap3A_911] {strides = array<i32>} : memref<16x16xf32, #tpu.memory_space<vmem>>, vector<16xf32>,
          tpu.vector_store %arg17[%swap3A_910, %swap3A_911], %add3A_888 {strides = array<i32>} : memref<16x16xf32, #tpu.memory_space<vmem>>, vector<16xf32>,
          %swap3A_913 = arith.constant 7 : i32
          %swap3A_914 = arith.index_cast %swap3A_913 : i32 to index
          %swap3A_915 = arith.constant 0 : index
          %swap3A_916 = tpu.vector_load %arg17[%swap3A_914, %swap3A_915] {strides = array<i32>} : memref<16x16xf32, #tpu.memory_space<vmem>>, vector<16xf32>,
          tpu.vector_store %arg17[%swap3A_914, %swap3A_915], %add3A_900 {strides = array<i32>} : memref<16x16xf32, #tpu.memory_space<vmem>>, vector<16xf32>,
          %add3A_917 = arith.constant 8 : i32
          %add3A_918 = arith.addi %mul3A_126, %add3A_917 : i32
          %add3A_919 = arith.constant 0 : i32
          %add3A_920 = arith.addi %add3A_918, %add3A_919 : i32
          %get3A_921 = arith.index_cast %add3A_920 : i32 to index
          %get3A_922 = arith.constant 0 : index
          %get3A_923 = tpu.vector_load %arg8[%get3A_921, %get3A_922] {strides = array<i32>} : memref<80x128xf32, #tpu.memory_space<vmem>>, vector<16xf32>,
          %get3A_924 = arith.index_cast %add3A_920 : i32 to index
          %get3A_925 = arith.constant 0 : index
          %get3A_926 = tpu.vector_load %arg11[%get3A_924, %get3A_925] {strides = array<i32>} : memref<80x128xf32, #tpu.memory_space<vmem>>, vector<16xf32>,
          %mul3A_927 = arith.mulf %get3A_923, %get3A_926 : vector<16xf32>
          %add3A_928 = arith.constant 8 : i32
          %add3A_929 = arith.addi %mul3A_126, %add3A_928 : i32
          %add3A_930 = arith.constant 1 : i32
          %add3A_931 = arith.addi %add3A_929, %add3A_930 : i32
          %get3A_932 = arith.index_cast %add3A_931 : i32 to index
          %get3A_933 = arith.constant 0 : index
          %get3A_934 = tpu.vector_load %arg8[%get3A_932, %get3A_933] {strides = array<i32>} : memref<80x128xf32, #tpu.memory_space<vmem>>, vector<16xf32>,
          %get3A_935 = arith.index_cast %add3A_931 : i32 to index
          %get3A_936 = arith.constant 0 : index
          %get3A_937 = tpu.vector_load %arg11[%get3A_935, %get3A_936] {strides = array<i32>} : memref<80x128xf32, #tpu.memory_space<vmem>>, vector<16xf32>,
          %mul3A_938 = arith.mulf %get3A_934, %get3A_937 : vector<16xf32>
          %add3A_939 = arith.constant 8 : i32
          %add3A_940 = arith.addi %mul3A_126, %add3A_939 : i32
          %add3A_941 = arith.constant 2 : i32
          %add3A_942 = arith.addi %add3A_940, %add3A_941 : i32
          %get3A_943 = arith.index_cast %add3A_942 : i32 to index
          %get3A_944 = arith.constant 0 : index
          %get3A_945 = tpu.vector_load %arg8[%get3A_943, %get3A_944] {strides = array<i32>} : memref<80x128xf32, #tpu.memory_space<vmem>>, vector<16xf32>,
          %get3A_946 = arith.index_cast %add3A_942 : i32 to index
          %get3A_947 = arith.constant 0 : index
          %get3A_948 = tpu.vector_load %arg11[%get3A_946, %get3A_947] {strides = array<i32>} : memref<80x128xf32, #tpu.memory_space<vmem>>, vector<16xf32>,
          %mul3A_949 = arith.mulf %get3A_945, %get3A_948 : vector<16xf32>
          %add3A_950 = arith.constant 8 : i32
          %add3A_951 = arith.addi %mul3A_126, %add3A_950 : i32
          %add3A_952 = arith.constant 3 : i32
          %add3A_953 = arith.addi %add3A_951, %add3A_952 : i32
          %get3A_954 = arith.index_cast %add3A_953 : i32 to index
          %get3A_955 = arith.constant 0 : index
          %get3A_956 = tpu.vector_load %arg8[%get3A_954, %get3A_955] {strides = array<i32>} : memref<80x128xf32, #tpu.memory_space<vmem>>, vector<16xf32>,
          %get3A_957 = arith.index_cast %add3A_953 : i32 to index
          %get3A_958 = arith.constant 0 : index
          %get3A_959 = tpu.vector_load %arg11[%get3A_957, %get3A_958] {strides = array<i32>} : memref<80x128xf32, #tpu.memory_space<vmem>>, vector<16xf32>,
          %mul3A_960 = arith.mulf %get3A_956, %get3A_959 : vector<16xf32>
          %add3A_961 = arith.constant 8 : i32
          %add3A_962 = arith.addi %mul3A_126, %add3A_961 : i32
          %add3A_963 = arith.constant 0 : i32
          %add3A_964 = arith.addi %add3A_962, %add3A_963 : i32
          %get3A_965 = arith.index_cast %add3A_964 : i32 to index
          %get3A_966 = arith.constant 16 : index
          %get3A_967 = tpu.vector_load %arg8[%get3A_965, %get3A_966] {strides = array<i32>} : memref<80x128xf32, #tpu.memory_space<vmem>>, vector<16xf32>,
          %get3A_968 = arith.index_cast %add3A_964 : i32 to index
          %get3A_969 = arith.constant 16 : index
          %get3A_970 = tpu.vector_load %arg11[%get3A_968, %get3A_969] {strides = array<i32>} : memref<80x128xf32, #tpu.memory_space<vmem>>, vector<16xf32>,
          %mul3A_971 = arith.mulf %get3A_967, %get3A_970 : vector<16xf32>
          %add3A_972 = arith.addf %mul3A_927, %mul3A_971 : vector<16xf32>
          %add3A_973 = arith.constant 8 : i32
          %add3A_974 = arith.addi %mul3A_126, %add3A_973 : i32
          %add3A_975 = arith.constant 1 : i32
          %add3A_976 = arith.addi %add3A_974, %add3A_975 : i32
          %get3A_977 = arith.index_cast %add3A_976 : i32 to index
          %get3A_978 = arith.constant 16 : index
          %get3A_979 = tpu.vector_load %arg8[%get3A_977, %get3A_978] {strides = array<i32>} : memref<80x128xf32, #tpu.memory_space<vmem>>, vector<16xf32>,
          %get3A_980 = arith.index_cast %add3A_976 : i32 to index
          %get3A_981 = arith.constant 16 : index
          %get3A_982 = tpu.vector_load %arg11[%get3A_980, %get3A_981] {strides = array<i32>} : memref<80x128xf32, #tpu.memory_space<vmem>>, vector<16xf32>,
          %mul3A_983 = arith.mulf %get3A_979, %get3A_982 : vector<16xf32>
          %add3A_984 = arith.addf %mul3A_938, %mul3A_983 : vector<16xf32>
          %add3A_985 = arith.constant 8 : i32
          %add3A_986 = arith.addi %mul3A_126, %add3A_985 : i32
          %add3A_987 = arith.constant 2 : i32
          %add3A_988 = arith.addi %add3A_986, %add3A_987 : i32
          %get3A_989 = arith.index_cast %add3A_988 : i32 to index
          %get3A_990 = arith.constant 16 : index
          %get3A_991 = tpu.vector_load %arg8[%get3A_989, %get3A_990] {strides = array<i32>} : memref<80x128xf32, #tpu.memory_space<vmem>>, vector<16xf32>,
          %get3A_992 = arith.index_cast %add3A_988 : i32 to index
          %get3A_993 = arith.constant 16 : index
          %get3A_994 = tpu.vector_load %arg11[%get3A_992, %get3A_993] {strides = array<i32>} : memref<80x128xf32, #tpu.memory_space<vmem>>, vector<16xf32>,
          %mul3A_995 = arith.mulf %get3A_991, %get3A_994 : vector<16xf32>
          %add3A_996 = arith.addf %mul3A_949, %mul3A_995 : vector<16xf32>
          %add3A_997 = arith.constant 8 : i32
          %add3A_998 = arith.addi %mul3A_126, %add3A_997 : i32
          %add3A_999 = arith.constant 3 : i32
          %add3A_1000 = arith.addi %add3A_998, %add3A_999 : i32
          %get3A_1001 = arith.index_cast %add3A_1000 : i32 to index
          %get3A_1002 = arith.constant 16 : index
          %get3A_1003 = tpu.vector_load %arg8[%get3A_1001, %get3A_1002] {strides = array<i32>} : memref<80x128xf32, #tpu.memory_space<vmem>>, vector<16xf32>,
          %get3A_1004 = arith.index_cast %add3A_1000 : i32 to index
          %get3A_1005 = arith.constant 16 : index
          %get3A_1006 = tpu.vector_load %arg11[%get3A_1004, %get3A_1005] {strides = array<i32>} : memref<80x128xf32, #tpu.memory_space<vmem>>, vector<16xf32>,
          %mul3A_1007 = arith.mulf %get3A_1003, %get3A_1006 : vector<16xf32>
          %add3A_1008 = arith.addf %mul3A_960, %mul3A_1007 : vector<16xf32>
          %add3A_1009 = arith.constant 8 : i32
          %add3A_1010 = arith.addi %mul3A_126, %add3A_1009 : i32
          %add3A_1011 = arith.constant 0 : i32
          %add3A_1012 = arith.addi %add3A_1010, %add3A_1011 : i32
          %get3A_1013 = arith.index_cast %add3A_1012 : i32 to index
          %get3A_1014 = arith.constant 32 : index
          %get3A_1015 = tpu.vector_load %arg8[%get3A_1013, %get3A_1014] {strides = array<i32>} : memref<80x128xf32, #tpu.memory_space<vmem>>, vector<16xf32>,
          %get3A_1016 = arith.index_cast %add3A_1012 : i32 to index
          %get3A_1017 = arith.constant 32 : index
          %get3A_1018 = tpu.vector_load %arg11[%get3A_1016, %get3A_1017] {strides = array<i32>} : memref<80x128xf32, #tpu.memory_space<vmem>>, vector<16xf32>,
          %mul3A_1019 = arith.mulf %get3A_1015, %get3A_1018 : vector<16xf32>
          %add3A_1020 = arith.addf %add3A_972, %mul3A_1019 : vector<16xf32>
          %add3A_1021 = arith.constant 8 : i32
          %add3A_1022 = arith.addi %mul3A_126, %add3A_1021 : i32
          %add3A_1023 = arith.constant 1 : i32
          %add3A_1024 = arith.addi %add3A_1022, %add3A_1023 : i32
          %get3A_1025 = arith.index_cast %add3A_1024 : i32 to index
          %get3A_1026 = arith.constant 32 : index
          %get3A_1027 = tpu.vector_load %arg8[%get3A_1025, %get3A_1026] {strides = array<i32>} : memref<80x128xf32, #tpu.memory_space<vmem>>, vector<16xf32>,
          %get3A_1028 = arith.index_cast %add3A_1024 : i32 to index
          %get3A_1029 = arith.constant 32 : index
          %get3A_1030 = tpu.vector_load %arg11[%get3A_1028, %get3A_1029] {strides = array<i32>} : memref<80x128xf32, #tpu.memory_space<vmem>>, vector<16xf32>,
          %mul3A_1031 = arith.mulf %get3A_1027, %get3A_1030 : vector<16xf32>
          %add3A_1032 = arith.addf %add3A_984, %mul3A_1031 : vector<16xf32>
          %add3A_1033 = arith.constant 8 : i32
          %add3A_1034 = arith.addi %mul3A_126, %add3A_1033 : i32
          %add3A_1035 = arith.constant 2 : i32
          %add3A_1036 = arith.addi %add3A_1034, %add3A_1035 : i32
          %get3A_1037 = arith.index_cast %add3A_1036 : i32 to index
          %get3A_1038 = arith.constant 32 : index
          %get3A_1039 = tpu.vector_load %arg8[%get3A_1037, %get3A_1038] {strides = array<i32>} : memref<80x128xf32, #tpu.memory_space<vmem>>, vector<16xf32>,
          %get3A_1040 = arith.index_cast %add3A_1036 : i32 to index
          %get3A_1041 = arith.constant 32 : index
          %get3A_1042 = tpu.vector_load %arg11[%get3A_1040, %get3A_1041] {strides = array<i32>} : memref<80x128xf32, #tpu.memory_space<vmem>>, vector<16xf32>,
          %mul3A_1043 = arith.mulf %get3A_1039, %get3A_1042 : vector<16xf32>
          %add3A_1044 = arith.addf %add3A_996, %mul3A_1043 : vector<16xf32>
          %add3A_1045 = arith.constant 8 : i32
          %add3A_1046 = arith.addi %mul3A_126, %add3A_1045 : i32
          %add3A_1047 = arith.constant 3 : i32
          %add3A_1048 = arith.addi %add3A_1046, %add3A_1047 : i32
          %get3A_1049 = arith.index_cast %add3A_1048 : i32 to index
          %get3A_1050 = arith.constant 32 : index
          %get3A_1051 = tpu.vector_load %arg8[%get3A_1049, %get3A_1050] {strides = array<i32>} : memref<80x128xf32, #tpu.memory_space<vmem>>, vector<16xf32>,
          %get3A_1052 = arith.index_cast %add3A_1048 : i32 to index
          %get3A_1053 = arith.constant 32 : index
          %get3A_1054 = tpu.vector_load %arg11[%get3A_1052, %get3A_1053] {strides = array<i32>} : memref<80x128xf32, #tpu.memory_space<vmem>>, vector<16xf32>,
          %mul3A_1055 = arith.mulf %get3A_1051, %get3A_1054 : vector<16xf32>
          %add3A_1056 = arith.addf %add3A_1008, %mul3A_1055 : vector<16xf32>
          %add3A_1057 = arith.constant 8 : i32
          %add3A_1058 = arith.addi %mul3A_126, %add3A_1057 : i32
          %add3A_1059 = arith.constant 0 : i32
          %add3A_1060 = arith.addi %add3A_1058, %add3A_1059 : i32
          %get3A_1061 = arith.index_cast %add3A_1060 : i32 to index
          %get3A_1062 = arith.constant 48 : index
          %get3A_1063 = tpu.vector_load %arg8[%get3A_1061, %get3A_1062] {strides = array<i32>} : memref<80x128xf32, #tpu.memory_space<vmem>>, vector<16xf32>,
          %get3A_1064 = arith.index_cast %add3A_1060 : i32 to index
          %get3A_1065 = arith.constant 48 : index
          %get3A_1066 = tpu.vector_load %arg11[%get3A_1064, %get3A_1065] {strides = array<i32>} : memref<80x128xf32, #tpu.memory_space<vmem>>, vector<16xf32>,
          %mul3A_1067 = arith.mulf %get3A_1063, %get3A_1066 : vector<16xf32>
          %add3A_1068 = arith.addf %add3A_1020, %mul3A_1067 : vector<16xf32>
          %add3A_1069 = arith.constant 8 : i32
          %add3A_1070 = arith.addi %mul3A_126, %add3A_1069 : i32
          %add3A_1071 = arith.constant 1 : i32
          %add3A_1072 = arith.addi %add3A_1070, %add3A_1071 : i32
          %get3A_1073 = arith.index_cast %add3A_1072 : i32 to index
          %get3A_1074 = arith.constant 48 : index
          %get3A_1075 = tpu.vector_load %arg8[%get3A_1073, %get3A_1074] {strides = array<i32>} : memref<80x128xf32, #tpu.memory_space<vmem>>, vector<16xf32>,
          %get3A_1076 = arith.index_cast %add3A_1072 : i32 to index
          %get3A_1077 = arith.constant 48 : index
          %get3A_1078 = tpu.vector_load %arg11[%get3A_1076, %get3A_1077] {strides = array<i32>} : memref<80x128xf32, #tpu.memory_space<vmem>>, vector<16xf32>,
          %mul3A_1079 = arith.mulf %get3A_1075, %get3A_1078 : vector<16xf32>
          %add3A_1080 = arith.addf %add3A_1032, %mul3A_1079 : vector<16xf32>
          %add3A_1081 = arith.constant 8 : i32
          %add3A_1082 = arith.addi %mul3A_126, %add3A_1081 : i32
          %add3A_1083 = arith.constant 2 : i32
          %add3A_1084 = arith.addi %add3A_1082, %add3A_1083 : i32
          %get3A_1085 = arith.index_cast %add3A_1084 : i32 to index
          %get3A_1086 = arith.constant 48 : index
          %get3A_1087 = tpu.vector_load %arg8[%get3A_1085, %get3A_1086] {strides = array<i32>} : memref<80x128xf32, #tpu.memory_space<vmem>>, vector<16xf32>,
          %get3A_1088 = arith.index_cast %add3A_1084 : i32 to index
          %get3A_1089 = arith.constant 48 : index
          %get3A_1090 = tpu.vector_load %arg11[%get3A_1088, %get3A_1089] {strides = array<i32>} : memref<80x128xf32, #tpu.memory_space<vmem>>, vector<16xf32>,
          %mul3A_1091 = arith.mulf %get3A_1087, %get3A_1090 : vector<16xf32>
          %add3A_1092 = arith.addf %add3A_1044, %mul3A_1091 : vector<16xf32>
          %add3A_1093 = arith.constant 8 : i32
          %add3A_1094 = arith.addi %mul3A_126, %add3A_1093 : i32
          %add3A_1095 = arith.constant 3 : i32
          %add3A_1096 = arith.addi %add3A_1094, %add3A_1095 : i32
          %get3A_1097 = arith.index_cast %add3A_1096 : i32 to index
          %get3A_1098 = arith.constant 48 : index
          %get3A_1099 = tpu.vector_load %arg8[%get3A_1097, %get3A_1098] {strides = array<i32>} : memref<80x128xf32, #tpu.memory_space<vmem>>, vector<16xf32>,
          %get3A_1100 = arith.index_cast %add3A_1096 : i32 to index
          %get3A_1101 = arith.constant 48 : index
          %get3A_1102 = tpu.vector_load %arg11[%get3A_1100, %get3A_1101] {strides = array<i32>} : memref<80x128xf32, #tpu.memory_space<vmem>>, vector<16xf32>,
          %mul3A_1103 = arith.mulf %get3A_1099, %get3A_1102 : vector<16xf32>
          %add3A_1104 = arith.addf %add3A_1056, %mul3A_1103 : vector<16xf32>
          %add3A_1105 = arith.constant 8 : i32
          %add3A_1106 = arith.addi %mul3A_126, %add3A_1105 : i32
          %add3A_1107 = arith.constant 0 : i32
          %add3A_1108 = arith.addi %add3A_1106, %add3A_1107 : i32
          %get3A_1109 = arith.index_cast %add3A_1108 : i32 to index
          %get3A_1110 = arith.constant 64 : index
          %get3A_1111 = tpu.vector_load %arg8[%get3A_1109, %get3A_1110] {strides = array<i32>} : memref<80x128xf32, #tpu.memory_space<vmem>>, vector<16xf32>,
          %get3A_1112 = arith.index_cast %add3A_1108 : i32 to index
          %get3A_1113 = arith.constant 64 : index
          %get3A_1114 = tpu.vector_load %arg11[%get3A_1112, %get3A_1113] {strides = array<i32>} : memref<80x128xf32, #tpu.memory_space<vmem>>, vector<16xf32>,
          %mul3A_1115 = arith.mulf %get3A_1111, %get3A_1114 : vector<16xf32>
          %add3A_1116 = arith.addf %add3A_1068, %mul3A_1115 : vector<16xf32>
          %add3A_1117 = arith.constant 8 : i32
          %add3A_1118 = arith.addi %mul3A_126, %add3A_1117 : i32
          %add3A_1119 = arith.constant 1 : i32
          %add3A_1120 = arith.addi %add3A_1118, %add3A_1119 : i32
          %get3A_1121 = arith.index_cast %add3A_1120 : i32 to index
          %get3A_1122 = arith.constant 64 : index
          %get3A_1123 = tpu.vector_load %arg8[%get3A_1121, %get3A_1122] {strides = array<i32>} : memref<80x128xf32, #tpu.memory_space<vmem>>, vector<16xf32>,
          %get3A_1124 = arith.index_cast %add3A_1120 : i32 to index
          %get3A_1125 = arith.constant 64 : index
          %get3A_1126 = tpu.vector_load %arg11[%get3A_1124, %get3A_1125] {strides = array<i32>} : memref<80x128xf32, #tpu.memory_space<vmem>>, vector<16xf32>,
          %mul3A_1127 = arith.mulf %get3A_1123, %get3A_1126 : vector<16xf32>
          %add3A_1128 = arith.addf %add3A_1080, %mul3A_1127 : vector<16xf32>
          %add3A_1129 = arith.constant 8 : i32
          %add3A_1130 = arith.addi %mul3A_126, %add3A_1129 : i32
          %add3A_1131 = arith.constant 2 : i32
          %add3A_1132 = arith.addi %add3A_1130, %add3A_1131 : i32
          %get3A_1133 = arith.index_cast %add3A_1132 : i32 to index
          %get3A_1134 = arith.constant 64 : index
          %get3A_1135 = tpu.vector_load %arg8[%get3A_1133, %get3A_1134] {strides = array<i32>} : memref<80x128xf32, #tpu.memory_space<vmem>>, vector<16xf32>,
          %get3A_1136 = arith.index_cast %add3A_1132 : i32 to index
          %get3A_1137 = arith.constant 64 : index
          %get3A_1138 = tpu.vector_load %arg11[%get3A_1136, %get3A_1137] {strides = array<i32>} : memref<80x128xf32, #tpu.memory_space<vmem>>, vector<16xf32>,
          %mul3A_1139 = arith.mulf %get3A_1135, %get3A_1138 : vector<16xf32>
          %add3A_1140 = arith.addf %add3A_1092, %mul3A_1139 : vector<16xf32>
          %add3A_1141 = arith.constant 8 : i32
          %add3A_1142 = arith.addi %mul3A_126, %add3A_1141 : i32
          %add3A_1143 = arith.constant 3 : i32
          %add3A_1144 = arith.addi %add3A_1142, %add3A_1143 : i32
          %get3A_1145 = arith.index_cast %add3A_1144 : i32 to index
          %get3A_1146 = arith.constant 64 : index
          %get3A_1147 = tpu.vector_load %arg8[%get3A_1145, %get3A_1146] {strides = array<i32>} : memref<80x128xf32, #tpu.memory_space<vmem>>, vector<16xf32>,
          %get3A_1148 = arith.index_cast %add3A_1144 : i32 to index
          %get3A_1149 = arith.constant 64 : index
          %get3A_1150 = tpu.vector_load %arg11[%get3A_1148, %get3A_1149] {strides = array<i32>} : memref<80x128xf32, #tpu.memory_space<vmem>>, vector<16xf32>,
          %mul3A_1151 = arith.mulf %get3A_1147, %get3A_1150 : vector<16xf32>
          %add3A_1152 = arith.addf %add3A_1104, %mul3A_1151 : vector<16xf32>
          %add3A_1153 = arith.constant 8 : i32
          %add3A_1154 = arith.addi %mul3A_126, %add3A_1153 : i32
          %add3A_1155 = arith.constant 0 : i32
          %add3A_1156 = arith.addi %add3A_1154, %add3A_1155 : i32
          %get3A_1157 = arith.index_cast %add3A_1156 : i32 to index
          %get3A_1158 = arith.constant 80 : index
          %get3A_1159 = tpu.vector_load %arg8[%get3A_1157, %get3A_1158] {strides = array<i32>} : memref<80x128xf32, #tpu.memory_space<vmem>>, vector<16xf32>,
          %get3A_1160 = arith.index_cast %add3A_1156 : i32 to index
          %get3A_1161 = arith.constant 80 : index
          %get3A_1162 = tpu.vector_load %arg11[%get3A_1160, %get3A_1161] {strides = array<i32>} : memref<80x128xf32, #tpu.memory_space<vmem>>, vector<16xf32>,
          %mul3A_1163 = arith.mulf %get3A_1159, %get3A_1162 : vector<16xf32>
          %add3A_1164 = arith.addf %add3A_1116, %mul3A_1163 : vector<16xf32>
          %add3A_1165 = arith.constant 8 : i32
          %add3A_1166 = arith.addi %mul3A_126, %add3A_1165 : i32
          %add3A_1167 = arith.constant 1 : i32
          %add3A_1168 = arith.addi %add3A_1166, %add3A_1167 : i32
          %get3A_1169 = arith.index_cast %add3A_1168 : i32 to index
          %get3A_1170 = arith.constant 80 : index
          %get3A_1171 = tpu.vector_load %arg8[%get3A_1169, %get3A_1170] {strides = array<i32>} : memref<80x128xf32, #tpu.memory_space<vmem>>, vector<16xf32>,
          %get3A_1172 = arith.index_cast %add3A_1168 : i32 to index
          %get3A_1173 = arith.constant 80 : index
          %get3A_1174 = tpu.vector_load %arg11[%get3A_1172, %get3A_1173] {strides = array<i32>} : memref<80x128xf32, #tpu.memory_space<vmem>>, vector<16xf32>,
          %mul3A_1175 = arith.mulf %get3A_1171, %get3A_1174 : vector<16xf32>
          %add3A_1176 = arith.addf %add3A_1128, %mul3A_1175 : vector<16xf32>
          %add3A_1177 = arith.constant 8 : i32
          %add3A_1178 = arith.addi %mul3A_126, %add3A_1177 : i32
          %add3A_1179 = arith.constant 2 : i32
          %add3A_1180 = arith.addi %add3A_1178, %add3A_1179 : i32
          %get3A_1181 = arith.index_cast %add3A_1180 : i32 to index
          %get3A_1182 = arith.constant 80 : index
          %get3A_1183 = tpu.vector_load %arg8[%get3A_1181, %get3A_1182] {strides = array<i32>} : memref<80x128xf32, #tpu.memory_space<vmem>>, vector<16xf32>,
          %get3A_1184 = arith.index_cast %add3A_1180 : i32 to index
          %get3A_1185 = arith.constant 80 : index
          %get3A_1186 = tpu.vector_load %arg11[%get3A_1184, %get3A_1185] {strides = array<i32>} : memref<80x128xf32, #tpu.memory_space<vmem>>, vector<16xf32>,
          %mul3A_1187 = arith.mulf %get3A_1183, %get3A_1186 : vector<16xf32>
          %add3A_1188 = arith.addf %add3A_1140, %mul3A_1187 : vector<16xf32>
          %add3A_1189 = arith.constant 8 : i32
          %add3A_1190 = arith.addi %mul3A_126, %add3A_1189 : i32
          %add3A_1191 = arith.constant 3 : i32
          %add3A_1192 = arith.addi %add3A_1190, %add3A_1191 : i32
          %get3A_1193 = arith.index_cast %add3A_1192 : i32 to index
          %get3A_1194 = arith.constant 80 : index
          %get3A_1195 = tpu.vector_load %arg8[%get3A_1193, %get3A_1194] {strides = array<i32>} : memref<80x128xf32, #tpu.memory_space<vmem>>, vector<16xf32>,
          %get3A_1196 = arith.index_cast %add3A_1192 : i32 to index
          %get3A_1197 = arith.constant 80 : index
          %get3A_1198 = tpu.vector_load %arg11[%get3A_1196, %get3A_1197] {strides = array<i32>} : memref<80x128xf32, #tpu.memory_space<vmem>>, vector<16xf32>,
          %mul3A_1199 = arith.mulf %get3A_1195, %get3A_1198 : vector<16xf32>
          %add3A_1200 = arith.addf %add3A_1152, %mul3A_1199 : vector<16xf32>
          %add3A_1201 = arith.constant 8 : i32
          %add3A_1202 = arith.addi %mul3A_126, %add3A_1201 : i32
          %add3A_1203 = arith.constant 0 : i32
          %add3A_1204 = arith.addi %add3A_1202, %add3A_1203 : i32
          %get3A_1205 = arith.index_cast %add3A_1204 : i32 to index
          %get3A_1206 = arith.constant 96 : index
          %get3A_1207 = tpu.vector_load %arg8[%get3A_1205, %get3A_1206] {strides = array<i32>} : memref<80x128xf32, #tpu.memory_space<vmem>>, vector<16xf32>,
          %get3A_1208 = arith.index_cast %add3A_1204 : i32 to index
          %get3A_1209 = arith.constant 96 : index
          %get3A_1210 = tpu.vector_load %arg11[%get3A_1208, %get3A_1209] {strides = array<i32>} : memref<80x128xf32, #tpu.memory_space<vmem>>, vector<16xf32>,
          %mul3A_1211 = arith.mulf %get3A_1207, %get3A_1210 : vector<16xf32>
          %add3A_1212 = arith.addf %add3A_1164, %mul3A_1211 : vector<16xf32>
          %add3A_1213 = arith.constant 8 : i32
          %add3A_1214 = arith.addi %mul3A_126, %add3A_1213 : i32
          %add3A_1215 = arith.constant 1 : i32
          %add3A_1216 = arith.addi %add3A_1214, %add3A_1215 : i32
          %get3A_1217 = arith.index_cast %add3A_1216 : i32 to index
          %get3A_1218 = arith.constant 96 : index
          %get3A_1219 = tpu.vector_load %arg8[%get3A_1217, %get3A_1218] {strides = array<i32>} : memref<80x128xf32, #tpu.memory_space<vmem>>, vector<16xf32>,
          %get3A_1220 = arith.index_cast %add3A_1216 : i32 to index
          %get3A_1221 = arith.constant 96 : index
          %get3A_1222 = tpu.vector_load %arg11[%get3A_1220, %get3A_1221] {strides = array<i32>} : memref<80x128xf32, #tpu.memory_space<vmem>>, vector<16xf32>,
          %mul3A_1223 = arith.mulf %get3A_1219, %get3A_1222 : vector<16xf32>
          %add3A_1224 = arith.addf %add3A_1176, %mul3A_1223 : vector<16xf32>
          %add3A_1225 = arith.constant 8 : i32
          %add3A_1226 = arith.addi %mul3A_126, %add3A_1225 : i32
          %add3A_1227 = arith.constant 2 : i32
          %add3A_1228 = arith.addi %add3A_1226, %add3A_1227 : i32
          %get3A_1229 = arith.index_cast %add3A_1228 : i32 to index
          %get3A_1230 = arith.constant 96 : index
          %get3A_1231 = tpu.vector_load %arg8[%get3A_1229, %get3A_1230] {strides = array<i32>} : memref<80x128xf32, #tpu.memory_space<vmem>>, vector<16xf32>,
          %get3A_1232 = arith.index_cast %add3A_1228 : i32 to index
          %get3A_1233 = arith.constant 96 : index
          %get3A_1234 = tpu.vector_load %arg11[%get3A_1232, %get3A_1233] {strides = array<i32>} : memref<80x128xf32, #tpu.memory_space<vmem>>, vector<16xf32>,
          %mul3A_1235 = arith.mulf %get3A_1231, %get3A_1234 : vector<16xf32>
          %add3A_1236 = arith.addf %add3A_1188, %mul3A_1235 : vector<16xf32>
          %add3A_1237 = arith.constant 8 : i32
          %add3A_1238 = arith.addi %mul3A_126, %add3A_1237 : i32
          %add3A_1239 = arith.constant 3 : i32
          %add3A_1240 = arith.addi %add3A_1238, %add3A_1239 : i32
          %get3A_1241 = arith.index_cast %add3A_1240 : i32 to index
          %get3A_1242 = arith.constant 96 : index
          %get3A_1243 = tpu.vector_load %arg8[%get3A_1241, %get3A_1242] {strides = array<i32>} : memref<80x128xf32, #tpu.memory_space<vmem>>, vector<16xf32>,
          %get3A_1244 = arith.index_cast %add3A_1240 : i32 to index
          %get3A_1245 = arith.constant 96 : index
          %get3A_1246 = tpu.vector_load %arg11[%get3A_1244, %get3A_1245] {strides = array<i32>} : memref<80x128xf32, #tpu.memory_space<vmem>>, vector<16xf32>,
          %mul3A_1247 = arith.mulf %get3A_1243, %get3A_1246 : vector<16xf32>
          %add3A_1248 = arith.addf %add3A_1200, %mul3A_1247 : vector<16xf32>
          %add3A_1249 = arith.constant 8 : i32
          %add3A_1250 = arith.addi %mul3A_126, %add3A_1249 : i32
          %add3A_1251 = arith.constant 0 : i32
          %add3A_1252 = arith.addi %add3A_1250, %add3A_1251 : i32
          %get3A_1253 = arith.index_cast %add3A_1252 : i32 to index
          %get3A_1254 = arith.constant 112 : index
          %get3A_1255 = tpu.vector_load %arg8[%get3A_1253, %get3A_1254] {strides = array<i32>} : memref<80x128xf32, #tpu.memory_space<vmem>>, vector<16xf32>,
          %get3A_1256 = arith.index_cast %add3A_1252 : i32 to index
          %get3A_1257 = arith.constant 112 : index
          %get3A_1258 = tpu.vector_load %arg11[%get3A_1256, %get3A_1257] {strides = array<i32>} : memref<80x128xf32, #tpu.memory_space<vmem>>, vector<16xf32>,
          %mul3A_1259 = arith.mulf %get3A_1255, %get3A_1258 : vector<16xf32>
          %add3A_1260 = arith.addf %add3A_1212, %mul3A_1259 : vector<16xf32>
          %add3A_1261 = arith.constant 8 : i32
          %add3A_1262 = arith.addi %mul3A_126, %add3A_1261 : i32
          %add3A_1263 = arith.constant 1 : i32
          %add3A_1264 = arith.addi %add3A_1262, %add3A_1263 : i32
          %get3A_1265 = arith.index_cast %add3A_1264 : i32 to index
          %get3A_1266 = arith.constant 112 : index
          %get3A_1267 = tpu.vector_load %arg8[%get3A_1265, %get3A_1266] {strides = array<i32>} : memref<80x128xf32, #tpu.memory_space<vmem>>, vector<16xf32>,
          %get3A_1268 = arith.index_cast %add3A_1264 : i32 to index
          %get3A_1269 = arith.constant 112 : index
          %get3A_1270 = tpu.vector_load %arg11[%get3A_1268, %get3A_1269] {strides = array<i32>} : memref<80x128xf32, #tpu.memory_space<vmem>>, vector<16xf32>,
          %mul3A_1271 = arith.mulf %get3A_1267, %get3A_1270 : vector<16xf32>
          %add3A_1272 = arith.addf %add3A_1224, %mul3A_1271 : vector<16xf32>
          %add3A_1273 = arith.constant 8 : i32
          %add3A_1274 = arith.addi %mul3A_126, %add3A_1273 : i32
          %add3A_1275 = arith.constant 2 : i32
          %add3A_1276 = arith.addi %add3A_1274, %add3A_1275 : i32
          %get3A_1277 = arith.index_cast %add3A_1276 : i32 to index
          %get3A_1278 = arith.constant 112 : index
          %get3A_1279 = tpu.vector_load %arg8[%get3A_1277, %get3A_1278] {strides = array<i32>} : memref<80x128xf32, #tpu.memory_space<vmem>>, vector<16xf32>,
          %get3A_1280 = arith.index_cast %add3A_1276 : i32 to index
          %get3A_1281 = arith.constant 112 : index
          %get3A_1282 = tpu.vector_load %arg11[%get3A_1280, %get3A_1281] {strides = array<i32>} : memref<80x128xf32, #tpu.memory_space<vmem>>, vector<16xf32>,
          %mul3A_1283 = arith.mulf %get3A_1279, %get3A_1282 : vector<16xf32>
          %add3A_1284 = arith.addf %add3A_1236, %mul3A_1283 : vector<16xf32>
          %add3A_1285 = arith.constant 8 : i32
          %add3A_1286 = arith.addi %mul3A_126, %add3A_1285 : i32
          %add3A_1287 = arith.constant 3 : i32
          %add3A_1288 = arith.addi %add3A_1286, %add3A_1287 : i32
          %get3A_1289 = arith.index_cast %add3A_1288 : i32 to index
          %get3A_1290 = arith.constant 112 : index
          %get3A_1291 = tpu.vector_load %arg8[%get3A_1289, %get3A_1290] {strides = array<i32>} : memref<80x128xf32, #tpu.memory_space<vmem>>, vector<16xf32>,
          %get3A_1292 = arith.index_cast %add3A_1288 : i32 to index
          %get3A_1293 = arith.constant 112 : index
          %get3A_1294 = tpu.vector_load %arg11[%get3A_1292, %get3A_1293] {strides = array<i32>} : memref<80x128xf32, #tpu.memory_space<vmem>>, vector<16xf32>,
          %mul3A_1295 = arith.mulf %get3A_1291, %get3A_1294 : vector<16xf32>
          %add3A_1296 = arith.addf %add3A_1248, %mul3A_1295 : vector<16xf32>
          %swap3A_1297 = arith.constant 8 : i32
          %swap3A_1298 = arith.index_cast %swap3A_1297 : i32 to index
          %swap3A_1299 = arith.constant 0 : index
          %swap3A_1300 = tpu.vector_load %arg17[%swap3A_1298, %swap3A_1299] {strides = array<i32>} : memref<16x16xf32, #tpu.memory_space<vmem>>, vector<16xf32>,
          tpu.vector_store %arg17[%swap3A_1298, %swap3A_1299], %add3A_1260 {strides = array<i32>} : memref<16x16xf32, #tpu.memory_space<vmem>>, vector<16xf32>,
          %swap3A_1301 = arith.constant 9 : i32
          %swap3A_1302 = arith.index_cast %swap3A_1301 : i32 to index
          %swap3A_1303 = arith.constant 0 : index
          %swap3A_1304 = tpu.vector_load %arg17[%swap3A_1302, %swap3A_1303] {strides = array<i32>} : memref<16x16xf32, #tpu.memory_space<vmem>>, vector<16xf32>,
          tpu.vector_store %arg17[%swap3A_1302, %swap3A_1303], %add3A_1272 {strides = array<i32>} : memref<16x16xf32, #tpu.memory_space<vmem>>, vector<16xf32>,
          %swap3A_1305 = arith.constant 10 : i32
          %swap3A_1306 = arith.index_cast %swap3A_1305 : i32 to index
          %swap3A_1307 = arith.constant 0 : index
          %swap3A_1308 = tpu.vector_load %arg17[%swap3A_1306, %swap3A_1307] {strides = array<i32>} : memref<16x16xf32, #tpu.memory_space<vmem>>, vector<16xf32>,
          tpu.vector_store %arg17[%swap3A_1306, %swap3A_1307], %add3A_1284 {strides = array<i32>} : memref<16x16xf32, #tpu.memory_space<vmem>>, vector<16xf32>,
          %swap3A_1309 = arith.constant 11 : i32
          %swap3A_1310 = arith.index_cast %swap3A_1309 : i32 to index
          %swap3A_1311 = arith.constant 0 : index
          %swap3A_1312 = tpu.vector_load %arg17[%swap3A_1310, %swap3A_1311] {strides = array<i32>} : memref<16x16xf32, #tpu.memory_space<vmem>>, vector<16xf32>,
          tpu.vector_store %arg17[%swap3A_1310, %swap3A_1311], %add3A_1296 {strides = array<i32>} : memref<16x16xf32, #tpu.memory_space<vmem>>, vector<16xf32>,
          %add3A_1313 = arith.constant 12 : i32
          %add3A_1314 = arith.addi %mul3A_126, %add3A_1313 : i32
          %add3A_1315 = arith.constant 0 : i32
          %add3A_1316 = arith.addi %add3A_1314, %add3A_1315 : i32
          %get3A_1317 = arith.index_cast %add3A_1316 : i32 to index
          %get3A_1318 = arith.constant 0 : index
          %get3A_1319 = tpu.vector_load %arg8[%get3A_1317, %get3A_1318] {strides = array<i32>} : memref<80x128xf32, #tpu.memory_space<vmem>>, vector<16xf32>,
          %get3A_1320 = arith.index_cast %add3A_1316 : i32 to index
          %get3A_1321 = arith.constant 0 : index
          %get3A_1322 = tpu.vector_load %arg11[%get3A_1320, %get3A_1321] {strides = array<i32>} : memref<80x128xf32, #tpu.memory_space<vmem>>, vector<16xf32>,
          %mul3A_1323 = arith.mulf %get3A_1319, %get3A_1322 : vector<16xf32>
          %add3A_1324 = arith.constant 12 : i32
          %add3A_1325 = arith.addi %mul3A_126, %add3A_1324 : i32
          %add3A_1326 = arith.constant 1 : i32
          %add3A_1327 = arith.addi %add3A_1325, %add3A_1326 : i32
          %get3A_1328 = arith.index_cast %add3A_1327 : i32 to index
          %get3A_1329 = arith.constant 0 : index
          %get3A_1330 = tpu.vector_load %arg8[%get3A_1328, %get3A_1329] {strides = array<i32>} : memref<80x128xf32, #tpu.memory_space<vmem>>, vector<16xf32>,
          %get3A_1331 = arith.index_cast %add3A_1327 : i32 to index
          %get3A_1332 = arith.constant 0 : index
          %get3A_1333 = tpu.vector_load %arg11[%get3A_1331, %get3A_1332] {strides = array<i32>} : memref<80x128xf32, #tpu.memory_space<vmem>>, vector<16xf32>,
          %mul3A_1334 = arith.mulf %get3A_1330, %get3A_1333 : vector<16xf32>
          %add3A_1335 = arith.constant 12 : i32
          %add3A_1336 = arith.addi %mul3A_126, %add3A_1335 : i32
          %add3A_1337 = arith.constant 2 : i32
          %add3A_1338 = arith.addi %add3A_1336, %add3A_1337 : i32
          %get3A_1339 = arith.index_cast %add3A_1338 : i32 to index
          %get3A_1340 = arith.constant 0 : index
          %get3A_1341 = tpu.vector_load %arg8[%get3A_1339, %get3A_1340] {strides = array<i32>} : memref<80x128xf32, #tpu.memory_space<vmem>>, vector<16xf32>,
          %get3A_1342 = arith.index_cast %add3A_1338 : i32 to index
          %get3A_1343 = arith.constant 0 : index
          %get3A_1344 = tpu.vector_load %arg11[%get3A_1342, %get3A_1343] {strides = array<i32>} : memref<80x128xf32, #tpu.memory_space<vmem>>, vector<16xf32>,
          %mul3A_1345 = arith.mulf %get3A_1341, %get3A_1344 : vector<16xf32>
          %add3A_1346 = arith.constant 12 : i32
          %add3A_1347 = arith.addi %mul3A_126, %add3A_1346 : i32
          %add3A_1348 = arith.constant 3 : i32
          %add3A_1349 = arith.addi %add3A_1347, %add3A_1348 : i32
          %get3A_1350 = arith.index_cast %add3A_1349 : i32 to index
          %get3A_1351 = arith.constant 0 : index
          %get3A_1352 = tpu.vector_load %arg8[%get3A_1350, %get3A_1351] {strides = array<i32>} : memref<80x128xf32, #tpu.memory_space<vmem>>, vector<16xf32>,
          %get3A_1353 = arith.index_cast %add3A_1349 : i32 to index
          %get3A_1354 = arith.constant 0 : index
          %get3A_1355 = tpu.vector_load %arg11[%get3A_1353, %get3A_1354] {strides = array<i32>} : memref<80x128xf32, #tpu.memory_space<vmem>>, vector<16xf32>,
          %mul3A_1356 = arith.mulf %get3A_1352, %get3A_1355 : vector<16xf32>
          %add3A_1357 = arith.constant 12 : i32
          %add3A_1358 = arith.addi %mul3A_126, %add3A_1357 : i32
          %add3A_1359 = arith.constant 0 : i32
          %add3A_1360 = arith.addi %add3A_1358, %add3A_1359 : i32
          %get3A_1361 = arith.index_cast %add3A_1360 : i32 to index
          %get3A_1362 = arith.constant 16 : index
          %get3A_1363 = tpu.vector_load %arg8[%get3A_1361, %get3A_1362] {strides = array<i32>} : memref<80x128xf32, #tpu.memory_space<vmem>>, vector<16xf32>,
          %get3A_1364 = arith.index_cast %add3A_1360 : i32 to index
          %get3A_1365 = arith.constant 16 : index
          %get3A_1366 = tpu.vector_load %arg11[%get3A_1364, %get3A_1365] {strides = array<i32>} : memref<80x128xf32, #tpu.memory_space<vmem>>, vector<16xf32>,
          %mul3A_1367 = arith.mulf %get3A_1363, %get3A_1366 : vector<16xf32>
          %add3A_1368 = arith.addf %mul3A_1323, %mul3A_1367 : vector<16xf32>
          %add3A_1369 = arith.constant 12 : i32
          %add3A_1370 = arith.addi %mul3A_126, %add3A_1369 : i32
          %add3A_1371 = arith.constant 1 : i32
          %add3A_1372 = arith.addi %add3A_1370, %add3A_1371 : i32
          %get3A_1373 = arith.index_cast %add3A_1372 : i32 to index
          %get3A_1374 = arith.constant 16 : index
          %get3A_1375 = tpu.vector_load %arg8[%get3A_1373, %get3A_1374] {strides = array<i32>} : memref<80x128xf32, #tpu.memory_space<vmem>>, vector<16xf32>,
          %get3A_1376 = arith.index_cast %add3A_1372 : i32 to index
          %get3A_1377 = arith.constant 16 : index
          %get3A_1378 = tpu.vector_load %arg11[%get3A_1376, %get3A_1377] {strides = array<i32>} : memref<80x128xf32, #tpu.memory_space<vmem>>, vector<16xf32>,
          %mul3A_1379 = arith.mulf %get3A_1375, %get3A_1378 : vector<16xf32>
          %add3A_1380 = arith.addf %mul3A_1334, %mul3A_1379 : vector<16xf32>
          %add3A_1381 = arith.constant 12 : i32
          %add3A_1382 = arith.addi %mul3A_126, %add3A_1381 : i32
          %add3A_1383 = arith.constant 2 : i32
          %add3A_1384 = arith.addi %add3A_1382, %add3A_1383 : i32
          %get3A_1385 = arith.index_cast %add3A_1384 : i32 to index
          %get3A_1386 = arith.constant 16 : index
          %get3A_1387 = tpu.vector_load %arg8[%get3A_1385, %get3A_1386] {strides = array<i32>} : memref<80x128xf32, #tpu.memory_space<vmem>>, vector<16xf32>,
          %get3A_1388 = arith.index_cast %add3A_1384 : i32 to index
          %get3A_1389 = arith.constant 16 : index
          %get3A_1390 = tpu.vector_load %arg11[%get3A_1388, %get3A_1389] {strides = array<i32>} : memref<80x128xf32, #tpu.memory_space<vmem>>, vector<16xf32>,
          %mul3A_1391 = arith.mulf %get3A_1387, %get3A_1390 : vector<16xf32>
          %add3A_1392 = arith.addf %mul3A_1345, %mul3A_1391 : vector<16xf32>
          %add3A_1393 = arith.constant 12 : i32
          %add3A_1394 = arith.addi %mul3A_126, %add3A_1393 : i32
          %add3A_1395 = arith.constant 3 : i32
          %add3A_1396 = arith.addi %add3A_1394, %add3A_1395 : i32
          %get3A_1397 = arith.index_cast %add3A_1396 : i32 to index
          %get3A_1398 = arith.constant 16 : index
          %get3A_1399 = tpu.vector_load %arg8[%get3A_1397, %get3A_1398] {strides = array<i32>} : memref<80x128xf32, #tpu.memory_space<vmem>>, vector<16xf32>,
          %get3A_1400 = arith.index_cast %add3A_1396 : i32 to index
          %get3A_1401 = arith.constant 16 : index
          %get3A_1402 = tpu.vector_load %arg11[%get3A_1400, %get3A_1401] {strides = array<i32>} : memref<80x128xf32, #tpu.memory_space<vmem>>, vector<16xf32>,
          %mul3A_1403 = arith.mulf %get3A_1399, %get3A_1402 : vector<16xf32>
          %add3A_1404 = arith.addf %mul3A_1356, %mul3A_1403 : vector<16xf32>
          %add3A_1405 = arith.constant 12 : i32
          %add3A_1406 = arith.addi %mul3A_126, %add3A_1405 : i32
          %add3A_1407 = arith.constant 0 : i32
          %add3A_1408 = arith.addi %add3A_1406, %add3A_1407 : i32
          %get3A_1409 = arith.index_cast %add3A_1408 : i32 to index
          %get3A_1410 = arith.constant 32 : index
          %get3A_1411 = tpu.vector_load %arg8[%get3A_1409, %get3A_1410] {strides = array<i32>} : memref<80x128xf32, #tpu.memory_space<vmem>>, vector<16xf32>,
          %get3A_1412 = arith.index_cast %add3A_1408 : i32 to index
          %get3A_1413 = arith.constant 32 : index
          %get3A_1414 = tpu.vector_load %arg11[%get3A_1412, %get3A_1413] {strides = array<i32>} : memref<80x128xf32, #tpu.memory_space<vmem>>, vector<16xf32>,
          %mul3A_1415 = arith.mulf %get3A_1411, %get3A_1414 : vector<16xf32>
          %add3A_1416 = arith.addf %add3A_1368, %mul3A_1415 : vector<16xf32>
          %add3A_1417 = arith.constant 12 : i32
          %add3A_1418 = arith.addi %mul3A_126, %add3A_1417 : i32
          %add3A_1419 = arith.constant 1 : i32
          %add3A_1420 = arith.addi %add3A_1418, %add3A_1419 : i32
          %get3A_1421 = arith.index_cast %add3A_1420 : i32 to index
          %get3A_1422 = arith.constant 32 : index
          %get3A_1423 = tpu.vector_load %arg8[%get3A_1421, %get3A_1422] {strides = array<i32>} : memref<80x128xf32, #tpu.memory_space<vmem>>, vector<16xf32>,
          %get3A_1424 = arith.index_cast %add3A_1420 : i32 to index
          %get3A_1425 = arith.constant 32 : index
          %get3A_1426 = tpu.vector_load %arg11[%get3A_1424, %get3A_1425] {strides = array<i32>} : memref<80x128xf32, #tpu.memory_space<vmem>>, vector<16xf32>,
          %mul3A_1427 = arith.mulf %get3A_1423, %get3A_1426 : vector<16xf32>
          %add3A_1428 = arith.addf %add3A_1380, %mul3A_1427 : vector<16xf32>
          %add3A_1429 = arith.constant 12 : i32
          %add3A_1430 = arith.addi %mul3A_126, %add3A_1429 : i32
          %add3A_1431 = arith.constant 2 : i32
          %add3A_1432 = arith.addi %add3A_1430, %add3A_1431 : i32
          %get3A_1433 = arith.index_cast %add3A_1432 : i32 to index
          %get3A_1434 = arith.constant 32 : index
          %get3A_1435 = tpu.vector_load %arg8[%get3A_1433, %get3A_1434] {strides = array<i32>} : memref<80x128xf32, #tpu.memory_space<vmem>>, vector<16xf32>,
          %get3A_1436 = arith.index_cast %add3A_1432 : i32 to index
          %get3A_1437 = arith.constant 32 : index
          %get3A_1438 = tpu.vector_load %arg11[%get3A_1436, %get3A_1437] {strides = array<i32>} : memref<80x128xf32, #tpu.memory_space<vmem>>, vector<16xf32>,
          %mul3A_1439 = arith.mulf %get3A_1435, %get3A_1438 : vector<16xf32>
          %add3A_1440 = arith.addf %add3A_1392, %mul3A_1439 : vector<16xf32>
          %add3A_1441 = arith.constant 12 : i32
          %add3A_1442 = arith.addi %mul3A_126, %add3A_1441 : i32
          %add3A_1443 = arith.constant 3 : i32
          %add3A_1444 = arith.addi %add3A_1442, %add3A_1443 : i32
          %get3A_1445 = arith.index_cast %add3A_1444 : i32 to index
          %get3A_1446 = arith.constant 32 : index
          %get3A_1447 = tpu.vector_load %arg8[%get3A_1445, %get3A_1446] {strides = array<i32>} : memref<80x128xf32, #tpu.memory_space<vmem>>, vector<16xf32>,
          %get3A_1448 = arith.index_cast %add3A_1444 : i32 to index
          %get3A_1449 = arith.constant 32 : index
          %get3A_1450 = tpu.vector_load %arg11[%get3A_1448, %get3A_1449] {strides = array<i32>} : memref<80x128xf32, #tpu.memory_space<vmem>>, vector<16xf32>,
          %mul3A_1451 = arith.mulf %get3A_1447, %get3A_1450 : vector<16xf32>
          %add3A_1452 = arith.addf %add3A_1404, %mul3A_1451 : vector<16xf32>
          %add3A_1453 = arith.constant 12 : i32
          %add3A_1454 = arith.addi %mul3A_126, %add3A_1453 : i32
          %add3A_1455 = arith.constant 0 : i32
          %add3A_1456 = arith.addi %add3A_1454, %add3A_1455 : i32
          %get3A_1457 = arith.index_cast %add3A_1456 : i32 to index
          %get3A_1458 = arith.constant 48 : index
          %get3A_1459 = tpu.vector_load %arg8[%get3A_1457, %get3A_1458] {strides = array<i32>} : memref<80x128xf32, #tpu.memory_space<vmem>>, vector<16xf32>,
          %get3A_1460 = arith.index_cast %add3A_1456 : i32 to index
          %get3A_1461 = arith.constant 48 : index
          %get3A_1462 = tpu.vector_load %arg11[%get3A_1460, %get3A_1461] {strides = array<i32>} : memref<80x128xf32, #tpu.memory_space<vmem>>, vector<16xf32>,
          %mul3A_1463 = arith.mulf %get3A_1459, %get3A_1462 : vector<16xf32>
          %add3A_1464 = arith.addf %add3A_1416, %mul3A_1463 : vector<16xf32>
          %add3A_1465 = arith.constant 12 : i32
          %add3A_1466 = arith.addi %mul3A_126, %add3A_1465 : i32
          %add3A_1467 = arith.constant 1 : i32
          %add3A_1468 = arith.addi %add3A_1466, %add3A_1467 : i32
          %get3A_1469 = arith.index_cast %add3A_1468 : i32 to index
          %get3A_1470 = arith.constant 48 : index
          %get3A_1471 = tpu.vector_load %arg8[%get3A_1469, %get3A_1470] {strides = array<i32>} : memref<80x128xf32, #tpu.memory_space<vmem>>, vector<16xf32>,
          %get3A_1472 = arith.index_cast %add3A_1468 : i32 to index
          %get3A_1473 = arith.constant 48 : index
          %get3A_1474 = tpu.vector_load %arg11[%get3A_1472, %get3A_1473] {strides = array<i32>} : memref<80x128xf32, #tpu.memory_space<vmem>>, vector<16xf32>,
          %mul3A_1475 = arith.mulf %get3A_1471, %get3A_1474 : vector<16xf32>
          %add3A_1476 = arith.addf %add3A_1428, %mul3A_1475 : vector<16xf32>
          %add3A_1477 = arith.constant 12 : i32
          %add3A_1478 = arith.addi %mul3A_126, %add3A_1477 : i32
          %add3A_1479 = arith.constant 2 : i32
          %add3A_1480 = arith.addi %add3A_1478, %add3A_1479 : i32
          %get3A_1481 = arith.index_cast %add3A_1480 : i32 to index
          %get3A_1482 = arith.constant 48 : index
          %get3A_1483 = tpu.vector_load %arg8[%get3A_1481, %get3A_1482] {strides = array<i32>} : memref<80x128xf32, #tpu.memory_space<vmem>>, vector<16xf32>,
          %get3A_1484 = arith.index_cast %add3A_1480 : i32 to index
          %get3A_1485 = arith.constant 48 : index
          %get3A_1486 = tpu.vector_load %arg11[%get3A_1484, %get3A_1485] {strides = array<i32>} : memref<80x128xf32, #tpu.memory_space<vmem>>, vector<16xf32>,
          %mul3A_1487 = arith.mulf %get3A_1483, %get3A_1486 : vector<16xf32>
          %add3A_1488 = arith.addf %add3A_1440, %mul3A_1487 : vector<16xf32>
          %add3A_1489 = arith.constant 12 : i32
          %add3A_1490 = arith.addi %mul3A_126, %add3A_1489 : i32
          %add3A_1491 = arith.constant 3 : i32
          %add3A_1492 = arith.addi %add3A_1490, %add3A_1491 : i32
          %get3A_1493 = arith.index_cast %add3A_1492 : i32 to index
          %get3A_1494 = arith.constant 48 : index
          %get3A_1495 = tpu.vector_load %arg8[%get3A_1493, %get3A_1494] {strides = array<i32>} : memref<80x128xf32, #tpu.memory_space<vmem>>, vector<16xf32>,
          %get3A_1496 = arith.index_cast %add3A_1492 : i32 to index
          %get3A_1497 = arith.constant 48 : index
          %get3A_1498 = tpu.vector_load %arg11[%get3A_1496, %get3A_1497] {strides = array<i32>} : memref<80x128xf32, #tpu.memory_space<vmem>>, vector<16xf32>,
          %mul3A_1499 = arith.mulf %get3A_1495, %get3A_1498 : vector<16xf32>
          %add3A_1500 = arith.addf %add3A_1452, %mul3A_1499 : vector<16xf32>
          %add3A_1501 = arith.constant 12 : i32
          %add3A_1502 = arith.addi %mul3A_126, %add3A_1501 : i32
          %add3A_1503 = arith.constant 0 : i32
          %add3A_1504 = arith.addi %add3A_1502, %add3A_1503 : i32
          %get3A_1505 = arith.index_cast %add3A_1504 : i32 to index
          %get3A_1506 = arith.constant 64 : index
          %get3A_1507 = tpu.vector_load %arg8[%get3A_1505, %get3A_1506] {strides = array<i32>} : memref<80x128xf32, #tpu.memory_space<vmem>>, vector<16xf32>,
          %get3A_1508 = arith.index_cast %add3A_1504 : i32 to index
          %get3A_1509 = arith.constant 64 : index
          %get3A_1510 = tpu.vector_load %arg11[%get3A_1508, %get3A_1509] {strides = array<i32>} : memref<80x128xf32, #tpu.memory_space<vmem>>, vector<16xf32>,
          %mul3A_1511 = arith.mulf %get3A_1507, %get3A_1510 : vector<16xf32>
          %add3A_1512 = arith.addf %add3A_1464, %mul3A_1511 : vector<16xf32>
          %add3A_1513 = arith.constant 12 : i32
          %add3A_1514 = arith.addi %mul3A_126, %add3A_1513 : i32
          %add3A_1515 = arith.constant 1 : i32
          %add3A_1516 = arith.addi %add3A_1514, %add3A_1515 : i32
          %get3A_1517 = arith.index_cast %add3A_1516 : i32 to index
          %get3A_1518 = arith.constant 64 : index
          %get3A_1519 = tpu.vector_load %arg8[%get3A_1517, %get3A_1518] {strides = array<i32>} : memref<80x128xf32, #tpu.memory_space<vmem>>, vector<16xf32>,
          %get3A_1520 = arith.index_cast %add3A_1516 : i32 to index
          %get3A_1521 = arith.constant 64 : index
          %get3A_1522 = tpu.vector_load %arg11[%get3A_1520, %get3A_1521] {strides = array<i32>} : memref<80x128xf32, #tpu.memory_space<vmem>>, vector<16xf32>,
          %mul3A_1523 = arith.mulf %get3A_1519, %get3A_1522 : vector<16xf32>
          %add3A_1524 = arith.addf %add3A_1476, %mul3A_1523 : vector<16xf32>
          %add3A_1525 = arith.constant 12 : i32
          %add3A_1526 = arith.addi %mul3A_126, %add3A_1525 : i32
          %add3A_1527 = arith.constant 2 : i32
          %add3A_1528 = arith.addi %add3A_1526, %add3A_1527 : i32
          %get3A_1529 = arith.index_cast %add3A_1528 : i32 to index
          %get3A_1530 = arith.constant 64 : index
          %get3A_1531 = tpu.vector_load %arg8[%get3A_1529, %get3A_1530] {strides = array<i32>} : memref<80x128xf32, #tpu.memory_space<vmem>>, vector<16xf32>,
          %get3A_1532 = arith.index_cast %add3A_1528 : i32 to index
          %get3A_1533 = arith.constant 64 : index
          %get3A_1534 = tpu.vector_load %arg11[%get3A_1532, %get3A_1533] {strides = array<i32>} : memref<80x128xf32, #tpu.memory_space<vmem>>, vector<16xf32>,
          %mul3A_1535 = arith.mulf %get3A_1531, %get3A_1534 : vector<16xf32>
          %add3A_1536 = arith.addf %add3A_1488, %mul3A_1535 : vector<16xf32>
          %add3A_1537 = arith.constant 12 : i32
          %add3A_1538 = arith.addi %mul3A_126, %add3A_1537 : i32
          %add3A_1539 = arith.constant 3 : i32
          %add3A_1540 = arith.addi %add3A_1538, %add3A_1539 : i32
          %get3A_1541 = arith.index_cast %add3A_1540 : i32 to index
          %get3A_1542 = arith.constant 64 : index
          %get3A_1543 = tpu.vector_load %arg8[%get3A_1541, %get3A_1542] {strides = array<i32>} : memref<80x128xf32, #tpu.memory_space<vmem>>, vector<16xf32>,
          %get3A_1544 = arith.index_cast %add3A_1540 : i32 to index
          %get3A_1545 = arith.constant 64 : index
          %get3A_1546 = tpu.vector_load %arg11[%get3A_1544, %get3A_1545] {strides = array<i32>} : memref<80x128xf32, #tpu.memory_space<vmem>>, vector<16xf32>,
          %mul3A_1547 = arith.mulf %get3A_1543, %get3A_1546 : vector<16xf32>
          %add3A_1548 = arith.addf %add3A_1500, %mul3A_1547 : vector<16xf32>
          %add3A_1549 = arith.constant 12 : i32
          %add3A_1550 = arith.addi %mul3A_126, %add3A_1549 : i32
          %add3A_1551 = arith.constant 0 : i32
          %add3A_1552 = arith.addi %add3A_1550, %add3A_1551 : i32
          %get3A_1553 = arith.index_cast %add3A_1552 : i32 to index
          %get3A_1554 = arith.constant 80 : index
          %get3A_1555 = tpu.vector_load %arg8[%get3A_1553, %get3A_1554] {strides = array<i32>} : memref<80x128xf32, #tpu.memory_space<vmem>>, vector<16xf32>,
          %get3A_1556 = arith.index_cast %add3A_1552 : i32 to index
          %get3A_1557 = arith.constant 80 : index
          %get3A_1558 = tpu.vector_load %arg11[%get3A_1556, %get3A_1557] {strides = array<i32>} : memref<80x128xf32, #tpu.memory_space<vmem>>, vector<16xf32>,
          %mul3A_1559 = arith.mulf %get3A_1555, %get3A_1558 : vector<16xf32>
          %add3A_1560 = arith.addf %add3A_1512, %mul3A_1559 : vector<16xf32>
          %add3A_1561 = arith.constant 12 : i32
          %add3A_1562 = arith.addi %mul3A_126, %add3A_1561 : i32
          %add3A_1563 = arith.constant 1 : i32
          %add3A_1564 = arith.addi %add3A_1562, %add3A_1563 : i32
          %get3A_1565 = arith.index_cast %add3A_1564 : i32 to index
          %get3A_1566 = arith.constant 80 : index
          %get3A_1567 = tpu.vector_load %arg8[%get3A_1565, %get3A_1566] {strides = array<i32>} : memref<80x128xf32, #tpu.memory_space<vmem>>, vector<16xf32>,
          %get3A_1568 = arith.index_cast %add3A_1564 : i32 to index
          %get3A_1569 = arith.constant 80 : index
          %get3A_1570 = tpu.vector_load %arg11[%get3A_1568, %get3A_1569] {strides = array<i32>} : memref<80x128xf32, #tpu.memory_space<vmem>>, vector<16xf32>,
          %mul3A_1571 = arith.mulf %get3A_1567, %get3A_1570 : vector<16xf32>
          %add3A_1572 = arith.addf %add3A_1524, %mul3A_1571 : vector<16xf32>
          %add3A_1573 = arith.constant 12 : i32
          %add3A_1574 = arith.addi %mul3A_126, %add3A_1573 : i32
          %add3A_1575 = arith.constant 2 : i32
          %add3A_1576 = arith.addi %add3A_1574, %add3A_1575 : i32
          %get3A_1577 = arith.index_cast %add3A_1576 : i32 to index
          %get3A_1578 = arith.constant 80 : index
          %get3A_1579 = tpu.vector_load %arg8[%get3A_1577, %get3A_1578] {strides = array<i32>} : memref<80x128xf32, #tpu.memory_space<vmem>>, vector<16xf32>,
          %get3A_1580 = arith.index_cast %add3A_1576 : i32 to index
          %get3A_1581 = arith.constant 80 : index
          %get3A_1582 = tpu.vector_load %arg11[%get3A_1580, %get3A_1581] {strides = array<i32>} : memref<80x128xf32, #tpu.memory_space<vmem>>, vector<16xf32>,
          %mul3A_1583 = arith.mulf %get3A_1579, %get3A_1582 : vector<16xf32>
          %add3A_1584 = arith.addf %add3A_1536, %mul3A_1583 : vector<16xf32>
          %add3A_1585 = arith.constant 12 : i32
          %add3A_1586 = arith.addi %mul3A_126, %add3A_1585 : i32
          %add3A_1587 = arith.constant 3 : i32
          %add3A_1588 = arith.addi %add3A_1586, %add3A_1587 : i32
          %get3A_1589 = arith.index_cast %add3A_1588 : i32 to index
          %get3A_1590 = arith.constant 80 : index
          %get3A_1591 = tpu.vector_load %arg8[%get3A_1589, %get3A_1590] {strides = array<i32>} : memref<80x128xf32, #tpu.memory_space<vmem>>, vector<16xf32>,
          %get3A_1592 = arith.index_cast %add3A_1588 : i32 to index
          %get3A_1593 = arith.constant 80 : index
          %get3A_1594 = tpu.vector_load %arg11[%get3A_1592, %get3A_1593] {strides = array<i32>} : memref<80x128xf32, #tpu.memory_space<vmem>>, vector<16xf32>,
          %mul3A_1595 = arith.mulf %get3A_1591, %get3A_1594 : vector<16xf32>
          %add3A_1596 = arith.addf %add3A_1548, %mul3A_1595 : vector<16xf32>
          %add3A_1597 = arith.constant 12 : i32
          %add3A_1598 = arith.addi %mul3A_126, %add3A_1597 : i32
          %add3A_1599 = arith.constant 0 : i32
          %add3A_1600 = arith.addi %add3A_1598, %add3A_1599 : i32
          %get3A_1601 = arith.index_cast %add3A_1600 : i32 to index
          %get3A_1602 = arith.constant 96 : index
          %get3A_1603 = tpu.vector_load %arg8[%get3A_1601, %get3A_1602] {strides = array<i32>} : memref<80x128xf32, #tpu.memory_space<vmem>>, vector<16xf32>,
          %get3A_1604 = arith.index_cast %add3A_1600 : i32 to index
          %get3A_1605 = arith.constant 96 : index
          %get3A_1606 = tpu.vector_load %arg11[%get3A_1604, %get3A_1605] {strides = array<i32>} : memref<80x128xf32, #tpu.memory_space<vmem>>, vector<16xf32>,
          %mul3A_1607 = arith.mulf %get3A_1603, %get3A_1606 : vector<16xf32>
          %add3A_1608 = arith.addf %add3A_1560, %mul3A_1607 : vector<16xf32>
          %add3A_1609 = arith.constant 12 : i32
          %add3A_1610 = arith.addi %mul3A_126, %add3A_1609 : i32
          %add3A_1611 = arith.constant 1 : i32
          %add3A_1612 = arith.addi %add3A_1610, %add3A_1611 : i32
          %get3A_1613 = arith.index_cast %add3A_1612 : i32 to index
          %get3A_1614 = arith.constant 96 : index
          %get3A_1615 = tpu.vector_load %arg8[%get3A_1613, %get3A_1614] {strides = array<i32>} : memref<80x128xf32, #tpu.memory_space<vmem>>, vector<16xf32>,
          %get3A_1616 = arith.index_cast %add3A_1612 : i32 to index
          %get3A_1617 = arith.constant 96 : index
          %get3A_1618 = tpu.vector_load %arg11[%get3A_1616, %get3A_1617] {strides = array<i32>} : memref<80x128xf32, #tpu.memory_space<vmem>>, vector<16xf32>,
          %mul3A_1619 = arith.mulf %get3A_1615, %get3A_1618 : vector<16xf32>
          %add3A_1620 = arith.addf %add3A_1572, %mul3A_1619 : vector<16xf32>
          %add3A_1621 = arith.constant 12 : i32
          %add3A_1622 = arith.addi %mul3A_126, %add3A_1621 : i32
          %add3A_1623 = arith.constant 2 : i32
          %add3A_1624 = arith.addi %add3A_1622, %add3A_1623 : i32
          %get3A_1625 = arith.index_cast %add3A_1624 : i32 to index
          %get3A_1626 = arith.constant 96 : index
          %get3A_1627 = tpu.vector_load %arg8[%get3A_1625, %get3A_1626] {strides = array<i32>} : memref<80x128xf32, #tpu.memory_space<vmem>>, vector<16xf32>,
          %get3A_1628 = arith.index_cast %add3A_1624 : i32 to index
          %get3A_1629 = arith.constant 96 : index
          %get3A_1630 = tpu.vector_load %arg11[%get3A_1628, %get3A_1629] {strides = array<i32>} : memref<80x128xf32, #tpu.memory_space<vmem>>, vector<16xf32>,
          %mul3A_1631 = arith.mulf %get3A_1627, %get3A_1630 : vector<16xf32>
          %add3A_1632 = arith.addf %add3A_1584, %mul3A_1631 : vector<16xf32>
          %add3A_1633 = arith.constant 12 : i32
          %add3A_1634 = arith.addi %mul3A_126, %add3A_1633 : i32
          %add3A_1635 = arith.constant 3 : i32
          %add3A_1636 = arith.addi %add3A_1634, %add3A_1635 : i32
          %get3A_1637 = arith.index_cast %add3A_1636 : i32 to index
          %get3A_1638 = arith.constant 96 : index
          %get3A_1639 = tpu.vector_load %arg8[%get3A_1637, %get3A_1638] {strides = array<i32>} : memref<80x128xf32, #tpu.memory_space<vmem>>, vector<16xf32>,
          %get3A_1640 = arith.index_cast %add3A_1636 : i32 to index
          %get3A_1641 = arith.constant 96 : index
          %get3A_1642 = tpu.vector_load %arg11[%get3A_1640, %get3A_1641] {strides = array<i32>} : memref<80x128xf32, #tpu.memory_space<vmem>>, vector<16xf32>,
          %mul3A_1643 = arith.mulf %get3A_1639, %get3A_1642 : vector<16xf32>
          %add3A_1644 = arith.addf %add3A_1596, %mul3A_1643 : vector<16xf32>
          %add3A_1645 = arith.constant 12 : i32
          %add3A_1646 = arith.addi %mul3A_126, %add3A_1645 : i32
          %add3A_1647 = arith.constant 0 : i32
          %add3A_1648 = arith.addi %add3A_1646, %add3A_1647 : i32
          %get3A_1649 = arith.index_cast %add3A_1648 : i32 to index
          %get3A_1650 = arith.constant 112 : index
          %get3A_1651 = tpu.vector_load %arg8[%get3A_1649, %get3A_1650] {strides = array<i32>} : memref<80x128xf32, #tpu.memory_space<vmem>>, vector<16xf32>,
          %get3A_1652 = arith.index_cast %add3A_1648 : i32 to index
          %get3A_1653 = arith.constant 112 : index
          %get3A_1654 = tpu.vector_load %arg11[%get3A_1652, %get3A_1653] {strides = array<i32>} : memref<80x128xf32, #tpu.memory_space<vmem>>, vector<16xf32>,
          %mul3A_1655 = arith.mulf %get3A_1651, %get3A_1654 : vector<16xf32>
          %add3A_1656 = arith.addf %add3A_1608, %mul3A_1655 : vector<16xf32>
          %add3A_1657 = arith.constant 12 : i32
          %add3A_1658 = arith.addi %mul3A_126, %add3A_1657 : i32
          %add3A_1659 = arith.constant 1 : i32
          %add3A_1660 = arith.addi %add3A_1658, %add3A_1659 : i32
          %get3A_1661 = arith.index_cast %add3A_1660 : i32 to index
          %get3A_1662 = arith.constant 112 : index
          %get3A_1663 = tpu.vector_load %arg8[%get3A_1661, %get3A_1662] {strides = array<i32>} : memref<80x128xf32, #tpu.memory_space<vmem>>, vector<16xf32>,
          %get3A_1664 = arith.index_cast %add3A_1660 : i32 to index
          %get3A_1665 = arith.constant 112 : index
          %get3A_1666 = tpu.vector_load %arg11[%get3A_1664, %get3A_1665] {strides = array<i32>} : memref<80x128xf32, #tpu.memory_space<vmem>>, vector<16xf32>,
          %mul3A_1667 = arith.mulf %get3A_1663, %get3A_1666 : vector<16xf32>
          %add3A_1668 = arith.addf %add3A_1620, %mul3A_1667 : vector<16xf32>
          %add3A_1669 = arith.constant 12 : i32
          %add3A_1670 = arith.addi %mul3A_126, %add3A_1669 : i32
          %add3A_1671 = arith.constant 2 : i32
          %add3A_1672 = arith.addi %add3A_1670, %add3A_1671 : i32
          %get3A_1673 = arith.index_cast %add3A_1672 : i32 to index
          %get3A_1674 = arith.constant 112 : index
          %get3A_1675 = tpu.vector_load %arg8[%get3A_1673, %get3A_1674] {strides = array<i32>} : memref<80x128xf32, #tpu.memory_space<vmem>>, vector<16xf32>,
          %get3A_1676 = arith.index_cast %add3A_1672 : i32 to index
          %get3A_1677 = arith.constant 112 : index
          %get3A_1678 = tpu.vector_load %arg11[%get3A_1676, %get3A_1677] {strides = array<i32>} : memref<80x128xf32, #tpu.memory_space<vmem>>, vector<16xf32>,
          %mul3A_1679 = arith.mulf %get3A_1675, %get3A_1678 : vector<16xf32>
          %add3A_1680 = arith.addf %add3A_1632, %mul3A_1679 : vector<16xf32>
          %add3A_1681 = arith.constant 12 : i32
          %add3A_1682 = arith.addi %mul3A_126, %add3A_1681 : i32
          %add3A_1683 = arith.constant 3 : i32
          %add3A_1684 = arith.addi %add3A_1682, %add3A_1683 : i32
          %get3A_1685 = arith.index_cast %add3A_1684 : i32 to index
          %get3A_1686 = arith.constant 112 : index
          %get3A_1687 = tpu.vector_load %arg8[%get3A_1685, %get3A_1686] {strides = array<i32>} : memref<80x128xf32, #tpu.memory_space<vmem>>, vector<16xf32>,
          %get3A_1688 = arith.index_cast %add3A_1684 : i32 to index
          %get3A_1689 = arith.constant 112 : index
          %get3A_1690 = tpu.vector_load %arg11[%get3A_1688, %get3A_1689] {strides = array<i32>} : memref<80x128xf32, #tpu.memory_space<vmem>>, vector<16xf32>,
          %mul3A_1691 = arith.mulf %get3A_1687, %get3A_1690 : vector<16xf32>
          %add3A_1692 = arith.addf %add3A_1644, %mul3A_1691 : vector<16xf32>
          %swap3A_1693 = arith.constant 12 : i32
          %swap3A_1694 = arith.index_cast %swap3A_1693 : i32 to index
          %swap3A_1695 = arith.constant 0 : index
          %swap3A_1696 = tpu.vector_load %arg17[%swap3A_1694, %swap3A_1695] {strides = array<i32>} : memref<16x16xf32, #tpu.memory_space<vmem>>, vector<16xf32>,
          tpu.vector_store %arg17[%swap3A_1694, %swap3A_1695], %add3A_1656 {strides = array<i32>} : memref<16x16xf32, #tpu.memory_space<vmem>>, vector<16xf32>,
          %swap3A_1697 = arith.constant 13 : i32
          %swap3A_1698 = arith.index_cast %swap3A_1697 : i32 to index
          %swap3A_1699 = arith.constant 0 : index
          %swap3A_1700 = tpu.vector_load %arg17[%swap3A_1698, %swap3A_1699] {strides = array<i32>} : memref<16x16xf32, #tpu.memory_space<vmem>>, vector<16xf32>,
          tpu.vector_store %arg17[%swap3A_1698, %swap3A_1699], %add3A_1668 {strides = array<i32>} : memref<16x16xf32, #tpu.memory_space<vmem>>, vector<16xf32>,
          %swap3A_1701 = arith.constant 14 : i32
          %swap3A_1702 = arith.index_cast %swap3A_1701 : i32 to index
          %swap3A_1703 = arith.constant 0 : index
          %swap3A_1704 = tpu.vector_load %arg17[%swap3A_1702, %swap3A_1703] {strides = array<i32>} : memref<16x16xf32, #tpu.memory_space<vmem>>, vector<16xf32>,
          tpu.vector_store %arg17[%swap3A_1702, %swap3A_1703], %add3A_1680 {strides = array<i32>} : memref<16x16xf32, #tpu.memory_space<vmem>>, vector<16xf32>,
          %swap3A_1705 = arith.constant 15 : i32
          %swap3A_1706 = arith.index_cast %swap3A_1705 : i32 to index
          %swap3A_1707 = arith.constant 0 : index
          %swap3A_1708 = tpu.vector_load %arg17[%swap3A_1706, %swap3A_1707] {strides = array<i32>} : memref<16x16xf32, #tpu.memory_space<vmem>>, vector<16xf32>,
          tpu.vector_store %arg17[%swap3A_1706, %swap3A_1707], %add3A_1692 {strides = array<i32>} : memref<16x16xf32, #tpu.memory_space<vmem>>, vector<16xf32>,
          %broadcast_in_dim3A = arith.constant 0 : i32
          %broadcast_in_dim3A_1709 = vector.broadcast %broadcast_in_dim3A : i32 to vector<16xi32>
          %gather3A = tpu.vector_load_idx %arg17[%iota3A, %broadcast_in_dim3A_1709] : memref<16x16xf32, #tpu.memory_space<vmem>>[vector<16xi32>, vector<16xi32>], vector<16xf32>,
          %broadcast_in_dim3A_1710 = arith.constant 1 : i32
          %broadcast_in_dim3A_1711 = vector.broadcast %broadcast_in_dim3A_1710 : i32 to vector<16xi32>
          %gather3A_1712 = tpu.vector_load_idx %arg17[%iota3A, %broadcast_in_dim3A_1711] : memref<16x16xf32, #tpu.memory_space<vmem>>[vector<16xi32>, vector<16xi32>], vector<16xf32>,
          %add3A_1713 = arith.addf %gather3A, %gather3A_1712 : vector<16xf32>
          %broadcast_in_dim3A_1714 = arith.constant 2 : i32
          %broadcast_in_dim3A_1715 = vector.broadcast %broadcast_in_dim3A_1714 : i32 to vector<16xi32>
          %gather3A_1716 = tpu.vector_load_idx %arg17[%iota3A, %broadcast_in_dim3A_1715] : memref<16x16xf32, #tpu.memory_space<vmem>>[vector<16xi32>, vector<16xi32>], vector<16xf32>,
          %add3A_1717 = arith.addf %add3A_1713, %gather3A_1716 : vector<16xf32>
          %broadcast_in_dim3A_1718 = arith.constant 3 : i32
          %broadcast_in_dim3A_1719 = vector.broadcast %broadcast_in_dim3A_1718 : i32 to vector<16xi32>
          %gather3A_1720 = tpu.vector_load_idx %arg17[%iota3A, %broadcast_in_dim3A_1719] : memref<16x16xf32, #tpu.memory_space<vmem>>[vector<16xi32>, vector<16xi32>], vector<16xf32>,
          %add3A_1721 = arith.addf %add3A_1717, %gather3A_1720 : vector<16xf32>
          %broadcast_in_dim3A_1722 = arith.constant 4 : i32
          %broadcast_in_dim3A_1723 = vector.broadcast %broadcast_in_dim3A_1722 : i32 to vector<16xi32>
          %gather3A_1724 = tpu.vector_load_idx %arg17[%iota3A, %broadcast_in_dim3A_1723] : memref<16x16xf32, #tpu.memory_space<vmem>>[vector<16xi32>, vector<16xi32>], vector<16xf32>,
          %add3A_1725 = arith.addf %add3A_1721, %gather3A_1724 : vector<16xf32>
          %broadcast_in_dim3A_1726 = arith.constant 5 : i32
          %broadcast_in_dim3A_1727 = vector.broadcast %broadcast_in_dim3A_1726 : i32 to vector<16xi32>
          %gather3A_1728 = tpu.vector_load_idx %arg17[%iota3A, %broadcast_in_dim3A_1727] : memref<16x16xf32, #tpu.memory_space<vmem>>[vector<16xi32>, vector<16xi32>], vector<16xf32>,
          %add3A_1729 = arith.addf %add3A_1725, %gather3A_1728 : vector<16xf32>
          %broadcast_in_dim3A_1730 = arith.constant 6 : i32
          %broadcast_in_dim3A_1731 = vector.broadcast %broadcast_in_dim3A_1730 : i32 to vector<16xi32>
          %gather3A_1732 = tpu.vector_load_idx %arg17[%iota3A, %broadcast_in_dim3A_1731] : memref<16x16xf32, #tpu.memory_space<vmem>>[vector<16xi32>, vector<16xi32>], vector<16xf32>,
          %add3A_1733 = arith.addf %add3A_1729, %gather3A_1732 : vector<16xf32>
          %broadcast_in_dim3A_1734 = arith.constant 7 : i32
          %broadcast_in_dim3A_1735 = vector.broadcast %broadcast_in_dim3A_1734 : i32 to vector<16xi32>
          %gather3A_1736 = tpu.vector_load_idx %arg17[%iota3A, %broadcast_in_dim3A_1735] : memref<16x16xf32, #tpu.memory_space<vmem>>[vector<16xi32>, vector<16xi32>], vector<16xf32>,
          %add3A_1737 = arith.addf %add3A_1733, %gather3A_1736 : vector<16xf32>
          %broadcast_in_dim3A_1738 = arith.constant 8 : i32
          %broadcast_in_dim3A_1739 = vector.broadcast %broadcast_in_dim3A_1738 : i32 to vector<16xi32>
          %gather3A_1740 = tpu.vector_load_idx %arg17[%iota3A, %broadcast_in_dim3A_1739] : memref<16x16xf32, #tpu.memory_space<vmem>>[vector<16xi32>, vector<16xi32>], vector<16xf32>,
          %add3A_1741 = arith.addf %add3A_1737, %gather3A_1740 : vector<16xf32>
          %broadcast_in_dim3A_1742 = arith.constant 9 : i32
          %broadcast_in_dim3A_1743 = vector.broadcast %broadcast_in_dim3A_1742 : i32 to vector<16xi32>
          %gather3A_1744 = tpu.vector_load_idx %arg17[%iota3A, %broadcast_in_dim3A_1743] : memref<16x16xf32, #tpu.memory_space<vmem>>[vector<16xi32>, vector<16xi32>], vector<16xf32>,
          %add3A_1745 = arith.addf %add3A_1741, %gather3A_1744 : vector<16xf32>
          %broadcast_in_dim3A_1746 = arith.constant 10 : i32
          %broadcast_in_dim3A_1747 = vector.broadcast %broadcast_in_dim3A_1746 : i32 to vector<16xi32>
          %gather3A_1748 = tpu.vector_load_idx %arg17[%iota3A, %broadcast_in_dim3A_1747] : memref<16x16xf32, #tpu.memory_space<vmem>>[vector<16xi32>, vector<16xi32>], vector<16xf32>,
          %add3A_1749 = arith.addf %add3A_1745, %gather3A_1748 : vector<16xf32>
          %broadcast_in_dim3A_1750 = arith.constant 11 : i32
          %broadcast_in_dim3A_1751 = vector.broadcast %broadcast_in_dim3A_1750 : i32 to vector<16xi32>
          %gather3A_1752 = tpu.vector_load_idx %arg17[%iota3A, %broadcast_in_dim3A_1751] : memref<16x16xf32, #tpu.memory_space<vmem>>[vector<16xi32>, vector<16xi32>], vector<16xf32>,
          %add3A_1753 = arith.addf %add3A_1749, %gather3A_1752 : vector<16xf32>
          %broadcast_in_dim3A_1754 = arith.constant 12 : i32
          %broadcast_in_dim3A_1755 = vector.broadcast %broadcast_in_dim3A_1754 : i32 to vector<16xi32>
          %gather3A_1756 = tpu.vector_load_idx %arg17[%iota3A, %broadcast_in_dim3A_1755] : memref<16x16xf32, #tpu.memory_space<vmem>>[vector<16xi32>, vector<16xi32>], vector<16xf32>,
          %add3A_1757 = arith.addf %add3A_1753, %gather3A_1756 : vector<16xf32>
          %broadcast_in_dim3A_1758 = arith.constant 13 : i32
          %broadcast_in_dim3A_1759 = vector.broadcast %broadcast_in_dim3A_1758 : i32 to vector<16xi32>
          %gather3A_1760 = tpu.vector_load_idx %arg17[%iota3A, %broadcast_in_dim3A_1759] : memref<16x16xf32, #tpu.memory_space<vmem>>[vector<16xi32>, vector<16xi32>], vector<16xf32>,
          %add3A_1761 = arith.addf %add3A_1757, %gather3A_1760 : vector<16xf32>
          %broadcast_in_dim3A_1762 = arith.constant 14 : i32
          %broadcast_in_dim3A_1763 = vector.broadcast %broadcast_in_dim3A_1762 : i32 to vector<16xi32>
          %gather3A_1764 = tpu.vector_load_idx %arg17[%iota3A, %broadcast_in_dim3A_1763] : memref<16x16xf32, #tpu.memory_space<vmem>>[vector<16xi32>, vector<16xi32>], vector<16xf32>,
          %add3A_1765 = arith.addf %add3A_1761, %gather3A_1764 : vector<16xf32>
          %broadcast_in_dim3A_1766 = arith.constant 15 : i32
          %broadcast_in_dim3A_1767 = vector.broadcast %broadcast_in_dim3A_1766 : i32 to vector<16xi32>
          %gather3A_1768 = tpu.vector_load_idx %arg17[%iota3A, %broadcast_in_dim3A_1767] : memref<16x16xf32, #tpu.memory_space<vmem>>[vector<16xi32>, vector<16xi32>], vector<16xf32>,
          %add3A_1769 = arith.addf %add3A_1765, %gather3A_1768 : vector<16xf32>
          %add3A_1770 = arith.constant 0.00320545211 : f32
          %add3A_1771 = vector.broadcast %add3A_1770 : f32 to vector<16xf32>
          %add3A_1772 = arith.addf %add3A_1769, %add3A_1771 : vector<16xf32>
          %neg3A = arith.constant 0.000000e+00 : f32
          %neg3A_1773 = vector.broadcast %neg3A : f32 to vector<16xf32>
          %neg3A_1774 = arith.subf %neg3A_1773, %add3A_1772 : vector<16xf32>
          %exp3A = math.exp %neg3A_1774 : vector<16xf32>
          %sub3A = arith.constant 1.000000e+00 : f32
          %sub3A_1775 = vector.broadcast %sub3A : f32 to vector<16xf32>
          %sub3A_1776 = arith.subf %sub3A_1775, %exp3A : vector<16xf32>
          %swap3A_1777 = arith.index_cast %mul3A_126 : i32 to index
          %swap3A_1778 = tpu.vector_load %arg14[%swap3A_1777] {strides = array<i32>} : memref<80xf32, #tpu.memory_space<vmem>>, vector<16xf32>,
          tpu.vector_store %arg14[%swap3A_1777], %sub3A_1776 {strides = array<i32>} : memref<80xf32, #tpu.memory_space<vmem>>, vector<16xf32>,
          %scan3A_1779 = arith.constant 0 : i32
          scf.yield %scan3A_1779 : i32
        }
        %scan3A_110 = arith.constant 5 : i32
        %add3A_111 = arith.constant 3 : i32
        %add3A_112 = arith.addi %add3A_66, %add3A_111 : i32
        %lt3A_113 = arith.constant 125 : i32
        %lt3A_114 = arith.cmpi slt, %add3A_112, %lt3A_113 : i32
        %convert_element_type3A_115 = arith.extui %lt3A_114 : i1 to i32
        %cond3A_116 = arith.constant 0 : i32
        %cond3A_117 = arith.cmpi ne, %convert_element_type3A_115, %cond3A_116 : i32
        scf.if %cond3A_117 {
          %add3A_123 = arith.constant 3 : i32
          %add3A_124 = arith.addi %add3A_66, %add3A_123 : i32
          %dma_start3A_125 = arith.constant 0 : i32
          %dma_start3A_126 = tpu.memref_slice %arg6[%add3A_124, %dma_start3A_125] : memref<125x80xi32, #tpu.memory_space<vmem>> -> memref<1x80xi32, #tpu.memory_space<vmem>>
          %dma_start3A_127 = tpu.memref_squeeze %dma_start3A_126 : memref<1x80xi32, #tpu.memory_space<vmem>> -> memref<80xi32, #tpu.memory_space<vmem>>
          %dma_start3A_128 = arith.constant 0 : i32
          %dma_start3A_129 = arith.constant 0 : i32
          %dma_start3A_130 = tpu.memref_slice %arg2[%dma_start3A_128, %dma_start3A_129] : memref<10000x128xf32, #tpu.memory_space<hbm>> -> memref<10000x128xf32, #tpu.memory_space<hbm>>
          tpu.enqueue_indirect_dma source(%dma_start3A_130 : memref<10000x128xf32, #tpu.memory_space<hbm>>) target(%arg8 : memref<80x128xf32, #tpu.memory_space<vmem>>) offsets(%dma_start3A_127 : memref<80xi32, #tpu.memory_space<vmem>>) semaphore(%arg18 : memref<!tpu.dma_semaphore, #tpu.memory_space<semaphore_mem>>)
          %dma_start3A_131 = arith.constant 0 : i32
          %dma_start3A_132 = tpu.memref_slice %arg7[%add3A_124, %dma_start3A_131] : memref<125x80xi32, #tpu.memory_space<vmem>> -> memref<1x80xi32, #tpu.memory_space<vmem>>
          %dma_start3A_133 = tpu.memref_squeeze %dma_start3A_132 : memref<1x80xi32, #tpu.memory_space<vmem>> -> memref<80xi32, #tpu.memory_space<vmem>>
          %dma_start3A_134 = arith.constant 0 : i32
          %dma_start3A_135 = arith.constant 0 : i32
          %dma_start3A_136 = tpu.memref_slice %arg2[%dma_start3A_134, %dma_start3A_135] : memref<10000x128xf32, #tpu.memory_space<hbm>> -> memref<10000x128xf32, #tpu.memory_space<hbm>>
          tpu.enqueue_indirect_dma source(%dma_start3A_136 : memref<10000x128xf32, #tpu.memory_space<hbm>>) target(%arg11 : memref<80x128xf32, #tpu.memory_space<vmem>>) offsets(%dma_start3A_133 : memref<80xi32, #tpu.memory_space<vmem>>) semaphore(%arg21 : memref<!tpu.dma_semaphore, #tpu.memory_space<semaphore_mem>>)
        } else {
        }
        %mul3A_118 = arith.constant 80 : i32
        %mul3A_119 = arith.muli %add3A_66, %mul3A_118 : i32
        %add3A_120 = arith.addi %mul3A_2, %mul3A_119 : i32
        %dma_start3A_121 = tpu.memref_slice %arg5[%add3A_120] : memref<320000xf32, #tpu.memory_space<hbm>> -> memref<80xf32, #tpu.memory_space<hbm>>
        %dma_start3A_122 = tpu.memref_slice %arg5[%add3A_120] : memref<320000xf32, #tpu.memory_space<hbm>> -> memref<80xf32, #tpu.memory_space<hbm>>
        tpu.enqueue_dma source(%arg14 : memref<80xf32, #tpu.memory_space<vmem>>) target(%dma_start3A_122 : memref<80xf32, #tpu.memory_space<hbm>>) target_semaphore(%arg24 : memref<!tpu.dma_semaphore, #tpu.memory_space<semaphore_mem>>)
      } else {
      }
      %mul3A_69 = arith.constant 3 : i32
      %mul3A_70 = arith.muli %scan3A_61, %mul3A_69 : i32
      %add3A_71 = arith.constant 1 : i32
      %add3A_72 = arith.addi %mul3A_70, %add3A_71 : i32
      %lt3A_73 = arith.constant 125 : i32
      %lt3A_74 = arith.cmpi slt, %add3A_72, %lt3A_73 : i32
      %convert_element_type3A_75 = arith.extui %lt3A_74 : i1 to i32
      %cond3A_76 = arith.constant 0 : i32
      %cond3A_77 = arith.cmpi ne, %convert_element_type3A_75, %cond3A_76 : i32
      scf.if %cond3A_77 {
        %dma_wait3A_88 = arith.constant 0 : i32
        %dma_wait3A_89 = tpu.memref_slice %arg6[%add3A_72, %dma_wait3A_88] : memref<125x80xi32, #tpu.memory_space<vmem>> -> memref<1x80xi32, #tpu.memory_space<vmem>>
        %dma_wait3A_90 = tpu.memref_squeeze %dma_wait3A_89 : memref<1x80xi32, #tpu.memory_space<vmem>> -> memref<80xi32, #tpu.memory_space<vmem>>
        %dma_wait3A_91 = arith.constant 0 : i32
        %dma_wait3A_92 = arith.constant 0 : i32
        %dma_wait3A_93 = tpu.memref_slice %arg2[%dma_wait3A_91, %dma_wait3A_92] : memref<10000x128xf32, #tpu.memory_space<hbm>> -> memref<10000x128xf32, #tpu.memory_space<hbm>>
        tpu.wait_indirect_dma semaphore(%arg19 : memref<!tpu.dma_semaphore, #tpu.memory_space<semaphore_mem>>) src(%dma_wait3A_93 : memref<10000x128xf32, #tpu.memory_space<hbm>>) dst(%arg9 : memref<80x128xf32, #tpu.memory_space<vmem>>)
        %dma_wait3A_94 = arith.constant 0 : i32
        %dma_wait3A_95 = tpu.memref_slice %arg7[%add3A_72, %dma_wait3A_94] : memref<125x80xi32, #tpu.memory_space<vmem>> -> memref<1x80xi32, #tpu.memory_space<vmem>>
        %dma_wait3A_96 = tpu.memref_squeeze %dma_wait3A_95 : memref<1x80xi32, #tpu.memory_space<vmem>> -> memref<80xi32, #tpu.memory_space<vmem>>
        %dma_wait3A_97 = arith.constant 0 : i32
        %dma_wait3A_98 = arith.constant 0 : i32
        %dma_wait3A_99 = tpu.memref_slice %arg2[%dma_wait3A_97, %dma_wait3A_98] : memref<10000x128xf32, #tpu.memory_space<hbm>> -> memref<10000x128xf32, #tpu.memory_space<hbm>>
        tpu.wait_indirect_dma semaphore(%arg22 : memref<!tpu.dma_semaphore, #tpu.memory_space<semaphore_mem>>) src(%dma_wait3A_99 : memref<10000x128xf32, #tpu.memory_space<hbm>>) dst(%arg12 : memref<80x128xf32, #tpu.memory_space<vmem>>)
        %ge3A = arith.constant 3 : i32
        %ge3A_100 = arith.cmpi sge, %add3A_72, %ge3A : i32
        %convert_element_type3A_101 = arith.extui %ge3A_100 : i1 to i32
        %cond3A_102 = arith.constant 0 : i32
        %cond3A_103 = arith.cmpi ne, %convert_element_type3A_101, %cond3A_102 : i32
        scf.if %cond3A_103 {
          %sub3A = arith.constant 3 : i32
          %sub3A_123 = arith.subi %add3A_72, %sub3A : i32
          %mul3A_124 = arith.constant 80 : i32
          %mul3A_125 = arith.muli %sub3A_123, %mul3A_124 : i32
          %add3A_126 = arith.addi %mul3A_2, %mul3A_125 : i32
          %dma_wait3A_127 = tpu.memref_slice %arg5[%add3A_126] : memref<320000xf32, #tpu.memory_space<hbm>> -> memref<80xf32, #tpu.memory_space<hbm>>
          %dma_wait3A_128 = tpu.memref_slice %arg5[%add3A_126] : memref<320000xf32, #tpu.memory_space<hbm>> -> memref<80xf32, #tpu.memory_space<hbm>>
          tpu.wait_dma2 semaphore(%arg25 : memref<!tpu.dma_semaphore, #tpu.memory_space<semaphore_mem>>) src(%arg15 : memref<80xf32, #tpu.memory_space<vmem>>) dst(%dma_wait3A_128 : memref<80xf32, #tpu.memory_space<hbm>>)
        } else {
        }
        %scan3A_104 = arith.constant 0 : i32
        %scan3A_105 = arith.constant 0 : i32
        %scan3A_106 = arith.constant 5 : i32
        %scan3A_107 = arith.addi %scan3A_105, %scan3A_106 : i32
        %scan3A_108 = arith.constant 1 : i32
        %scan3A_109 = scf.for %scan3A_123 = %scan3A_105 to %scan3A_107 step %scan3A_108 iter_args(%scan3A_124 = %scan3A_104) -> (i32)  : i32 {
          %mul3A_125 = arith.constant 16 : i32
          %mul3A_126 = arith.muli %scan3A_123, %mul3A_125 : i32
          %add3A_127 = arith.constant 0 : i32
          %add3A_128 = arith.addi %mul3A_126, %add3A_127 : i32
          %add3A_129 = arith.constant 0 : i32
          %add3A_130 = arith.addi %add3A_128, %add3A_129 : i32
          %get3A = arith.index_cast %add3A_130 : i32 to index
          %get3A_131 = arith.constant 0 : index
          %get3A_132 = tpu.vector_load %arg9[%get3A, %get3A_131] {strides = array<i32>} : memref<80x128xf32, #tpu.memory_space<vmem>>, vector<16xf32>,
          %get3A_133 = arith.index_cast %add3A_130 : i32 to index
          %get3A_134 = arith.constant 0 : index
          %get3A_135 = tpu.vector_load %arg12[%get3A_133, %get3A_134] {strides = array<i32>} : memref<80x128xf32, #tpu.memory_space<vmem>>, vector<16xf32>,
          %mul3A_136 = arith.mulf %get3A_132, %get3A_135 : vector<16xf32>
          %add3A_137 = arith.constant 0 : i32
          %add3A_138 = arith.addi %mul3A_126, %add3A_137 : i32
          %add3A_139 = arith.constant 1 : i32
          %add3A_140 = arith.addi %add3A_138, %add3A_139 : i32
          %get3A_141 = arith.index_cast %add3A_140 : i32 to index
          %get3A_142 = arith.constant 0 : index
          %get3A_143 = tpu.vector_load %arg9[%get3A_141, %get3A_142] {strides = array<i32>} : memref<80x128xf32, #tpu.memory_space<vmem>>, vector<16xf32>,
          %get3A_144 = arith.index_cast %add3A_140 : i32 to index
          %get3A_145 = arith.constant 0 : index
          %get3A_146 = tpu.vector_load %arg12[%get3A_144, %get3A_145] {strides = array<i32>} : memref<80x128xf32, #tpu.memory_space<vmem>>, vector<16xf32>,
          %mul3A_147 = arith.mulf %get3A_143, %get3A_146 : vector<16xf32>
          %add3A_148 = arith.constant 0 : i32
          %add3A_149 = arith.addi %mul3A_126, %add3A_148 : i32
          %add3A_150 = arith.constant 2 : i32
          %add3A_151 = arith.addi %add3A_149, %add3A_150 : i32
          %get3A_152 = arith.index_cast %add3A_151 : i32 to index
          %get3A_153 = arith.constant 0 : index
          %get3A_154 = tpu.vector_load %arg9[%get3A_152, %get3A_153] {strides = array<i32>} : memref<80x128xf32, #tpu.memory_space<vmem>>, vector<16xf32>,
          %get3A_155 = arith.index_cast %add3A_151 : i32 to index
          %get3A_156 = arith.constant 0 : index
          %get3A_157 = tpu.vector_load %arg12[%get3A_155, %get3A_156] {strides = array<i32>} : memref<80x128xf32, #tpu.memory_space<vmem>>, vector<16xf32>,
          %mul3A_158 = arith.mulf %get3A_154, %get3A_157 : vector<16xf32>
          %add3A_159 = arith.constant 0 : i32
          %add3A_160 = arith.addi %mul3A_126, %add3A_159 : i32
          %add3A_161 = arith.constant 3 : i32
          %add3A_162 = arith.addi %add3A_160, %add3A_161 : i32
          %get3A_163 = arith.index_cast %add3A_162 : i32 to index
          %get3A_164 = arith.constant 0 : index
          %get3A_165 = tpu.vector_load %arg9[%get3A_163, %get3A_164] {strides = array<i32>} : memref<80x128xf32, #tpu.memory_space<vmem>>, vector<16xf32>,
          %get3A_166 = arith.index_cast %add3A_162 : i32 to index
          %get3A_167 = arith.constant 0 : index
          %get3A_168 = tpu.vector_load %arg12[%get3A_166, %get3A_167] {strides = array<i32>} : memref<80x128xf32, #tpu.memory_space<vmem>>, vector<16xf32>,
          %mul3A_169 = arith.mulf %get3A_165, %get3A_168 : vector<16xf32>
          %add3A_170 = arith.constant 0 : i32
          %add3A_171 = arith.addi %mul3A_126, %add3A_170 : i32
          %add3A_172 = arith.constant 0 : i32
          %add3A_173 = arith.addi %add3A_171, %add3A_172 : i32
          %get3A_174 = arith.index_cast %add3A_173 : i32 to index
          %get3A_175 = arith.constant 16 : index
          %get3A_176 = tpu.vector_load %arg9[%get3A_174, %get3A_175] {strides = array<i32>} : memref<80x128xf32, #tpu.memory_space<vmem>>, vector<16xf32>,
          %get3A_177 = arith.index_cast %add3A_173 : i32 to index
          %get3A_178 = arith.constant 16 : index
          %get3A_179 = tpu.vector_load %arg12[%get3A_177, %get3A_178] {strides = array<i32>} : memref<80x128xf32, #tpu.memory_space<vmem>>, vector<16xf32>,
          %mul3A_180 = arith.mulf %get3A_176, %get3A_179 : vector<16xf32>
          %add3A_181 = arith.addf %mul3A_136, %mul3A_180 : vector<16xf32>
          %add3A_182 = arith.constant 0 : i32
          %add3A_183 = arith.addi %mul3A_126, %add3A_182 : i32
          %add3A_184 = arith.constant 1 : i32
          %add3A_185 = arith.addi %add3A_183, %add3A_184 : i32
          %get3A_186 = arith.index_cast %add3A_185 : i32 to index
          %get3A_187 = arith.constant 16 : index
          %get3A_188 = tpu.vector_load %arg9[%get3A_186, %get3A_187] {strides = array<i32>} : memref<80x128xf32, #tpu.memory_space<vmem>>, vector<16xf32>,
          %get3A_189 = arith.index_cast %add3A_185 : i32 to index
          %get3A_190 = arith.constant 16 : index
          %get3A_191 = tpu.vector_load %arg12[%get3A_189, %get3A_190] {strides = array<i32>} : memref<80x128xf32, #tpu.memory_space<vmem>>, vector<16xf32>,
          %mul3A_192 = arith.mulf %get3A_188, %get3A_191 : vector<16xf32>
          %add3A_193 = arith.addf %mul3A_147, %mul3A_192 : vector<16xf32>
          %add3A_194 = arith.constant 0 : i32
          %add3A_195 = arith.addi %mul3A_126, %add3A_194 : i32
          %add3A_196 = arith.constant 2 : i32
          %add3A_197 = arith.addi %add3A_195, %add3A_196 : i32
          %get3A_198 = arith.index_cast %add3A_197 : i32 to index
          %get3A_199 = arith.constant 16 : index
          %get3A_200 = tpu.vector_load %arg9[%get3A_198, %get3A_199] {strides = array<i32>} : memref<80x128xf32, #tpu.memory_space<vmem>>, vector<16xf32>,
          %get3A_201 = arith.index_cast %add3A_197 : i32 to index
          %get3A_202 = arith.constant 16 : index
          %get3A_203 = tpu.vector_load %arg12[%get3A_201, %get3A_202] {strides = array<i32>} : memref<80x128xf32, #tpu.memory_space<vmem>>, vector<16xf32>,
          %mul3A_204 = arith.mulf %get3A_200, %get3A_203 : vector<16xf32>
          %add3A_205 = arith.addf %mul3A_158, %mul3A_204 : vector<16xf32>
          %add3A_206 = arith.constant 0 : i32
          %add3A_207 = arith.addi %mul3A_126, %add3A_206 : i32
          %add3A_208 = arith.constant 3 : i32
          %add3A_209 = arith.addi %add3A_207, %add3A_208 : i32
          %get3A_210 = arith.index_cast %add3A_209 : i32 to index
          %get3A_211 = arith.constant 16 : index
          %get3A_212 = tpu.vector_load %arg9[%get3A_210, %get3A_211] {strides = array<i32>} : memref<80x128xf32, #tpu.memory_space<vmem>>, vector<16xf32>,
          %get3A_213 = arith.index_cast %add3A_209 : i32 to index
          %get3A_214 = arith.constant 16 : index
          %get3A_215 = tpu.vector_load %arg12[%get3A_213, %get3A_214] {strides = array<i32>} : memref<80x128xf32, #tpu.memory_space<vmem>>, vector<16xf32>,
          %mul3A_216 = arith.mulf %get3A_212, %get3A_215 : vector<16xf32>
          %add3A_217 = arith.addf %mul3A_169, %mul3A_216 : vector<16xf32>
          %add3A_218 = arith.constant 0 : i32
          %add3A_219 = arith.addi %mul3A_126, %add3A_218 : i32
          %add3A_220 = arith.constant 0 : i32
          %add3A_221 = arith.addi %add3A_219, %add3A_220 : i32
          %get3A_222 = arith.index_cast %add3A_221 : i32 to index
          %get3A_223 = arith.constant 32 : index
          %get3A_224 = tpu.vector_load %arg9[%get3A_222, %get3A_223] {strides = array<i32>} : memref<80x128xf32, #tpu.memory_space<vmem>>, vector<16xf32>,
          %get3A_225 = arith.index_cast %add3A_221 : i32 to index
          %get3A_226 = arith.constant 32 : index
          %get3A_227 = tpu.vector_load %arg12[%get3A_225, %get3A_226] {strides = array<i32>} : memref<80x128xf32, #tpu.memory_space<vmem>>, vector<16xf32>,
          %mul3A_228 = arith.mulf %get3A_224, %get3A_227 : vector<16xf32>
          %add3A_229 = arith.addf %add3A_181, %mul3A_228 : vector<16xf32>
          %add3A_230 = arith.constant 0 : i32
          %add3A_231 = arith.addi %mul3A_126, %add3A_230 : i32
          %add3A_232 = arith.constant 1 : i32
          %add3A_233 = arith.addi %add3A_231, %add3A_232 : i32
          %get3A_234 = arith.index_cast %add3A_233 : i32 to index
          %get3A_235 = arith.constant 32 : index
          %get3A_236 = tpu.vector_load %arg9[%get3A_234, %get3A_235] {strides = array<i32>} : memref<80x128xf32, #tpu.memory_space<vmem>>, vector<16xf32>,
          %get3A_237 = arith.index_cast %add3A_233 : i32 to index
          %get3A_238 = arith.constant 32 : index
          %get3A_239 = tpu.vector_load %arg12[%get3A_237, %get3A_238] {strides = array<i32>} : memref<80x128xf32, #tpu.memory_space<vmem>>, vector<16xf32>,
          %mul3A_240 = arith.mulf %get3A_236, %get3A_239 : vector<16xf32>
          %add3A_241 = arith.addf %add3A_193, %mul3A_240 : vector<16xf32>
          %add3A_242 = arith.constant 0 : i32
          %add3A_243 = arith.addi %mul3A_126, %add3A_242 : i32
          %add3A_244 = arith.constant 2 : i32
          %add3A_245 = arith.addi %add3A_243, %add3A_244 : i32
          %get3A_246 = arith.index_cast %add3A_245 : i32 to index
          %get3A_247 = arith.constant 32 : index
          %get3A_248 = tpu.vector_load %arg9[%get3A_246, %get3A_247] {strides = array<i32>} : memref<80x128xf32, #tpu.memory_space<vmem>>, vector<16xf32>,
          %get3A_249 = arith.index_cast %add3A_245 : i32 to index
          %get3A_250 = arith.constant 32 : index
          %get3A_251 = tpu.vector_load %arg12[%get3A_249, %get3A_250] {strides = array<i32>} : memref<80x128xf32, #tpu.memory_space<vmem>>, vector<16xf32>,
          %mul3A_252 = arith.mulf %get3A_248, %get3A_251 : vector<16xf32>
          %add3A_253 = arith.addf %add3A_205, %mul3A_252 : vector<16xf32>
          %add3A_254 = arith.constant 0 : i32
          %add3A_255 = arith.addi %mul3A_126, %add3A_254 : i32
          %add3A_256 = arith.constant 3 : i32
          %add3A_257 = arith.addi %add3A_255, %add3A_256 : i32
          %get3A_258 = arith.index_cast %add3A_257 : i32 to index
          %get3A_259 = arith.constant 32 : index
          %get3A_260 = tpu.vector_load %arg9[%get3A_258, %get3A_259] {strides = array<i32>} : memref<80x128xf32, #tpu.memory_space<vmem>>, vector<16xf32>,
          %get3A_261 = arith.index_cast %add3A_257 : i32 to index
          %get3A_262 = arith.constant 32 : index
          %get3A_263 = tpu.vector_load %arg12[%get3A_261, %get3A_262] {strides = array<i32>} : memref<80x128xf32, #tpu.memory_space<vmem>>, vector<16xf32>,
          %mul3A_264 = arith.mulf %get3A_260, %get3A_263 : vector<16xf32>
          %add3A_265 = arith.addf %add3A_217, %mul3A_264 : vector<16xf32>
          %add3A_266 = arith.constant 0 : i32
          %add3A_267 = arith.addi %mul3A_126, %add3A_266 : i32
          %add3A_268 = arith.constant 0 : i32
          %add3A_269 = arith.addi %add3A_267, %add3A_268 : i32
          %get3A_270 = arith.index_cast %add3A_269 : i32 to index
          %get3A_271 = arith.constant 48 : index
          %get3A_272 = tpu.vector_load %arg9[%get3A_270, %get3A_271] {strides = array<i32>} : memref<80x128xf32, #tpu.memory_space<vmem>>, vector<16xf32>,
          %get3A_273 = arith.index_cast %add3A_269 : i32 to index
          %get3A_274 = arith.constant 48 : index
          %get3A_275 = tpu.vector_load %arg12[%get3A_273, %get3A_274] {strides = array<i32>} : memref<80x128xf32, #tpu.memory_space<vmem>>, vector<16xf32>,
          %mul3A_276 = arith.mulf %get3A_272, %get3A_275 : vector<16xf32>
          %add3A_277 = arith.addf %add3A_229, %mul3A_276 : vector<16xf32>
          %add3A_278 = arith.constant 0 : i32
          %add3A_279 = arith.addi %mul3A_126, %add3A_278 : i32
          %add3A_280 = arith.constant 1 : i32
          %add3A_281 = arith.addi %add3A_279, %add3A_280 : i32
          %get3A_282 = arith.index_cast %add3A_281 : i32 to index
          %get3A_283 = arith.constant 48 : index
          %get3A_284 = tpu.vector_load %arg9[%get3A_282, %get3A_283] {strides = array<i32>} : memref<80x128xf32, #tpu.memory_space<vmem>>, vector<16xf32>,
          %get3A_285 = arith.index_cast %add3A_281 : i32 to index
          %get3A_286 = arith.constant 48 : index
          %get3A_287 = tpu.vector_load %arg12[%get3A_285, %get3A_286] {strides = array<i32>} : memref<80x128xf32, #tpu.memory_space<vmem>>, vector<16xf32>,
          %mul3A_288 = arith.mulf %get3A_284, %get3A_287 : vector<16xf32>
          %add3A_289 = arith.addf %add3A_241, %mul3A_288 : vector<16xf32>
          %add3A_290 = arith.constant 0 : i32
          %add3A_291 = arith.addi %mul3A_126, %add3A_290 : i32
          %add3A_292 = arith.constant 2 : i32
          %add3A_293 = arith.addi %add3A_291, %add3A_292 : i32
          %get3A_294 = arith.index_cast %add3A_293 : i32 to index
          %get3A_295 = arith.constant 48 : index
          %get3A_296 = tpu.vector_load %arg9[%get3A_294, %get3A_295] {strides = array<i32>} : memref<80x128xf32, #tpu.memory_space<vmem>>, vector<16xf32>,
          %get3A_297 = arith.index_cast %add3A_293 : i32 to index
          %get3A_298 = arith.constant 48 : index
          %get3A_299 = tpu.vector_load %arg12[%get3A_297, %get3A_298] {strides = array<i32>} : memref<80x128xf32, #tpu.memory_space<vmem>>, vector<16xf32>,
          %mul3A_300 = arith.mulf %get3A_296, %get3A_299 : vector<16xf32>
          %add3A_301 = arith.addf %add3A_253, %mul3A_300 : vector<16xf32>
          %add3A_302 = arith.constant 0 : i32
          %add3A_303 = arith.addi %mul3A_126, %add3A_302 : i32
          %add3A_304 = arith.constant 3 : i32
          %add3A_305 = arith.addi %add3A_303, %add3A_304 : i32
          %get3A_306 = arith.index_cast %add3A_305 : i32 to index
          %get3A_307 = arith.constant 48 : index
          %get3A_308 = tpu.vector_load %arg9[%get3A_306, %get3A_307] {strides = array<i32>} : memref<80x128xf32, #tpu.memory_space<vmem>>, vector<16xf32>,
          %get3A_309 = arith.index_cast %add3A_305 : i32 to index
          %get3A_310 = arith.constant 48 : index
          %get3A_311 = tpu.vector_load %arg12[%get3A_309, %get3A_310] {strides = array<i32>} : memref<80x128xf32, #tpu.memory_space<vmem>>, vector<16xf32>,
          %mul3A_312 = arith.mulf %get3A_308, %get3A_311 : vector<16xf32>
          %add3A_313 = arith.addf %add3A_265, %mul3A_312 : vector<16xf32>
          %add3A_314 = arith.constant 0 : i32
          %add3A_315 = arith.addi %mul3A_126, %add3A_314 : i32
          %add3A_316 = arith.constant 0 : i32
          %add3A_317 = arith.addi %add3A_315, %add3A_316 : i32
          %get3A_318 = arith.index_cast %add3A_317 : i32 to index
          %get3A_319 = arith.constant 64 : index
          %get3A_320 = tpu.vector_load %arg9[%get3A_318, %get3A_319] {strides = array<i32>} : memref<80x128xf32, #tpu.memory_space<vmem>>, vector<16xf32>,
          %get3A_321 = arith.index_cast %add3A_317 : i32 to index
          %get3A_322 = arith.constant 64 : index
          %get3A_323 = tpu.vector_load %arg12[%get3A_321, %get3A_322] {strides = array<i32>} : memref<80x128xf32, #tpu.memory_space<vmem>>, vector<16xf32>,
          %mul3A_324 = arith.mulf %get3A_320, %get3A_323 : vector<16xf32>
          %add3A_325 = arith.addf %add3A_277, %mul3A_324 : vector<16xf32>
          %add3A_326 = arith.constant 0 : i32
          %add3A_327 = arith.addi %mul3A_126, %add3A_326 : i32
          %add3A_328 = arith.constant 1 : i32
          %add3A_329 = arith.addi %add3A_327, %add3A_328 : i32
          %get3A_330 = arith.index_cast %add3A_329 : i32 to index
          %get3A_331 = arith.constant 64 : index
          %get3A_332 = tpu.vector_load %arg9[%get3A_330, %get3A_331] {strides = array<i32>} : memref<80x128xf32, #tpu.memory_space<vmem>>, vector<16xf32>,
          %get3A_333 = arith.index_cast %add3A_329 : i32 to index
          %get3A_334 = arith.constant 64 : index
          %get3A_335 = tpu.vector_load %arg12[%get3A_333, %get3A_334] {strides = array<i32>} : memref<80x128xf32, #tpu.memory_space<vmem>>, vector<16xf32>,
          %mul3A_336 = arith.mulf %get3A_332, %get3A_335 : vector<16xf32>
          %add3A_337 = arith.addf %add3A_289, %mul3A_336 : vector<16xf32>
          %add3A_338 = arith.constant 0 : i32
          %add3A_339 = arith.addi %mul3A_126, %add3A_338 : i32
          %add3A_340 = arith.constant 2 : i32
          %add3A_341 = arith.addi %add3A_339, %add3A_340 : i32
          %get3A_342 = arith.index_cast %add3A_341 : i32 to index
          %get3A_343 = arith.constant 64 : index
          %get3A_344 = tpu.vector_load %arg9[%get3A_342, %get3A_343] {strides = array<i32>} : memref<80x128xf32, #tpu.memory_space<vmem>>, vector<16xf32>,
          %get3A_345 = arith.index_cast %add3A_341 : i32 to index
          %get3A_346 = arith.constant 64 : index
          %get3A_347 = tpu.vector_load %arg12[%get3A_345, %get3A_346] {strides = array<i32>} : memref<80x128xf32, #tpu.memory_space<vmem>>, vector<16xf32>,
          %mul3A_348 = arith.mulf %get3A_344, %get3A_347 : vector<16xf32>
          %add3A_349 = arith.addf %add3A_301, %mul3A_348 : vector<16xf32>
          %add3A_350 = arith.constant 0 : i32
          %add3A_351 = arith.addi %mul3A_126, %add3A_350 : i32
          %add3A_352 = arith.constant 3 : i32
          %add3A_353 = arith.addi %add3A_351, %add3A_352 : i32
          %get3A_354 = arith.index_cast %add3A_353 : i32 to index
          %get3A_355 = arith.constant 64 : index
          %get3A_356 = tpu.vector_load %arg9[%get3A_354, %get3A_355] {strides = array<i32>} : memref<80x128xf32, #tpu.memory_space<vmem>>, vector<16xf32>,
          %get3A_357 = arith.index_cast %add3A_353 : i32 to index
          %get3A_358 = arith.constant 64 : index
          %get3A_359 = tpu.vector_load %arg12[%get3A_357, %get3A_358] {strides = array<i32>} : memref<80x128xf32, #tpu.memory_space<vmem>>, vector<16xf32>,
          %mul3A_360 = arith.mulf %get3A_356, %get3A_359 : vector<16xf32>
          %add3A_361 = arith.addf %add3A_313, %mul3A_360 : vector<16xf32>
          %add3A_362 = arith.constant 0 : i32
          %add3A_363 = arith.addi %mul3A_126, %add3A_362 : i32
          %add3A_364 = arith.constant 0 : i32
          %add3A_365 = arith.addi %add3A_363, %add3A_364 : i32
          %get3A_366 = arith.index_cast %add3A_365 : i32 to index
          %get3A_367 = arith.constant 80 : index
          %get3A_368 = tpu.vector_load %arg9[%get3A_366, %get3A_367] {strides = array<i32>} : memref<80x128xf32, #tpu.memory_space<vmem>>, vector<16xf32>,
          %get3A_369 = arith.index_cast %add3A_365 : i32 to index
          %get3A_370 = arith.constant 80 : index
          %get3A_371 = tpu.vector_load %arg12[%get3A_369, %get3A_370] {strides = array<i32>} : memref<80x128xf32, #tpu.memory_space<vmem>>, vector<16xf32>,
          %mul3A_372 = arith.mulf %get3A_368, %get3A_371 : vector<16xf32>
          %add3A_373 = arith.addf %add3A_325, %mul3A_372 : vector<16xf32>
          %add3A_374 = arith.constant 0 : i32
          %add3A_375 = arith.addi %mul3A_126, %add3A_374 : i32
          %add3A_376 = arith.constant 1 : i32
          %add3A_377 = arith.addi %add3A_375, %add3A_376 : i32
          %get3A_378 = arith.index_cast %add3A_377 : i32 to index
          %get3A_379 = arith.constant 80 : index
          %get3A_380 = tpu.vector_load %arg9[%get3A_378, %get3A_379] {strides = array<i32>} : memref<80x128xf32, #tpu.memory_space<vmem>>, vector<16xf32>,
          %get3A_381 = arith.index_cast %add3A_377 : i32 to index
          %get3A_382 = arith.constant 80 : index
          %get3A_383 = tpu.vector_load %arg12[%get3A_381, %get3A_382] {strides = array<i32>} : memref<80x128xf32, #tpu.memory_space<vmem>>, vector<16xf32>,
          %mul3A_384 = arith.mulf %get3A_380, %get3A_383 : vector<16xf32>
          %add3A_385 = arith.addf %add3A_337, %mul3A_384 : vector<16xf32>
          %add3A_386 = arith.constant 0 : i32
          %add3A_387 = arith.addi %mul3A_126, %add3A_386 : i32
          %add3A_388 = arith.constant 2 : i32
          %add3A_389 = arith.addi %add3A_387, %add3A_388 : i32
          %get3A_390 = arith.index_cast %add3A_389 : i32 to index
          %get3A_391 = arith.constant 80 : index
          %get3A_392 = tpu.vector_load %arg9[%get3A_390, %get3A_391] {strides = array<i32>} : memref<80x128xf32, #tpu.memory_space<vmem>>, vector<16xf32>,
          %get3A_393 = arith.index_cast %add3A_389 : i32 to index
          %get3A_394 = arith.constant 80 : index
          %get3A_395 = tpu.vector_load %arg12[%get3A_393, %get3A_394] {strides = array<i32>} : memref<80x128xf32, #tpu.memory_space<vmem>>, vector<16xf32>,
          %mul3A_396 = arith.mulf %get3A_392, %get3A_395 : vector<16xf32>
          %add3A_397 = arith.addf %add3A_349, %mul3A_396 : vector<16xf32>
          %add3A_398 = arith.constant 0 : i32
          %add3A_399 = arith.addi %mul3A_126, %add3A_398 : i32
          %add3A_400 = arith.constant 3 : i32
          %add3A_401 = arith.addi %add3A_399, %add3A_400 : i32
          %get3A_402 = arith.index_cast %add3A_401 : i32 to index
          %get3A_403 = arith.constant 80 : index
          %get3A_404 = tpu.vector_load %arg9[%get3A_402, %get3A_403] {strides = array<i32>} : memref<80x128xf32, #tpu.memory_space<vmem>>, vector<16xf32>,
          %get3A_405 = arith.index_cast %add3A_401 : i32 to index
          %get3A_406 = arith.constant 80 : index
          %get3A_407 = tpu.vector_load %arg12[%get3A_405, %get3A_406] {strides = array<i32>} : memref<80x128xf32, #tpu.memory_space<vmem>>, vector<16xf32>,
          %mul3A_408 = arith.mulf %get3A_404, %get3A_407 : vector<16xf32>
          %add3A_409 = arith.addf %add3A_361, %mul3A_408 : vector<16xf32>
          %add3A_410 = arith.constant 0 : i32
          %add3A_411 = arith.addi %mul3A_126, %add3A_410 : i32
          %add3A_412 = arith.constant 0 : i32
          %add3A_413 = arith.addi %add3A_411, %add3A_412 : i32
          %get3A_414 = arith.index_cast %add3A_413 : i32 to index
          %get3A_415 = arith.constant 96 : index
          %get3A_416 = tpu.vector_load %arg9[%get3A_414, %get3A_415] {strides = array<i32>} : memref<80x128xf32, #tpu.memory_space<vmem>>, vector<16xf32>,
          %get3A_417 = arith.index_cast %add3A_413 : i32 to index
          %get3A_418 = arith.constant 96 : index
          %get3A_419 = tpu.vector_load %arg12[%get3A_417, %get3A_418] {strides = array<i32>} : memref<80x128xf32, #tpu.memory_space<vmem>>, vector<16xf32>,
          %mul3A_420 = arith.mulf %get3A_416, %get3A_419 : vector<16xf32>
          %add3A_421 = arith.addf %add3A_373, %mul3A_420 : vector<16xf32>
          %add3A_422 = arith.constant 0 : i32
          %add3A_423 = arith.addi %mul3A_126, %add3A_422 : i32
          %add3A_424 = arith.constant 1 : i32
          %add3A_425 = arith.addi %add3A_423, %add3A_424 : i32
          %get3A_426 = arith.index_cast %add3A_425 : i32 to index
          %get3A_427 = arith.constant 96 : index
          %get3A_428 = tpu.vector_load %arg9[%get3A_426, %get3A_427] {strides = array<i32>} : memref<80x128xf32, #tpu.memory_space<vmem>>, vector<16xf32>,
          %get3A_429 = arith.index_cast %add3A_425 : i32 to index
          %get3A_430 = arith.constant 96 : index
          %get3A_431 = tpu.vector_load %arg12[%get3A_429, %get3A_430] {strides = array<i32>} : memref<80x128xf32, #tpu.memory_space<vmem>>, vector<16xf32>,
          %mul3A_432 = arith.mulf %get3A_428, %get3A_431 : vector<16xf32>
          %add3A_433 = arith.addf %add3A_385, %mul3A_432 : vector<16xf32>
          %add3A_434 = arith.constant 0 : i32
          %add3A_435 = arith.addi %mul3A_126, %add3A_434 : i32
          %add3A_436 = arith.constant 2 : i32
          %add3A_437 = arith.addi %add3A_435, %add3A_436 : i32
          %get3A_438 = arith.index_cast %add3A_437 : i32 to index
          %get3A_439 = arith.constant 96 : index
          %get3A_440 = tpu.vector_load %arg9[%get3A_438, %get3A_439] {strides = array<i32>} : memref<80x128xf32, #tpu.memory_space<vmem>>, vector<16xf32>,
          %get3A_441 = arith.index_cast %add3A_437 : i32 to index
          %get3A_442 = arith.constant 96 : index
          %get3A_443 = tpu.vector_load %arg12[%get3A_441, %get3A_442] {strides = array<i32>} : memref<80x128xf32, #tpu.memory_space<vmem>>, vector<16xf32>,
          %mul3A_444 = arith.mulf %get3A_440, %get3A_443 : vector<16xf32>
          %add3A_445 = arith.addf %add3A_397, %mul3A_444 : vector<16xf32>
          %add3A_446 = arith.constant 0 : i32
          %add3A_447 = arith.addi %mul3A_126, %add3A_446 : i32
          %add3A_448 = arith.constant 3 : i32
          %add3A_449 = arith.addi %add3A_447, %add3A_448 : i32
          %get3A_450 = arith.index_cast %add3A_449 : i32 to index
          %get3A_451 = arith.constant 96 : index
          %get3A_452 = tpu.vector_load %arg9[%get3A_450, %get3A_451] {strides = array<i32>} : memref<80x128xf32, #tpu.memory_space<vmem>>, vector<16xf32>,
          %get3A_453 = arith.index_cast %add3A_449 : i32 to index
          %get3A_454 = arith.constant 96 : index
          %get3A_455 = tpu.vector_load %arg12[%get3A_453, %get3A_454] {strides = array<i32>} : memref<80x128xf32, #tpu.memory_space<vmem>>, vector<16xf32>,
          %mul3A_456 = arith.mulf %get3A_452, %get3A_455 : vector<16xf32>
          %add3A_457 = arith.addf %add3A_409, %mul3A_456 : vector<16xf32>
          %add3A_458 = arith.constant 0 : i32
          %add3A_459 = arith.addi %mul3A_126, %add3A_458 : i32
          %add3A_460 = arith.constant 0 : i32
          %add3A_461 = arith.addi %add3A_459, %add3A_460 : i32
          %get3A_462 = arith.index_cast %add3A_461 : i32 to index
          %get3A_463 = arith.constant 112 : index
          %get3A_464 = tpu.vector_load %arg9[%get3A_462, %get3A_463] {strides = array<i32>} : memref<80x128xf32, #tpu.memory_space<vmem>>, vector<16xf32>,
          %get3A_465 = arith.index_cast %add3A_461 : i32 to index
          %get3A_466 = arith.constant 112 : index
          %get3A_467 = tpu.vector_load %arg12[%get3A_465, %get3A_466] {strides = array<i32>} : memref<80x128xf32, #tpu.memory_space<vmem>>, vector<16xf32>,
          %mul3A_468 = arith.mulf %get3A_464, %get3A_467 : vector<16xf32>
          %add3A_469 = arith.addf %add3A_421, %mul3A_468 : vector<16xf32>
          %add3A_470 = arith.constant 0 : i32
          %add3A_471 = arith.addi %mul3A_126, %add3A_470 : i32
          %add3A_472 = arith.constant 1 : i32
          %add3A_473 = arith.addi %add3A_471, %add3A_472 : i32
          %get3A_474 = arith.index_cast %add3A_473 : i32 to index
          %get3A_475 = arith.constant 112 : index
          %get3A_476 = tpu.vector_load %arg9[%get3A_474, %get3A_475] {strides = array<i32>} : memref<80x128xf32, #tpu.memory_space<vmem>>, vector<16xf32>,
          %get3A_477 = arith.index_cast %add3A_473 : i32 to index
          %get3A_478 = arith.constant 112 : index
          %get3A_479 = tpu.vector_load %arg12[%get3A_477, %get3A_478] {strides = array<i32>} : memref<80x128xf32, #tpu.memory_space<vmem>>, vector<16xf32>,
          %mul3A_480 = arith.mulf %get3A_476, %get3A_479 : vector<16xf32>
          %add3A_481 = arith.addf %add3A_433, %mul3A_480 : vector<16xf32>
          %add3A_482 = arith.constant 0 : i32
          %add3A_483 = arith.addi %mul3A_126, %add3A_482 : i32
          %add3A_484 = arith.constant 2 : i32
          %add3A_485 = arith.addi %add3A_483, %add3A_484 : i32
          %get3A_486 = arith.index_cast %add3A_485 : i32 to index
          %get3A_487 = arith.constant 112 : index
          %get3A_488 = tpu.vector_load %arg9[%get3A_486, %get3A_487] {strides = array<i32>} : memref<80x128xf32, #tpu.memory_space<vmem>>, vector<16xf32>,
          %get3A_489 = arith.index_cast %add3A_485 : i32 to index
          %get3A_490 = arith.constant 112 : index
          %get3A_491 = tpu.vector_load %arg12[%get3A_489, %get3A_490] {strides = array<i32>} : memref<80x128xf32, #tpu.memory_space<vmem>>, vector<16xf32>,
          %mul3A_492 = arith.mulf %get3A_488, %get3A_491 : vector<16xf32>
          %add3A_493 = arith.addf %add3A_445, %mul3A_492 : vector<16xf32>
          %add3A_494 = arith.constant 0 : i32
          %add3A_495 = arith.addi %mul3A_126, %add3A_494 : i32
          %add3A_496 = arith.constant 3 : i32
          %add3A_497 = arith.addi %add3A_495, %add3A_496 : i32
          %get3A_498 = arith.index_cast %add3A_497 : i32 to index
          %get3A_499 = arith.constant 112 : index
          %get3A_500 = tpu.vector_load %arg9[%get3A_498, %get3A_499] {strides = array<i32>} : memref<80x128xf32, #tpu.memory_space<vmem>>, vector<16xf32>,
          %get3A_501 = arith.index_cast %add3A_497 : i32 to index
          %get3A_502 = arith.constant 112 : index
          %get3A_503 = tpu.vector_load %arg12[%get3A_501, %get3A_502] {strides = array<i32>} : memref<80x128xf32, #tpu.memory_space<vmem>>, vector<16xf32>,
          %mul3A_504 = arith.mulf %get3A_500, %get3A_503 : vector<16xf32>
          %add3A_505 = arith.addf %add3A_457, %mul3A_504 : vector<16xf32>
          %swap3A = arith.constant 0 : i32
          %swap3A_506 = arith.index_cast %swap3A : i32 to index
          %swap3A_507 = arith.constant 0 : index
          %swap3A_508 = tpu.vector_load %arg17[%swap3A_506, %swap3A_507] {strides = array<i32>} : memref<16x16xf32, #tpu.memory_space<vmem>>, vector<16xf32>,
          tpu.vector_store %arg17[%swap3A_506, %swap3A_507], %add3A_469 {strides = array<i32>} : memref<16x16xf32, #tpu.memory_space<vmem>>, vector<16xf32>,
          %swap3A_509 = arith.constant 1 : i32
          %swap3A_510 = arith.index_cast %swap3A_509 : i32 to index
          %swap3A_511 = arith.constant 0 : index
          %swap3A_512 = tpu.vector_load %arg17[%swap3A_510, %swap3A_511] {strides = array<i32>} : memref<16x16xf32, #tpu.memory_space<vmem>>, vector<16xf32>,
          tpu.vector_store %arg17[%swap3A_510, %swap3A_511], %add3A_481 {strides = array<i32>} : memref<16x16xf32, #tpu.memory_space<vmem>>, vector<16xf32>,
          %swap3A_513 = arith.constant 2 : i32
          %swap3A_514 = arith.index_cast %swap3A_513 : i32 to index
          %swap3A_515 = arith.constant 0 : index
          %swap3A_516 = tpu.vector_load %arg17[%swap3A_514, %swap3A_515] {strides = array<i32>} : memref<16x16xf32, #tpu.memory_space<vmem>>, vector<16xf32>,
          tpu.vector_store %arg17[%swap3A_514, %swap3A_515], %add3A_493 {strides = array<i32>} : memref<16x16xf32, #tpu.memory_space<vmem>>, vector<16xf32>,
          %swap3A_517 = arith.constant 3 : i32
          %swap3A_518 = arith.index_cast %swap3A_517 : i32 to index
          %swap3A_519 = arith.constant 0 : index
          %swap3A_520 = tpu.vector_load %arg17[%swap3A_518, %swap3A_519] {strides = array<i32>} : memref<16x16xf32, #tpu.memory_space<vmem>>, vector<16xf32>,
          tpu.vector_store %arg17[%swap3A_518, %swap3A_519], %add3A_505 {strides = array<i32>} : memref<16x16xf32, #tpu.memory_space<vmem>>, vector<16xf32>,
          %add3A_521 = arith.constant 4 : i32
          %add3A_522 = arith.addi %mul3A_126, %add3A_521 : i32
          %add3A_523 = arith.constant 0 : i32
          %add3A_524 = arith.addi %add3A_522, %add3A_523 : i32
          %get3A_525 = arith.index_cast %add3A_524 : i32 to index
          %get3A_526 = arith.constant 0 : index
          %get3A_527 = tpu.vector_load %arg9[%get3A_525, %get3A_526] {strides = array<i32>} : memref<80x128xf32, #tpu.memory_space<vmem>>, vector<16xf32>,
          %get3A_528 = arith.index_cast %add3A_524 : i32 to index
          %get3A_529 = arith.constant 0 : index
          %get3A_530 = tpu.vector_load %arg12[%get3A_528, %get3A_529] {strides = array<i32>} : memref<80x128xf32, #tpu.memory_space<vmem>>, vector<16xf32>,
          %mul3A_531 = arith.mulf %get3A_527, %get3A_530 : vector<16xf32>
          %add3A_532 = arith.constant 4 : i32
          %add3A_533 = arith.addi %mul3A_126, %add3A_532 : i32
          %add3A_534 = arith.constant 1 : i32
          %add3A_535 = arith.addi %add3A_533, %add3A_534 : i32
          %get3A_536 = arith.index_cast %add3A_535 : i32 to index
          %get3A_537 = arith.constant 0 : index
          %get3A_538 = tpu.vector_load %arg9[%get3A_536, %get3A_537] {strides = array<i32>} : memref<80x128xf32, #tpu.memory_space<vmem>>, vector<16xf32>,
          %get3A_539 = arith.index_cast %add3A_535 : i32 to index
          %get3A_540 = arith.constant 0 : index
          %get3A_541 = tpu.vector_load %arg12[%get3A_539, %get3A_540] {strides = array<i32>} : memref<80x128xf32, #tpu.memory_space<vmem>>, vector<16xf32>,
          %mul3A_542 = arith.mulf %get3A_538, %get3A_541 : vector<16xf32>
          %add3A_543 = arith.constant 4 : i32
          %add3A_544 = arith.addi %mul3A_126, %add3A_543 : i32
          %add3A_545 = arith.constant 2 : i32
          %add3A_546 = arith.addi %add3A_544, %add3A_545 : i32
          %get3A_547 = arith.index_cast %add3A_546 : i32 to index
          %get3A_548 = arith.constant 0 : index
          %get3A_549 = tpu.vector_load %arg9[%get3A_547, %get3A_548] {strides = array<i32>} : memref<80x128xf32, #tpu.memory_space<vmem>>, vector<16xf32>,
          %get3A_550 = arith.index_cast %add3A_546 : i32 to index
          %get3A_551 = arith.constant 0 : index
          %get3A_552 = tpu.vector_load %arg12[%get3A_550, %get3A_551] {strides = array<i32>} : memref<80x128xf32, #tpu.memory_space<vmem>>, vector<16xf32>,
          %mul3A_553 = arith.mulf %get3A_549, %get3A_552 : vector<16xf32>
          %add3A_554 = arith.constant 4 : i32
          %add3A_555 = arith.addi %mul3A_126, %add3A_554 : i32
          %add3A_556 = arith.constant 3 : i32
          %add3A_557 = arith.addi %add3A_555, %add3A_556 : i32
          %get3A_558 = arith.index_cast %add3A_557 : i32 to index
          %get3A_559 = arith.constant 0 : index
          %get3A_560 = tpu.vector_load %arg9[%get3A_558, %get3A_559] {strides = array<i32>} : memref<80x128xf32, #tpu.memory_space<vmem>>, vector<16xf32>,
          %get3A_561 = arith.index_cast %add3A_557 : i32 to index
          %get3A_562 = arith.constant 0 : index
          %get3A_563 = tpu.vector_load %arg12[%get3A_561, %get3A_562] {strides = array<i32>} : memref<80x128xf32, #tpu.memory_space<vmem>>, vector<16xf32>,
          %mul3A_564 = arith.mulf %get3A_560, %get3A_563 : vector<16xf32>
          %add3A_565 = arith.constant 4 : i32
          %add3A_566 = arith.addi %mul3A_126, %add3A_565 : i32
          %add3A_567 = arith.constant 0 : i32
          %add3A_568 = arith.addi %add3A_566, %add3A_567 : i32
          %get3A_569 = arith.index_cast %add3A_568 : i32 to index
          %get3A_570 = arith.constant 16 : index
          %get3A_571 = tpu.vector_load %arg9[%get3A_569, %get3A_570] {strides = array<i32>} : memref<80x128xf32, #tpu.memory_space<vmem>>, vector<16xf32>,
          %get3A_572 = arith.index_cast %add3A_568 : i32 to index
          %get3A_573 = arith.constant 16 : index
          %get3A_574 = tpu.vector_load %arg12[%get3A_572, %get3A_573] {strides = array<i32>} : memref<80x128xf32, #tpu.memory_space<vmem>>, vector<16xf32>,
          %mul3A_575 = arith.mulf %get3A_571, %get3A_574 : vector<16xf32>
          %add3A_576 = arith.addf %mul3A_531, %mul3A_575 : vector<16xf32>
          %add3A_577 = arith.constant 4 : i32
          %add3A_578 = arith.addi %mul3A_126, %add3A_577 : i32
          %add3A_579 = arith.constant 1 : i32
          %add3A_580 = arith.addi %add3A_578, %add3A_579 : i32
          %get3A_581 = arith.index_cast %add3A_580 : i32 to index
          %get3A_582 = arith.constant 16 : index
          %get3A_583 = tpu.vector_load %arg9[%get3A_581, %get3A_582] {strides = array<i32>} : memref<80x128xf32, #tpu.memory_space<vmem>>, vector<16xf32>,
          %get3A_584 = arith.index_cast %add3A_580 : i32 to index
          %get3A_585 = arith.constant 16 : index
          %get3A_586 = tpu.vector_load %arg12[%get3A_584, %get3A_585] {strides = array<i32>} : memref<80x128xf32, #tpu.memory_space<vmem>>, vector<16xf32>,
          %mul3A_587 = arith.mulf %get3A_583, %get3A_586 : vector<16xf32>
          %add3A_588 = arith.addf %mul3A_542, %mul3A_587 : vector<16xf32>
          %add3A_589 = arith.constant 4 : i32
          %add3A_590 = arith.addi %mul3A_126, %add3A_589 : i32
          %add3A_591 = arith.constant 2 : i32
          %add3A_592 = arith.addi %add3A_590, %add3A_591 : i32
          %get3A_593 = arith.index_cast %add3A_592 : i32 to index
          %get3A_594 = arith.constant 16 : index
          %get3A_595 = tpu.vector_load %arg9[%get3A_593, %get3A_594] {strides = array<i32>} : memref<80x128xf32, #tpu.memory_space<vmem>>, vector<16xf32>,
          %get3A_596 = arith.index_cast %add3A_592 : i32 to index
          %get3A_597 = arith.constant 16 : index
          %get3A_598 = tpu.vector_load %arg12[%get3A_596, %get3A_597] {strides = array<i32>} : memref<80x128xf32, #tpu.memory_space<vmem>>, vector<16xf32>,
          %mul3A_599 = arith.mulf %get3A_595, %get3A_598 : vector<16xf32>
          %add3A_600 = arith.addf %mul3A_553, %mul3A_599 : vector<16xf32>
          %add3A_601 = arith.constant 4 : i32
          %add3A_602 = arith.addi %mul3A_126, %add3A_601 : i32
          %add3A_603 = arith.constant 3 : i32
          %add3A_604 = arith.addi %add3A_602, %add3A_603 : i32
          %get3A_605 = arith.index_cast %add3A_604 : i32 to index
          %get3A_606 = arith.constant 16 : index
          %get3A_607 = tpu.vector_load %arg9[%get3A_605, %get3A_606] {strides = array<i32>} : memref<80x128xf32, #tpu.memory_space<vmem>>, vector<16xf32>,
          %get3A_608 = arith.index_cast %add3A_604 : i32 to index
          %get3A_609 = arith.constant 16 : index
          %get3A_610 = tpu.vector_load %arg12[%get3A_608, %get3A_609] {strides = array<i32>} : memref<80x128xf32, #tpu.memory_space<vmem>>, vector<16xf32>,
          %mul3A_611 = arith.mulf %get3A_607, %get3A_610 : vector<16xf32>
          %add3A_612 = arith.addf %mul3A_564, %mul3A_611 : vector<16xf32>
          %add3A_613 = arith.constant 4 : i32
          %add3A_614 = arith.addi %mul3A_126, %add3A_613 : i32
          %add3A_615 = arith.constant 0 : i32
          %add3A_616 = arith.addi %add3A_614, %add3A_615 : i32
          %get3A_617 = arith.index_cast %add3A_616 : i32 to index
          %get3A_618 = arith.constant 32 : index
          %get3A_619 = tpu.vector_load %arg9[%get3A_617, %get3A_618] {strides = array<i32>} : memref<80x128xf32, #tpu.memory_space<vmem>>, vector<16xf32>,
          %get3A_620 = arith.index_cast %add3A_616 : i32 to index
          %get3A_621 = arith.constant 32 : index
          %get3A_622 = tpu.vector_load %arg12[%get3A_620, %get3A_621] {strides = array<i32>} : memref<80x128xf32, #tpu.memory_space<vmem>>, vector<16xf32>,
          %mul3A_623 = arith.mulf %get3A_619, %get3A_622 : vector<16xf32>
          %add3A_624 = arith.addf %add3A_576, %mul3A_623 : vector<16xf32>
          %add3A_625 = arith.constant 4 : i32
          %add3A_626 = arith.addi %mul3A_126, %add3A_625 : i32
          %add3A_627 = arith.constant 1 : i32
          %add3A_628 = arith.addi %add3A_626, %add3A_627 : i32
          %get3A_629 = arith.index_cast %add3A_628 : i32 to index
          %get3A_630 = arith.constant 32 : index
          %get3A_631 = tpu.vector_load %arg9[%get3A_629, %get3A_630] {strides = array<i32>} : memref<80x128xf32, #tpu.memory_space<vmem>>, vector<16xf32>,
          %get3A_632 = arith.index_cast %add3A_628 : i32 to index
          %get3A_633 = arith.constant 32 : index
          %get3A_634 = tpu.vector_load %arg12[%get3A_632, %get3A_633] {strides = array<i32>} : memref<80x128xf32, #tpu.memory_space<vmem>>, vector<16xf32>,
          %mul3A_635 = arith.mulf %get3A_631, %get3A_634 : vector<16xf32>
          %add3A_636 = arith.addf %add3A_588, %mul3A_635 : vector<16xf32>
          %add3A_637 = arith.constant 4 : i32
          %add3A_638 = arith.addi %mul3A_126, %add3A_637 : i32
          %add3A_639 = arith.constant 2 : i32
          %add3A_640 = arith.addi %add3A_638, %add3A_639 : i32
          %get3A_641 = arith.index_cast %add3A_640 : i32 to index
          %get3A_642 = arith.constant 32 : index
          %get3A_643 = tpu.vector_load %arg9[%get3A_641, %get3A_642] {strides = array<i32>} : memref<80x128xf32, #tpu.memory_space<vmem>>, vector<16xf32>,
          %get3A_644 = arith.index_cast %add3A_640 : i32 to index
          %get3A_645 = arith.constant 32 : index
          %get3A_646 = tpu.vector_load %arg12[%get3A_644, %get3A_645] {strides = array<i32>} : memref<80x128xf32, #tpu.memory_space<vmem>>, vector<16xf32>,
          %mul3A_647 = arith.mulf %get3A_643, %get3A_646 : vector<16xf32>
          %add3A_648 = arith.addf %add3A_600, %mul3A_647 : vector<16xf32>
          %add3A_649 = arith.constant 4 : i32
          %add3A_650 = arith.addi %mul3A_126, %add3A_649 : i32
          %add3A_651 = arith.constant 3 : i32
          %add3A_652 = arith.addi %add3A_650, %add3A_651 : i32
          %get3A_653 = arith.index_cast %add3A_652 : i32 to index
          %get3A_654 = arith.constant 32 : index
          %get3A_655 = tpu.vector_load %arg9[%get3A_653, %get3A_654] {strides = array<i32>} : memref<80x128xf32, #tpu.memory_space<vmem>>, vector<16xf32>,
          %get3A_656 = arith.index_cast %add3A_652 : i32 to index
          %get3A_657 = arith.constant 32 : index
          %get3A_658 = tpu.vector_load %arg12[%get3A_656, %get3A_657] {strides = array<i32>} : memref<80x128xf32, #tpu.memory_space<vmem>>, vector<16xf32>,
          %mul3A_659 = arith.mulf %get3A_655, %get3A_658 : vector<16xf32>
          %add3A_660 = arith.addf %add3A_612, %mul3A_659 : vector<16xf32>
          %add3A_661 = arith.constant 4 : i32
          %add3A_662 = arith.addi %mul3A_126, %add3A_661 : i32
          %add3A_663 = arith.constant 0 : i32
          %add3A_664 = arith.addi %add3A_662, %add3A_663 : i32
          %get3A_665 = arith.index_cast %add3A_664 : i32 to index
          %get3A_666 = arith.constant 48 : index
          %get3A_667 = tpu.vector_load %arg9[%get3A_665, %get3A_666] {strides = array<i32>} : memref<80x128xf32, #tpu.memory_space<vmem>>, vector<16xf32>,
          %get3A_668 = arith.index_cast %add3A_664 : i32 to index
          %get3A_669 = arith.constant 48 : index
          %get3A_670 = tpu.vector_load %arg12[%get3A_668, %get3A_669] {strides = array<i32>} : memref<80x128xf32, #tpu.memory_space<vmem>>, vector<16xf32>,
          %mul3A_671 = arith.mulf %get3A_667, %get3A_670 : vector<16xf32>
          %add3A_672 = arith.addf %add3A_624, %mul3A_671 : vector<16xf32>
          %add3A_673 = arith.constant 4 : i32
          %add3A_674 = arith.addi %mul3A_126, %add3A_673 : i32
          %add3A_675 = arith.constant 1 : i32
          %add3A_676 = arith.addi %add3A_674, %add3A_675 : i32
          %get3A_677 = arith.index_cast %add3A_676 : i32 to index
          %get3A_678 = arith.constant 48 : index
          %get3A_679 = tpu.vector_load %arg9[%get3A_677, %get3A_678] {strides = array<i32>} : memref<80x128xf32, #tpu.memory_space<vmem>>, vector<16xf32>,
          %get3A_680 = arith.index_cast %add3A_676 : i32 to index
          %get3A_681 = arith.constant 48 : index
          %get3A_682 = tpu.vector_load %arg12[%get3A_680, %get3A_681] {strides = array<i32>} : memref<80x128xf32, #tpu.memory_space<vmem>>, vector<16xf32>,
          %mul3A_683 = arith.mulf %get3A_679, %get3A_682 : vector<16xf32>
          %add3A_684 = arith.addf %add3A_636, %mul3A_683 : vector<16xf32>
          %add3A_685 = arith.constant 4 : i32
          %add3A_686 = arith.addi %mul3A_126, %add3A_685 : i32
          %add3A_687 = arith.constant 2 : i32
          %add3A_688 = arith.addi %add3A_686, %add3A_687 : i32
          %get3A_689 = arith.index_cast %add3A_688 : i32 to index
          %get3A_690 = arith.constant 48 : index
          %get3A_691 = tpu.vector_load %arg9[%get3A_689, %get3A_690] {strides = array<i32>} : memref<80x128xf32, #tpu.memory_space<vmem>>, vector<16xf32>,
          %get3A_692 = arith.index_cast %add3A_688 : i32 to index
          %get3A_693 = arith.constant 48 : index
          %get3A_694 = tpu.vector_load %arg12[%get3A_692, %get3A_693] {strides = array<i32>} : memref<80x128xf32, #tpu.memory_space<vmem>>, vector<16xf32>,
          %mul3A_695 = arith.mulf %get3A_691, %get3A_694 : vector<16xf32>
          %add3A_696 = arith.addf %add3A_648, %mul3A_695 : vector<16xf32>
          %add3A_697 = arith.constant 4 : i32
          %add3A_698 = arith.addi %mul3A_126, %add3A_697 : i32
          %add3A_699 = arith.constant 3 : i32
          %add3A_700 = arith.addi %add3A_698, %add3A_699 : i32
          %get3A_701 = arith.index_cast %add3A_700 : i32 to index
          %get3A_702 = arith.constant 48 : index
          %get3A_703 = tpu.vector_load %arg9[%get3A_701, %get3A_702] {strides = array<i32>} : memref<80x128xf32, #tpu.memory_space<vmem>>, vector<16xf32>,
          %get3A_704 = arith.index_cast %add3A_700 : i32 to index
          %get3A_705 = arith.constant 48 : index
          %get3A_706 = tpu.vector_load %arg12[%get3A_704, %get3A_705] {strides = array<i32>} : memref<80x128xf32, #tpu.memory_space<vmem>>, vector<16xf32>,
          %mul3A_707 = arith.mulf %get3A_703, %get3A_706 : vector<16xf32>
          %add3A_708 = arith.addf %add3A_660, %mul3A_707 : vector<16xf32>
          %add3A_709 = arith.constant 4 : i32
          %add3A_710 = arith.addi %mul3A_126, %add3A_709 : i32
          %add3A_711 = arith.constant 0 : i32
          %add3A_712 = arith.addi %add3A_710, %add3A_711 : i32
          %get3A_713 = arith.index_cast %add3A_712 : i32 to index
          %get3A_714 = arith.constant 64 : index
          %get3A_715 = tpu.vector_load %arg9[%get3A_713, %get3A_714] {strides = array<i32>} : memref<80x128xf32, #tpu.memory_space<vmem>>, vector<16xf32>,
          %get3A_716 = arith.index_cast %add3A_712 : i32 to index
          %get3A_717 = arith.constant 64 : index
          %get3A_718 = tpu.vector_load %arg12[%get3A_716, %get3A_717] {strides = array<i32>} : memref<80x128xf32, #tpu.memory_space<vmem>>, vector<16xf32>,
          %mul3A_719 = arith.mulf %get3A_715, %get3A_718 : vector<16xf32>
          %add3A_720 = arith.addf %add3A_672, %mul3A_719 : vector<16xf32>
          %add3A_721 = arith.constant 4 : i32
          %add3A_722 = arith.addi %mul3A_126, %add3A_721 : i32
          %add3A_723 = arith.constant 1 : i32
          %add3A_724 = arith.addi %add3A_722, %add3A_723 : i32
          %get3A_725 = arith.index_cast %add3A_724 : i32 to index
          %get3A_726 = arith.constant 64 : index
          %get3A_727 = tpu.vector_load %arg9[%get3A_725, %get3A_726] {strides = array<i32>} : memref<80x128xf32, #tpu.memory_space<vmem>>, vector<16xf32>,
          %get3A_728 = arith.index_cast %add3A_724 : i32 to index
          %get3A_729 = arith.constant 64 : index
          %get3A_730 = tpu.vector_load %arg12[%get3A_728, %get3A_729] {strides = array<i32>} : memref<80x128xf32, #tpu.memory_space<vmem>>, vector<16xf32>,
          %mul3A_731 = arith.mulf %get3A_727, %get3A_730 : vector<16xf32>
          %add3A_732 = arith.addf %add3A_684, %mul3A_731 : vector<16xf32>
          %add3A_733 = arith.constant 4 : i32
          %add3A_734 = arith.addi %mul3A_126, %add3A_733 : i32
          %add3A_735 = arith.constant 2 : i32
          %add3A_736 = arith.addi %add3A_734, %add3A_735 : i32
          %get3A_737 = arith.index_cast %add3A_736 : i32 to index
          %get3A_738 = arith.constant 64 : index
          %get3A_739 = tpu.vector_load %arg9[%get3A_737, %get3A_738] {strides = array<i32>} : memref<80x128xf32, #tpu.memory_space<vmem>>, vector<16xf32>,
          %get3A_740 = arith.index_cast %add3A_736 : i32 to index
          %get3A_741 = arith.constant 64 : index
          %get3A_742 = tpu.vector_load %arg12[%get3A_740, %get3A_741] {strides = array<i32>} : memref<80x128xf32, #tpu.memory_space<vmem>>, vector<16xf32>,
          %mul3A_743 = arith.mulf %get3A_739, %get3A_742 : vector<16xf32>
          %add3A_744 = arith.addf %add3A_696, %mul3A_743 : vector<16xf32>
          %add3A_745 = arith.constant 4 : i32
          %add3A_746 = arith.addi %mul3A_126, %add3A_745 : i32
          %add3A_747 = arith.constant 3 : i32
          %add3A_748 = arith.addi %add3A_746, %add3A_747 : i32
          %get3A_749 = arith.index_cast %add3A_748 : i32 to index
          %get3A_750 = arith.constant 64 : index
          %get3A_751 = tpu.vector_load %arg9[%get3A_749, %get3A_750] {strides = array<i32>} : memref<80x128xf32, #tpu.memory_space<vmem>>, vector<16xf32>,
          %get3A_752 = arith.index_cast %add3A_748 : i32 to index
          %get3A_753 = arith.constant 64 : index
          %get3A_754 = tpu.vector_load %arg12[%get3A_752, %get3A_753] {strides = array<i32>} : memref<80x128xf32, #tpu.memory_space<vmem>>, vector<16xf32>,
          %mul3A_755 = arith.mulf %get3A_751, %get3A_754 : vector<16xf32>
          %add3A_756 = arith.addf %add3A_708, %mul3A_755 : vector<16xf32>
          %add3A_757 = arith.constant 4 : i32
          %add3A_758 = arith.addi %mul3A_126, %add3A_757 : i32
          %add3A_759 = arith.constant 0 : i32
          %add3A_760 = arith.addi %add3A_758, %add3A_759 : i32
          %get3A_761 = arith.index_cast %add3A_760 : i32 to index
          %get3A_762 = arith.constant 80 : index
          %get3A_763 = tpu.vector_load %arg9[%get3A_761, %get3A_762] {strides = array<i32>} : memref<80x128xf32, #tpu.memory_space<vmem>>, vector<16xf32>,
          %get3A_764 = arith.index_cast %add3A_760 : i32 to index
          %get3A_765 = arith.constant 80 : index
          %get3A_766 = tpu.vector_load %arg12[%get3A_764, %get3A_765] {strides = array<i32>} : memref<80x128xf32, #tpu.memory_space<vmem>>, vector<16xf32>,
          %mul3A_767 = arith.mulf %get3A_763, %get3A_766 : vector<16xf32>
          %add3A_768 = arith.addf %add3A_720, %mul3A_767 : vector<16xf32>
          %add3A_769 = arith.constant 4 : i32
          %add3A_770 = arith.addi %mul3A_126, %add3A_769 : i32
          %add3A_771 = arith.constant 1 : i32
          %add3A_772 = arith.addi %add3A_770, %add3A_771 : i32
          %get3A_773 = arith.index_cast %add3A_772 : i32 to index
          %get3A_774 = arith.constant 80 : index
          %get3A_775 = tpu.vector_load %arg9[%get3A_773, %get3A_774] {strides = array<i32>} : memref<80x128xf32, #tpu.memory_space<vmem>>, vector<16xf32>,
          %get3A_776 = arith.index_cast %add3A_772 : i32 to index
          %get3A_777 = arith.constant 80 : index
          %get3A_778 = tpu.vector_load %arg12[%get3A_776, %get3A_777] {strides = array<i32>} : memref<80x128xf32, #tpu.memory_space<vmem>>, vector<16xf32>,
          %mul3A_779 = arith.mulf %get3A_775, %get3A_778 : vector<16xf32>
          %add3A_780 = arith.addf %add3A_732, %mul3A_779 : vector<16xf32>
          %add3A_781 = arith.constant 4 : i32
          %add3A_782 = arith.addi %mul3A_126, %add3A_781 : i32
          %add3A_783 = arith.constant 2 : i32
          %add3A_784 = arith.addi %add3A_782, %add3A_783 : i32
          %get3A_785 = arith.index_cast %add3A_784 : i32 to index
          %get3A_786 = arith.constant 80 : index
          %get3A_787 = tpu.vector_load %arg9[%get3A_785, %get3A_786] {strides = array<i32>} : memref<80x128xf32, #tpu.memory_space<vmem>>, vector<16xf32>,
          %get3A_788 = arith.index_cast %add3A_784 : i32 to index
          %get3A_789 = arith.constant 80 : index
          %get3A_790 = tpu.vector_load %arg12[%get3A_788, %get3A_789] {strides = array<i32>} : memref<80x128xf32, #tpu.memory_space<vmem>>, vector<16xf32>,
          %mul3A_791 = arith.mulf %get3A_787, %get3A_790 : vector<16xf32>
          %add3A_792 = arith.addf %add3A_744, %mul3A_791 : vector<16xf32>
          %add3A_793 = arith.constant 4 : i32
          %add3A_794 = arith.addi %mul3A_126, %add3A_793 : i32
          %add3A_795 = arith.constant 3 : i32
          %add3A_796 = arith.addi %add3A_794, %add3A_795 : i32
          %get3A_797 = arith.index_cast %add3A_796 : i32 to index
          %get3A_798 = arith.constant 80 : index
          %get3A_799 = tpu.vector_load %arg9[%get3A_797, %get3A_798] {strides = array<i32>} : memref<80x128xf32, #tpu.memory_space<vmem>>, vector<16xf32>,
          %get3A_800 = arith.index_cast %add3A_796 : i32 to index
          %get3A_801 = arith.constant 80 : index
          %get3A_802 = tpu.vector_load %arg12[%get3A_800, %get3A_801] {strides = array<i32>} : memref<80x128xf32, #tpu.memory_space<vmem>>, vector<16xf32>,
          %mul3A_803 = arith.mulf %get3A_799, %get3A_802 : vector<16xf32>
          %add3A_804 = arith.addf %add3A_756, %mul3A_803 : vector<16xf32>
          %add3A_805 = arith.constant 4 : i32
          %add3A_806 = arith.addi %mul3A_126, %add3A_805 : i32
          %add3A_807 = arith.constant 0 : i32
          %add3A_808 = arith.addi %add3A_806, %add3A_807 : i32
          %get3A_809 = arith.index_cast %add3A_808 : i32 to index
          %get3A_810 = arith.constant 96 : index
          %get3A_811 = tpu.vector_load %arg9[%get3A_809, %get3A_810] {strides = array<i32>} : memref<80x128xf32, #tpu.memory_space<vmem>>, vector<16xf32>,
          %get3A_812 = arith.index_cast %add3A_808 : i32 to index
          %get3A_813 = arith.constant 96 : index
          %get3A_814 = tpu.vector_load %arg12[%get3A_812, %get3A_813] {strides = array<i32>} : memref<80x128xf32, #tpu.memory_space<vmem>>, vector<16xf32>,
          %mul3A_815 = arith.mulf %get3A_811, %get3A_814 : vector<16xf32>
          %add3A_816 = arith.addf %add3A_768, %mul3A_815 : vector<16xf32>
          %add3A_817 = arith.constant 4 : i32
          %add3A_818 = arith.addi %mul3A_126, %add3A_817 : i32
          %add3A_819 = arith.constant 1 : i32
          %add3A_820 = arith.addi %add3A_818, %add3A_819 : i32
          %get3A_821 = arith.index_cast %add3A_820 : i32 to index
          %get3A_822 = arith.constant 96 : index
          %get3A_823 = tpu.vector_load %arg9[%get3A_821, %get3A_822] {strides = array<i32>} : memref<80x128xf32, #tpu.memory_space<vmem>>, vector<16xf32>,
          %get3A_824 = arith.index_cast %add3A_820 : i32 to index
          %get3A_825 = arith.constant 96 : index
          %get3A_826 = tpu.vector_load %arg12[%get3A_824, %get3A_825] {strides = array<i32>} : memref<80x128xf32, #tpu.memory_space<vmem>>, vector<16xf32>,
          %mul3A_827 = arith.mulf %get3A_823, %get3A_826 : vector<16xf32>
          %add3A_828 = arith.addf %add3A_780, %mul3A_827 : vector<16xf32>
          %add3A_829 = arith.constant 4 : i32
          %add3A_830 = arith.addi %mul3A_126, %add3A_829 : i32
          %add3A_831 = arith.constant 2 : i32
          %add3A_832 = arith.addi %add3A_830, %add3A_831 : i32
          %get3A_833 = arith.index_cast %add3A_832 : i32 to index
          %get3A_834 = arith.constant 96 : index
          %get3A_835 = tpu.vector_load %arg9[%get3A_833, %get3A_834] {strides = array<i32>} : memref<80x128xf32, #tpu.memory_space<vmem>>, vector<16xf32>,
          %get3A_836 = arith.index_cast %add3A_832 : i32 to index
          %get3A_837 = arith.constant 96 : index
          %get3A_838 = tpu.vector_load %arg12[%get3A_836, %get3A_837] {strides = array<i32>} : memref<80x128xf32, #tpu.memory_space<vmem>>, vector<16xf32>,
          %mul3A_839 = arith.mulf %get3A_835, %get3A_838 : vector<16xf32>
          %add3A_840 = arith.addf %add3A_792, %mul3A_839 : vector<16xf32>
          %add3A_841 = arith.constant 4 : i32
          %add3A_842 = arith.addi %mul3A_126, %add3A_841 : i32
          %add3A_843 = arith.constant 3 : i32
          %add3A_844 = arith.addi %add3A_842, %add3A_843 : i32
          %get3A_845 = arith.index_cast %add3A_844 : i32 to index
          %get3A_846 = arith.constant 96 : index
          %get3A_847 = tpu.vector_load %arg9[%get3A_845, %get3A_846] {strides = array<i32>} : memref<80x128xf32, #tpu.memory_space<vmem>>, vector<16xf32>,
          %get3A_848 = arith.index_cast %add3A_844 : i32 to index
          %get3A_849 = arith.constant 96 : index
          %get3A_850 = tpu.vector_load %arg12[%get3A_848, %get3A_849] {strides = array<i32>} : memref<80x128xf32, #tpu.memory_space<vmem>>, vector<16xf32>,
          %mul3A_851 = arith.mulf %get3A_847, %get3A_850 : vector<16xf32>
          %add3A_852 = arith.addf %add3A_804, %mul3A_851 : vector<16xf32>
          %add3A_853 = arith.constant 4 : i32
          %add3A_854 = arith.addi %mul3A_126, %add3A_853 : i32
          %add3A_855 = arith.constant 0 : i32
          %add3A_856 = arith.addi %add3A_854, %add3A_855 : i32
          %get3A_857 = arith.index_cast %add3A_856 : i32 to index
          %get3A_858 = arith.constant 112 : index
          %get3A_859 = tpu.vector_load %arg9[%get3A_857, %get3A_858] {strides = array<i32>} : memref<80x128xf32, #tpu.memory_space<vmem>>, vector<16xf32>,
          %get3A_860 = arith.index_cast %add3A_856 : i32 to index
          %get3A_861 = arith.constant 112 : index
          %get3A_862 = tpu.vector_load %arg12[%get3A_860, %get3A_861] {strides = array<i32>} : memref<80x128xf32, #tpu.memory_space<vmem>>, vector<16xf32>,
          %mul3A_863 = arith.mulf %get3A_859, %get3A_862 : vector<16xf32>
          %add3A_864 = arith.addf %add3A_816, %mul3A_863 : vector<16xf32>
          %add3A_865 = arith.constant 4 : i32
          %add3A_866 = arith.addi %mul3A_126, %add3A_865 : i32
          %add3A_867 = arith.constant 1 : i32
          %add3A_868 = arith.addi %add3A_866, %add3A_867 : i32
          %get3A_869 = arith.index_cast %add3A_868 : i32 to index
          %get3A_870 = arith.constant 112 : index
          %get3A_871 = tpu.vector_load %arg9[%get3A_869, %get3A_870] {strides = array<i32>} : memref<80x128xf32, #tpu.memory_space<vmem>>, vector<16xf32>,
          %get3A_872 = arith.index_cast %add3A_868 : i32 to index
          %get3A_873 = arith.constant 112 : index
          %get3A_874 = tpu.vector_load %arg12[%get3A_872, %get3A_873] {strides = array<i32>} : memref<80x128xf32, #tpu.memory_space<vmem>>, vector<16xf32>,
          %mul3A_875 = arith.mulf %get3A_871, %get3A_874 : vector<16xf32>
          %add3A_876 = arith.addf %add3A_828, %mul3A_875 : vector<16xf32>
          %add3A_877 = arith.constant 4 : i32
          %add3A_878 = arith.addi %mul3A_126, %add3A_877 : i32
          %add3A_879 = arith.constant 2 : i32
          %add3A_880 = arith.addi %add3A_878, %add3A_879 : i32
          %get3A_881 = arith.index_cast %add3A_880 : i32 to index
          %get3A_882 = arith.constant 112 : index
          %get3A_883 = tpu.vector_load %arg9[%get3A_881, %get3A_882] {strides = array<i32>} : memref<80x128xf32, #tpu.memory_space<vmem>>, vector<16xf32>,
          %get3A_884 = arith.index_cast %add3A_880 : i32 to index
          %get3A_885 = arith.constant 112 : index
          %get3A_886 = tpu.vector_load %arg12[%get3A_884, %get3A_885] {strides = array<i32>} : memref<80x128xf32, #tpu.memory_space<vmem>>, vector<16xf32>,
          %mul3A_887 = arith.mulf %get3A_883, %get3A_886 : vector<16xf32>
          %add3A_888 = arith.addf %add3A_840, %mul3A_887 : vector<16xf32>
          %add3A_889 = arith.constant 4 : i32
          %add3A_890 = arith.addi %mul3A_126, %add3A_889 : i32
          %add3A_891 = arith.constant 3 : i32
          %add3A_892 = arith.addi %add3A_890, %add3A_891 : i32
          %get3A_893 = arith.index_cast %add3A_892 : i32 to index
          %get3A_894 = arith.constant 112 : index
          %get3A_895 = tpu.vector_load %arg9[%get3A_893, %get3A_894] {strides = array<i32>} : memref<80x128xf32, #tpu.memory_space<vmem>>, vector<16xf32>,
          %get3A_896 = arith.index_cast %add3A_892 : i32 to index
          %get3A_897 = arith.constant 112 : index
          %get3A_898 = tpu.vector_load %arg12[%get3A_896, %get3A_897] {strides = array<i32>} : memref<80x128xf32, #tpu.memory_space<vmem>>, vector<16xf32>,
          %mul3A_899 = arith.mulf %get3A_895, %get3A_898 : vector<16xf32>
          %add3A_900 = arith.addf %add3A_852, %mul3A_899 : vector<16xf32>
          %swap3A_901 = arith.constant 4 : i32
          %swap3A_902 = arith.index_cast %swap3A_901 : i32 to index
          %swap3A_903 = arith.constant 0 : index
          %swap3A_904 = tpu.vector_load %arg17[%swap3A_902, %swap3A_903] {strides = array<i32>} : memref<16x16xf32, #tpu.memory_space<vmem>>, vector<16xf32>,
          tpu.vector_store %arg17[%swap3A_902, %swap3A_903], %add3A_864 {strides = array<i32>} : memref<16x16xf32, #tpu.memory_space<vmem>>, vector<16xf32>,
          %swap3A_905 = arith.constant 5 : i32
          %swap3A_906 = arith.index_cast %swap3A_905 : i32 to index
          %swap3A_907 = arith.constant 0 : index
          %swap3A_908 = tpu.vector_load %arg17[%swap3A_906, %swap3A_907] {strides = array<i32>} : memref<16x16xf32, #tpu.memory_space<vmem>>, vector<16xf32>,
          tpu.vector_store %arg17[%swap3A_906, %swap3A_907], %add3A_876 {strides = array<i32>} : memref<16x16xf32, #tpu.memory_space<vmem>>, vector<16xf32>,
          %swap3A_909 = arith.constant 6 : i32
          %swap3A_910 = arith.index_cast %swap3A_909 : i32 to index
          %swap3A_911 = arith.constant 0 : index
          %swap3A_912 = tpu.vector_load %arg17[%swap3A_910, %swap3A_911] {strides = array<i32>} : memref<16x16xf32, #tpu.memory_space<vmem>>, vector<16xf32>,
          tpu.vector_store %arg17[%swap3A_910, %swap3A_911], %add3A_888 {strides = array<i32>} : memref<16x16xf32, #tpu.memory_space<vmem>>, vector<16xf32>,
          %swap3A_913 = arith.constant 7 : i32
          %swap3A_914 = arith.index_cast %swap3A_913 : i32 to index
          %swap3A_915 = arith.constant 0 : index
          %swap3A_916 = tpu.vector_load %arg17[%swap3A_914, %swap3A_915] {strides = array<i32>} : memref<16x16xf32, #tpu.memory_space<vmem>>, vector<16xf32>,
          tpu.vector_store %arg17[%swap3A_914, %swap3A_915], %add3A_900 {strides = array<i32>} : memref<16x16xf32, #tpu.memory_space<vmem>>, vector<16xf32>,
          %add3A_917 = arith.constant 8 : i32
          %add3A_918 = arith.addi %mul3A_126, %add3A_917 : i32
          %add3A_919 = arith.constant 0 : i32
          %add3A_920 = arith.addi %add3A_918, %add3A_919 : i32
          %get3A_921 = arith.index_cast %add3A_920 : i32 to index
          %get3A_922 = arith.constant 0 : index
          %get3A_923 = tpu.vector_load %arg9[%get3A_921, %get3A_922] {strides = array<i32>} : memref<80x128xf32, #tpu.memory_space<vmem>>, vector<16xf32>,
          %get3A_924 = arith.index_cast %add3A_920 : i32 to index
          %get3A_925 = arith.constant 0 : index
          %get3A_926 = tpu.vector_load %arg12[%get3A_924, %get3A_925] {strides = array<i32>} : memref<80x128xf32, #tpu.memory_space<vmem>>, vector<16xf32>,
          %mul3A_927 = arith.mulf %get3A_923, %get3A_926 : vector<16xf32>
          %add3A_928 = arith.constant 8 : i32
          %add3A_929 = arith.addi %mul3A_126, %add3A_928 : i32
          %add3A_930 = arith.constant 1 : i32
          %add3A_931 = arith.addi %add3A_929, %add3A_930 : i32
          %get3A_932 = arith.index_cast %add3A_931 : i32 to index
          %get3A_933 = arith.constant 0 : index
          %get3A_934 = tpu.vector_load %arg9[%get3A_932, %get3A_933] {strides = array<i32>} : memref<80x128xf32, #tpu.memory_space<vmem>>, vector<16xf32>,
          %get3A_935 = arith.index_cast %add3A_931 : i32 to index
          %get3A_936 = arith.constant 0 : index
          %get3A_937 = tpu.vector_load %arg12[%get3A_935, %get3A_936] {strides = array<i32>} : memref<80x128xf32, #tpu.memory_space<vmem>>, vector<16xf32>,
          %mul3A_938 = arith.mulf %get3A_934, %get3A_937 : vector<16xf32>
          %add3A_939 = arith.constant 8 : i32
          %add3A_940 = arith.addi %mul3A_126, %add3A_939 : i32
          %add3A_941 = arith.constant 2 : i32
          %add3A_942 = arith.addi %add3A_940, %add3A_941 : i32
          %get3A_943 = arith.index_cast %add3A_942 : i32 to index
          %get3A_944 = arith.constant 0 : index
          %get3A_945 = tpu.vector_load %arg9[%get3A_943, %get3A_944] {strides = array<i32>} : memref<80x128xf32, #tpu.memory_space<vmem>>, vector<16xf32>,
          %get3A_946 = arith.index_cast %add3A_942 : i32 to index
          %get3A_947 = arith.constant 0 : index
          %get3A_948 = tpu.vector_load %arg12[%get3A_946, %get3A_947] {strides = array<i32>} : memref<80x128xf32, #tpu.memory_space<vmem>>, vector<16xf32>,
          %mul3A_949 = arith.mulf %get3A_945, %get3A_948 : vector<16xf32>
          %add3A_950 = arith.constant 8 : i32
          %add3A_951 = arith.addi %mul3A_126, %add3A_950 : i32
          %add3A_952 = arith.constant 3 : i32
          %add3A_953 = arith.addi %add3A_951, %add3A_952 : i32
          %get3A_954 = arith.index_cast %add3A_953 : i32 to index
          %get3A_955 = arith.constant 0 : index
          %get3A_956 = tpu.vector_load %arg9[%get3A_954, %get3A_955] {strides = array<i32>} : memref<80x128xf32, #tpu.memory_space<vmem>>, vector<16xf32>,
          %get3A_957 = arith.index_cast %add3A_953 : i32 to index
          %get3A_958 = arith.constant 0 : index
          %get3A_959 = tpu.vector_load %arg12[%get3A_957, %get3A_958] {strides = array<i32>} : memref<80x128xf32, #tpu.memory_space<vmem>>, vector<16xf32>,
          %mul3A_960 = arith.mulf %get3A_956, %get3A_959 : vector<16xf32>
          %add3A_961 = arith.constant 8 : i32
          %add3A_962 = arith.addi %mul3A_126, %add3A_961 : i32
          %add3A_963 = arith.constant 0 : i32
          %add3A_964 = arith.addi %add3A_962, %add3A_963 : i32
          %get3A_965 = arith.index_cast %add3A_964 : i32 to index
          %get3A_966 = arith.constant 16 : index
          %get3A_967 = tpu.vector_load %arg9[%get3A_965, %get3A_966] {strides = array<i32>} : memref<80x128xf32, #tpu.memory_space<vmem>>, vector<16xf32>,
          %get3A_968 = arith.index_cast %add3A_964 : i32 to index
          %get3A_969 = arith.constant 16 : index
          %get3A_970 = tpu.vector_load %arg12[%get3A_968, %get3A_969] {strides = array<i32>} : memref<80x128xf32, #tpu.memory_space<vmem>>, vector<16xf32>,
          %mul3A_971 = arith.mulf %get3A_967, %get3A_970 : vector<16xf32>
          %add3A_972 = arith.addf %mul3A_927, %mul3A_971 : vector<16xf32>
          %add3A_973 = arith.constant 8 : i32
          %add3A_974 = arith.addi %mul3A_126, %add3A_973 : i32
          %add3A_975 = arith.constant 1 : i32
          %add3A_976 = arith.addi %add3A_974, %add3A_975 : i32
          %get3A_977 = arith.index_cast %add3A_976 : i32 to index
          %get3A_978 = arith.constant 16 : index
          %get3A_979 = tpu.vector_load %arg9[%get3A_977, %get3A_978] {strides = array<i32>} : memref<80x128xf32, #tpu.memory_space<vmem>>, vector<16xf32>,
          %get3A_980 = arith.index_cast %add3A_976 : i32 to index
          %get3A_981 = arith.constant 16 : index
          %get3A_982 = tpu.vector_load %arg12[%get3A_980, %get3A_981] {strides = array<i32>} : memref<80x128xf32, #tpu.memory_space<vmem>>, vector<16xf32>,
          %mul3A_983 = arith.mulf %get3A_979, %get3A_982 : vector<16xf32>
          %add3A_984 = arith.addf %mul3A_938, %mul3A_983 : vector<16xf32>
          %add3A_985 = arith.constant 8 : i32
          %add3A_986 = arith.addi %mul3A_126, %add3A_985 : i32
          %add3A_987 = arith.constant 2 : i32
          %add3A_988 = arith.addi %add3A_986, %add3A_987 : i32
          %get3A_989 = arith.index_cast %add3A_988 : i32 to index
          %get3A_990 = arith.constant 16 : index
          %get3A_991 = tpu.vector_load %arg9[%get3A_989, %get3A_990] {strides = array<i32>} : memref<80x128xf32, #tpu.memory_space<vmem>>, vector<16xf32>,
          %get3A_992 = arith.index_cast %add3A_988 : i32 to index
          %get3A_993 = arith.constant 16 : index
          %get3A_994 = tpu.vector_load %arg12[%get3A_992, %get3A_993] {strides = array<i32>} : memref<80x128xf32, #tpu.memory_space<vmem>>, vector<16xf32>,
          %mul3A_995 = arith.mulf %get3A_991, %get3A_994 : vector<16xf32>
          %add3A_996 = arith.addf %mul3A_949, %mul3A_995 : vector<16xf32>
          %add3A_997 = arith.constant 8 : i32
          %add3A_998 = arith.addi %mul3A_126, %add3A_997 : i32
          %add3A_999 = arith.constant 3 : i32
          %add3A_1000 = arith.addi %add3A_998, %add3A_999 : i32
          %get3A_1001 = arith.index_cast %add3A_1000 : i32 to index
          %get3A_1002 = arith.constant 16 : index
          %get3A_1003 = tpu.vector_load %arg9[%get3A_1001, %get3A_1002] {strides = array<i32>} : memref<80x128xf32, #tpu.memory_space<vmem>>, vector<16xf32>,
          %get3A_1004 = arith.index_cast %add3A_1000 : i32 to index
          %get3A_1005 = arith.constant 16 : index
          %get3A_1006 = tpu.vector_load %arg12[%get3A_1004, %get3A_1005] {strides = array<i32>} : memref<80x128xf32, #tpu.memory_space<vmem>>, vector<16xf32>,
          %mul3A_1007 = arith.mulf %get3A_1003, %get3A_1006 : vector<16xf32>
          %add3A_1008 = arith.addf %mul3A_960, %mul3A_1007 : vector<16xf32>
          %add3A_1009 = arith.constant 8 : i32
          %add3A_1010 = arith.addi %mul3A_126, %add3A_1009 : i32
          %add3A_1011 = arith.constant 0 : i32
          %add3A_1012 = arith.addi %add3A_1010, %add3A_1011 : i32
          %get3A_1013 = arith.index_cast %add3A_1012 : i32 to index
          %get3A_1014 = arith.constant 32 : index
          %get3A_1015 = tpu.vector_load %arg9[%get3A_1013, %get3A_1014] {strides = array<i32>} : memref<80x128xf32, #tpu.memory_space<vmem>>, vector<16xf32>,
          %get3A_1016 = arith.index_cast %add3A_1012 : i32 to index
          %get3A_1017 = arith.constant 32 : index
          %get3A_1018 = tpu.vector_load %arg12[%get3A_1016, %get3A_1017] {strides = array<i32>} : memref<80x128xf32, #tpu.memory_space<vmem>>, vector<16xf32>,
          %mul3A_1019 = arith.mulf %get3A_1015, %get3A_1018 : vector<16xf32>
          %add3A_1020 = arith.addf %add3A_972, %mul3A_1019 : vector<16xf32>
          %add3A_1021 = arith.constant 8 : i32
          %add3A_1022 = arith.addi %mul3A_126, %add3A_1021 : i32
          %add3A_1023 = arith.constant 1 : i32
          %add3A_1024 = arith.addi %add3A_1022, %add3A_1023 : i32
          %get3A_1025 = arith.index_cast %add3A_1024 : i32 to index
          %get3A_1026 = arith.constant 32 : index
          %get3A_1027 = tpu.vector_load %arg9[%get3A_1025, %get3A_1026] {strides = array<i32>} : memref<80x128xf32, #tpu.memory_space<vmem>>, vector<16xf32>,
          %get3A_1028 = arith.index_cast %add3A_1024 : i32 to index
          %get3A_1029 = arith.constant 32 : index
          %get3A_1030 = tpu.vector_load %arg12[%get3A_1028, %get3A_1029] {strides = array<i32>} : memref<80x128xf32, #tpu.memory_space<vmem>>, vector<16xf32>,
          %mul3A_1031 = arith.mulf %get3A_1027, %get3A_1030 : vector<16xf32>
          %add3A_1032 = arith.addf %add3A_984, %mul3A_1031 : vector<16xf32>
          %add3A_1033 = arith.constant 8 : i32
          %add3A_1034 = arith.addi %mul3A_126, %add3A_1033 : i32
          %add3A_1035 = arith.constant 2 : i32
          %add3A_1036 = arith.addi %add3A_1034, %add3A_1035 : i32
          %get3A_1037 = arith.index_cast %add3A_1036 : i32 to index
          %get3A_1038 = arith.constant 32 : index
          %get3A_1039 = tpu.vector_load %arg9[%get3A_1037, %get3A_1038] {strides = array<i32>} : memref<80x128xf32, #tpu.memory_space<vmem>>, vector<16xf32>,
          %get3A_1040 = arith.index_cast %add3A_1036 : i32 to index
          %get3A_1041 = arith.constant 32 : index
          %get3A_1042 = tpu.vector_load %arg12[%get3A_1040, %get3A_1041] {strides = array<i32>} : memref<80x128xf32, #tpu.memory_space<vmem>>, vector<16xf32>,
          %mul3A_1043 = arith.mulf %get3A_1039, %get3A_1042 : vector<16xf32>
          %add3A_1044 = arith.addf %add3A_996, %mul3A_1043 : vector<16xf32>
          %add3A_1045 = arith.constant 8 : i32
          %add3A_1046 = arith.addi %mul3A_126, %add3A_1045 : i32
          %add3A_1047 = arith.constant 3 : i32
          %add3A_1048 = arith.addi %add3A_1046, %add3A_1047 : i32
          %get3A_1049 = arith.index_cast %add3A_1048 : i32 to index
          %get3A_1050 = arith.constant 32 : index
          %get3A_1051 = tpu.vector_load %arg9[%get3A_1049, %get3A_1050] {strides = array<i32>} : memref<80x128xf32, #tpu.memory_space<vmem>>, vector<16xf32>,
          %get3A_1052 = arith.index_cast %add3A_1048 : i32 to index
          %get3A_1053 = arith.constant 32 : index
          %get3A_1054 = tpu.vector_load %arg12[%get3A_1052, %get3A_1053] {strides = array<i32>} : memref<80x128xf32, #tpu.memory_space<vmem>>, vector<16xf32>,
          %mul3A_1055 = arith.mulf %get3A_1051, %get3A_1054 : vector<16xf32>
          %add3A_1056 = arith.addf %add3A_1008, %mul3A_1055 : vector<16xf32>
          %add3A_1057 = arith.constant 8 : i32
          %add3A_1058 = arith.addi %mul3A_126, %add3A_1057 : i32
          %add3A_1059 = arith.constant 0 : i32
          %add3A_1060 = arith.addi %add3A_1058, %add3A_1059 : i32
          %get3A_1061 = arith.index_cast %add3A_1060 : i32 to index
          %get3A_1062 = arith.constant 48 : index
          %get3A_1063 = tpu.vector_load %arg9[%get3A_1061, %get3A_1062] {strides = array<i32>} : memref<80x128xf32, #tpu.memory_space<vmem>>, vector<16xf32>,
          %get3A_1064 = arith.index_cast %add3A_1060 : i32 to index
          %get3A_1065 = arith.constant 48 : index
          %get3A_1066 = tpu.vector_load %arg12[%get3A_1064, %get3A_1065] {strides = array<i32>} : memref<80x128xf32, #tpu.memory_space<vmem>>, vector<16xf32>,
          %mul3A_1067 = arith.mulf %get3A_1063, %get3A_1066 : vector<16xf32>
          %add3A_1068 = arith.addf %add3A_1020, %mul3A_1067 : vector<16xf32>
          %add3A_1069 = arith.constant 8 : i32
          %add3A_1070 = arith.addi %mul3A_126, %add3A_1069 : i32
          %add3A_1071 = arith.constant 1 : i32
          %add3A_1072 = arith.addi %add3A_1070, %add3A_1071 : i32
          %get3A_1073 = arith.index_cast %add3A_1072 : i32 to index
          %get3A_1074 = arith.constant 48 : index
          %get3A_1075 = tpu.vector_load %arg9[%get3A_1073, %get3A_1074] {strides = array<i32>} : memref<80x128xf32, #tpu.memory_space<vmem>>, vector<16xf32>,
          %get3A_1076 = arith.index_cast %add3A_1072 : i32 to index
          %get3A_1077 = arith.constant 48 : index
          %get3A_1078 = tpu.vector_load %arg12[%get3A_1076, %get3A_1077] {strides = array<i32>} : memref<80x128xf32, #tpu.memory_space<vmem>>, vector<16xf32>,
          %mul3A_1079 = arith.mulf %get3A_1075, %get3A_1078 : vector<16xf32>
          %add3A_1080 = arith.addf %add3A_1032, %mul3A_1079 : vector<16xf32>
          %add3A_1081 = arith.constant 8 : i32
          %add3A_1082 = arith.addi %mul3A_126, %add3A_1081 : i32
          %add3A_1083 = arith.constant 2 : i32
          %add3A_1084 = arith.addi %add3A_1082, %add3A_1083 : i32
          %get3A_1085 = arith.index_cast %add3A_1084 : i32 to index
          %get3A_1086 = arith.constant 48 : index
          %get3A_1087 = tpu.vector_load %arg9[%get3A_1085, %get3A_1086] {strides = array<i32>} : memref<80x128xf32, #tpu.memory_space<vmem>>, vector<16xf32>,
          %get3A_1088 = arith.index_cast %add3A_1084 : i32 to index
          %get3A_1089 = arith.constant 48 : index
          %get3A_1090 = tpu.vector_load %arg12[%get3A_1088, %get3A_1089] {strides = array<i32>} : memref<80x128xf32, #tpu.memory_space<vmem>>, vector<16xf32>,
          %mul3A_1091 = arith.mulf %get3A_1087, %get3A_1090 : vector<16xf32>
          %add3A_1092 = arith.addf %add3A_1044, %mul3A_1091 : vector<16xf32>
          %add3A_1093 = arith.constant 8 : i32
          %add3A_1094 = arith.addi %mul3A_126, %add3A_1093 : i32
          %add3A_1095 = arith.constant 3 : i32
          %add3A_1096 = arith.addi %add3A_1094, %add3A_1095 : i32
          %get3A_1097 = arith.index_cast %add3A_1096 : i32 to index
          %get3A_1098 = arith.constant 48 : index
          %get3A_1099 = tpu.vector_load %arg9[%get3A_1097, %get3A_1098] {strides = array<i32>} : memref<80x128xf32, #tpu.memory_space<vmem>>, vector<16xf32>,
          %get3A_1100 = arith.index_cast %add3A_1096 : i32 to index
          %get3A_1101 = arith.constant 48 : index
          %get3A_1102 = tpu.vector_load %arg12[%get3A_1100, %get3A_1101] {strides = array<i32>} : memref<80x128xf32, #tpu.memory_space<vmem>>, vector<16xf32>,
          %mul3A_1103 = arith.mulf %get3A_1099, %get3A_1102 : vector<16xf32>
          %add3A_1104 = arith.addf %add3A_1056, %mul3A_1103 : vector<16xf32>
          %add3A_1105 = arith.constant 8 : i32
          %add3A_1106 = arith.addi %mul3A_126, %add3A_1105 : i32
          %add3A_1107 = arith.constant 0 : i32
          %add3A_1108 = arith.addi %add3A_1106, %add3A_1107 : i32
          %get3A_1109 = arith.index_cast %add3A_1108 : i32 to index
          %get3A_1110 = arith.constant 64 : index
          %get3A_1111 = tpu.vector_load %arg9[%get3A_1109, %get3A_1110] {strides = array<i32>} : memref<80x128xf32, #tpu.memory_space<vmem>>, vector<16xf32>,
          %get3A_1112 = arith.index_cast %add3A_1108 : i32 to index
          %get3A_1113 = arith.constant 64 : index
          %get3A_1114 = tpu.vector_load %arg12[%get3A_1112, %get3A_1113] {strides = array<i32>} : memref<80x128xf32, #tpu.memory_space<vmem>>, vector<16xf32>,
          %mul3A_1115 = arith.mulf %get3A_1111, %get3A_1114 : vector<16xf32>
          %add3A_1116 = arith.addf %add3A_1068, %mul3A_1115 : vector<16xf32>
          %add3A_1117 = arith.constant 8 : i32
          %add3A_1118 = arith.addi %mul3A_126, %add3A_1117 : i32
          %add3A_1119 = arith.constant 1 : i32
          %add3A_1120 = arith.addi %add3A_1118, %add3A_1119 : i32
          %get3A_1121 = arith.index_cast %add3A_1120 : i32 to index
          %get3A_1122 = arith.constant 64 : index
          %get3A_1123 = tpu.vector_load %arg9[%get3A_1121, %get3A_1122] {strides = array<i32>} : memref<80x128xf32, #tpu.memory_space<vmem>>, vector<16xf32>,
          %get3A_1124 = arith.index_cast %add3A_1120 : i32 to index
          %get3A_1125 = arith.constant 64 : index
          %get3A_1126 = tpu.vector_load %arg12[%get3A_1124, %get3A_1125] {strides = array<i32>} : memref<80x128xf32, #tpu.memory_space<vmem>>, vector<16xf32>,
          %mul3A_1127 = arith.mulf %get3A_1123, %get3A_1126 : vector<16xf32>
          %add3A_1128 = arith.addf %add3A_1080, %mul3A_1127 : vector<16xf32>
          %add3A_1129 = arith.constant 8 : i32
          %add3A_1130 = arith.addi %mul3A_126, %add3A_1129 : i32
          %add3A_1131 = arith.constant 2 : i32
          %add3A_1132 = arith.addi %add3A_1130, %add3A_1131 : i32
          %get3A_1133 = arith.index_cast %add3A_1132 : i32 to index
          %get3A_1134 = arith.constant 64 : index
          %get3A_1135 = tpu.vector_load %arg9[%get3A_1133, %get3A_1134] {strides = array<i32>} : memref<80x128xf32, #tpu.memory_space<vmem>>, vector<16xf32>,
          %get3A_1136 = arith.index_cast %add3A_1132 : i32 to index
          %get3A_1137 = arith.constant 64 : index
          %get3A_1138 = tpu.vector_load %arg12[%get3A_1136, %get3A_1137] {strides = array<i32>} : memref<80x128xf32, #tpu.memory_space<vmem>>, vector<16xf32>,
          %mul3A_1139 = arith.mulf %get3A_1135, %get3A_1138 : vector<16xf32>
          %add3A_1140 = arith.addf %add3A_1092, %mul3A_1139 : vector<16xf32>
          %add3A_1141 = arith.constant 8 : i32
          %add3A_1142 = arith.addi %mul3A_126, %add3A_1141 : i32
          %add3A_1143 = arith.constant 3 : i32
          %add3A_1144 = arith.addi %add3A_1142, %add3A_1143 : i32
          %get3A_1145 = arith.index_cast %add3A_1144 : i32 to index
          %get3A_1146 = arith.constant 64 : index
          %get3A_1147 = tpu.vector_load %arg9[%get3A_1145, %get3A_1146] {strides = array<i32>} : memref<80x128xf32, #tpu.memory_space<vmem>>, vector<16xf32>,
          %get3A_1148 = arith.index_cast %add3A_1144 : i32 to index
          %get3A_1149 = arith.constant 64 : index
          %get3A_1150 = tpu.vector_load %arg12[%get3A_1148, %get3A_1149] {strides = array<i32>} : memref<80x128xf32, #tpu.memory_space<vmem>>, vector<16xf32>,
          %mul3A_1151 = arith.mulf %get3A_1147, %get3A_1150 : vector<16xf32>
          %add3A_1152 = arith.addf %add3A_1104, %mul3A_1151 : vector<16xf32>
          %add3A_1153 = arith.constant 8 : i32
          %add3A_1154 = arith.addi %mul3A_126, %add3A_1153 : i32
          %add3A_1155 = arith.constant 0 : i32
          %add3A_1156 = arith.addi %add3A_1154, %add3A_1155 : i32
          %get3A_1157 = arith.index_cast %add3A_1156 : i32 to index
          %get3A_1158 = arith.constant 80 : index
          %get3A_1159 = tpu.vector_load %arg9[%get3A_1157, %get3A_1158] {strides = array<i32>} : memref<80x128xf32, #tpu.memory_space<vmem>>, vector<16xf32>,
          %get3A_1160 = arith.index_cast %add3A_1156 : i32 to index
          %get3A_1161 = arith.constant 80 : index
          %get3A_1162 = tpu.vector_load %arg12[%get3A_1160, %get3A_1161] {strides = array<i32>} : memref<80x128xf32, #tpu.memory_space<vmem>>, vector<16xf32>,
          %mul3A_1163 = arith.mulf %get3A_1159, %get3A_1162 : vector<16xf32>
          %add3A_1164 = arith.addf %add3A_1116, %mul3A_1163 : vector<16xf32>
          %add3A_1165 = arith.constant 8 : i32
          %add3A_1166 = arith.addi %mul3A_126, %add3A_1165 : i32
          %add3A_1167 = arith.constant 1 : i32
          %add3A_1168 = arith.addi %add3A_1166, %add3A_1167 : i32
          %get3A_1169 = arith.index_cast %add3A_1168 : i32 to index
          %get3A_1170 = arith.constant 80 : index
          %get3A_1171 = tpu.vector_load %arg9[%get3A_1169, %get3A_1170] {strides = array<i32>} : memref<80x128xf32, #tpu.memory_space<vmem>>, vector<16xf32>,
          %get3A_1172 = arith.index_cast %add3A_1168 : i32 to index
          %get3A_1173 = arith.constant 80 : index
          %get3A_1174 = tpu.vector_load %arg12[%get3A_1172, %get3A_1173] {strides = array<i32>} : memref<80x128xf32, #tpu.memory_space<vmem>>, vector<16xf32>,
          %mul3A_1175 = arith.mulf %get3A_1171, %get3A_1174 : vector<16xf32>
          %add3A_1176 = arith.addf %add3A_1128, %mul3A_1175 : vector<16xf32>
          %add3A_1177 = arith.constant 8 : i32
          %add3A_1178 = arith.addi %mul3A_126, %add3A_1177 : i32
          %add3A_1179 = arith.constant 2 : i32
          %add3A_1180 = arith.addi %add3A_1178, %add3A_1179 : i32
          %get3A_1181 = arith.index_cast %add3A_1180 : i32 to index
          %get3A_1182 = arith.constant 80 : index
          %get3A_1183 = tpu.vector_load %arg9[%get3A_1181, %get3A_1182] {strides = array<i32>} : memref<80x128xf32, #tpu.memory_space<vmem>>, vector<16xf32>,
          %get3A_1184 = arith.index_cast %add3A_1180 : i32 to index
          %get3A_1185 = arith.constant 80 : index
          %get3A_1186 = tpu.vector_load %arg12[%get3A_1184, %get3A_1185] {strides = array<i32>} : memref<80x128xf32, #tpu.memory_space<vmem>>, vector<16xf32>,
          %mul3A_1187 = arith.mulf %get3A_1183, %get3A_1186 : vector<16xf32>
          %add3A_1188 = arith.addf %add3A_1140, %mul3A_1187 : vector<16xf32>
          %add3A_1189 = arith.constant 8 : i32
          %add3A_1190 = arith.addi %mul3A_126, %add3A_1189 : i32
          %add3A_1191 = arith.constant 3 : i32
          %add3A_1192 = arith.addi %add3A_1190, %add3A_1191 : i32
          %get3A_1193 = arith.index_cast %add3A_1192 : i32 to index
          %get3A_1194 = arith.constant 80 : index
          %get3A_1195 = tpu.vector_load %arg9[%get3A_1193, %get3A_1194] {strides = array<i32>} : memref<80x128xf32, #tpu.memory_space<vmem>>, vector<16xf32>,
          %get3A_1196 = arith.index_cast %add3A_1192 : i32 to index
          %get3A_1197 = arith.constant 80 : index
          %get3A_1198 = tpu.vector_load %arg12[%get3A_1196, %get3A_1197] {strides = array<i32>} : memref<80x128xf32, #tpu.memory_space<vmem>>, vector<16xf32>,
          %mul3A_1199 = arith.mulf %get3A_1195, %get3A_1198 : vector<16xf32>
          %add3A_1200 = arith.addf %add3A_1152, %mul3A_1199 : vector<16xf32>
          %add3A_1201 = arith.constant 8 : i32
          %add3A_1202 = arith.addi %mul3A_126, %add3A_1201 : i32
          %add3A_1203 = arith.constant 0 : i32
          %add3A_1204 = arith.addi %add3A_1202, %add3A_1203 : i32
          %get3A_1205 = arith.index_cast %add3A_1204 : i32 to index
          %get3A_1206 = arith.constant 96 : index
          %get3A_1207 = tpu.vector_load %arg9[%get3A_1205, %get3A_1206] {strides = array<i32>} : memref<80x128xf32, #tpu.memory_space<vmem>>, vector<16xf32>,
          %get3A_1208 = arith.index_cast %add3A_1204 : i32 to index
          %get3A_1209 = arith.constant 96 : index
          %get3A_1210 = tpu.vector_load %arg12[%get3A_1208, %get3A_1209] {strides = array<i32>} : memref<80x128xf32, #tpu.memory_space<vmem>>, vector<16xf32>,
          %mul3A_1211 = arith.mulf %get3A_1207, %get3A_1210 : vector<16xf32>
          %add3A_1212 = arith.addf %add3A_1164, %mul3A_1211 : vector<16xf32>
          %add3A_1213 = arith.constant 8 : i32
          %add3A_1214 = arith.addi %mul3A_126, %add3A_1213 : i32
          %add3A_1215 = arith.constant 1 : i32
          %add3A_1216 = arith.addi %add3A_1214, %add3A_1215 : i32
          %get3A_1217 = arith.index_cast %add3A_1216 : i32 to index
          %get3A_1218 = arith.constant 96 : index
          %get3A_1219 = tpu.vector_load %arg9[%get3A_1217, %get3A_1218] {strides = array<i32>} : memref<80x128xf32, #tpu.memory_space<vmem>>, vector<16xf32>,
          %get3A_1220 = arith.index_cast %add3A_1216 : i32 to index
          %get3A_1221 = arith.constant 96 : index
          %get3A_1222 = tpu.vector_load %arg12[%get3A_1220, %get3A_1221] {strides = array<i32>} : memref<80x128xf32, #tpu.memory_space<vmem>>, vector<16xf32>,
          %mul3A_1223 = arith.mulf %get3A_1219, %get3A_1222 : vector<16xf32>
          %add3A_1224 = arith.addf %add3A_1176, %mul3A_1223 : vector<16xf32>
          %add3A_1225 = arith.constant 8 : i32
          %add3A_1226 = arith.addi %mul3A_126, %add3A_1225 : i32
          %add3A_1227 = arith.constant 2 : i32
          %add3A_1228 = arith.addi %add3A_1226, %add3A_1227 : i32
          %get3A_1229 = arith.index_cast %add3A_1228 : i32 to index
          %get3A_1230 = arith.constant 96 : index
          %get3A_1231 = tpu.vector_load %arg9[%get3A_1229, %get3A_1230] {strides = array<i32>} : memref<80x128xf32, #tpu.memory_space<vmem>>, vector<16xf32>,
          %get3A_1232 = arith.index_cast %add3A_1228 : i32 to index
          %get3A_1233 = arith.constant 96 : index
          %get3A_1234 = tpu.vector_load %arg12[%get3A_1232, %get3A_1233] {strides = array<i32>} : memref<80x128xf32, #tpu.memory_space<vmem>>, vector<16xf32>,
          %mul3A_1235 = arith.mulf %get3A_1231, %get3A_1234 : vector<16xf32>
          %add3A_1236 = arith.addf %add3A_1188, %mul3A_1235 : vector<16xf32>
          %add3A_1237 = arith.constant 8 : i32
          %add3A_1238 = arith.addi %mul3A_126, %add3A_1237 : i32
          %add3A_1239 = arith.constant 3 : i32
          %add3A_1240 = arith.addi %add3A_1238, %add3A_1239 : i32
          %get3A_1241 = arith.index_cast %add3A_1240 : i32 to index
          %get3A_1242 = arith.constant 96 : index
          %get3A_1243 = tpu.vector_load %arg9[%get3A_1241, %get3A_1242] {strides = array<i32>} : memref<80x128xf32, #tpu.memory_space<vmem>>, vector<16xf32>,
          %get3A_1244 = arith.index_cast %add3A_1240 : i32 to index
          %get3A_1245 = arith.constant 96 : index
          %get3A_1246 = tpu.vector_load %arg12[%get3A_1244, %get3A_1245] {strides = array<i32>} : memref<80x128xf32, #tpu.memory_space<vmem>>, vector<16xf32>,
          %mul3A_1247 = arith.mulf %get3A_1243, %get3A_1246 : vector<16xf32>
          %add3A_1248 = arith.addf %add3A_1200, %mul3A_1247 : vector<16xf32>
          %add3A_1249 = arith.constant 8 : i32
          %add3A_1250 = arith.addi %mul3A_126, %add3A_1249 : i32
          %add3A_1251 = arith.constant 0 : i32
          %add3A_1252 = arith.addi %add3A_1250, %add3A_1251 : i32
          %get3A_1253 = arith.index_cast %add3A_1252 : i32 to index
          %get3A_1254 = arith.constant 112 : index
          %get3A_1255 = tpu.vector_load %arg9[%get3A_1253, %get3A_1254] {strides = array<i32>} : memref<80x128xf32, #tpu.memory_space<vmem>>, vector<16xf32>,
          %get3A_1256 = arith.index_cast %add3A_1252 : i32 to index
          %get3A_1257 = arith.constant 112 : index
          %get3A_1258 = tpu.vector_load %arg12[%get3A_1256, %get3A_1257] {strides = array<i32>} : memref<80x128xf32, #tpu.memory_space<vmem>>, vector<16xf32>,
          %mul3A_1259 = arith.mulf %get3A_1255, %get3A_1258 : vector<16xf32>
          %add3A_1260 = arith.addf %add3A_1212, %mul3A_1259 : vector<16xf32>
          %add3A_1261 = arith.constant 8 : i32
          %add3A_1262 = arith.addi %mul3A_126, %add3A_1261 : i32
          %add3A_1263 = arith.constant 1 : i32
          %add3A_1264 = arith.addi %add3A_1262, %add3A_1263 : i32
          %get3A_1265 = arith.index_cast %add3A_1264 : i32 to index
          %get3A_1266 = arith.constant 112 : index
          %get3A_1267 = tpu.vector_load %arg9[%get3A_1265, %get3A_1266] {strides = array<i32>} : memref<80x128xf32, #tpu.memory_space<vmem>>, vector<16xf32>,
          %get3A_1268 = arith.index_cast %add3A_1264 : i32 to index
          %get3A_1269 = arith.constant 112 : index
          %get3A_1270 = tpu.vector_load %arg12[%get3A_1268, %get3A_1269] {strides = array<i32>} : memref<80x128xf32, #tpu.memory_space<vmem>>, vector<16xf32>,
          %mul3A_1271 = arith.mulf %get3A_1267, %get3A_1270 : vector<16xf32>
          %add3A_1272 = arith.addf %add3A_1224, %mul3A_1271 : vector<16xf32>
          %add3A_1273 = arith.constant 8 : i32
          %add3A_1274 = arith.addi %mul3A_126, %add3A_1273 : i32
          %add3A_1275 = arith.constant 2 : i32
          %add3A_1276 = arith.addi %add3A_1274, %add3A_1275 : i32
          %get3A_1277 = arith.index_cast %add3A_1276 : i32 to index
          %get3A_1278 = arith.constant 112 : index
          %get3A_1279 = tpu.vector_load %arg9[%get3A_1277, %get3A_1278] {strides = array<i32>} : memref<80x128xf32, #tpu.memory_space<vmem>>, vector<16xf32>,
          %get3A_1280 = arith.index_cast %add3A_1276 : i32 to index
          %get3A_1281 = arith.constant 112 : index
          %get3A_1282 = tpu.vector_load %arg12[%get3A_1280, %get3A_1281] {strides = array<i32>} : memref<80x128xf32, #tpu.memory_space<vmem>>, vector<16xf32>,
          %mul3A_1283 = arith.mulf %get3A_1279, %get3A_1282 : vector<16xf32>
          %add3A_1284 = arith.addf %add3A_1236, %mul3A_1283 : vector<16xf32>
          %add3A_1285 = arith.constant 8 : i32
          %add3A_1286 = arith.addi %mul3A_126, %add3A_1285 : i32
          %add3A_1287 = arith.constant 3 : i32
          %add3A_1288 = arith.addi %add3A_1286, %add3A_1287 : i32
          %get3A_1289 = arith.index_cast %add3A_1288 : i32 to index
          %get3A_1290 = arith.constant 112 : index
          %get3A_1291 = tpu.vector_load %arg9[%get3A_1289, %get3A_1290] {strides = array<i32>} : memref<80x128xf32, #tpu.memory_space<vmem>>, vector<16xf32>,
          %get3A_1292 = arith.index_cast %add3A_1288 : i32 to index
          %get3A_1293 = arith.constant 112 : index
          %get3A_1294 = tpu.vector_load %arg12[%get3A_1292, %get3A_1293] {strides = array<i32>} : memref<80x128xf32, #tpu.memory_space<vmem>>, vector<16xf32>,
          %mul3A_1295 = arith.mulf %get3A_1291, %get3A_1294 : vector<16xf32>
          %add3A_1296 = arith.addf %add3A_1248, %mul3A_1295 : vector<16xf32>
          %swap3A_1297 = arith.constant 8 : i32
          %swap3A_1298 = arith.index_cast %swap3A_1297 : i32 to index
          %swap3A_1299 = arith.constant 0 : index
          %swap3A_1300 = tpu.vector_load %arg17[%swap3A_1298, %swap3A_1299] {strides = array<i32>} : memref<16x16xf32, #tpu.memory_space<vmem>>, vector<16xf32>,
          tpu.vector_store %arg17[%swap3A_1298, %swap3A_1299], %add3A_1260 {strides = array<i32>} : memref<16x16xf32, #tpu.memory_space<vmem>>, vector<16xf32>,
          %swap3A_1301 = arith.constant 9 : i32
          %swap3A_1302 = arith.index_cast %swap3A_1301 : i32 to index
          %swap3A_1303 = arith.constant 0 : index
          %swap3A_1304 = tpu.vector_load %arg17[%swap3A_1302, %swap3A_1303] {strides = array<i32>} : memref<16x16xf32, #tpu.memory_space<vmem>>, vector<16xf32>,
          tpu.vector_store %arg17[%swap3A_1302, %swap3A_1303], %add3A_1272 {strides = array<i32>} : memref<16x16xf32, #tpu.memory_space<vmem>>, vector<16xf32>,
          %swap3A_1305 = arith.constant 10 : i32
          %swap3A_1306 = arith.index_cast %swap3A_1305 : i32 to index
          %swap3A_1307 = arith.constant 0 : index
          %swap3A_1308 = tpu.vector_load %arg17[%swap3A_1306, %swap3A_1307] {strides = array<i32>} : memref<16x16xf32, #tpu.memory_space<vmem>>, vector<16xf32>,
          tpu.vector_store %arg17[%swap3A_1306, %swap3A_1307], %add3A_1284 {strides = array<i32>} : memref<16x16xf32, #tpu.memory_space<vmem>>, vector<16xf32>,
          %swap3A_1309 = arith.constant 11 : i32
          %swap3A_1310 = arith.index_cast %swap3A_1309 : i32 to index
          %swap3A_1311 = arith.constant 0 : index
          %swap3A_1312 = tpu.vector_load %arg17[%swap3A_1310, %swap3A_1311] {strides = array<i32>} : memref<16x16xf32, #tpu.memory_space<vmem>>, vector<16xf32>,
          tpu.vector_store %arg17[%swap3A_1310, %swap3A_1311], %add3A_1296 {strides = array<i32>} : memref<16x16xf32, #tpu.memory_space<vmem>>, vector<16xf32>,
          %add3A_1313 = arith.constant 12 : i32
          %add3A_1314 = arith.addi %mul3A_126, %add3A_1313 : i32
          %add3A_1315 = arith.constant 0 : i32
          %add3A_1316 = arith.addi %add3A_1314, %add3A_1315 : i32
          %get3A_1317 = arith.index_cast %add3A_1316 : i32 to index
          %get3A_1318 = arith.constant 0 : index
          %get3A_1319 = tpu.vector_load %arg9[%get3A_1317, %get3A_1318] {strides = array<i32>} : memref<80x128xf32, #tpu.memory_space<vmem>>, vector<16xf32>,
          %get3A_1320 = arith.index_cast %add3A_1316 : i32 to index
          %get3A_1321 = arith.constant 0 : index
          %get3A_1322 = tpu.vector_load %arg12[%get3A_1320, %get3A_1321] {strides = array<i32>} : memref<80x128xf32, #tpu.memory_space<vmem>>, vector<16xf32>,
          %mul3A_1323 = arith.mulf %get3A_1319, %get3A_1322 : vector<16xf32>
          %add3A_1324 = arith.constant 12 : i32
          %add3A_1325 = arith.addi %mul3A_126, %add3A_1324 : i32
          %add3A_1326 = arith.constant 1 : i32
          %add3A_1327 = arith.addi %add3A_1325, %add3A_1326 : i32
          %get3A_1328 = arith.index_cast %add3A_1327 : i32 to index
          %get3A_1329 = arith.constant 0 : index
          %get3A_1330 = tpu.vector_load %arg9[%get3A_1328, %get3A_1329] {strides = array<i32>} : memref<80x128xf32, #tpu.memory_space<vmem>>, vector<16xf32>,
          %get3A_1331 = arith.index_cast %add3A_1327 : i32 to index
          %get3A_1332 = arith.constant 0 : index
          %get3A_1333 = tpu.vector_load %arg12[%get3A_1331, %get3A_1332] {strides = array<i32>} : memref<80x128xf32, #tpu.memory_space<vmem>>, vector<16xf32>,
          %mul3A_1334 = arith.mulf %get3A_1330, %get3A_1333 : vector<16xf32>
          %add3A_1335 = arith.constant 12 : i32
          %add3A_1336 = arith.addi %mul3A_126, %add3A_1335 : i32
          %add3A_1337 = arith.constant 2 : i32
          %add3A_1338 = arith.addi %add3A_1336, %add3A_1337 : i32
          %get3A_1339 = arith.index_cast %add3A_1338 : i32 to index
          %get3A_1340 = arith.constant 0 : index
          %get3A_1341 = tpu.vector_load %arg9[%get3A_1339, %get3A_1340] {strides = array<i32>} : memref<80x128xf32, #tpu.memory_space<vmem>>, vector<16xf32>,
          %get3A_1342 = arith.index_cast %add3A_1338 : i32 to index
          %get3A_1343 = arith.constant 0 : index
          %get3A_1344 = tpu.vector_load %arg12[%get3A_1342, %get3A_1343] {strides = array<i32>} : memref<80x128xf32, #tpu.memory_space<vmem>>, vector<16xf32>,
          %mul3A_1345 = arith.mulf %get3A_1341, %get3A_1344 : vector<16xf32>
          %add3A_1346 = arith.constant 12 : i32
          %add3A_1347 = arith.addi %mul3A_126, %add3A_1346 : i32
          %add3A_1348 = arith.constant 3 : i32
          %add3A_1349 = arith.addi %add3A_1347, %add3A_1348 : i32
          %get3A_1350 = arith.index_cast %add3A_1349 : i32 to index
          %get3A_1351 = arith.constant 0 : index
          %get3A_1352 = tpu.vector_load %arg9[%get3A_1350, %get3A_1351] {strides = array<i32>} : memref<80x128xf32, #tpu.memory_space<vmem>>, vector<16xf32>,
          %get3A_1353 = arith.index_cast %add3A_1349 : i32 to index
          %get3A_1354 = arith.constant 0 : index
          %get3A_1355 = tpu.vector_load %arg12[%get3A_1353, %get3A_1354] {strides = array<i32>} : memref<80x128xf32, #tpu.memory_space<vmem>>, vector<16xf32>,
          %mul3A_1356 = arith.mulf %get3A_1352, %get3A_1355 : vector<16xf32>
          %add3A_1357 = arith.constant 12 : i32
          %add3A_1358 = arith.addi %mul3A_126, %add3A_1357 : i32
          %add3A_1359 = arith.constant 0 : i32
          %add3A_1360 = arith.addi %add3A_1358, %add3A_1359 : i32
          %get3A_1361 = arith.index_cast %add3A_1360 : i32 to index
          %get3A_1362 = arith.constant 16 : index
          %get3A_1363 = tpu.vector_load %arg9[%get3A_1361, %get3A_1362] {strides = array<i32>} : memref<80x128xf32, #tpu.memory_space<vmem>>, vector<16xf32>,
          %get3A_1364 = arith.index_cast %add3A_1360 : i32 to index
          %get3A_1365 = arith.constant 16 : index
          %get3A_1366 = tpu.vector_load %arg12[%get3A_1364, %get3A_1365] {strides = array<i32>} : memref<80x128xf32, #tpu.memory_space<vmem>>, vector<16xf32>,
          %mul3A_1367 = arith.mulf %get3A_1363, %get3A_1366 : vector<16xf32>
          %add3A_1368 = arith.addf %mul3A_1323, %mul3A_1367 : vector<16xf32>
          %add3A_1369 = arith.constant 12 : i32
          %add3A_1370 = arith.addi %mul3A_126, %add3A_1369 : i32
          %add3A_1371 = arith.constant 1 : i32
          %add3A_1372 = arith.addi %add3A_1370, %add3A_1371 : i32
          %get3A_1373 = arith.index_cast %add3A_1372 : i32 to index
          %get3A_1374 = arith.constant 16 : index
          %get3A_1375 = tpu.vector_load %arg9[%get3A_1373, %get3A_1374] {strides = array<i32>} : memref<80x128xf32, #tpu.memory_space<vmem>>, vector<16xf32>,
          %get3A_1376 = arith.index_cast %add3A_1372 : i32 to index
          %get3A_1377 = arith.constant 16 : index
          %get3A_1378 = tpu.vector_load %arg12[%get3A_1376, %get3A_1377] {strides = array<i32>} : memref<80x128xf32, #tpu.memory_space<vmem>>, vector<16xf32>,
          %mul3A_1379 = arith.mulf %get3A_1375, %get3A_1378 : vector<16xf32>
          %add3A_1380 = arith.addf %mul3A_1334, %mul3A_1379 : vector<16xf32>
          %add3A_1381 = arith.constant 12 : i32
          %add3A_1382 = arith.addi %mul3A_126, %add3A_1381 : i32
          %add3A_1383 = arith.constant 2 : i32
          %add3A_1384 = arith.addi %add3A_1382, %add3A_1383 : i32
          %get3A_1385 = arith.index_cast %add3A_1384 : i32 to index
          %get3A_1386 = arith.constant 16 : index
          %get3A_1387 = tpu.vector_load %arg9[%get3A_1385, %get3A_1386] {strides = array<i32>} : memref<80x128xf32, #tpu.memory_space<vmem>>, vector<16xf32>,
          %get3A_1388 = arith.index_cast %add3A_1384 : i32 to index
          %get3A_1389 = arith.constant 16 : index
          %get3A_1390 = tpu.vector_load %arg12[%get3A_1388, %get3A_1389] {strides = array<i32>} : memref<80x128xf32, #tpu.memory_space<vmem>>, vector<16xf32>,
          %mul3A_1391 = arith.mulf %get3A_1387, %get3A_1390 : vector<16xf32>
          %add3A_1392 = arith.addf %mul3A_1345, %mul3A_1391 : vector<16xf32>
          %add3A_1393 = arith.constant 12 : i32
          %add3A_1394 = arith.addi %mul3A_126, %add3A_1393 : i32
          %add3A_1395 = arith.constant 3 : i32
          %add3A_1396 = arith.addi %add3A_1394, %add3A_1395 : i32
          %get3A_1397 = arith.index_cast %add3A_1396 : i32 to index
          %get3A_1398 = arith.constant 16 : index
          %get3A_1399 = tpu.vector_load %arg9[%get3A_1397, %get3A_1398] {strides = array<i32>} : memref<80x128xf32, #tpu.memory_space<vmem>>, vector<16xf32>,
          %get3A_1400 = arith.index_cast %add3A_1396 : i32 to index
          %get3A_1401 = arith.constant 16 : index
          %get3A_1402 = tpu.vector_load %arg12[%get3A_1400, %get3A_1401] {strides = array<i32>} : memref<80x128xf32, #tpu.memory_space<vmem>>, vector<16xf32>,
          %mul3A_1403 = arith.mulf %get3A_1399, %get3A_1402 : vector<16xf32>
          %add3A_1404 = arith.addf %mul3A_1356, %mul3A_1403 : vector<16xf32>
          %add3A_1405 = arith.constant 12 : i32
          %add3A_1406 = arith.addi %mul3A_126, %add3A_1405 : i32
          %add3A_1407 = arith.constant 0 : i32
          %add3A_1408 = arith.addi %add3A_1406, %add3A_1407 : i32
          %get3A_1409 = arith.index_cast %add3A_1408 : i32 to index
          %get3A_1410 = arith.constant 32 : index
          %get3A_1411 = tpu.vector_load %arg9[%get3A_1409, %get3A_1410] {strides = array<i32>} : memref<80x128xf32, #tpu.memory_space<vmem>>, vector<16xf32>,
          %get3A_1412 = arith.index_cast %add3A_1408 : i32 to index
          %get3A_1413 = arith.constant 32 : index
          %get3A_1414 = tpu.vector_load %arg12[%get3A_1412, %get3A_1413] {strides = array<i32>} : memref<80x128xf32, #tpu.memory_space<vmem>>, vector<16xf32>,
          %mul3A_1415 = arith.mulf %get3A_1411, %get3A_1414 : vector<16xf32>
          %add3A_1416 = arith.addf %add3A_1368, %mul3A_1415 : vector<16xf32>
          %add3A_1417 = arith.constant 12 : i32
          %add3A_1418 = arith.addi %mul3A_126, %add3A_1417 : i32
          %add3A_1419 = arith.constant 1 : i32
          %add3A_1420 = arith.addi %add3A_1418, %add3A_1419 : i32
          %get3A_1421 = arith.index_cast %add3A_1420 : i32 to index
          %get3A_1422 = arith.constant 32 : index
          %get3A_1423 = tpu.vector_load %arg9[%get3A_1421, %get3A_1422] {strides = array<i32>} : memref<80x128xf32, #tpu.memory_space<vmem>>, vector<16xf32>,
          %get3A_1424 = arith.index_cast %add3A_1420 : i32 to index
          %get3A_1425 = arith.constant 32 : index
          %get3A_1426 = tpu.vector_load %arg12[%get3A_1424, %get3A_1425] {strides = array<i32>} : memref<80x128xf32, #tpu.memory_space<vmem>>, vector<16xf32>,
          %mul3A_1427 = arith.mulf %get3A_1423, %get3A_1426 : vector<16xf32>
          %add3A_1428 = arith.addf %add3A_1380, %mul3A_1427 : vector<16xf32>
          %add3A_1429 = arith.constant 12 : i32
          %add3A_1430 = arith.addi %mul3A_126, %add3A_1429 : i32
          %add3A_1431 = arith.constant 2 : i32
          %add3A_1432 = arith.addi %add3A_1430, %add3A_1431 : i32
          %get3A_1433 = arith.index_cast %add3A_1432 : i32 to index
          %get3A_1434 = arith.constant 32 : index
          %get3A_1435 = tpu.vector_load %arg9[%get3A_1433, %get3A_1434] {strides = array<i32>} : memref<80x128xf32, #tpu.memory_space<vmem>>, vector<16xf32>,
          %get3A_1436 = arith.index_cast %add3A_1432 : i32 to index
          %get3A_1437 = arith.constant 32 : index
          %get3A_1438 = tpu.vector_load %arg12[%get3A_1436, %get3A_1437] {strides = array<i32>} : memref<80x128xf32, #tpu.memory_space<vmem>>, vector<16xf32>,
          %mul3A_1439 = arith.mulf %get3A_1435, %get3A_1438 : vector<16xf32>
          %add3A_1440 = arith.addf %add3A_1392, %mul3A_1439 : vector<16xf32>
          %add3A_1441 = arith.constant 12 : i32
          %add3A_1442 = arith.addi %mul3A_126, %add3A_1441 : i32
          %add3A_1443 = arith.constant 3 : i32
          %add3A_1444 = arith.addi %add3A_1442, %add3A_1443 : i32
          %get3A_1445 = arith.index_cast %add3A_1444 : i32 to index
          %get3A_1446 = arith.constant 32 : index
          %get3A_1447 = tpu.vector_load %arg9[%get3A_1445, %get3A_1446] {strides = array<i32>} : memref<80x128xf32, #tpu.memory_space<vmem>>, vector<16xf32>,
          %get3A_1448 = arith.index_cast %add3A_1444 : i32 to index
          %get3A_1449 = arith.constant 32 : index
          %get3A_1450 = tpu.vector_load %arg12[%get3A_1448, %get3A_1449] {strides = array<i32>} : memref<80x128xf32, #tpu.memory_space<vmem>>, vector<16xf32>,
          %mul3A_1451 = arith.mulf %get3A_1447, %get3A_1450 : vector<16xf32>
          %add3A_1452 = arith.addf %add3A_1404, %mul3A_1451 : vector<16xf32>
          %add3A_1453 = arith.constant 12 : i32
          %add3A_1454 = arith.addi %mul3A_126, %add3A_1453 : i32
          %add3A_1455 = arith.constant 0 : i32
          %add3A_1456 = arith.addi %add3A_1454, %add3A_1455 : i32
          %get3A_1457 = arith.index_cast %add3A_1456 : i32 to index
          %get3A_1458 = arith.constant 48 : index
          %get3A_1459 = tpu.vector_load %arg9[%get3A_1457, %get3A_1458] {strides = array<i32>} : memref<80x128xf32, #tpu.memory_space<vmem>>, vector<16xf32>,
          %get3A_1460 = arith.index_cast %add3A_1456 : i32 to index
          %get3A_1461 = arith.constant 48 : index
          %get3A_1462 = tpu.vector_load %arg12[%get3A_1460, %get3A_1461] {strides = array<i32>} : memref<80x128xf32, #tpu.memory_space<vmem>>, vector<16xf32>,
          %mul3A_1463 = arith.mulf %get3A_1459, %get3A_1462 : vector<16xf32>
          %add3A_1464 = arith.addf %add3A_1416, %mul3A_1463 : vector<16xf32>
          %add3A_1465 = arith.constant 12 : i32
          %add3A_1466 = arith.addi %mul3A_126, %add3A_1465 : i32
          %add3A_1467 = arith.constant 1 : i32
          %add3A_1468 = arith.addi %add3A_1466, %add3A_1467 : i32
          %get3A_1469 = arith.index_cast %add3A_1468 : i32 to index
          %get3A_1470 = arith.constant 48 : index
          %get3A_1471 = tpu.vector_load %arg9[%get3A_1469, %get3A_1470] {strides = array<i32>} : memref<80x128xf32, #tpu.memory_space<vmem>>, vector<16xf32>,
          %get3A_1472 = arith.index_cast %add3A_1468 : i32 to index
          %get3A_1473 = arith.constant 48 : index
          %get3A_1474 = tpu.vector_load %arg12[%get3A_1472, %get3A_1473] {strides = array<i32>} : memref<80x128xf32, #tpu.memory_space<vmem>>, vector<16xf32>,
          %mul3A_1475 = arith.mulf %get3A_1471, %get3A_1474 : vector<16xf32>
          %add3A_1476 = arith.addf %add3A_1428, %mul3A_1475 : vector<16xf32>
          %add3A_1477 = arith.constant 12 : i32
          %add3A_1478 = arith.addi %mul3A_126, %add3A_1477 : i32
          %add3A_1479 = arith.constant 2 : i32
          %add3A_1480 = arith.addi %add3A_1478, %add3A_1479 : i32
          %get3A_1481 = arith.index_cast %add3A_1480 : i32 to index
          %get3A_1482 = arith.constant 48 : index
          %get3A_1483 = tpu.vector_load %arg9[%get3A_1481, %get3A_1482] {strides = array<i32>} : memref<80x128xf32, #tpu.memory_space<vmem>>, vector<16xf32>,
          %get3A_1484 = arith.index_cast %add3A_1480 : i32 to index
          %get3A_1485 = arith.constant 48 : index
          %get3A_1486 = tpu.vector_load %arg12[%get3A_1484, %get3A_1485] {strides = array<i32>} : memref<80x128xf32, #tpu.memory_space<vmem>>, vector<16xf32>,
          %mul3A_1487 = arith.mulf %get3A_1483, %get3A_1486 : vector<16xf32>
          %add3A_1488 = arith.addf %add3A_1440, %mul3A_1487 : vector<16xf32>
          %add3A_1489 = arith.constant 12 : i32
          %add3A_1490 = arith.addi %mul3A_126, %add3A_1489 : i32
          %add3A_1491 = arith.constant 3 : i32
          %add3A_1492 = arith.addi %add3A_1490, %add3A_1491 : i32
          %get3A_1493 = arith.index_cast %add3A_1492 : i32 to index
          %get3A_1494 = arith.constant 48 : index
          %get3A_1495 = tpu.vector_load %arg9[%get3A_1493, %get3A_1494] {strides = array<i32>} : memref<80x128xf32, #tpu.memory_space<vmem>>, vector<16xf32>,
          %get3A_1496 = arith.index_cast %add3A_1492 : i32 to index
          %get3A_1497 = arith.constant 48 : index
          %get3A_1498 = tpu.vector_load %arg12[%get3A_1496, %get3A_1497] {strides = array<i32>} : memref<80x128xf32, #tpu.memory_space<vmem>>, vector<16xf32>,
          %mul3A_1499 = arith.mulf %get3A_1495, %get3A_1498 : vector<16xf32>
          %add3A_1500 = arith.addf %add3A_1452, %mul3A_1499 : vector<16xf32>
          %add3A_1501 = arith.constant 12 : i32
          %add3A_1502 = arith.addi %mul3A_126, %add3A_1501 : i32
          %add3A_1503 = arith.constant 0 : i32
          %add3A_1504 = arith.addi %add3A_1502, %add3A_1503 : i32
          %get3A_1505 = arith.index_cast %add3A_1504 : i32 to index
          %get3A_1506 = arith.constant 64 : index
          %get3A_1507 = tpu.vector_load %arg9[%get3A_1505, %get3A_1506] {strides = array<i32>} : memref<80x128xf32, #tpu.memory_space<vmem>>, vector<16xf32>,
          %get3A_1508 = arith.index_cast %add3A_1504 : i32 to index
          %get3A_1509 = arith.constant 64 : index
          %get3A_1510 = tpu.vector_load %arg12[%get3A_1508, %get3A_1509] {strides = array<i32>} : memref<80x128xf32, #tpu.memory_space<vmem>>, vector<16xf32>,
          %mul3A_1511 = arith.mulf %get3A_1507, %get3A_1510 : vector<16xf32>
          %add3A_1512 = arith.addf %add3A_1464, %mul3A_1511 : vector<16xf32>
          %add3A_1513 = arith.constant 12 : i32
          %add3A_1514 = arith.addi %mul3A_126, %add3A_1513 : i32
          %add3A_1515 = arith.constant 1 : i32
          %add3A_1516 = arith.addi %add3A_1514, %add3A_1515 : i32
          %get3A_1517 = arith.index_cast %add3A_1516 : i32 to index
          %get3A_1518 = arith.constant 64 : index
          %get3A_1519 = tpu.vector_load %arg9[%get3A_1517, %get3A_1518] {strides = array<i32>} : memref<80x128xf32, #tpu.memory_space<vmem>>, vector<16xf32>,
          %get3A_1520 = arith.index_cast %add3A_1516 : i32 to index
          %get3A_1521 = arith.constant 64 : index
          %get3A_1522 = tpu.vector_load %arg12[%get3A_1520, %get3A_1521] {strides = array<i32>} : memref<80x128xf32, #tpu.memory_space<vmem>>, vector<16xf32>,
          %mul3A_1523 = arith.mulf %get3A_1519, %get3A_1522 : vector<16xf32>
          %add3A_1524 = arith.addf %add3A_1476, %mul3A_1523 : vector<16xf32>
          %add3A_1525 = arith.constant 12 : i32
          %add3A_1526 = arith.addi %mul3A_126, %add3A_1525 : i32
          %add3A_1527 = arith.constant 2 : i32
          %add3A_1528 = arith.addi %add3A_1526, %add3A_1527 : i32
          %get3A_1529 = arith.index_cast %add3A_1528 : i32 to index
          %get3A_1530 = arith.constant 64 : index
          %get3A_1531 = tpu.vector_load %arg9[%get3A_1529, %get3A_1530] {strides = array<i32>} : memref<80x128xf32, #tpu.memory_space<vmem>>, vector<16xf32>,
          %get3A_1532 = arith.index_cast %add3A_1528 : i32 to index
          %get3A_1533 = arith.constant 64 : index
          %get3A_1534 = tpu.vector_load %arg12[%get3A_1532, %get3A_1533] {strides = array<i32>} : memref<80x128xf32, #tpu.memory_space<vmem>>, vector<16xf32>,
          %mul3A_1535 = arith.mulf %get3A_1531, %get3A_1534 : vector<16xf32>
          %add3A_1536 = arith.addf %add3A_1488, %mul3A_1535 : vector<16xf32>
          %add3A_1537 = arith.constant 12 : i32
          %add3A_1538 = arith.addi %mul3A_126, %add3A_1537 : i32
          %add3A_1539 = arith.constant 3 : i32
          %add3A_1540 = arith.addi %add3A_1538, %add3A_1539 : i32
          %get3A_1541 = arith.index_cast %add3A_1540 : i32 to index
          %get3A_1542 = arith.constant 64 : index
          %get3A_1543 = tpu.vector_load %arg9[%get3A_1541, %get3A_1542] {strides = array<i32>} : memref<80x128xf32, #tpu.memory_space<vmem>>, vector<16xf32>,
          %get3A_1544 = arith.index_cast %add3A_1540 : i32 to index
          %get3A_1545 = arith.constant 64 : index
          %get3A_1546 = tpu.vector_load %arg12[%get3A_1544, %get3A_1545] {strides = array<i32>} : memref<80x128xf32, #tpu.memory_space<vmem>>, vector<16xf32>,
          %mul3A_1547 = arith.mulf %get3A_1543, %get3A_1546 : vector<16xf32>
          %add3A_1548 = arith.addf %add3A_1500, %mul3A_1547 : vector<16xf32>
          %add3A_1549 = arith.constant 12 : i32
          %add3A_1550 = arith.addi %mul3A_126, %add3A_1549 : i32
          %add3A_1551 = arith.constant 0 : i32
          %add3A_1552 = arith.addi %add3A_1550, %add3A_1551 : i32
          %get3A_1553 = arith.index_cast %add3A_1552 : i32 to index
          %get3A_1554 = arith.constant 80 : index
          %get3A_1555 = tpu.vector_load %arg9[%get3A_1553, %get3A_1554] {strides = array<i32>} : memref<80x128xf32, #tpu.memory_space<vmem>>, vector<16xf32>,
          %get3A_1556 = arith.index_cast %add3A_1552 : i32 to index
          %get3A_1557 = arith.constant 80 : index
          %get3A_1558 = tpu.vector_load %arg12[%get3A_1556, %get3A_1557] {strides = array<i32>} : memref<80x128xf32, #tpu.memory_space<vmem>>, vector<16xf32>,
          %mul3A_1559 = arith.mulf %get3A_1555, %get3A_1558 : vector<16xf32>
          %add3A_1560 = arith.addf %add3A_1512, %mul3A_1559 : vector<16xf32>
          %add3A_1561 = arith.constant 12 : i32
          %add3A_1562 = arith.addi %mul3A_126, %add3A_1561 : i32
          %add3A_1563 = arith.constant 1 : i32
          %add3A_1564 = arith.addi %add3A_1562, %add3A_1563 : i32
          %get3A_1565 = arith.index_cast %add3A_1564 : i32 to index
          %get3A_1566 = arith.constant 80 : index
          %get3A_1567 = tpu.vector_load %arg9[%get3A_1565, %get3A_1566] {strides = array<i32>} : memref<80x128xf32, #tpu.memory_space<vmem>>, vector<16xf32>,
          %get3A_1568 = arith.index_cast %add3A_1564 : i32 to index
          %get3A_1569 = arith.constant 80 : index
          %get3A_1570 = tpu.vector_load %arg12[%get3A_1568, %get3A_1569] {strides = array<i32>} : memref<80x128xf32, #tpu.memory_space<vmem>>, vector<16xf32>,
          %mul3A_1571 = arith.mulf %get3A_1567, %get3A_1570 : vector<16xf32>
          %add3A_1572 = arith.addf %add3A_1524, %mul3A_1571 : vector<16xf32>
          %add3A_1573 = arith.constant 12 : i32
          %add3A_1574 = arith.addi %mul3A_126, %add3A_1573 : i32
          %add3A_1575 = arith.constant 2 : i32
          %add3A_1576 = arith.addi %add3A_1574, %add3A_1575 : i32
          %get3A_1577 = arith.index_cast %add3A_1576 : i32 to index
          %get3A_1578 = arith.constant 80 : index
          %get3A_1579 = tpu.vector_load %arg9[%get3A_1577, %get3A_1578] {strides = array<i32>} : memref<80x128xf32, #tpu.memory_space<vmem>>, vector<16xf32>,
          %get3A_1580 = arith.index_cast %add3A_1576 : i32 to index
          %get3A_1581 = arith.constant 80 : index
          %get3A_1582 = tpu.vector_load %arg12[%get3A_1580, %get3A_1581] {strides = array<i32>} : memref<80x128xf32, #tpu.memory_space<vmem>>, vector<16xf32>,
          %mul3A_1583 = arith.mulf %get3A_1579, %get3A_1582 : vector<16xf32>
          %add3A_1584 = arith.addf %add3A_1536, %mul3A_1583 : vector<16xf32>
          %add3A_1585 = arith.constant 12 : i32
          %add3A_1586 = arith.addi %mul3A_126, %add3A_1585 : i32
          %add3A_1587 = arith.constant 3 : i32
          %add3A_1588 = arith.addi %add3A_1586, %add3A_1587 : i32
          %get3A_1589 = arith.index_cast %add3A_1588 : i32 to index
          %get3A_1590 = arith.constant 80 : index
          %get3A_1591 = tpu.vector_load %arg9[%get3A_1589, %get3A_1590] {strides = array<i32>} : memref<80x128xf32, #tpu.memory_space<vmem>>, vector<16xf32>,
          %get3A_1592 = arith.index_cast %add3A_1588 : i32 to index
          %get3A_1593 = arith.constant 80 : index
          %get3A_1594 = tpu.vector_load %arg12[%get3A_1592, %get3A_1593] {strides = array<i32>} : memref<80x128xf32, #tpu.memory_space<vmem>>, vector<16xf32>,
          %mul3A_1595 = arith.mulf %get3A_1591, %get3A_1594 : vector<16xf32>
          %add3A_1596 = arith.addf %add3A_1548, %mul3A_1595 : vector<16xf32>
          %add3A_1597 = arith.constant 12 : i32
          %add3A_1598 = arith.addi %mul3A_126, %add3A_1597 : i32
          %add3A_1599 = arith.constant 0 : i32
          %add3A_1600 = arith.addi %add3A_1598, %add3A_1599 : i32
          %get3A_1601 = arith.index_cast %add3A_1600 : i32 to index
          %get3A_1602 = arith.constant 96 : index
          %get3A_1603 = tpu.vector_load %arg9[%get3A_1601, %get3A_1602] {strides = array<i32>} : memref<80x128xf32, #tpu.memory_space<vmem>>, vector<16xf32>,
          %get3A_1604 = arith.index_cast %add3A_1600 : i32 to index
          %get3A_1605 = arith.constant 96 : index
          %get3A_1606 = tpu.vector_load %arg12[%get3A_1604, %get3A_1605] {strides = array<i32>} : memref<80x128xf32, #tpu.memory_space<vmem>>, vector<16xf32>,
          %mul3A_1607 = arith.mulf %get3A_1603, %get3A_1606 : vector<16xf32>
          %add3A_1608 = arith.addf %add3A_1560, %mul3A_1607 : vector<16xf32>
          %add3A_1609 = arith.constant 12 : i32
          %add3A_1610 = arith.addi %mul3A_126, %add3A_1609 : i32
          %add3A_1611 = arith.constant 1 : i32
          %add3A_1612 = arith.addi %add3A_1610, %add3A_1611 : i32
          %get3A_1613 = arith.index_cast %add3A_1612 : i32 to index
          %get3A_1614 = arith.constant 96 : index
          %get3A_1615 = tpu.vector_load %arg9[%get3A_1613, %get3A_1614] {strides = array<i32>} : memref<80x128xf32, #tpu.memory_space<vmem>>, vector<16xf32>,
          %get3A_1616 = arith.index_cast %add3A_1612 : i32 to index
          %get3A_1617 = arith.constant 96 : index
          %get3A_1618 = tpu.vector_load %arg12[%get3A_1616, %get3A_1617] {strides = array<i32>} : memref<80x128xf32, #tpu.memory_space<vmem>>, vector<16xf32>,
          %mul3A_1619 = arith.mulf %get3A_1615, %get3A_1618 : vector<16xf32>
          %add3A_1620 = arith.addf %add3A_1572, %mul3A_1619 : vector<16xf32>
          %add3A_1621 = arith.constant 12 : i32
          %add3A_1622 = arith.addi %mul3A_126, %add3A_1621 : i32
          %add3A_1623 = arith.constant 2 : i32
          %add3A_1624 = arith.addi %add3A_1622, %add3A_1623 : i32
          %get3A_1625 = arith.index_cast %add3A_1624 : i32 to index
          %get3A_1626 = arith.constant 96 : index
          %get3A_1627 = tpu.vector_load %arg9[%get3A_1625, %get3A_1626] {strides = array<i32>} : memref<80x128xf32, #tpu.memory_space<vmem>>, vector<16xf32>,
          %get3A_1628 = arith.index_cast %add3A_1624 : i32 to index
          %get3A_1629 = arith.constant 96 : index
          %get3A_1630 = tpu.vector_load %arg12[%get3A_1628, %get3A_1629] {strides = array<i32>} : memref<80x128xf32, #tpu.memory_space<vmem>>, vector<16xf32>,
          %mul3A_1631 = arith.mulf %get3A_1627, %get3A_1630 : vector<16xf32>
          %add3A_1632 = arith.addf %add3A_1584, %mul3A_1631 : vector<16xf32>
          %add3A_1633 = arith.constant 12 : i32
          %add3A_1634 = arith.addi %mul3A_126, %add3A_1633 : i32
          %add3A_1635 = arith.constant 3 : i32
          %add3A_1636 = arith.addi %add3A_1634, %add3A_1635 : i32
          %get3A_1637 = arith.index_cast %add3A_1636 : i32 to index
          %get3A_1638 = arith.constant 96 : index
          %get3A_1639 = tpu.vector_load %arg9[%get3A_1637, %get3A_1638] {strides = array<i32>} : memref<80x128xf32, #tpu.memory_space<vmem>>, vector<16xf32>,
          %get3A_1640 = arith.index_cast %add3A_1636 : i32 to index
          %get3A_1641 = arith.constant 96 : index
          %get3A_1642 = tpu.vector_load %arg12[%get3A_1640, %get3A_1641] {strides = array<i32>} : memref<80x128xf32, #tpu.memory_space<vmem>>, vector<16xf32>,
          %mul3A_1643 = arith.mulf %get3A_1639, %get3A_1642 : vector<16xf32>
          %add3A_1644 = arith.addf %add3A_1596, %mul3A_1643 : vector<16xf32>
          %add3A_1645 = arith.constant 12 : i32
          %add3A_1646 = arith.addi %mul3A_126, %add3A_1645 : i32
          %add3A_1647 = arith.constant 0 : i32
          %add3A_1648 = arith.addi %add3A_1646, %add3A_1647 : i32
          %get3A_1649 = arith.index_cast %add3A_1648 : i32 to index
          %get3A_1650 = arith.constant 112 : index
          %get3A_1651 = tpu.vector_load %arg9[%get3A_1649, %get3A_1650] {strides = array<i32>} : memref<80x128xf32, #tpu.memory_space<vmem>>, vector<16xf32>,
          %get3A_1652 = arith.index_cast %add3A_1648 : i32 to index
          %get3A_1653 = arith.constant 112 : index
          %get3A_1654 = tpu.vector_load %arg12[%get3A_1652, %get3A_1653] {strides = array<i32>} : memref<80x128xf32, #tpu.memory_space<vmem>>, vector<16xf32>,
          %mul3A_1655 = arith.mulf %get3A_1651, %get3A_1654 : vector<16xf32>
          %add3A_1656 = arith.addf %add3A_1608, %mul3A_1655 : vector<16xf32>
          %add3A_1657 = arith.constant 12 : i32
          %add3A_1658 = arith.addi %mul3A_126, %add3A_1657 : i32
          %add3A_1659 = arith.constant 1 : i32
          %add3A_1660 = arith.addi %add3A_1658, %add3A_1659 : i32
          %get3A_1661 = arith.index_cast %add3A_1660 : i32 to index
          %get3A_1662 = arith.constant 112 : index
          %get3A_1663 = tpu.vector_load %arg9[%get3A_1661, %get3A_1662] {strides = array<i32>} : memref<80x128xf32, #tpu.memory_space<vmem>>, vector<16xf32>,
          %get3A_1664 = arith.index_cast %add3A_1660 : i32 to index
          %get3A_1665 = arith.constant 112 : index
          %get3A_1666 = tpu.vector_load %arg12[%get3A_1664, %get3A_1665] {strides = array<i32>} : memref<80x128xf32, #tpu.memory_space<vmem>>, vector<16xf32>,
          %mul3A_1667 = arith.mulf %get3A_1663, %get3A_1666 : vector<16xf32>
          %add3A_1668 = arith.addf %add3A_1620, %mul3A_1667 : vector<16xf32>
          %add3A_1669 = arith.constant 12 : i32
          %add3A_1670 = arith.addi %mul3A_126, %add3A_1669 : i32
          %add3A_1671 = arith.constant 2 : i32
          %add3A_1672 = arith.addi %add3A_1670, %add3A_1671 : i32
          %get3A_1673 = arith.index_cast %add3A_1672 : i32 to index
          %get3A_1674 = arith.constant 112 : index
          %get3A_1675 = tpu.vector_load %arg9[%get3A_1673, %get3A_1674] {strides = array<i32>} : memref<80x128xf32, #tpu.memory_space<vmem>>, vector<16xf32>,
          %get3A_1676 = arith.index_cast %add3A_1672 : i32 to index
          %get3A_1677 = arith.constant 112 : index
          %get3A_1678 = tpu.vector_load %arg12[%get3A_1676, %get3A_1677] {strides = array<i32>} : memref<80x128xf32, #tpu.memory_space<vmem>>, vector<16xf32>,
          %mul3A_1679 = arith.mulf %get3A_1675, %get3A_1678 : vector<16xf32>
          %add3A_1680 = arith.addf %add3A_1632, %mul3A_1679 : vector<16xf32>
          %add3A_1681 = arith.constant 12 : i32
          %add3A_1682 = arith.addi %mul3A_126, %add3A_1681 : i32
          %add3A_1683 = arith.constant 3 : i32
          %add3A_1684 = arith.addi %add3A_1682, %add3A_1683 : i32
          %get3A_1685 = arith.index_cast %add3A_1684 : i32 to index
          %get3A_1686 = arith.constant 112 : index
          %get3A_1687 = tpu.vector_load %arg9[%get3A_1685, %get3A_1686] {strides = array<i32>} : memref<80x128xf32, #tpu.memory_space<vmem>>, vector<16xf32>,
          %get3A_1688 = arith.index_cast %add3A_1684 : i32 to index
          %get3A_1689 = arith.constant 112 : index
          %get3A_1690 = tpu.vector_load %arg12[%get3A_1688, %get3A_1689] {strides = array<i32>} : memref<80x128xf32, #tpu.memory_space<vmem>>, vector<16xf32>,
          %mul3A_1691 = arith.mulf %get3A_1687, %get3A_1690 : vector<16xf32>
          %add3A_1692 = arith.addf %add3A_1644, %mul3A_1691 : vector<16xf32>
          %swap3A_1693 = arith.constant 12 : i32
          %swap3A_1694 = arith.index_cast %swap3A_1693 : i32 to index
          %swap3A_1695 = arith.constant 0 : index
          %swap3A_1696 = tpu.vector_load %arg17[%swap3A_1694, %swap3A_1695] {strides = array<i32>} : memref<16x16xf32, #tpu.memory_space<vmem>>, vector<16xf32>,
          tpu.vector_store %arg17[%swap3A_1694, %swap3A_1695], %add3A_1656 {strides = array<i32>} : memref<16x16xf32, #tpu.memory_space<vmem>>, vector<16xf32>,
          %swap3A_1697 = arith.constant 13 : i32
          %swap3A_1698 = arith.index_cast %swap3A_1697 : i32 to index
          %swap3A_1699 = arith.constant 0 : index
          %swap3A_1700 = tpu.vector_load %arg17[%swap3A_1698, %swap3A_1699] {strides = array<i32>} : memref<16x16xf32, #tpu.memory_space<vmem>>, vector<16xf32>,
          tpu.vector_store %arg17[%swap3A_1698, %swap3A_1699], %add3A_1668 {strides = array<i32>} : memref<16x16xf32, #tpu.memory_space<vmem>>, vector<16xf32>,
          %swap3A_1701 = arith.constant 14 : i32
          %swap3A_1702 = arith.index_cast %swap3A_1701 : i32 to index
          %swap3A_1703 = arith.constant 0 : index
          %swap3A_1704 = tpu.vector_load %arg17[%swap3A_1702, %swap3A_1703] {strides = array<i32>} : memref<16x16xf32, #tpu.memory_space<vmem>>, vector<16xf32>,
          tpu.vector_store %arg17[%swap3A_1702, %swap3A_1703], %add3A_1680 {strides = array<i32>} : memref<16x16xf32, #tpu.memory_space<vmem>>, vector<16xf32>,
          %swap3A_1705 = arith.constant 15 : i32
          %swap3A_1706 = arith.index_cast %swap3A_1705 : i32 to index
          %swap3A_1707 = arith.constant 0 : index
          %swap3A_1708 = tpu.vector_load %arg17[%swap3A_1706, %swap3A_1707] {strides = array<i32>} : memref<16x16xf32, #tpu.memory_space<vmem>>, vector<16xf32>,
          tpu.vector_store %arg17[%swap3A_1706, %swap3A_1707], %add3A_1692 {strides = array<i32>} : memref<16x16xf32, #tpu.memory_space<vmem>>, vector<16xf32>,
          %broadcast_in_dim3A = arith.constant 0 : i32
          %broadcast_in_dim3A_1709 = vector.broadcast %broadcast_in_dim3A : i32 to vector<16xi32>
          %gather3A = tpu.vector_load_idx %arg17[%iota3A, %broadcast_in_dim3A_1709] : memref<16x16xf32, #tpu.memory_space<vmem>>[vector<16xi32>, vector<16xi32>], vector<16xf32>,
          %broadcast_in_dim3A_1710 = arith.constant 1 : i32
          %broadcast_in_dim3A_1711 = vector.broadcast %broadcast_in_dim3A_1710 : i32 to vector<16xi32>
          %gather3A_1712 = tpu.vector_load_idx %arg17[%iota3A, %broadcast_in_dim3A_1711] : memref<16x16xf32, #tpu.memory_space<vmem>>[vector<16xi32>, vector<16xi32>], vector<16xf32>,
          %add3A_1713 = arith.addf %gather3A, %gather3A_1712 : vector<16xf32>
          %broadcast_in_dim3A_1714 = arith.constant 2 : i32
          %broadcast_in_dim3A_1715 = vector.broadcast %broadcast_in_dim3A_1714 : i32 to vector<16xi32>
          %gather3A_1716 = tpu.vector_load_idx %arg17[%iota3A, %broadcast_in_dim3A_1715] : memref<16x16xf32, #tpu.memory_space<vmem>>[vector<16xi32>, vector<16xi32>], vector<16xf32>,
          %add3A_1717 = arith.addf %add3A_1713, %gather3A_1716 : vector<16xf32>
          %broadcast_in_dim3A_1718 = arith.constant 3 : i32
          %broadcast_in_dim3A_1719 = vector.broadcast %broadcast_in_dim3A_1718 : i32 to vector<16xi32>
          %gather3A_1720 = tpu.vector_load_idx %arg17[%iota3A, %broadcast_in_dim3A_1719] : memref<16x16xf32, #tpu.memory_space<vmem>>[vector<16xi32>, vector<16xi32>], vector<16xf32>,
          %add3A_1721 = arith.addf %add3A_1717, %gather3A_1720 : vector<16xf32>
          %broadcast_in_dim3A_1722 = arith.constant 4 : i32
          %broadcast_in_dim3A_1723 = vector.broadcast %broadcast_in_dim3A_1722 : i32 to vector<16xi32>
          %gather3A_1724 = tpu.vector_load_idx %arg17[%iota3A, %broadcast_in_dim3A_1723] : memref<16x16xf32, #tpu.memory_space<vmem>>[vector<16xi32>, vector<16xi32>], vector<16xf32>,
          %add3A_1725 = arith.addf %add3A_1721, %gather3A_1724 : vector<16xf32>
          %broadcast_in_dim3A_1726 = arith.constant 5 : i32
          %broadcast_in_dim3A_1727 = vector.broadcast %broadcast_in_dim3A_1726 : i32 to vector<16xi32>
          %gather3A_1728 = tpu.vector_load_idx %arg17[%iota3A, %broadcast_in_dim3A_1727] : memref<16x16xf32, #tpu.memory_space<vmem>>[vector<16xi32>, vector<16xi32>], vector<16xf32>,
          %add3A_1729 = arith.addf %add3A_1725, %gather3A_1728 : vector<16xf32>
          %broadcast_in_dim3A_1730 = arith.constant 6 : i32
          %broadcast_in_dim3A_1731 = vector.broadcast %broadcast_in_dim3A_1730 : i32 to vector<16xi32>
          %gather3A_1732 = tpu.vector_load_idx %arg17[%iota3A, %broadcast_in_dim3A_1731] : memref<16x16xf32, #tpu.memory_space<vmem>>[vector<16xi32>, vector<16xi32>], vector<16xf32>,
          %add3A_1733 = arith.addf %add3A_1729, %gather3A_1732 : vector<16xf32>
          %broadcast_in_dim3A_1734 = arith.constant 7 : i32
          %broadcast_in_dim3A_1735 = vector.broadcast %broadcast_in_dim3A_1734 : i32 to vector<16xi32>
          %gather3A_1736 = tpu.vector_load_idx %arg17[%iota3A, %broadcast_in_dim3A_1735] : memref<16x16xf32, #tpu.memory_space<vmem>>[vector<16xi32>, vector<16xi32>], vector<16xf32>,
          %add3A_1737 = arith.addf %add3A_1733, %gather3A_1736 : vector<16xf32>
          %broadcast_in_dim3A_1738 = arith.constant 8 : i32
          %broadcast_in_dim3A_1739 = vector.broadcast %broadcast_in_dim3A_1738 : i32 to vector<16xi32>
          %gather3A_1740 = tpu.vector_load_idx %arg17[%iota3A, %broadcast_in_dim3A_1739] : memref<16x16xf32, #tpu.memory_space<vmem>>[vector<16xi32>, vector<16xi32>], vector<16xf32>,
          %add3A_1741 = arith.addf %add3A_1737, %gather3A_1740 : vector<16xf32>
          %broadcast_in_dim3A_1742 = arith.constant 9 : i32
          %broadcast_in_dim3A_1743 = vector.broadcast %broadcast_in_dim3A_1742 : i32 to vector<16xi32>
          %gather3A_1744 = tpu.vector_load_idx %arg17[%iota3A, %broadcast_in_dim3A_1743] : memref<16x16xf32, #tpu.memory_space<vmem>>[vector<16xi32>, vector<16xi32>], vector<16xf32>,
          %add3A_1745 = arith.addf %add3A_1741, %gather3A_1744 : vector<16xf32>
          %broadcast_in_dim3A_1746 = arith.constant 10 : i32
          %broadcast_in_dim3A_1747 = vector.broadcast %broadcast_in_dim3A_1746 : i32 to vector<16xi32>
          %gather3A_1748 = tpu.vector_load_idx %arg17[%iota3A, %broadcast_in_dim3A_1747] : memref<16x16xf32, #tpu.memory_space<vmem>>[vector<16xi32>, vector<16xi32>], vector<16xf32>,
          %add3A_1749 = arith.addf %add3A_1745, %gather3A_1748 : vector<16xf32>
          %broadcast_in_dim3A_1750 = arith.constant 11 : i32
          %broadcast_in_dim3A_1751 = vector.broadcast %broadcast_in_dim3A_1750 : i32 to vector<16xi32>
          %gather3A_1752 = tpu.vector_load_idx %arg17[%iota3A, %broadcast_in_dim3A_1751] : memref<16x16xf32, #tpu.memory_space<vmem>>[vector<16xi32>, vector<16xi32>], vector<16xf32>,
          %add3A_1753 = arith.addf %add3A_1749, %gather3A_1752 : vector<16xf32>
          %broadcast_in_dim3A_1754 = arith.constant 12 : i32
          %broadcast_in_dim3A_1755 = vector.broadcast %broadcast_in_dim3A_1754 : i32 to vector<16xi32>
          %gather3A_1756 = tpu.vector_load_idx %arg17[%iota3A, %broadcast_in_dim3A_1755] : memref<16x16xf32, #tpu.memory_space<vmem>>[vector<16xi32>, vector<16xi32>], vector<16xf32>,
          %add3A_1757 = arith.addf %add3A_1753, %gather3A_1756 : vector<16xf32>
          %broadcast_in_dim3A_1758 = arith.constant 13 : i32
          %broadcast_in_dim3A_1759 = vector.broadcast %broadcast_in_dim3A_1758 : i32 to vector<16xi32>
          %gather3A_1760 = tpu.vector_load_idx %arg17[%iota3A, %broadcast_in_dim3A_1759] : memref<16x16xf32, #tpu.memory_space<vmem>>[vector<16xi32>, vector<16xi32>], vector<16xf32>,
          %add3A_1761 = arith.addf %add3A_1757, %gather3A_1760 : vector<16xf32>
          %broadcast_in_dim3A_1762 = arith.constant 14 : i32
          %broadcast_in_dim3A_1763 = vector.broadcast %broadcast_in_dim3A_1762 : i32 to vector<16xi32>
          %gather3A_1764 = tpu.vector_load_idx %arg17[%iota3A, %broadcast_in_dim3A_1763] : memref<16x16xf32, #tpu.memory_space<vmem>>[vector<16xi32>, vector<16xi32>], vector<16xf32>,
          %add3A_1765 = arith.addf %add3A_1761, %gather3A_1764 : vector<16xf32>
          %broadcast_in_dim3A_1766 = arith.constant 15 : i32
          %broadcast_in_dim3A_1767 = vector.broadcast %broadcast_in_dim3A_1766 : i32 to vector<16xi32>
          %gather3A_1768 = tpu.vector_load_idx %arg17[%iota3A, %broadcast_in_dim3A_1767] : memref<16x16xf32, #tpu.memory_space<vmem>>[vector<16xi32>, vector<16xi32>], vector<16xf32>,
          %add3A_1769 = arith.addf %add3A_1765, %gather3A_1768 : vector<16xf32>
          %add3A_1770 = arith.constant 0.00320545211 : f32
          %add3A_1771 = vector.broadcast %add3A_1770 : f32 to vector<16xf32>
          %add3A_1772 = arith.addf %add3A_1769, %add3A_1771 : vector<16xf32>
          %neg3A = arith.constant 0.000000e+00 : f32
          %neg3A_1773 = vector.broadcast %neg3A : f32 to vector<16xf32>
          %neg3A_1774 = arith.subf %neg3A_1773, %add3A_1772 : vector<16xf32>
          %exp3A = math.exp %neg3A_1774 : vector<16xf32>
          %sub3A = arith.constant 1.000000e+00 : f32
          %sub3A_1775 = vector.broadcast %sub3A : f32 to vector<16xf32>
          %sub3A_1776 = arith.subf %sub3A_1775, %exp3A : vector<16xf32>
          %swap3A_1777 = arith.index_cast %mul3A_126 : i32 to index
          %swap3A_1778 = tpu.vector_load %arg15[%swap3A_1777] {strides = array<i32>} : memref<80xf32, #tpu.memory_space<vmem>>, vector<16xf32>,
          tpu.vector_store %arg15[%swap3A_1777], %sub3A_1776 {strides = array<i32>} : memref<80xf32, #tpu.memory_space<vmem>>, vector<16xf32>,
          %scan3A_1779 = arith.constant 0 : i32
          scf.yield %scan3A_1779 : i32
        }
        %scan3A_110 = arith.constant 5 : i32
        %add3A_111 = arith.constant 3 : i32
        %add3A_112 = arith.addi %add3A_72, %add3A_111 : i32
        %lt3A_113 = arith.constant 125 : i32
        %lt3A_114 = arith.cmpi slt, %add3A_112, %lt3A_113 : i32
        %convert_element_type3A_115 = arith.extui %lt3A_114 : i1 to i32
        %cond3A_116 = arith.constant 0 : i32
        %cond3A_117 = arith.cmpi ne, %convert_element_type3A_115, %cond3A_116 : i32
        scf.if %cond3A_117 {
          %add3A_123 = arith.constant 3 : i32
          %add3A_124 = arith.addi %add3A_72, %add3A_123 : i32
          %dma_start3A_125 = arith.constant 0 : i32
          %dma_start3A_126 = tpu.memref_slice %arg6[%add3A_124, %dma_start3A_125] : memref<125x80xi32, #tpu.memory_space<vmem>> -> memref<1x80xi32, #tpu.memory_space<vmem>>
          %dma_start3A_127 = tpu.memref_squeeze %dma_start3A_126 : memref<1x80xi32, #tpu.memory_space<vmem>> -> memref<80xi32, #tpu.memory_space<vmem>>
          %dma_start3A_128 = arith.constant 0 : i32
          %dma_start3A_129 = arith.constant 0 : i32
          %dma_start3A_130 = tpu.memref_slice %arg2[%dma_start3A_128, %dma_start3A_129] : memref<10000x128xf32, #tpu.memory_space<hbm>> -> memref<10000x128xf32, #tpu.memory_space<hbm>>
          tpu.enqueue_indirect_dma source(%dma_start3A_130 : memref<10000x128xf32, #tpu.memory_space<hbm>>) target(%arg9 : memref<80x128xf32, #tpu.memory_space<vmem>>) offsets(%dma_start3A_127 : memref<80xi32, #tpu.memory_space<vmem>>) semaphore(%arg19 : memref<!tpu.dma_semaphore, #tpu.memory_space<semaphore_mem>>)
          %dma_start3A_131 = arith.constant 0 : i32
          %dma_start3A_132 = tpu.memref_slice %arg7[%add3A_124, %dma_start3A_131] : memref<125x80xi32, #tpu.memory_space<vmem>> -> memref<1x80xi32, #tpu.memory_space<vmem>>
          %dma_start3A_133 = tpu.memref_squeeze %dma_start3A_132 : memref<1x80xi32, #tpu.memory_space<vmem>> -> memref<80xi32, #tpu.memory_space<vmem>>
          %dma_start3A_134 = arith.constant 0 : i32
          %dma_start3A_135 = arith.constant 0 : i32
          %dma_start3A_136 = tpu.memref_slice %arg2[%dma_start3A_134, %dma_start3A_135] : memref<10000x128xf32, #tpu.memory_space<hbm>> -> memref<10000x128xf32, #tpu.memory_space<hbm>>
          tpu.enqueue_indirect_dma source(%dma_start3A_136 : memref<10000x128xf32, #tpu.memory_space<hbm>>) target(%arg12 : memref<80x128xf32, #tpu.memory_space<vmem>>) offsets(%dma_start3A_133 : memref<80xi32, #tpu.memory_space<vmem>>) semaphore(%arg22 : memref<!tpu.dma_semaphore, #tpu.memory_space<semaphore_mem>>)
        } else {
        }
        %mul3A_118 = arith.constant 80 : i32
        %mul3A_119 = arith.muli %add3A_72, %mul3A_118 : i32
        %add3A_120 = arith.addi %mul3A_2, %mul3A_119 : i32
        %dma_start3A_121 = tpu.memref_slice %arg5[%add3A_120] : memref<320000xf32, #tpu.memory_space<hbm>> -> memref<80xf32, #tpu.memory_space<hbm>>
        %dma_start3A_122 = tpu.memref_slice %arg5[%add3A_120] : memref<320000xf32, #tpu.memory_space<hbm>> -> memref<80xf32, #tpu.memory_space<hbm>>
        tpu.enqueue_dma source(%arg15 : memref<80xf32, #tpu.memory_space<vmem>>) target(%dma_start3A_122 : memref<80xf32, #tpu.memory_space<hbm>>) target_semaphore(%arg25 : memref<!tpu.dma_semaphore, #tpu.memory_space<semaphore_mem>>)
      } else {
      }
      %mul3A_78 = arith.constant 3 : i32
      %mul3A_79 = arith.muli %scan3A_61, %mul3A_78 : i32
      %add3A_80 = arith.constant 2 : i32
      %add3A_81 = arith.addi %mul3A_79, %add3A_80 : i32
      %lt3A_82 = arith.constant 125 : i32
      %lt3A_83 = arith.cmpi slt, %add3A_81, %lt3A_82 : i32
      %convert_element_type3A_84 = arith.extui %lt3A_83 : i1 to i32
      %cond3A_85 = arith.constant 0 : i32
      %cond3A_86 = arith.cmpi ne, %convert_element_type3A_84, %cond3A_85 : i32
      scf.if %cond3A_86 {
        %dma_wait3A_88 = arith.constant 0 : i32
        %dma_wait3A_89 = tpu.memref_slice %arg6[%add3A_81, %dma_wait3A_88] : memref<125x80xi32, #tpu.memory_space<vmem>> -> memref<1x80xi32, #tpu.memory_space<vmem>>
        %dma_wait3A_90 = tpu.memref_squeeze %dma_wait3A_89 : memref<1x80xi32, #tpu.memory_space<vmem>> -> memref<80xi32, #tpu.memory_space<vmem>>
        %dma_wait3A_91 = arith.constant 0 : i32
        %dma_wait3A_92 = arith.constant 0 : i32
        %dma_wait3A_93 = tpu.memref_slice %arg2[%dma_wait3A_91, %dma_wait3A_92] : memref<10000x128xf32, #tpu.memory_space<hbm>> -> memref<10000x128xf32, #tpu.memory_space<hbm>>
        tpu.wait_indirect_dma semaphore(%arg20 : memref<!tpu.dma_semaphore, #tpu.memory_space<semaphore_mem>>) src(%dma_wait3A_93 : memref<10000x128xf32, #tpu.memory_space<hbm>>) dst(%arg10 : memref<80x128xf32, #tpu.memory_space<vmem>>)
        %dma_wait3A_94 = arith.constant 0 : i32
        %dma_wait3A_95 = tpu.memref_slice %arg7[%add3A_81, %dma_wait3A_94] : memref<125x80xi32, #tpu.memory_space<vmem>> -> memref<1x80xi32, #tpu.memory_space<vmem>>
        %dma_wait3A_96 = tpu.memref_squeeze %dma_wait3A_95 : memref<1x80xi32, #tpu.memory_space<vmem>> -> memref<80xi32, #tpu.memory_space<vmem>>
        %dma_wait3A_97 = arith.constant 0 : i32
        %dma_wait3A_98 = arith.constant 0 : i32
        %dma_wait3A_99 = tpu.memref_slice %arg2[%dma_wait3A_97, %dma_wait3A_98] : memref<10000x128xf32, #tpu.memory_space<hbm>> -> memref<10000x128xf32, #tpu.memory_space<hbm>>
        tpu.wait_indirect_dma semaphore(%arg23 : memref<!tpu.dma_semaphore, #tpu.memory_space<semaphore_mem>>) src(%dma_wait3A_99 : memref<10000x128xf32, #tpu.memory_space<hbm>>) dst(%arg13 : memref<80x128xf32, #tpu.memory_space<vmem>>)
        %ge3A = arith.constant 3 : i32
        %ge3A_100 = arith.cmpi sge, %add3A_81, %ge3A : i32
        %convert_element_type3A_101 = arith.extui %ge3A_100 : i1 to i32
        %cond3A_102 = arith.constant 0 : i32
        %cond3A_103 = arith.cmpi ne, %convert_element_type3A_101, %cond3A_102 : i32
        scf.if %cond3A_103 {
          %sub3A = arith.constant 3 : i32
          %sub3A_123 = arith.subi %add3A_81, %sub3A : i32
          %mul3A_124 = arith.constant 80 : i32
          %mul3A_125 = arith.muli %sub3A_123, %mul3A_124 : i32
          %add3A_126 = arith.addi %mul3A_2, %mul3A_125 : i32
          %dma_wait3A_127 = tpu.memref_slice %arg5[%add3A_126] : memref<320000xf32, #tpu.memory_space<hbm>> -> memref<80xf32, #tpu.memory_space<hbm>>
          %dma_wait3A_128 = tpu.memref_slice %arg5[%add3A_126] : memref<320000xf32, #tpu.memory_space<hbm>> -> memref<80xf32, #tpu.memory_space<hbm>>
          tpu.wait_dma2 semaphore(%arg26 : memref<!tpu.dma_semaphore, #tpu.memory_space<semaphore_mem>>) src(%arg16 : memref<80xf32, #tpu.memory_space<vmem>>) dst(%dma_wait3A_128 : memref<80xf32, #tpu.memory_space<hbm>>)
        } else {
        }
        %scan3A_104 = arith.constant 0 : i32
        %scan3A_105 = arith.constant 0 : i32
        %scan3A_106 = arith.constant 5 : i32
        %scan3A_107 = arith.addi %scan3A_105, %scan3A_106 : i32
        %scan3A_108 = arith.constant 1 : i32
        %scan3A_109 = scf.for %scan3A_123 = %scan3A_105 to %scan3A_107 step %scan3A_108 iter_args(%scan3A_124 = %scan3A_104) -> (i32)  : i32 {
          %mul3A_125 = arith.constant 16 : i32
          %mul3A_126 = arith.muli %scan3A_123, %mul3A_125 : i32
          %add3A_127 = arith.constant 0 : i32
          %add3A_128 = arith.addi %mul3A_126, %add3A_127 : i32
          %add3A_129 = arith.constant 0 : i32
          %add3A_130 = arith.addi %add3A_128, %add3A_129 : i32
          %get3A = arith.index_cast %add3A_130 : i32 to index
          %get3A_131 = arith.constant 0 : index
          %get3A_132 = tpu.vector_load %arg10[%get3A, %get3A_131] {strides = array<i32>} : memref<80x128xf32, #tpu.memory_space<vmem>>, vector<16xf32>,
          %get3A_133 = arith.index_cast %add3A_130 : i32 to index
          %get3A_134 = arith.constant 0 : index
          %get3A_135 = tpu.vector_load %arg13[%get3A_133, %get3A_134] {strides = array<i32>} : memref<80x128xf32, #tpu.memory_space<vmem>>, vector<16xf32>,
          %mul3A_136 = arith.mulf %get3A_132, %get3A_135 : vector<16xf32>
          %add3A_137 = arith.constant 0 : i32
          %add3A_138 = arith.addi %mul3A_126, %add3A_137 : i32
          %add3A_139 = arith.constant 1 : i32
          %add3A_140 = arith.addi %add3A_138, %add3A_139 : i32
          %get3A_141 = arith.index_cast %add3A_140 : i32 to index
          %get3A_142 = arith.constant 0 : index
          %get3A_143 = tpu.vector_load %arg10[%get3A_141, %get3A_142] {strides = array<i32>} : memref<80x128xf32, #tpu.memory_space<vmem>>, vector<16xf32>,
          %get3A_144 = arith.index_cast %add3A_140 : i32 to index
          %get3A_145 = arith.constant 0 : index
          %get3A_146 = tpu.vector_load %arg13[%get3A_144, %get3A_145] {strides = array<i32>} : memref<80x128xf32, #tpu.memory_space<vmem>>, vector<16xf32>,
          %mul3A_147 = arith.mulf %get3A_143, %get3A_146 : vector<16xf32>
          %add3A_148 = arith.constant 0 : i32
          %add3A_149 = arith.addi %mul3A_126, %add3A_148 : i32
          %add3A_150 = arith.constant 2 : i32
          %add3A_151 = arith.addi %add3A_149, %add3A_150 : i32
          %get3A_152 = arith.index_cast %add3A_151 : i32 to index
          %get3A_153 = arith.constant 0 : index
          %get3A_154 = tpu.vector_load %arg10[%get3A_152, %get3A_153] {strides = array<i32>} : memref<80x128xf32, #tpu.memory_space<vmem>>, vector<16xf32>,
          %get3A_155 = arith.index_cast %add3A_151 : i32 to index
          %get3A_156 = arith.constant 0 : index
          %get3A_157 = tpu.vector_load %arg13[%get3A_155, %get3A_156] {strides = array<i32>} : memref<80x128xf32, #tpu.memory_space<vmem>>, vector<16xf32>,
          %mul3A_158 = arith.mulf %get3A_154, %get3A_157 : vector<16xf32>
          %add3A_159 = arith.constant 0 : i32
          %add3A_160 = arith.addi %mul3A_126, %add3A_159 : i32
          %add3A_161 = arith.constant 3 : i32
          %add3A_162 = arith.addi %add3A_160, %add3A_161 : i32
          %get3A_163 = arith.index_cast %add3A_162 : i32 to index
          %get3A_164 = arith.constant 0 : index
          %get3A_165 = tpu.vector_load %arg10[%get3A_163, %get3A_164] {strides = array<i32>} : memref<80x128xf32, #tpu.memory_space<vmem>>, vector<16xf32>,
          %get3A_166 = arith.index_cast %add3A_162 : i32 to index
          %get3A_167 = arith.constant 0 : index
          %get3A_168 = tpu.vector_load %arg13[%get3A_166, %get3A_167] {strides = array<i32>} : memref<80x128xf32, #tpu.memory_space<vmem>>, vector<16xf32>,
          %mul3A_169 = arith.mulf %get3A_165, %get3A_168 : vector<16xf32>
          %add3A_170 = arith.constant 0 : i32
          %add3A_171 = arith.addi %mul3A_126, %add3A_170 : i32
          %add3A_172 = arith.constant 0 : i32
          %add3A_173 = arith.addi %add3A_171, %add3A_172 : i32
          %get3A_174 = arith.index_cast %add3A_173 : i32 to index
          %get3A_175 = arith.constant 16 : index
          %get3A_176 = tpu.vector_load %arg10[%get3A_174, %get3A_175] {strides = array<i32>} : memref<80x128xf32, #tpu.memory_space<vmem>>, vector<16xf32>,
          %get3A_177 = arith.index_cast %add3A_173 : i32 to index
          %get3A_178 = arith.constant 16 : index
          %get3A_179 = tpu.vector_load %arg13[%get3A_177, %get3A_178] {strides = array<i32>} : memref<80x128xf32, #tpu.memory_space<vmem>>, vector<16xf32>,
          %mul3A_180 = arith.mulf %get3A_176, %get3A_179 : vector<16xf32>
          %add3A_181 = arith.addf %mul3A_136, %mul3A_180 : vector<16xf32>
          %add3A_182 = arith.constant 0 : i32
          %add3A_183 = arith.addi %mul3A_126, %add3A_182 : i32
          %add3A_184 = arith.constant 1 : i32
          %add3A_185 = arith.addi %add3A_183, %add3A_184 : i32
          %get3A_186 = arith.index_cast %add3A_185 : i32 to index
          %get3A_187 = arith.constant 16 : index
          %get3A_188 = tpu.vector_load %arg10[%get3A_186, %get3A_187] {strides = array<i32>} : memref<80x128xf32, #tpu.memory_space<vmem>>, vector<16xf32>,
          %get3A_189 = arith.index_cast %add3A_185 : i32 to index
          %get3A_190 = arith.constant 16 : index
          %get3A_191 = tpu.vector_load %arg13[%get3A_189, %get3A_190] {strides = array<i32>} : memref<80x128xf32, #tpu.memory_space<vmem>>, vector<16xf32>,
          %mul3A_192 = arith.mulf %get3A_188, %get3A_191 : vector<16xf32>
          %add3A_193 = arith.addf %mul3A_147, %mul3A_192 : vector<16xf32>
          %add3A_194 = arith.constant 0 : i32
          %add3A_195 = arith.addi %mul3A_126, %add3A_194 : i32
          %add3A_196 = arith.constant 2 : i32
          %add3A_197 = arith.addi %add3A_195, %add3A_196 : i32
          %get3A_198 = arith.index_cast %add3A_197 : i32 to index
          %get3A_199 = arith.constant 16 : index
          %get3A_200 = tpu.vector_load %arg10[%get3A_198, %get3A_199] {strides = array<i32>} : memref<80x128xf32, #tpu.memory_space<vmem>>, vector<16xf32>,
          %get3A_201 = arith.index_cast %add3A_197 : i32 to index
          %get3A_202 = arith.constant 16 : index
          %get3A_203 = tpu.vector_load %arg13[%get3A_201, %get3A_202] {strides = array<i32>} : memref<80x128xf32, #tpu.memory_space<vmem>>, vector<16xf32>,
          %mul3A_204 = arith.mulf %get3A_200, %get3A_203 : vector<16xf32>
          %add3A_205 = arith.addf %mul3A_158, %mul3A_204 : vector<16xf32>
          %add3A_206 = arith.constant 0 : i32
          %add3A_207 = arith.addi %mul3A_126, %add3A_206 : i32
          %add3A_208 = arith.constant 3 : i32
          %add3A_209 = arith.addi %add3A_207, %add3A_208 : i32
          %get3A_210 = arith.index_cast %add3A_209 : i32 to index
          %get3A_211 = arith.constant 16 : index
          %get3A_212 = tpu.vector_load %arg10[%get3A_210, %get3A_211] {strides = array<i32>} : memref<80x128xf32, #tpu.memory_space<vmem>>, vector<16xf32>,
          %get3A_213 = arith.index_cast %add3A_209 : i32 to index
          %get3A_214 = arith.constant 16 : index
          %get3A_215 = tpu.vector_load %arg13[%get3A_213, %get3A_214] {strides = array<i32>} : memref<80x128xf32, #tpu.memory_space<vmem>>, vector<16xf32>,
          %mul3A_216 = arith.mulf %get3A_212, %get3A_215 : vector<16xf32>
          %add3A_217 = arith.addf %mul3A_169, %mul3A_216 : vector<16xf32>
          %add3A_218 = arith.constant 0 : i32
          %add3A_219 = arith.addi %mul3A_126, %add3A_218 : i32
          %add3A_220 = arith.constant 0 : i32
          %add3A_221 = arith.addi %add3A_219, %add3A_220 : i32
          %get3A_222 = arith.index_cast %add3A_221 : i32 to index
          %get3A_223 = arith.constant 32 : index
          %get3A_224 = tpu.vector_load %arg10[%get3A_222, %get3A_223] {strides = array<i32>} : memref<80x128xf32, #tpu.memory_space<vmem>>, vector<16xf32>,
          %get3A_225 = arith.index_cast %add3A_221 : i32 to index
          %get3A_226 = arith.constant 32 : index
          %get3A_227 = tpu.vector_load %arg13[%get3A_225, %get3A_226] {strides = array<i32>} : memref<80x128xf32, #tpu.memory_space<vmem>>, vector<16xf32>,
          %mul3A_228 = arith.mulf %get3A_224, %get3A_227 : vector<16xf32>
          %add3A_229 = arith.addf %add3A_181, %mul3A_228 : vector<16xf32>
          %add3A_230 = arith.constant 0 : i32
          %add3A_231 = arith.addi %mul3A_126, %add3A_230 : i32
          %add3A_232 = arith.constant 1 : i32
          %add3A_233 = arith.addi %add3A_231, %add3A_232 : i32
          %get3A_234 = arith.index_cast %add3A_233 : i32 to index
          %get3A_235 = arith.constant 32 : index
          %get3A_236 = tpu.vector_load %arg10[%get3A_234, %get3A_235] {strides = array<i32>} : memref<80x128xf32, #tpu.memory_space<vmem>>, vector<16xf32>,
          %get3A_237 = arith.index_cast %add3A_233 : i32 to index
          %get3A_238 = arith.constant 32 : index
          %get3A_239 = tpu.vector_load %arg13[%get3A_237, %get3A_238] {strides = array<i32>} : memref<80x128xf32, #tpu.memory_space<vmem>>, vector<16xf32>,
          %mul3A_240 = arith.mulf %get3A_236, %get3A_239 : vector<16xf32>
          %add3A_241 = arith.addf %add3A_193, %mul3A_240 : vector<16xf32>
          %add3A_242 = arith.constant 0 : i32
          %add3A_243 = arith.addi %mul3A_126, %add3A_242 : i32
          %add3A_244 = arith.constant 2 : i32
          %add3A_245 = arith.addi %add3A_243, %add3A_244 : i32
          %get3A_246 = arith.index_cast %add3A_245 : i32 to index
          %get3A_247 = arith.constant 32 : index
          %get3A_248 = tpu.vector_load %arg10[%get3A_246, %get3A_247] {strides = array<i32>} : memref<80x128xf32, #tpu.memory_space<vmem>>, vector<16xf32>,
          %get3A_249 = arith.index_cast %add3A_245 : i32 to index
          %get3A_250 = arith.constant 32 : index
          %get3A_251 = tpu.vector_load %arg13[%get3A_249, %get3A_250] {strides = array<i32>} : memref<80x128xf32, #tpu.memory_space<vmem>>, vector<16xf32>,
          %mul3A_252 = arith.mulf %get3A_248, %get3A_251 : vector<16xf32>
          %add3A_253 = arith.addf %add3A_205, %mul3A_252 : vector<16xf32>
          %add3A_254 = arith.constant 0 : i32
          %add3A_255 = arith.addi %mul3A_126, %add3A_254 : i32
          %add3A_256 = arith.constant 3 : i32
          %add3A_257 = arith.addi %add3A_255, %add3A_256 : i32
          %get3A_258 = arith.index_cast %add3A_257 : i32 to index
          %get3A_259 = arith.constant 32 : index
          %get3A_260 = tpu.vector_load %arg10[%get3A_258, %get3A_259] {strides = array<i32>} : memref<80x128xf32, #tpu.memory_space<vmem>>, vector<16xf32>,
          %get3A_261 = arith.index_cast %add3A_257 : i32 to index
          %get3A_262 = arith.constant 32 : index
          %get3A_263 = tpu.vector_load %arg13[%get3A_261, %get3A_262] {strides = array<i32>} : memref<80x128xf32, #tpu.memory_space<vmem>>, vector<16xf32>,
          %mul3A_264 = arith.mulf %get3A_260, %get3A_263 : vector<16xf32>
          %add3A_265 = arith.addf %add3A_217, %mul3A_264 : vector<16xf32>
          %add3A_266 = arith.constant 0 : i32
          %add3A_267 = arith.addi %mul3A_126, %add3A_266 : i32
          %add3A_268 = arith.constant 0 : i32
          %add3A_269 = arith.addi %add3A_267, %add3A_268 : i32
          %get3A_270 = arith.index_cast %add3A_269 : i32 to index
          %get3A_271 = arith.constant 48 : index
          %get3A_272 = tpu.vector_load %arg10[%get3A_270, %get3A_271] {strides = array<i32>} : memref<80x128xf32, #tpu.memory_space<vmem>>, vector<16xf32>,
          %get3A_273 = arith.index_cast %add3A_269 : i32 to index
          %get3A_274 = arith.constant 48 : index
          %get3A_275 = tpu.vector_load %arg13[%get3A_273, %get3A_274] {strides = array<i32>} : memref<80x128xf32, #tpu.memory_space<vmem>>, vector<16xf32>,
          %mul3A_276 = arith.mulf %get3A_272, %get3A_275 : vector<16xf32>
          %add3A_277 = arith.addf %add3A_229, %mul3A_276 : vector<16xf32>
          %add3A_278 = arith.constant 0 : i32
          %add3A_279 = arith.addi %mul3A_126, %add3A_278 : i32
          %add3A_280 = arith.constant 1 : i32
          %add3A_281 = arith.addi %add3A_279, %add3A_280 : i32
          %get3A_282 = arith.index_cast %add3A_281 : i32 to index
          %get3A_283 = arith.constant 48 : index
          %get3A_284 = tpu.vector_load %arg10[%get3A_282, %get3A_283] {strides = array<i32>} : memref<80x128xf32, #tpu.memory_space<vmem>>, vector<16xf32>,
          %get3A_285 = arith.index_cast %add3A_281 : i32 to index
          %get3A_286 = arith.constant 48 : index
          %get3A_287 = tpu.vector_load %arg13[%get3A_285, %get3A_286] {strides = array<i32>} : memref<80x128xf32, #tpu.memory_space<vmem>>, vector<16xf32>,
          %mul3A_288 = arith.mulf %get3A_284, %get3A_287 : vector<16xf32>
          %add3A_289 = arith.addf %add3A_241, %mul3A_288 : vector<16xf32>
          %add3A_290 = arith.constant 0 : i32
          %add3A_291 = arith.addi %mul3A_126, %add3A_290 : i32
          %add3A_292 = arith.constant 2 : i32
          %add3A_293 = arith.addi %add3A_291, %add3A_292 : i32
          %get3A_294 = arith.index_cast %add3A_293 : i32 to index
          %get3A_295 = arith.constant 48 : index
          %get3A_296 = tpu.vector_load %arg10[%get3A_294, %get3A_295] {strides = array<i32>} : memref<80x128xf32, #tpu.memory_space<vmem>>, vector<16xf32>,
          %get3A_297 = arith.index_cast %add3A_293 : i32 to index
          %get3A_298 = arith.constant 48 : index
          %get3A_299 = tpu.vector_load %arg13[%get3A_297, %get3A_298] {strides = array<i32>} : memref<80x128xf32, #tpu.memory_space<vmem>>, vector<16xf32>,
          %mul3A_300 = arith.mulf %get3A_296, %get3A_299 : vector<16xf32>
          %add3A_301 = arith.addf %add3A_253, %mul3A_300 : vector<16xf32>
          %add3A_302 = arith.constant 0 : i32
          %add3A_303 = arith.addi %mul3A_126, %add3A_302 : i32
          %add3A_304 = arith.constant 3 : i32
          %add3A_305 = arith.addi %add3A_303, %add3A_304 : i32
          %get3A_306 = arith.index_cast %add3A_305 : i32 to index
          %get3A_307 = arith.constant 48 : index
          %get3A_308 = tpu.vector_load %arg10[%get3A_306, %get3A_307] {strides = array<i32>} : memref<80x128xf32, #tpu.memory_space<vmem>>, vector<16xf32>,
          %get3A_309 = arith.index_cast %add3A_305 : i32 to index
          %get3A_310 = arith.constant 48 : index
          %get3A_311 = tpu.vector_load %arg13[%get3A_309, %get3A_310] {strides = array<i32>} : memref<80x128xf32, #tpu.memory_space<vmem>>, vector<16xf32>,
          %mul3A_312 = arith.mulf %get3A_308, %get3A_311 : vector<16xf32>
          %add3A_313 = arith.addf %add3A_265, %mul3A_312 : vector<16xf32>
          %add3A_314 = arith.constant 0 : i32
          %add3A_315 = arith.addi %mul3A_126, %add3A_314 : i32
          %add3A_316 = arith.constant 0 : i32
          %add3A_317 = arith.addi %add3A_315, %add3A_316 : i32
          %get3A_318 = arith.index_cast %add3A_317 : i32 to index
          %get3A_319 = arith.constant 64 : index
          %get3A_320 = tpu.vector_load %arg10[%get3A_318, %get3A_319] {strides = array<i32>} : memref<80x128xf32, #tpu.memory_space<vmem>>, vector<16xf32>,
          %get3A_321 = arith.index_cast %add3A_317 : i32 to index
          %get3A_322 = arith.constant 64 : index
          %get3A_323 = tpu.vector_load %arg13[%get3A_321, %get3A_322] {strides = array<i32>} : memref<80x128xf32, #tpu.memory_space<vmem>>, vector<16xf32>,
          %mul3A_324 = arith.mulf %get3A_320, %get3A_323 : vector<16xf32>
          %add3A_325 = arith.addf %add3A_277, %mul3A_324 : vector<16xf32>
          %add3A_326 = arith.constant 0 : i32
          %add3A_327 = arith.addi %mul3A_126, %add3A_326 : i32
          %add3A_328 = arith.constant 1 : i32
          %add3A_329 = arith.addi %add3A_327, %add3A_328 : i32
          %get3A_330 = arith.index_cast %add3A_329 : i32 to index
          %get3A_331 = arith.constant 64 : index
          %get3A_332 = tpu.vector_load %arg10[%get3A_330, %get3A_331] {strides = array<i32>} : memref<80x128xf32, #tpu.memory_space<vmem>>, vector<16xf32>,
          %get3A_333 = arith.index_cast %add3A_329 : i32 to index
          %get3A_334 = arith.constant 64 : index
          %get3A_335 = tpu.vector_load %arg13[%get3A_333, %get3A_334] {strides = array<i32>} : memref<80x128xf32, #tpu.memory_space<vmem>>, vector<16xf32>,
          %mul3A_336 = arith.mulf %get3A_332, %get3A_335 : vector<16xf32>
          %add3A_337 = arith.addf %add3A_289, %mul3A_336 : vector<16xf32>
          %add3A_338 = arith.constant 0 : i32
          %add3A_339 = arith.addi %mul3A_126, %add3A_338 : i32
          %add3A_340 = arith.constant 2 : i32
          %add3A_341 = arith.addi %add3A_339, %add3A_340 : i32
          %get3A_342 = arith.index_cast %add3A_341 : i32 to index
          %get3A_343 = arith.constant 64 : index
          %get3A_344 = tpu.vector_load %arg10[%get3A_342, %get3A_343] {strides = array<i32>} : memref<80x128xf32, #tpu.memory_space<vmem>>, vector<16xf32>,
          %get3A_345 = arith.index_cast %add3A_341 : i32 to index
          %get3A_346 = arith.constant 64 : index
          %get3A_347 = tpu.vector_load %arg13[%get3A_345, %get3A_346] {strides = array<i32>} : memref<80x128xf32, #tpu.memory_space<vmem>>, vector<16xf32>,
          %mul3A_348 = arith.mulf %get3A_344, %get3A_347 : vector<16xf32>
          %add3A_349 = arith.addf %add3A_301, %mul3A_348 : vector<16xf32>
          %add3A_350 = arith.constant 0 : i32
          %add3A_351 = arith.addi %mul3A_126, %add3A_350 : i32
          %add3A_352 = arith.constant 3 : i32
          %add3A_353 = arith.addi %add3A_351, %add3A_352 : i32
          %get3A_354 = arith.index_cast %add3A_353 : i32 to index
          %get3A_355 = arith.constant 64 : index
          %get3A_356 = tpu.vector_load %arg10[%get3A_354, %get3A_355] {strides = array<i32>} : memref<80x128xf32, #tpu.memory_space<vmem>>, vector<16xf32>,
          %get3A_357 = arith.index_cast %add3A_353 : i32 to index
          %get3A_358 = arith.constant 64 : index
          %get3A_359 = tpu.vector_load %arg13[%get3A_357, %get3A_358] {strides = array<i32>} : memref<80x128xf32, #tpu.memory_space<vmem>>, vector<16xf32>,
          %mul3A_360 = arith.mulf %get3A_356, %get3A_359 : vector<16xf32>
          %add3A_361 = arith.addf %add3A_313, %mul3A_360 : vector<16xf32>
          %add3A_362 = arith.constant 0 : i32
          %add3A_363 = arith.addi %mul3A_126, %add3A_362 : i32
          %add3A_364 = arith.constant 0 : i32
          %add3A_365 = arith.addi %add3A_363, %add3A_364 : i32
          %get3A_366 = arith.index_cast %add3A_365 : i32 to index
          %get3A_367 = arith.constant 80 : index
          %get3A_368 = tpu.vector_load %arg10[%get3A_366, %get3A_367] {strides = array<i32>} : memref<80x128xf32, #tpu.memory_space<vmem>>, vector<16xf32>,
          %get3A_369 = arith.index_cast %add3A_365 : i32 to index
          %get3A_370 = arith.constant 80 : index
          %get3A_371 = tpu.vector_load %arg13[%get3A_369, %get3A_370] {strides = array<i32>} : memref<80x128xf32, #tpu.memory_space<vmem>>, vector<16xf32>,
          %mul3A_372 = arith.mulf %get3A_368, %get3A_371 : vector<16xf32>
          %add3A_373 = arith.addf %add3A_325, %mul3A_372 : vector<16xf32>
          %add3A_374 = arith.constant 0 : i32
          %add3A_375 = arith.addi %mul3A_126, %add3A_374 : i32
          %add3A_376 = arith.constant 1 : i32
          %add3A_377 = arith.addi %add3A_375, %add3A_376 : i32
          %get3A_378 = arith.index_cast %add3A_377 : i32 to index
          %get3A_379 = arith.constant 80 : index
          %get3A_380 = tpu.vector_load %arg10[%get3A_378, %get3A_379] {strides = array<i32>} : memref<80x128xf32, #tpu.memory_space<vmem>>, vector<16xf32>,
          %get3A_381 = arith.index_cast %add3A_377 : i32 to index
          %get3A_382 = arith.constant 80 : index
          %get3A_383 = tpu.vector_load %arg13[%get3A_381, %get3A_382] {strides = array<i32>} : memref<80x128xf32, #tpu.memory_space<vmem>>, vector<16xf32>,
          %mul3A_384 = arith.mulf %get3A_380, %get3A_383 : vector<16xf32>
          %add3A_385 = arith.addf %add3A_337, %mul3A_384 : vector<16xf32>
          %add3A_386 = arith.constant 0 : i32
          %add3A_387 = arith.addi %mul3A_126, %add3A_386 : i32
          %add3A_388 = arith.constant 2 : i32
          %add3A_389 = arith.addi %add3A_387, %add3A_388 : i32
          %get3A_390 = arith.index_cast %add3A_389 : i32 to index
          %get3A_391 = arith.constant 80 : index
          %get3A_392 = tpu.vector_load %arg10[%get3A_390, %get3A_391] {strides = array<i32>} : memref<80x128xf32, #tpu.memory_space<vmem>>, vector<16xf32>,
          %get3A_393 = arith.index_cast %add3A_389 : i32 to index
          %get3A_394 = arith.constant 80 : index
          %get3A_395 = tpu.vector_load %arg13[%get3A_393, %get3A_394] {strides = array<i32>} : memref<80x128xf32, #tpu.memory_space<vmem>>, vector<16xf32>,
          %mul3A_396 = arith.mulf %get3A_392, %get3A_395 : vector<16xf32>
          %add3A_397 = arith.addf %add3A_349, %mul3A_396 : vector<16xf32>
          %add3A_398 = arith.constant 0 : i32
          %add3A_399 = arith.addi %mul3A_126, %add3A_398 : i32
          %add3A_400 = arith.constant 3 : i32
          %add3A_401 = arith.addi %add3A_399, %add3A_400 : i32
          %get3A_402 = arith.index_cast %add3A_401 : i32 to index
          %get3A_403 = arith.constant 80 : index
          %get3A_404 = tpu.vector_load %arg10[%get3A_402, %get3A_403] {strides = array<i32>} : memref<80x128xf32, #tpu.memory_space<vmem>>, vector<16xf32>,
          %get3A_405 = arith.index_cast %add3A_401 : i32 to index
          %get3A_406 = arith.constant 80 : index
          %get3A_407 = tpu.vector_load %arg13[%get3A_405, %get3A_406] {strides = array<i32>} : memref<80x128xf32, #tpu.memory_space<vmem>>, vector<16xf32>,
          %mul3A_408 = arith.mulf %get3A_404, %get3A_407 : vector<16xf32>
          %add3A_409 = arith.addf %add3A_361, %mul3A_408 : vector<16xf32>
          %add3A_410 = arith.constant 0 : i32
          %add3A_411 = arith.addi %mul3A_126, %add3A_410 : i32
          %add3A_412 = arith.constant 0 : i32
          %add3A_413 = arith.addi %add3A_411, %add3A_412 : i32
          %get3A_414 = arith.index_cast %add3A_413 : i32 to index
          %get3A_415 = arith.constant 96 : index
          %get3A_416 = tpu.vector_load %arg10[%get3A_414, %get3A_415] {strides = array<i32>} : memref<80x128xf32, #tpu.memory_space<vmem>>, vector<16xf32>,
          %get3A_417 = arith.index_cast %add3A_413 : i32 to index
          %get3A_418 = arith.constant 96 : index
          %get3A_419 = tpu.vector_load %arg13[%get3A_417, %get3A_418] {strides = array<i32>} : memref<80x128xf32, #tpu.memory_space<vmem>>, vector<16xf32>,
          %mul3A_420 = arith.mulf %get3A_416, %get3A_419 : vector<16xf32>
          %add3A_421 = arith.addf %add3A_373, %mul3A_420 : vector<16xf32>
          %add3A_422 = arith.constant 0 : i32
          %add3A_423 = arith.addi %mul3A_126, %add3A_422 : i32
          %add3A_424 = arith.constant 1 : i32
          %add3A_425 = arith.addi %add3A_423, %add3A_424 : i32
          %get3A_426 = arith.index_cast %add3A_425 : i32 to index
          %get3A_427 = arith.constant 96 : index
          %get3A_428 = tpu.vector_load %arg10[%get3A_426, %get3A_427] {strides = array<i32>} : memref<80x128xf32, #tpu.memory_space<vmem>>, vector<16xf32>,
          %get3A_429 = arith.index_cast %add3A_425 : i32 to index
          %get3A_430 = arith.constant 96 : index
          %get3A_431 = tpu.vector_load %arg13[%get3A_429, %get3A_430] {strides = array<i32>} : memref<80x128xf32, #tpu.memory_space<vmem>>, vector<16xf32>,
          %mul3A_432 = arith.mulf %get3A_428, %get3A_431 : vector<16xf32>
          %add3A_433 = arith.addf %add3A_385, %mul3A_432 : vector<16xf32>
          %add3A_434 = arith.constant 0 : i32
          %add3A_435 = arith.addi %mul3A_126, %add3A_434 : i32
          %add3A_436 = arith.constant 2 : i32
          %add3A_437 = arith.addi %add3A_435, %add3A_436 : i32
          %get3A_438 = arith.index_cast %add3A_437 : i32 to index
          %get3A_439 = arith.constant 96 : index
          %get3A_440 = tpu.vector_load %arg10[%get3A_438, %get3A_439] {strides = array<i32>} : memref<80x128xf32, #tpu.memory_space<vmem>>, vector<16xf32>,
          %get3A_441 = arith.index_cast %add3A_437 : i32 to index
          %get3A_442 = arith.constant 96 : index
          %get3A_443 = tpu.vector_load %arg13[%get3A_441, %get3A_442] {strides = array<i32>} : memref<80x128xf32, #tpu.memory_space<vmem>>, vector<16xf32>,
          %mul3A_444 = arith.mulf %get3A_440, %get3A_443 : vector<16xf32>
          %add3A_445 = arith.addf %add3A_397, %mul3A_444 : vector<16xf32>
          %add3A_446 = arith.constant 0 : i32
          %add3A_447 = arith.addi %mul3A_126, %add3A_446 : i32
          %add3A_448 = arith.constant 3 : i32
          %add3A_449 = arith.addi %add3A_447, %add3A_448 : i32
          %get3A_450 = arith.index_cast %add3A_449 : i32 to index
          %get3A_451 = arith.constant 96 : index
          %get3A_452 = tpu.vector_load %arg10[%get3A_450, %get3A_451] {strides = array<i32>} : memref<80x128xf32, #tpu.memory_space<vmem>>, vector<16xf32>,
          %get3A_453 = arith.index_cast %add3A_449 : i32 to index
          %get3A_454 = arith.constant 96 : index
          %get3A_455 = tpu.vector_load %arg13[%get3A_453, %get3A_454] {strides = array<i32>} : memref<80x128xf32, #tpu.memory_space<vmem>>, vector<16xf32>,
          %mul3A_456 = arith.mulf %get3A_452, %get3A_455 : vector<16xf32>
          %add3A_457 = arith.addf %add3A_409, %mul3A_456 : vector<16xf32>
          %add3A_458 = arith.constant 0 : i32
          %add3A_459 = arith.addi %mul3A_126, %add3A_458 : i32
          %add3A_460 = arith.constant 0 : i32
          %add3A_461 = arith.addi %add3A_459, %add3A_460 : i32
          %get3A_462 = arith.index_cast %add3A_461 : i32 to index
          %get3A_463 = arith.constant 112 : index
          %get3A_464 = tpu.vector_load %arg10[%get3A_462, %get3A_463] {strides = array<i32>} : memref<80x128xf32, #tpu.memory_space<vmem>>, vector<16xf32>,
          %get3A_465 = arith.index_cast %add3A_461 : i32 to index
          %get3A_466 = arith.constant 112 : index
          %get3A_467 = tpu.vector_load %arg13[%get3A_465, %get3A_466] {strides = array<i32>} : memref<80x128xf32, #tpu.memory_space<vmem>>, vector<16xf32>,
          %mul3A_468 = arith.mulf %get3A_464, %get3A_467 : vector<16xf32>
          %add3A_469 = arith.addf %add3A_421, %mul3A_468 : vector<16xf32>
          %add3A_470 = arith.constant 0 : i32
          %add3A_471 = arith.addi %mul3A_126, %add3A_470 : i32
          %add3A_472 = arith.constant 1 : i32
          %add3A_473 = arith.addi %add3A_471, %add3A_472 : i32
          %get3A_474 = arith.index_cast %add3A_473 : i32 to index
          %get3A_475 = arith.constant 112 : index
          %get3A_476 = tpu.vector_load %arg10[%get3A_474, %get3A_475] {strides = array<i32>} : memref<80x128xf32, #tpu.memory_space<vmem>>, vector<16xf32>,
          %get3A_477 = arith.index_cast %add3A_473 : i32 to index
          %get3A_478 = arith.constant 112 : index
          %get3A_479 = tpu.vector_load %arg13[%get3A_477, %get3A_478] {strides = array<i32>} : memref<80x128xf32, #tpu.memory_space<vmem>>, vector<16xf32>,
          %mul3A_480 = arith.mulf %get3A_476, %get3A_479 : vector<16xf32>
          %add3A_481 = arith.addf %add3A_433, %mul3A_480 : vector<16xf32>
          %add3A_482 = arith.constant 0 : i32
          %add3A_483 = arith.addi %mul3A_126, %add3A_482 : i32
          %add3A_484 = arith.constant 2 : i32
          %add3A_485 = arith.addi %add3A_483, %add3A_484 : i32
          %get3A_486 = arith.index_cast %add3A_485 : i32 to index
          %get3A_487 = arith.constant 112 : index
          %get3A_488 = tpu.vector_load %arg10[%get3A_486, %get3A_487] {strides = array<i32>} : memref<80x128xf32, #tpu.memory_space<vmem>>, vector<16xf32>,
          %get3A_489 = arith.index_cast %add3A_485 : i32 to index
          %get3A_490 = arith.constant 112 : index
          %get3A_491 = tpu.vector_load %arg13[%get3A_489, %get3A_490] {strides = array<i32>} : memref<80x128xf32, #tpu.memory_space<vmem>>, vector<16xf32>,
          %mul3A_492 = arith.mulf %get3A_488, %get3A_491 : vector<16xf32>
          %add3A_493 = arith.addf %add3A_445, %mul3A_492 : vector<16xf32>
          %add3A_494 = arith.constant 0 : i32
          %add3A_495 = arith.addi %mul3A_126, %add3A_494 : i32
          %add3A_496 = arith.constant 3 : i32
          %add3A_497 = arith.addi %add3A_495, %add3A_496 : i32
          %get3A_498 = arith.index_cast %add3A_497 : i32 to index
          %get3A_499 = arith.constant 112 : index
          %get3A_500 = tpu.vector_load %arg10[%get3A_498, %get3A_499] {strides = array<i32>} : memref<80x128xf32, #tpu.memory_space<vmem>>, vector<16xf32>,
          %get3A_501 = arith.index_cast %add3A_497 : i32 to index
          %get3A_502 = arith.constant 112 : index
          %get3A_503 = tpu.vector_load %arg13[%get3A_501, %get3A_502] {strides = array<i32>} : memref<80x128xf32, #tpu.memory_space<vmem>>, vector<16xf32>,
          %mul3A_504 = arith.mulf %get3A_500, %get3A_503 : vector<16xf32>
          %add3A_505 = arith.addf %add3A_457, %mul3A_504 : vector<16xf32>
          %swap3A = arith.constant 0 : i32
          %swap3A_506 = arith.index_cast %swap3A : i32 to index
          %swap3A_507 = arith.constant 0 : index
          %swap3A_508 = tpu.vector_load %arg17[%swap3A_506, %swap3A_507] {strides = array<i32>} : memref<16x16xf32, #tpu.memory_space<vmem>>, vector<16xf32>,
          tpu.vector_store %arg17[%swap3A_506, %swap3A_507], %add3A_469 {strides = array<i32>} : memref<16x16xf32, #tpu.memory_space<vmem>>, vector<16xf32>,
          %swap3A_509 = arith.constant 1 : i32
          %swap3A_510 = arith.index_cast %swap3A_509 : i32 to index
          %swap3A_511 = arith.constant 0 : index
          %swap3A_512 = tpu.vector_load %arg17[%swap3A_510, %swap3A_511] {strides = array<i32>} : memref<16x16xf32, #tpu.memory_space<vmem>>, vector<16xf32>,
          tpu.vector_store %arg17[%swap3A_510, %swap3A_511], %add3A_481 {strides = array<i32>} : memref<16x16xf32, #tpu.memory_space<vmem>>, vector<16xf32>,
          %swap3A_513 = arith.constant 2 : i32
          %swap3A_514 = arith.index_cast %swap3A_513 : i32 to index
          %swap3A_515 = arith.constant 0 : index
          %swap3A_516 = tpu.vector_load %arg17[%swap3A_514, %swap3A_515] {strides = array<i32>} : memref<16x16xf32, #tpu.memory_space<vmem>>, vector<16xf32>,
          tpu.vector_store %arg17[%swap3A_514, %swap3A_515], %add3A_493 {strides = array<i32>} : memref<16x16xf32, #tpu.memory_space<vmem>>, vector<16xf32>,
          %swap3A_517 = arith.constant 3 : i32
          %swap3A_518 = arith.index_cast %swap3A_517 : i32 to index
          %swap3A_519 = arith.constant 0 : index
          %swap3A_520 = tpu.vector_load %arg17[%swap3A_518, %swap3A_519] {strides = array<i32>} : memref<16x16xf32, #tpu.memory_space<vmem>>, vector<16xf32>,
          tpu.vector_store %arg17[%swap3A_518, %swap3A_519], %add3A_505 {strides = array<i32>} : memref<16x16xf32, #tpu.memory_space<vmem>>, vector<16xf32>,
          %add3A_521 = arith.constant 4 : i32
          %add3A_522 = arith.addi %mul3A_126, %add3A_521 : i32
          %add3A_523 = arith.constant 0 : i32
          %add3A_524 = arith.addi %add3A_522, %add3A_523 : i32
          %get3A_525 = arith.index_cast %add3A_524 : i32 to index
          %get3A_526 = arith.constant 0 : index
          %get3A_527 = tpu.vector_load %arg10[%get3A_525, %get3A_526] {strides = array<i32>} : memref<80x128xf32, #tpu.memory_space<vmem>>, vector<16xf32>,
          %get3A_528 = arith.index_cast %add3A_524 : i32 to index
          %get3A_529 = arith.constant 0 : index
          %get3A_530 = tpu.vector_load %arg13[%get3A_528, %get3A_529] {strides = array<i32>} : memref<80x128xf32, #tpu.memory_space<vmem>>, vector<16xf32>,
          %mul3A_531 = arith.mulf %get3A_527, %get3A_530 : vector<16xf32>
          %add3A_532 = arith.constant 4 : i32
          %add3A_533 = arith.addi %mul3A_126, %add3A_532 : i32
          %add3A_534 = arith.constant 1 : i32
          %add3A_535 = arith.addi %add3A_533, %add3A_534 : i32
          %get3A_536 = arith.index_cast %add3A_535 : i32 to index
          %get3A_537 = arith.constant 0 : index
          %get3A_538 = tpu.vector_load %arg10[%get3A_536, %get3A_537] {strides = array<i32>} : memref<80x128xf32, #tpu.memory_space<vmem>>, vector<16xf32>,
          %get3A_539 = arith.index_cast %add3A_535 : i32 to index
          %get3A_540 = arith.constant 0 : index
          %get3A_541 = tpu.vector_load %arg13[%get3A_539, %get3A_540] {strides = array<i32>} : memref<80x128xf32, #tpu.memory_space<vmem>>, vector<16xf32>,
          %mul3A_542 = arith.mulf %get3A_538, %get3A_541 : vector<16xf32>
          %add3A_543 = arith.constant 4 : i32
          %add3A_544 = arith.addi %mul3A_126, %add3A_543 : i32
          %add3A_545 = arith.constant 2 : i32
          %add3A_546 = arith.addi %add3A_544, %add3A_545 : i32
          %get3A_547 = arith.index_cast %add3A_546 : i32 to index
          %get3A_548 = arith.constant 0 : index
          %get3A_549 = tpu.vector_load %arg10[%get3A_547, %get3A_548] {strides = array<i32>} : memref<80x128xf32, #tpu.memory_space<vmem>>, vector<16xf32>,
          %get3A_550 = arith.index_cast %add3A_546 : i32 to index
          %get3A_551 = arith.constant 0 : index
          %get3A_552 = tpu.vector_load %arg13[%get3A_550, %get3A_551] {strides = array<i32>} : memref<80x128xf32, #tpu.memory_space<vmem>>, vector<16xf32>,
          %mul3A_553 = arith.mulf %get3A_549, %get3A_552 : vector<16xf32>
          %add3A_554 = arith.constant 4 : i32
          %add3A_555 = arith.addi %mul3A_126, %add3A_554 : i32
          %add3A_556 = arith.constant 3 : i32
          %add3A_557 = arith.addi %add3A_555, %add3A_556 : i32
          %get3A_558 = arith.index_cast %add3A_557 : i32 to index
          %get3A_559 = arith.constant 0 : index
          %get3A_560 = tpu.vector_load %arg10[%get3A_558, %get3A_559] {strides = array<i32>} : memref<80x128xf32, #tpu.memory_space<vmem>>, vector<16xf32>,
          %get3A_561 = arith.index_cast %add3A_557 : i32 to index
          %get3A_562 = arith.constant 0 : index
          %get3A_563 = tpu.vector_load %arg13[%get3A_561, %get3A_562] {strides = array<i32>} : memref<80x128xf32, #tpu.memory_space<vmem>>, vector<16xf32>,
          %mul3A_564 = arith.mulf %get3A_560, %get3A_563 : vector<16xf32>
          %add3A_565 = arith.constant 4 : i32
          %add3A_566 = arith.addi %mul3A_126, %add3A_565 : i32
          %add3A_567 = arith.constant 0 : i32
          %add3A_568 = arith.addi %add3A_566, %add3A_567 : i32
          %get3A_569 = arith.index_cast %add3A_568 : i32 to index
          %get3A_570 = arith.constant 16 : index
          %get3A_571 = tpu.vector_load %arg10[%get3A_569, %get3A_570] {strides = array<i32>} : memref<80x128xf32, #tpu.memory_space<vmem>>, vector<16xf32>,
          %get3A_572 = arith.index_cast %add3A_568 : i32 to index
          %get3A_573 = arith.constant 16 : index
          %get3A_574 = tpu.vector_load %arg13[%get3A_572, %get3A_573] {strides = array<i32>} : memref<80x128xf32, #tpu.memory_space<vmem>>, vector<16xf32>,
          %mul3A_575 = arith.mulf %get3A_571, %get3A_574 : vector<16xf32>
          %add3A_576 = arith.addf %mul3A_531, %mul3A_575 : vector<16xf32>
          %add3A_577 = arith.constant 4 : i32
          %add3A_578 = arith.addi %mul3A_126, %add3A_577 : i32
          %add3A_579 = arith.constant 1 : i32
          %add3A_580 = arith.addi %add3A_578, %add3A_579 : i32
          %get3A_581 = arith.index_cast %add3A_580 : i32 to index
          %get3A_582 = arith.constant 16 : index
          %get3A_583 = tpu.vector_load %arg10[%get3A_581, %get3A_582] {strides = array<i32>} : memref<80x128xf32, #tpu.memory_space<vmem>>, vector<16xf32>,
          %get3A_584 = arith.index_cast %add3A_580 : i32 to index
          %get3A_585 = arith.constant 16 : index
          %get3A_586 = tpu.vector_load %arg13[%get3A_584, %get3A_585] {strides = array<i32>} : memref<80x128xf32, #tpu.memory_space<vmem>>, vector<16xf32>,
          %mul3A_587 = arith.mulf %get3A_583, %get3A_586 : vector<16xf32>
          %add3A_588 = arith.addf %mul3A_542, %mul3A_587 : vector<16xf32>
          %add3A_589 = arith.constant 4 : i32
          %add3A_590 = arith.addi %mul3A_126, %add3A_589 : i32
          %add3A_591 = arith.constant 2 : i32
          %add3A_592 = arith.addi %add3A_590, %add3A_591 : i32
          %get3A_593 = arith.index_cast %add3A_592 : i32 to index
          %get3A_594 = arith.constant 16 : index
          %get3A_595 = tpu.vector_load %arg10[%get3A_593, %get3A_594] {strides = array<i32>} : memref<80x128xf32, #tpu.memory_space<vmem>>, vector<16xf32>,
          %get3A_596 = arith.index_cast %add3A_592 : i32 to index
          %get3A_597 = arith.constant 16 : index
          %get3A_598 = tpu.vector_load %arg13[%get3A_596, %get3A_597] {strides = array<i32>} : memref<80x128xf32, #tpu.memory_space<vmem>>, vector<16xf32>,
          %mul3A_599 = arith.mulf %get3A_595, %get3A_598 : vector<16xf32>
          %add3A_600 = arith.addf %mul3A_553, %mul3A_599 : vector<16xf32>
          %add3A_601 = arith.constant 4 : i32
          %add3A_602 = arith.addi %mul3A_126, %add3A_601 : i32
          %add3A_603 = arith.constant 3 : i32
          %add3A_604 = arith.addi %add3A_602, %add3A_603 : i32
          %get3A_605 = arith.index_cast %add3A_604 : i32 to index
          %get3A_606 = arith.constant 16 : index
          %get3A_607 = tpu.vector_load %arg10[%get3A_605, %get3A_606] {strides = array<i32>} : memref<80x128xf32, #tpu.memory_space<vmem>>, vector<16xf32>,
          %get3A_608 = arith.index_cast %add3A_604 : i32 to index
          %get3A_609 = arith.constant 16 : index
          %get3A_610 = tpu.vector_load %arg13[%get3A_608, %get3A_609] {strides = array<i32>} : memref<80x128xf32, #tpu.memory_space<vmem>>, vector<16xf32>,
          %mul3A_611 = arith.mulf %get3A_607, %get3A_610 : vector<16xf32>
          %add3A_612 = arith.addf %mul3A_564, %mul3A_611 : vector<16xf32>
          %add3A_613 = arith.constant 4 : i32
          %add3A_614 = arith.addi %mul3A_126, %add3A_613 : i32
          %add3A_615 = arith.constant 0 : i32
          %add3A_616 = arith.addi %add3A_614, %add3A_615 : i32
          %get3A_617 = arith.index_cast %add3A_616 : i32 to index
          %get3A_618 = arith.constant 32 : index
          %get3A_619 = tpu.vector_load %arg10[%get3A_617, %get3A_618] {strides = array<i32>} : memref<80x128xf32, #tpu.memory_space<vmem>>, vector<16xf32>,
          %get3A_620 = arith.index_cast %add3A_616 : i32 to index
          %get3A_621 = arith.constant 32 : index
          %get3A_622 = tpu.vector_load %arg13[%get3A_620, %get3A_621] {strides = array<i32>} : memref<80x128xf32, #tpu.memory_space<vmem>>, vector<16xf32>,
          %mul3A_623 = arith.mulf %get3A_619, %get3A_622 : vector<16xf32>
          %add3A_624 = arith.addf %add3A_576, %mul3A_623 : vector<16xf32>
          %add3A_625 = arith.constant 4 : i32
          %add3A_626 = arith.addi %mul3A_126, %add3A_625 : i32
          %add3A_627 = arith.constant 1 : i32
          %add3A_628 = arith.addi %add3A_626, %add3A_627 : i32
          %get3A_629 = arith.index_cast %add3A_628 : i32 to index
          %get3A_630 = arith.constant 32 : index
          %get3A_631 = tpu.vector_load %arg10[%get3A_629, %get3A_630] {strides = array<i32>} : memref<80x128xf32, #tpu.memory_space<vmem>>, vector<16xf32>,
          %get3A_632 = arith.index_cast %add3A_628 : i32 to index
          %get3A_633 = arith.constant 32 : index
          %get3A_634 = tpu.vector_load %arg13[%get3A_632, %get3A_633] {strides = array<i32>} : memref<80x128xf32, #tpu.memory_space<vmem>>, vector<16xf32>,
          %mul3A_635 = arith.mulf %get3A_631, %get3A_634 : vector<16xf32>
          %add3A_636 = arith.addf %add3A_588, %mul3A_635 : vector<16xf32>
          %add3A_637 = arith.constant 4 : i32
          %add3A_638 = arith.addi %mul3A_126, %add3A_637 : i32
          %add3A_639 = arith.constant 2 : i32
          %add3A_640 = arith.addi %add3A_638, %add3A_639 : i32
          %get3A_641 = arith.index_cast %add3A_640 : i32 to index
          %get3A_642 = arith.constant 32 : index
          %get3A_643 = tpu.vector_load %arg10[%get3A_641, %get3A_642] {strides = array<i32>} : memref<80x128xf32, #tpu.memory_space<vmem>>, vector<16xf32>,
          %get3A_644 = arith.index_cast %add3A_640 : i32 to index
          %get3A_645 = arith.constant 32 : index
          %get3A_646 = tpu.vector_load %arg13[%get3A_644, %get3A_645] {strides = array<i32>} : memref<80x128xf32, #tpu.memory_space<vmem>>, vector<16xf32>,
          %mul3A_647 = arith.mulf %get3A_643, %get3A_646 : vector<16xf32>
          %add3A_648 = arith.addf %add3A_600, %mul3A_647 : vector<16xf32>
          %add3A_649 = arith.constant 4 : i32
          %add3A_650 = arith.addi %mul3A_126, %add3A_649 : i32
          %add3A_651 = arith.constant 3 : i32
          %add3A_652 = arith.addi %add3A_650, %add3A_651 : i32
          %get3A_653 = arith.index_cast %add3A_652 : i32 to index
          %get3A_654 = arith.constant 32 : index
          %get3A_655 = tpu.vector_load %arg10[%get3A_653, %get3A_654] {strides = array<i32>} : memref<80x128xf32, #tpu.memory_space<vmem>>, vector<16xf32>,
          %get3A_656 = arith.index_cast %add3A_652 : i32 to index
          %get3A_657 = arith.constant 32 : index
          %get3A_658 = tpu.vector_load %arg13[%get3A_656, %get3A_657] {strides = array<i32>} : memref<80x128xf32, #tpu.memory_space<vmem>>, vector<16xf32>,
          %mul3A_659 = arith.mulf %get3A_655, %get3A_658 : vector<16xf32>
          %add3A_660 = arith.addf %add3A_612, %mul3A_659 : vector<16xf32>
          %add3A_661 = arith.constant 4 : i32
          %add3A_662 = arith.addi %mul3A_126, %add3A_661 : i32
          %add3A_663 = arith.constant 0 : i32
          %add3A_664 = arith.addi %add3A_662, %add3A_663 : i32
          %get3A_665 = arith.index_cast %add3A_664 : i32 to index
          %get3A_666 = arith.constant 48 : index
          %get3A_667 = tpu.vector_load %arg10[%get3A_665, %get3A_666] {strides = array<i32>} : memref<80x128xf32, #tpu.memory_space<vmem>>, vector<16xf32>,
          %get3A_668 = arith.index_cast %add3A_664 : i32 to index
          %get3A_669 = arith.constant 48 : index
          %get3A_670 = tpu.vector_load %arg13[%get3A_668, %get3A_669] {strides = array<i32>} : memref<80x128xf32, #tpu.memory_space<vmem>>, vector<16xf32>,
          %mul3A_671 = arith.mulf %get3A_667, %get3A_670 : vector<16xf32>
          %add3A_672 = arith.addf %add3A_624, %mul3A_671 : vector<16xf32>
          %add3A_673 = arith.constant 4 : i32
          %add3A_674 = arith.addi %mul3A_126, %add3A_673 : i32
          %add3A_675 = arith.constant 1 : i32
          %add3A_676 = arith.addi %add3A_674, %add3A_675 : i32
          %get3A_677 = arith.index_cast %add3A_676 : i32 to index
          %get3A_678 = arith.constant 48 : index
          %get3A_679 = tpu.vector_load %arg10[%get3A_677, %get3A_678] {strides = array<i32>} : memref<80x128xf32, #tpu.memory_space<vmem>>, vector<16xf32>,
          %get3A_680 = arith.index_cast %add3A_676 : i32 to index
          %get3A_681 = arith.constant 48 : index
          %get3A_682 = tpu.vector_load %arg13[%get3A_680, %get3A_681] {strides = array<i32>} : memref<80x128xf32, #tpu.memory_space<vmem>>, vector<16xf32>,
          %mul3A_683 = arith.mulf %get3A_679, %get3A_682 : vector<16xf32>
          %add3A_684 = arith.addf %add3A_636, %mul3A_683 : vector<16xf32>
          %add3A_685 = arith.constant 4 : i32
          %add3A_686 = arith.addi %mul3A_126, %add3A_685 : i32
          %add3A_687 = arith.constant 2 : i32
          %add3A_688 = arith.addi %add3A_686, %add3A_687 : i32
          %get3A_689 = arith.index_cast %add3A_688 : i32 to index
          %get3A_690 = arith.constant 48 : index
          %get3A_691 = tpu.vector_load %arg10[%get3A_689, %get3A_690] {strides = array<i32>} : memref<80x128xf32, #tpu.memory_space<vmem>>, vector<16xf32>,
          %get3A_692 = arith.index_cast %add3A_688 : i32 to index
          %get3A_693 = arith.constant 48 : index
          %get3A_694 = tpu.vector_load %arg13[%get3A_692, %get3A_693] {strides = array<i32>} : memref<80x128xf32, #tpu.memory_space<vmem>>, vector<16xf32>,
          %mul3A_695 = arith.mulf %get3A_691, %get3A_694 : vector<16xf32>
          %add3A_696 = arith.addf %add3A_648, %mul3A_695 : vector<16xf32>
          %add3A_697 = arith.constant 4 : i32
          %add3A_698 = arith.addi %mul3A_126, %add3A_697 : i32
          %add3A_699 = arith.constant 3 : i32
          %add3A_700 = arith.addi %add3A_698, %add3A_699 : i32
          %get3A_701 = arith.index_cast %add3A_700 : i32 to index
          %get3A_702 = arith.constant 48 : index
          %get3A_703 = tpu.vector_load %arg10[%get3A_701, %get3A_702] {strides = array<i32>} : memref<80x128xf32, #tpu.memory_space<vmem>>, vector<16xf32>,
          %get3A_704 = arith.index_cast %add3A_700 : i32 to index
          %get3A_705 = arith.constant 48 : index
          %get3A_706 = tpu.vector_load %arg13[%get3A_704, %get3A_705] {strides = array<i32>} : memref<80x128xf32, #tpu.memory_space<vmem>>, vector<16xf32>,
          %mul3A_707 = arith.mulf %get3A_703, %get3A_706 : vector<16xf32>
          %add3A_708 = arith.addf %add3A_660, %mul3A_707 : vector<16xf32>
          %add3A_709 = arith.constant 4 : i32
          %add3A_710 = arith.addi %mul3A_126, %add3A_709 : i32
          %add3A_711 = arith.constant 0 : i32
          %add3A_712 = arith.addi %add3A_710, %add3A_711 : i32
          %get3A_713 = arith.index_cast %add3A_712 : i32 to index
          %get3A_714 = arith.constant 64 : index
          %get3A_715 = tpu.vector_load %arg10[%get3A_713, %get3A_714] {strides = array<i32>} : memref<80x128xf32, #tpu.memory_space<vmem>>, vector<16xf32>,
          %get3A_716 = arith.index_cast %add3A_712 : i32 to index
          %get3A_717 = arith.constant 64 : index
          %get3A_718 = tpu.vector_load %arg13[%get3A_716, %get3A_717] {strides = array<i32>} : memref<80x128xf32, #tpu.memory_space<vmem>>, vector<16xf32>,
          %mul3A_719 = arith.mulf %get3A_715, %get3A_718 : vector<16xf32>
          %add3A_720 = arith.addf %add3A_672, %mul3A_719 : vector<16xf32>
          %add3A_721 = arith.constant 4 : i32
          %add3A_722 = arith.addi %mul3A_126, %add3A_721 : i32
          %add3A_723 = arith.constant 1 : i32
          %add3A_724 = arith.addi %add3A_722, %add3A_723 : i32
          %get3A_725 = arith.index_cast %add3A_724 : i32 to index
          %get3A_726 = arith.constant 64 : index
          %get3A_727 = tpu.vector_load %arg10[%get3A_725, %get3A_726] {strides = array<i32>} : memref<80x128xf32, #tpu.memory_space<vmem>>, vector<16xf32>,
          %get3A_728 = arith.index_cast %add3A_724 : i32 to index
          %get3A_729 = arith.constant 64 : index
          %get3A_730 = tpu.vector_load %arg13[%get3A_728, %get3A_729] {strides = array<i32>} : memref<80x128xf32, #tpu.memory_space<vmem>>, vector<16xf32>,
          %mul3A_731 = arith.mulf %get3A_727, %get3A_730 : vector<16xf32>
          %add3A_732 = arith.addf %add3A_684, %mul3A_731 : vector<16xf32>
          %add3A_733 = arith.constant 4 : i32
          %add3A_734 = arith.addi %mul3A_126, %add3A_733 : i32
          %add3A_735 = arith.constant 2 : i32
          %add3A_736 = arith.addi %add3A_734, %add3A_735 : i32
          %get3A_737 = arith.index_cast %add3A_736 : i32 to index
          %get3A_738 = arith.constant 64 : index
          %get3A_739 = tpu.vector_load %arg10[%get3A_737, %get3A_738] {strides = array<i32>} : memref<80x128xf32, #tpu.memory_space<vmem>>, vector<16xf32>,
          %get3A_740 = arith.index_cast %add3A_736 : i32 to index
          %get3A_741 = arith.constant 64 : index
          %get3A_742 = tpu.vector_load %arg13[%get3A_740, %get3A_741] {strides = array<i32>} : memref<80x128xf32, #tpu.memory_space<vmem>>, vector<16xf32>,
          %mul3A_743 = arith.mulf %get3A_739, %get3A_742 : vector<16xf32>
          %add3A_744 = arith.addf %add3A_696, %mul3A_743 : vector<16xf32>
          %add3A_745 = arith.constant 4 : i32
          %add3A_746 = arith.addi %mul3A_126, %add3A_745 : i32
          %add3A_747 = arith.constant 3 : i32
          %add3A_748 = arith.addi %add3A_746, %add3A_747 : i32
          %get3A_749 = arith.index_cast %add3A_748 : i32 to index
          %get3A_750 = arith.constant 64 : index
          %get3A_751 = tpu.vector_load %arg10[%get3A_749, %get3A_750] {strides = array<i32>} : memref<80x128xf32, #tpu.memory_space<vmem>>, vector<16xf32>,
          %get3A_752 = arith.index_cast %add3A_748 : i32 to index
          %get3A_753 = arith.constant 64 : index
          %get3A_754 = tpu.vector_load %arg13[%get3A_752, %get3A_753] {strides = array<i32>} : memref<80x128xf32, #tpu.memory_space<vmem>>, vector<16xf32>,
          %mul3A_755 = arith.mulf %get3A_751, %get3A_754 : vector<16xf32>
          %add3A_756 = arith.addf %add3A_708, %mul3A_755 : vector<16xf32>
          %add3A_757 = arith.constant 4 : i32
          %add3A_758 = arith.addi %mul3A_126, %add3A_757 : i32
          %add3A_759 = arith.constant 0 : i32
          %add3A_760 = arith.addi %add3A_758, %add3A_759 : i32
          %get3A_761 = arith.index_cast %add3A_760 : i32 to index
          %get3A_762 = arith.constant 80 : index
          %get3A_763 = tpu.vector_load %arg10[%get3A_761, %get3A_762] {strides = array<i32>} : memref<80x128xf32, #tpu.memory_space<vmem>>, vector<16xf32>,
          %get3A_764 = arith.index_cast %add3A_760 : i32 to index
          %get3A_765 = arith.constant 80 : index
          %get3A_766 = tpu.vector_load %arg13[%get3A_764, %get3A_765] {strides = array<i32>} : memref<80x128xf32, #tpu.memory_space<vmem>>, vector<16xf32>,
          %mul3A_767 = arith.mulf %get3A_763, %get3A_766 : vector<16xf32>
          %add3A_768 = arith.addf %add3A_720, %mul3A_767 : vector<16xf32>
          %add3A_769 = arith.constant 4 : i32
          %add3A_770 = arith.addi %mul3A_126, %add3A_769 : i32
          %add3A_771 = arith.constant 1 : i32
          %add3A_772 = arith.addi %add3A_770, %add3A_771 : i32
          %get3A_773 = arith.index_cast %add3A_772 : i32 to index
          %get3A_774 = arith.constant 80 : index
          %get3A_775 = tpu.vector_load %arg10[%get3A_773, %get3A_774] {strides = array<i32>} : memref<80x128xf32, #tpu.memory_space<vmem>>, vector<16xf32>,
          %get3A_776 = arith.index_cast %add3A_772 : i32 to index
          %get3A_777 = arith.constant 80 : index
          %get3A_778 = tpu.vector_load %arg13[%get3A_776, %get3A_777] {strides = array<i32>} : memref<80x128xf32, #tpu.memory_space<vmem>>, vector<16xf32>,
          %mul3A_779 = arith.mulf %get3A_775, %get3A_778 : vector<16xf32>
          %add3A_780 = arith.addf %add3A_732, %mul3A_779 : vector<16xf32>
          %add3A_781 = arith.constant 4 : i32
          %add3A_782 = arith.addi %mul3A_126, %add3A_781 : i32
          %add3A_783 = arith.constant 2 : i32
          %add3A_784 = arith.addi %add3A_782, %add3A_783 : i32
          %get3A_785 = arith.index_cast %add3A_784 : i32 to index
          %get3A_786 = arith.constant 80 : index
          %get3A_787 = tpu.vector_load %arg10[%get3A_785, %get3A_786] {strides = array<i32>} : memref<80x128xf32, #tpu.memory_space<vmem>>, vector<16xf32>,
          %get3A_788 = arith.index_cast %add3A_784 : i32 to index
          %get3A_789 = arith.constant 80 : index
          %get3A_790 = tpu.vector_load %arg13[%get3A_788, %get3A_789] {strides = array<i32>} : memref<80x128xf32, #tpu.memory_space<vmem>>, vector<16xf32>,
          %mul3A_791 = arith.mulf %get3A_787, %get3A_790 : vector<16xf32>
          %add3A_792 = arith.addf %add3A_744, %mul3A_791 : vector<16xf32>
          %add3A_793 = arith.constant 4 : i32
          %add3A_794 = arith.addi %mul3A_126, %add3A_793 : i32
          %add3A_795 = arith.constant 3 : i32
          %add3A_796 = arith.addi %add3A_794, %add3A_795 : i32
          %get3A_797 = arith.index_cast %add3A_796 : i32 to index
          %get3A_798 = arith.constant 80 : index
          %get3A_799 = tpu.vector_load %arg10[%get3A_797, %get3A_798] {strides = array<i32>} : memref<80x128xf32, #tpu.memory_space<vmem>>, vector<16xf32>,
          %get3A_800 = arith.index_cast %add3A_796 : i32 to index
          %get3A_801 = arith.constant 80 : index
          %get3A_802 = tpu.vector_load %arg13[%get3A_800, %get3A_801] {strides = array<i32>} : memref<80x128xf32, #tpu.memory_space<vmem>>, vector<16xf32>,
          %mul3A_803 = arith.mulf %get3A_799, %get3A_802 : vector<16xf32>
          %add3A_804 = arith.addf %add3A_756, %mul3A_803 : vector<16xf32>
          %add3A_805 = arith.constant 4 : i32
          %add3A_806 = arith.addi %mul3A_126, %add3A_805 : i32
          %add3A_807 = arith.constant 0 : i32
          %add3A_808 = arith.addi %add3A_806, %add3A_807 : i32
          %get3A_809 = arith.index_cast %add3A_808 : i32 to index
          %get3A_810 = arith.constant 96 : index
          %get3A_811 = tpu.vector_load %arg10[%get3A_809, %get3A_810] {strides = array<i32>} : memref<80x128xf32, #tpu.memory_space<vmem>>, vector<16xf32>,
          %get3A_812 = arith.index_cast %add3A_808 : i32 to index
          %get3A_813 = arith.constant 96 : index
          %get3A_814 = tpu.vector_load %arg13[%get3A_812, %get3A_813] {strides = array<i32>} : memref<80x128xf32, #tpu.memory_space<vmem>>, vector<16xf32>,
          %mul3A_815 = arith.mulf %get3A_811, %get3A_814 : vector<16xf32>
          %add3A_816 = arith.addf %add3A_768, %mul3A_815 : vector<16xf32>
          %add3A_817 = arith.constant 4 : i32
          %add3A_818 = arith.addi %mul3A_126, %add3A_817 : i32
          %add3A_819 = arith.constant 1 : i32
          %add3A_820 = arith.addi %add3A_818, %add3A_819 : i32
          %get3A_821 = arith.index_cast %add3A_820 : i32 to index
          %get3A_822 = arith.constant 96 : index
          %get3A_823 = tpu.vector_load %arg10[%get3A_821, %get3A_822] {strides = array<i32>} : memref<80x128xf32, #tpu.memory_space<vmem>>, vector<16xf32>,
          %get3A_824 = arith.index_cast %add3A_820 : i32 to index
          %get3A_825 = arith.constant 96 : index
          %get3A_826 = tpu.vector_load %arg13[%get3A_824, %get3A_825] {strides = array<i32>} : memref<80x128xf32, #tpu.memory_space<vmem>>, vector<16xf32>,
          %mul3A_827 = arith.mulf %get3A_823, %get3A_826 : vector<16xf32>
          %add3A_828 = arith.addf %add3A_780, %mul3A_827 : vector<16xf32>
          %add3A_829 = arith.constant 4 : i32
          %add3A_830 = arith.addi %mul3A_126, %add3A_829 : i32
          %add3A_831 = arith.constant 2 : i32
          %add3A_832 = arith.addi %add3A_830, %add3A_831 : i32
          %get3A_833 = arith.index_cast %add3A_832 : i32 to index
          %get3A_834 = arith.constant 96 : index
          %get3A_835 = tpu.vector_load %arg10[%get3A_833, %get3A_834] {strides = array<i32>} : memref<80x128xf32, #tpu.memory_space<vmem>>, vector<16xf32>,
          %get3A_836 = arith.index_cast %add3A_832 : i32 to index
          %get3A_837 = arith.constant 96 : index
          %get3A_838 = tpu.vector_load %arg13[%get3A_836, %get3A_837] {strides = array<i32>} : memref<80x128xf32, #tpu.memory_space<vmem>>, vector<16xf32>,
          %mul3A_839 = arith.mulf %get3A_835, %get3A_838 : vector<16xf32>
          %add3A_840 = arith.addf %add3A_792, %mul3A_839 : vector<16xf32>
          %add3A_841 = arith.constant 4 : i32
          %add3A_842 = arith.addi %mul3A_126, %add3A_841 : i32
          %add3A_843 = arith.constant 3 : i32
          %add3A_844 = arith.addi %add3A_842, %add3A_843 : i32
          %get3A_845 = arith.index_cast %add3A_844 : i32 to index
          %get3A_846 = arith.constant 96 : index
          %get3A_847 = tpu.vector_load %arg10[%get3A_845, %get3A_846] {strides = array<i32>} : memref<80x128xf32, #tpu.memory_space<vmem>>, vector<16xf32>,
          %get3A_848 = arith.index_cast %add3A_844 : i32 to index
          %get3A_849 = arith.constant 96 : index
          %get3A_850 = tpu.vector_load %arg13[%get3A_848, %get3A_849] {strides = array<i32>} : memref<80x128xf32, #tpu.memory_space<vmem>>, vector<16xf32>,
          %mul3A_851 = arith.mulf %get3A_847, %get3A_850 : vector<16xf32>
          %add3A_852 = arith.addf %add3A_804, %mul3A_851 : vector<16xf32>
          %add3A_853 = arith.constant 4 : i32
          %add3A_854 = arith.addi %mul3A_126, %add3A_853 : i32
          %add3A_855 = arith.constant 0 : i32
          %add3A_856 = arith.addi %add3A_854, %add3A_855 : i32
          %get3A_857 = arith.index_cast %add3A_856 : i32 to index
          %get3A_858 = arith.constant 112 : index
          %get3A_859 = tpu.vector_load %arg10[%get3A_857, %get3A_858] {strides = array<i32>} : memref<80x128xf32, #tpu.memory_space<vmem>>, vector<16xf32>,
          %get3A_860 = arith.index_cast %add3A_856 : i32 to index
          %get3A_861 = arith.constant 112 : index
          %get3A_862 = tpu.vector_load %arg13[%get3A_860, %get3A_861] {strides = array<i32>} : memref<80x128xf32, #tpu.memory_space<vmem>>, vector<16xf32>,
          %mul3A_863 = arith.mulf %get3A_859, %get3A_862 : vector<16xf32>
          %add3A_864 = arith.addf %add3A_816, %mul3A_863 : vector<16xf32>
          %add3A_865 = arith.constant 4 : i32
          %add3A_866 = arith.addi %mul3A_126, %add3A_865 : i32
          %add3A_867 = arith.constant 1 : i32
          %add3A_868 = arith.addi %add3A_866, %add3A_867 : i32
          %get3A_869 = arith.index_cast %add3A_868 : i32 to index
          %get3A_870 = arith.constant 112 : index
          %get3A_871 = tpu.vector_load %arg10[%get3A_869, %get3A_870] {strides = array<i32>} : memref<80x128xf32, #tpu.memory_space<vmem>>, vector<16xf32>,
          %get3A_872 = arith.index_cast %add3A_868 : i32 to index
          %get3A_873 = arith.constant 112 : index
          %get3A_874 = tpu.vector_load %arg13[%get3A_872, %get3A_873] {strides = array<i32>} : memref<80x128xf32, #tpu.memory_space<vmem>>, vector<16xf32>,
          %mul3A_875 = arith.mulf %get3A_871, %get3A_874 : vector<16xf32>
          %add3A_876 = arith.addf %add3A_828, %mul3A_875 : vector<16xf32>
          %add3A_877 = arith.constant 4 : i32
          %add3A_878 = arith.addi %mul3A_126, %add3A_877 : i32
          %add3A_879 = arith.constant 2 : i32
          %add3A_880 = arith.addi %add3A_878, %add3A_879 : i32
          %get3A_881 = arith.index_cast %add3A_880 : i32 to index
          %get3A_882 = arith.constant 112 : index
          %get3A_883 = tpu.vector_load %arg10[%get3A_881, %get3A_882] {strides = array<i32>} : memref<80x128xf32, #tpu.memory_space<vmem>>, vector<16xf32>,
          %get3A_884 = arith.index_cast %add3A_880 : i32 to index
          %get3A_885 = arith.constant 112 : index
          %get3A_886 = tpu.vector_load %arg13[%get3A_884, %get3A_885] {strides = array<i32>} : memref<80x128xf32, #tpu.memory_space<vmem>>, vector<16xf32>,
          %mul3A_887 = arith.mulf %get3A_883, %get3A_886 : vector<16xf32>
          %add3A_888 = arith.addf %add3A_840, %mul3A_887 : vector<16xf32>
          %add3A_889 = arith.constant 4 : i32
          %add3A_890 = arith.addi %mul3A_126, %add3A_889 : i32
          %add3A_891 = arith.constant 3 : i32
          %add3A_892 = arith.addi %add3A_890, %add3A_891 : i32
          %get3A_893 = arith.index_cast %add3A_892 : i32 to index
          %get3A_894 = arith.constant 112 : index
          %get3A_895 = tpu.vector_load %arg10[%get3A_893, %get3A_894] {strides = array<i32>} : memref<80x128xf32, #tpu.memory_space<vmem>>, vector<16xf32>,
          %get3A_896 = arith.index_cast %add3A_892 : i32 to index
          %get3A_897 = arith.constant 112 : index
          %get3A_898 = tpu.vector_load %arg13[%get3A_896, %get3A_897] {strides = array<i32>} : memref<80x128xf32, #tpu.memory_space<vmem>>, vector<16xf32>,
          %mul3A_899 = arith.mulf %get3A_895, %get3A_898 : vector<16xf32>
          %add3A_900 = arith.addf %add3A_852, %mul3A_899 : vector<16xf32>
          %swap3A_901 = arith.constant 4 : i32
          %swap3A_902 = arith.index_cast %swap3A_901 : i32 to index
          %swap3A_903 = arith.constant 0 : index
          %swap3A_904 = tpu.vector_load %arg17[%swap3A_902, %swap3A_903] {strides = array<i32>} : memref<16x16xf32, #tpu.memory_space<vmem>>, vector<16xf32>,
          tpu.vector_store %arg17[%swap3A_902, %swap3A_903], %add3A_864 {strides = array<i32>} : memref<16x16xf32, #tpu.memory_space<vmem>>, vector<16xf32>,
          %swap3A_905 = arith.constant 5 : i32
          %swap3A_906 = arith.index_cast %swap3A_905 : i32 to index
          %swap3A_907 = arith.constant 0 : index
          %swap3A_908 = tpu.vector_load %arg17[%swap3A_906, %swap3A_907] {strides = array<i32>} : memref<16x16xf32, #tpu.memory_space<vmem>>, vector<16xf32>,
          tpu.vector_store %arg17[%swap3A_906, %swap3A_907], %add3A_876 {strides = array<i32>} : memref<16x16xf32, #tpu.memory_space<vmem>>, vector<16xf32>,
          %swap3A_909 = arith.constant 6 : i32
          %swap3A_910 = arith.index_cast %swap3A_909 : i32 to index
          %swap3A_911 = arith.constant 0 : index
          %swap3A_912 = tpu.vector_load %arg17[%swap3A_910, %swap3A_911] {strides = array<i32>} : memref<16x16xf32, #tpu.memory_space<vmem>>, vector<16xf32>,
          tpu.vector_store %arg17[%swap3A_910, %swap3A_911], %add3A_888 {strides = array<i32>} : memref<16x16xf32, #tpu.memory_space<vmem>>, vector<16xf32>,
          %swap3A_913 = arith.constant 7 : i32
          %swap3A_914 = arith.index_cast %swap3A_913 : i32 to index
          %swap3A_915 = arith.constant 0 : index
          %swap3A_916 = tpu.vector_load %arg17[%swap3A_914, %swap3A_915] {strides = array<i32>} : memref<16x16xf32, #tpu.memory_space<vmem>>, vector<16xf32>,
          tpu.vector_store %arg17[%swap3A_914, %swap3A_915], %add3A_900 {strides = array<i32>} : memref<16x16xf32, #tpu.memory_space<vmem>>, vector<16xf32>,
          %add3A_917 = arith.constant 8 : i32
          %add3A_918 = arith.addi %mul3A_126, %add3A_917 : i32
          %add3A_919 = arith.constant 0 : i32
          %add3A_920 = arith.addi %add3A_918, %add3A_919 : i32
          %get3A_921 = arith.index_cast %add3A_920 : i32 to index
          %get3A_922 = arith.constant 0 : index
          %get3A_923 = tpu.vector_load %arg10[%get3A_921, %get3A_922] {strides = array<i32>} : memref<80x128xf32, #tpu.memory_space<vmem>>, vector<16xf32>,
          %get3A_924 = arith.index_cast %add3A_920 : i32 to index
          %get3A_925 = arith.constant 0 : index
          %get3A_926 = tpu.vector_load %arg13[%get3A_924, %get3A_925] {strides = array<i32>} : memref<80x128xf32, #tpu.memory_space<vmem>>, vector<16xf32>,
          %mul3A_927 = arith.mulf %get3A_923, %get3A_926 : vector<16xf32>
          %add3A_928 = arith.constant 8 : i32
          %add3A_929 = arith.addi %mul3A_126, %add3A_928 : i32
          %add3A_930 = arith.constant 1 : i32
          %add3A_931 = arith.addi %add3A_929, %add3A_930 : i32
          %get3A_932 = arith.index_cast %add3A_931 : i32 to index
          %get3A_933 = arith.constant 0 : index
          %get3A_934 = tpu.vector_load %arg10[%get3A_932, %get3A_933] {strides = array<i32>} : memref<80x128xf32, #tpu.memory_space<vmem>>, vector<16xf32>,
          %get3A_935 = arith.index_cast %add3A_931 : i32 to index
          %get3A_936 = arith.constant 0 : index
          %get3A_937 = tpu.vector_load %arg13[%get3A_935, %get3A_936] {strides = array<i32>} : memref<80x128xf32, #tpu.memory_space<vmem>>, vector<16xf32>,
          %mul3A_938 = arith.mulf %get3A_934, %get3A_937 : vector<16xf32>
          %add3A_939 = arith.constant 8 : i32
          %add3A_940 = arith.addi %mul3A_126, %add3A_939 : i32
          %add3A_941 = arith.constant 2 : i32
          %add3A_942 = arith.addi %add3A_940, %add3A_941 : i32
          %get3A_943 = arith.index_cast %add3A_942 : i32 to index
          %get3A_944 = arith.constant 0 : index
          %get3A_945 = tpu.vector_load %arg10[%get3A_943, %get3A_944] {strides = array<i32>} : memref<80x128xf32, #tpu.memory_space<vmem>>, vector<16xf32>,
          %get3A_946 = arith.index_cast %add3A_942 : i32 to index
          %get3A_947 = arith.constant 0 : index
          %get3A_948 = tpu.vector_load %arg13[%get3A_946, %get3A_947] {strides = array<i32>} : memref<80x128xf32, #tpu.memory_space<vmem>>, vector<16xf32>,
          %mul3A_949 = arith.mulf %get3A_945, %get3A_948 : vector<16xf32>
          %add3A_950 = arith.constant 8 : i32
          %add3A_951 = arith.addi %mul3A_126, %add3A_950 : i32
          %add3A_952 = arith.constant 3 : i32
          %add3A_953 = arith.addi %add3A_951, %add3A_952 : i32
          %get3A_954 = arith.index_cast %add3A_953 : i32 to index
          %get3A_955 = arith.constant 0 : index
          %get3A_956 = tpu.vector_load %arg10[%get3A_954, %get3A_955] {strides = array<i32>} : memref<80x128xf32, #tpu.memory_space<vmem>>, vector<16xf32>,
          %get3A_957 = arith.index_cast %add3A_953 : i32 to index
          %get3A_958 = arith.constant 0 : index
          %get3A_959 = tpu.vector_load %arg13[%get3A_957, %get3A_958] {strides = array<i32>} : memref<80x128xf32, #tpu.memory_space<vmem>>, vector<16xf32>,
          %mul3A_960 = arith.mulf %get3A_956, %get3A_959 : vector<16xf32>
          %add3A_961 = arith.constant 8 : i32
          %add3A_962 = arith.addi %mul3A_126, %add3A_961 : i32
          %add3A_963 = arith.constant 0 : i32
          %add3A_964 = arith.addi %add3A_962, %add3A_963 : i32
          %get3A_965 = arith.index_cast %add3A_964 : i32 to index
          %get3A_966 = arith.constant 16 : index
          %get3A_967 = tpu.vector_load %arg10[%get3A_965, %get3A_966] {strides = array<i32>} : memref<80x128xf32, #tpu.memory_space<vmem>>, vector<16xf32>,
          %get3A_968 = arith.index_cast %add3A_964 : i32 to index
          %get3A_969 = arith.constant 16 : index
          %get3A_970 = tpu.vector_load %arg13[%get3A_968, %get3A_969] {strides = array<i32>} : memref<80x128xf32, #tpu.memory_space<vmem>>, vector<16xf32>,
          %mul3A_971 = arith.mulf %get3A_967, %get3A_970 : vector<16xf32>
          %add3A_972 = arith.addf %mul3A_927, %mul3A_971 : vector<16xf32>
          %add3A_973 = arith.constant 8 : i32
          %add3A_974 = arith.addi %mul3A_126, %add3A_973 : i32
          %add3A_975 = arith.constant 1 : i32
          %add3A_976 = arith.addi %add3A_974, %add3A_975 : i32
          %get3A_977 = arith.index_cast %add3A_976 : i32 to index
          %get3A_978 = arith.constant 16 : index
          %get3A_979 = tpu.vector_load %arg10[%get3A_977, %get3A_978] {strides = array<i32>} : memref<80x128xf32, #tpu.memory_space<vmem>>, vector<16xf32>,
          %get3A_980 = arith.index_cast %add3A_976 : i32 to index
          %get3A_981 = arith.constant 16 : index
          %get3A_982 = tpu.vector_load %arg13[%get3A_980, %get3A_981] {strides = array<i32>} : memref<80x128xf32, #tpu.memory_space<vmem>>, vector<16xf32>,
          %mul3A_983 = arith.mulf %get3A_979, %get3A_982 : vector<16xf32>
          %add3A_984 = arith.addf %mul3A_938, %mul3A_983 : vector<16xf32>
          %add3A_985 = arith.constant 8 : i32
          %add3A_986 = arith.addi %mul3A_126, %add3A_985 : i32
          %add3A_987 = arith.constant 2 : i32
          %add3A_988 = arith.addi %add3A_986, %add3A_987 : i32
          %get3A_989 = arith.index_cast %add3A_988 : i32 to index
          %get3A_990 = arith.constant 16 : index
          %get3A_991 = tpu.vector_load %arg10[%get3A_989, %get3A_990] {strides = array<i32>} : memref<80x128xf32, #tpu.memory_space<vmem>>, vector<16xf32>,
          %get3A_992 = arith.index_cast %add3A_988 : i32 to index
          %get3A_993 = arith.constant 16 : index
          %get3A_994 = tpu.vector_load %arg13[%get3A_992, %get3A_993] {strides = array<i32>} : memref<80x128xf32, #tpu.memory_space<vmem>>, vector<16xf32>,
          %mul3A_995 = arith.mulf %get3A_991, %get3A_994 : vector<16xf32>
          %add3A_996 = arith.addf %mul3A_949, %mul3A_995 : vector<16xf32>
          %add3A_997 = arith.constant 8 : i32
          %add3A_998 = arith.addi %mul3A_126, %add3A_997 : i32
          %add3A_999 = arith.constant 3 : i32
          %add3A_1000 = arith.addi %add3A_998, %add3A_999 : i32
          %get3A_1001 = arith.index_cast %add3A_1000 : i32 to index
          %get3A_1002 = arith.constant 16 : index
          %get3A_1003 = tpu.vector_load %arg10[%get3A_1001, %get3A_1002] {strides = array<i32>} : memref<80x128xf32, #tpu.memory_space<vmem>>, vector<16xf32>,
          %get3A_1004 = arith.index_cast %add3A_1000 : i32 to index
          %get3A_1005 = arith.constant 16 : index
          %get3A_1006 = tpu.vector_load %arg13[%get3A_1004, %get3A_1005] {strides = array<i32>} : memref<80x128xf32, #tpu.memory_space<vmem>>, vector<16xf32>,
          %mul3A_1007 = arith.mulf %get3A_1003, %get3A_1006 : vector<16xf32>
          %add3A_1008 = arith.addf %mul3A_960, %mul3A_1007 : vector<16xf32>
          %add3A_1009 = arith.constant 8 : i32
          %add3A_1010 = arith.addi %mul3A_126, %add3A_1009 : i32
          %add3A_1011 = arith.constant 0 : i32
          %add3A_1012 = arith.addi %add3A_1010, %add3A_1011 : i32
          %get3A_1013 = arith.index_cast %add3A_1012 : i32 to index
          %get3A_1014 = arith.constant 32 : index
          %get3A_1015 = tpu.vector_load %arg10[%get3A_1013, %get3A_1014] {strides = array<i32>} : memref<80x128xf32, #tpu.memory_space<vmem>>, vector<16xf32>,
          %get3A_1016 = arith.index_cast %add3A_1012 : i32 to index
          %get3A_1017 = arith.constant 32 : index
          %get3A_1018 = tpu.vector_load %arg13[%get3A_1016, %get3A_1017] {strides = array<i32>} : memref<80x128xf32, #tpu.memory_space<vmem>>, vector<16xf32>,
          %mul3A_1019 = arith.mulf %get3A_1015, %get3A_1018 : vector<16xf32>
          %add3A_1020 = arith.addf %add3A_972, %mul3A_1019 : vector<16xf32>
          %add3A_1021 = arith.constant 8 : i32
          %add3A_1022 = arith.addi %mul3A_126, %add3A_1021 : i32
          %add3A_1023 = arith.constant 1 : i32
          %add3A_1024 = arith.addi %add3A_1022, %add3A_1023 : i32
          %get3A_1025 = arith.index_cast %add3A_1024 : i32 to index
          %get3A_1026 = arith.constant 32 : index
          %get3A_1027 = tpu.vector_load %arg10[%get3A_1025, %get3A_1026] {strides = array<i32>} : memref<80x128xf32, #tpu.memory_space<vmem>>, vector<16xf32>,
          %get3A_1028 = arith.index_cast %add3A_1024 : i32 to index
          %get3A_1029 = arith.constant 32 : index
          %get3A_1030 = tpu.vector_load %arg13[%get3A_1028, %get3A_1029] {strides = array<i32>} : memref<80x128xf32, #tpu.memory_space<vmem>>, vector<16xf32>,
          %mul3A_1031 = arith.mulf %get3A_1027, %get3A_1030 : vector<16xf32>
          %add3A_1032 = arith.addf %add3A_984, %mul3A_1031 : vector<16xf32>
          %add3A_1033 = arith.constant 8 : i32
          %add3A_1034 = arith.addi %mul3A_126, %add3A_1033 : i32
          %add3A_1035 = arith.constant 2 : i32
          %add3A_1036 = arith.addi %add3A_1034, %add3A_1035 : i32
          %get3A_1037 = arith.index_cast %add3A_1036 : i32 to index
          %get3A_1038 = arith.constant 32 : index
          %get3A_1039 = tpu.vector_load %arg10[%get3A_1037, %get3A_1038] {strides = array<i32>} : memref<80x128xf32, #tpu.memory_space<vmem>>, vector<16xf32>,
          %get3A_1040 = arith.index_cast %add3A_1036 : i32 to index
          %get3A_1041 = arith.constant 32 : index
          %get3A_1042 = tpu.vector_load %arg13[%get3A_1040, %get3A_1041] {strides = array<i32>} : memref<80x128xf32, #tpu.memory_space<vmem>>, vector<16xf32>,
          %mul3A_1043 = arith.mulf %get3A_1039, %get3A_1042 : vector<16xf32>
          %add3A_1044 = arith.addf %add3A_996, %mul3A_1043 : vector<16xf32>
          %add3A_1045 = arith.constant 8 : i32
          %add3A_1046 = arith.addi %mul3A_126, %add3A_1045 : i32
          %add3A_1047 = arith.constant 3 : i32
          %add3A_1048 = arith.addi %add3A_1046, %add3A_1047 : i32
          %get3A_1049 = arith.index_cast %add3A_1048 : i32 to index
          %get3A_1050 = arith.constant 32 : index
          %get3A_1051 = tpu.vector_load %arg10[%get3A_1049, %get3A_1050] {strides = array<i32>} : memref<80x128xf32, #tpu.memory_space<vmem>>, vector<16xf32>,
          %get3A_1052 = arith.index_cast %add3A_1048 : i32 to index
          %get3A_1053 = arith.constant 32 : index
          %get3A_1054 = tpu.vector_load %arg13[%get3A_1052, %get3A_1053] {strides = array<i32>} : memref<80x128xf32, #tpu.memory_space<vmem>>, vector<16xf32>,
          %mul3A_1055 = arith.mulf %get3A_1051, %get3A_1054 : vector<16xf32>
          %add3A_1056 = arith.addf %add3A_1008, %mul3A_1055 : vector<16xf32>
          %add3A_1057 = arith.constant 8 : i32
          %add3A_1058 = arith.addi %mul3A_126, %add3A_1057 : i32
          %add3A_1059 = arith.constant 0 : i32
          %add3A_1060 = arith.addi %add3A_1058, %add3A_1059 : i32
          %get3A_1061 = arith.index_cast %add3A_1060 : i32 to index
          %get3A_1062 = arith.constant 48 : index
          %get3A_1063 = tpu.vector_load %arg10[%get3A_1061, %get3A_1062] {strides = array<i32>} : memref<80x128xf32, #tpu.memory_space<vmem>>, vector<16xf32>,
          %get3A_1064 = arith.index_cast %add3A_1060 : i32 to index
          %get3A_1065 = arith.constant 48 : index
          %get3A_1066 = tpu.vector_load %arg13[%get3A_1064, %get3A_1065] {strides = array<i32>} : memref<80x128xf32, #tpu.memory_space<vmem>>, vector<16xf32>,
          %mul3A_1067 = arith.mulf %get3A_1063, %get3A_1066 : vector<16xf32>
          %add3A_1068 = arith.addf %add3A_1020, %mul3A_1067 : vector<16xf32>
          %add3A_1069 = arith.constant 8 : i32
          %add3A_1070 = arith.addi %mul3A_126, %add3A_1069 : i32
          %add3A_1071 = arith.constant 1 : i32
          %add3A_1072 = arith.addi %add3A_1070, %add3A_1071 : i32
          %get3A_1073 = arith.index_cast %add3A_1072 : i32 to index
          %get3A_1074 = arith.constant 48 : index
          %get3A_1075 = tpu.vector_load %arg10[%get3A_1073, %get3A_1074] {strides = array<i32>} : memref<80x128xf32, #tpu.memory_space<vmem>>, vector<16xf32>,
          %get3A_1076 = arith.index_cast %add3A_1072 : i32 to index
          %get3A_1077 = arith.constant 48 : index
          %get3A_1078 = tpu.vector_load %arg13[%get3A_1076, %get3A_1077] {strides = array<i32>} : memref<80x128xf32, #tpu.memory_space<vmem>>, vector<16xf32>,
          %mul3A_1079 = arith.mulf %get3A_1075, %get3A_1078 : vector<16xf32>
          %add3A_1080 = arith.addf %add3A_1032, %mul3A_1079 : vector<16xf32>
          %add3A_1081 = arith.constant 8 : i32
          %add3A_1082 = arith.addi %mul3A_126, %add3A_1081 : i32
          %add3A_1083 = arith.constant 2 : i32
          %add3A_1084 = arith.addi %add3A_1082, %add3A_1083 : i32
          %get3A_1085 = arith.index_cast %add3A_1084 : i32 to index
          %get3A_1086 = arith.constant 48 : index
          %get3A_1087 = tpu.vector_load %arg10[%get3A_1085, %get3A_1086] {strides = array<i32>} : memref<80x128xf32, #tpu.memory_space<vmem>>, vector<16xf32>,
          %get3A_1088 = arith.index_cast %add3A_1084 : i32 to index
          %get3A_1089 = arith.constant 48 : index
          %get3A_1090 = tpu.vector_load %arg13[%get3A_1088, %get3A_1089] {strides = array<i32>} : memref<80x128xf32, #tpu.memory_space<vmem>>, vector<16xf32>,
          %mul3A_1091 = arith.mulf %get3A_1087, %get3A_1090 : vector<16xf32>
          %add3A_1092 = arith.addf %add3A_1044, %mul3A_1091 : vector<16xf32>
          %add3A_1093 = arith.constant 8 : i32
          %add3A_1094 = arith.addi %mul3A_126, %add3A_1093 : i32
          %add3A_1095 = arith.constant 3 : i32
          %add3A_1096 = arith.addi %add3A_1094, %add3A_1095 : i32
          %get3A_1097 = arith.index_cast %add3A_1096 : i32 to index
          %get3A_1098 = arith.constant 48 : index
          %get3A_1099 = tpu.vector_load %arg10[%get3A_1097, %get3A_1098] {strides = array<i32>} : memref<80x128xf32, #tpu.memory_space<vmem>>, vector<16xf32>,
          %get3A_1100 = arith.index_cast %add3A_1096 : i32 to index
          %get3A_1101 = arith.constant 48 : index
          %get3A_1102 = tpu.vector_load %arg13[%get3A_1100, %get3A_1101] {strides = array<i32>} : memref<80x128xf32, #tpu.memory_space<vmem>>, vector<16xf32>,
          %mul3A_1103 = arith.mulf %get3A_1099, %get3A_1102 : vector<16xf32>
          %add3A_1104 = arith.addf %add3A_1056, %mul3A_1103 : vector<16xf32>
          %add3A_1105 = arith.constant 8 : i32
          %add3A_1106 = arith.addi %mul3A_126, %add3A_1105 : i32
          %add3A_1107 = arith.constant 0 : i32
          %add3A_1108 = arith.addi %add3A_1106, %add3A_1107 : i32
          %get3A_1109 = arith.index_cast %add3A_1108 : i32 to index
          %get3A_1110 = arith.constant 64 : index
          %get3A_1111 = tpu.vector_load %arg10[%get3A_1109, %get3A_1110] {strides = array<i32>} : memref<80x128xf32, #tpu.memory_space<vmem>>, vector<16xf32>,
          %get3A_1112 = arith.index_cast %add3A_1108 : i32 to index
          %get3A_1113 = arith.constant 64 : index
          %get3A_1114 = tpu.vector_load %arg13[%get3A_1112, %get3A_1113] {strides = array<i32>} : memref<80x128xf32, #tpu.memory_space<vmem>>, vector<16xf32>,
          %mul3A_1115 = arith.mulf %get3A_1111, %get3A_1114 : vector<16xf32>
          %add3A_1116 = arith.addf %add3A_1068, %mul3A_1115 : vector<16xf32>
          %add3A_1117 = arith.constant 8 : i32
          %add3A_1118 = arith.addi %mul3A_126, %add3A_1117 : i32
          %add3A_1119 = arith.constant 1 : i32
          %add3A_1120 = arith.addi %add3A_1118, %add3A_1119 : i32
          %get3A_1121 = arith.index_cast %add3A_1120 : i32 to index
          %get3A_1122 = arith.constant 64 : index
          %get3A_1123 = tpu.vector_load %arg10[%get3A_1121, %get3A_1122] {strides = array<i32>} : memref<80x128xf32, #tpu.memory_space<vmem>>, vector<16xf32>,
          %get3A_1124 = arith.index_cast %add3A_1120 : i32 to index
          %get3A_1125 = arith.constant 64 : index
          %get3A_1126 = tpu.vector_load %arg13[%get3A_1124, %get3A_1125] {strides = array<i32>} : memref<80x128xf32, #tpu.memory_space<vmem>>, vector<16xf32>,
          %mul3A_1127 = arith.mulf %get3A_1123, %get3A_1126 : vector<16xf32>
          %add3A_1128 = arith.addf %add3A_1080, %mul3A_1127 : vector<16xf32>
          %add3A_1129 = arith.constant 8 : i32
          %add3A_1130 = arith.addi %mul3A_126, %add3A_1129 : i32
          %add3A_1131 = arith.constant 2 : i32
          %add3A_1132 = arith.addi %add3A_1130, %add3A_1131 : i32
          %get3A_1133 = arith.index_cast %add3A_1132 : i32 to index
          %get3A_1134 = arith.constant 64 : index
          %get3A_1135 = tpu.vector_load %arg10[%get3A_1133, %get3A_1134] {strides = array<i32>} : memref<80x128xf32, #tpu.memory_space<vmem>>, vector<16xf32>,
          %get3A_1136 = arith.index_cast %add3A_1132 : i32 to index
          %get3A_1137 = arith.constant 64 : index
          %get3A_1138 = tpu.vector_load %arg13[%get3A_1136, %get3A_1137] {strides = array<i32>} : memref<80x128xf32, #tpu.memory_space<vmem>>, vector<16xf32>,
          %mul3A_1139 = arith.mulf %get3A_1135, %get3A_1138 : vector<16xf32>
          %add3A_1140 = arith.addf %add3A_1092, %mul3A_1139 : vector<16xf32>
          %add3A_1141 = arith.constant 8 : i32
          %add3A_1142 = arith.addi %mul3A_126, %add3A_1141 : i32
          %add3A_1143 = arith.constant 3 : i32
          %add3A_1144 = arith.addi %add3A_1142, %add3A_1143 : i32
          %get3A_1145 = arith.index_cast %add3A_1144 : i32 to index
          %get3A_1146 = arith.constant 64 : index
          %get3A_1147 = tpu.vector_load %arg10[%get3A_1145, %get3A_1146] {strides = array<i32>} : memref<80x128xf32, #tpu.memory_space<vmem>>, vector<16xf32>,
          %get3A_1148 = arith.index_cast %add3A_1144 : i32 to index
          %get3A_1149 = arith.constant 64 : index
          %get3A_1150 = tpu.vector_load %arg13[%get3A_1148, %get3A_1149] {strides = array<i32>} : memref<80x128xf32, #tpu.memory_space<vmem>>, vector<16xf32>,
          %mul3A_1151 = arith.mulf %get3A_1147, %get3A_1150 : vector<16xf32>
          %add3A_1152 = arith.addf %add3A_1104, %mul3A_1151 : vector<16xf32>
          %add3A_1153 = arith.constant 8 : i32
          %add3A_1154 = arith.addi %mul3A_126, %add3A_1153 : i32
          %add3A_1155 = arith.constant 0 : i32
          %add3A_1156 = arith.addi %add3A_1154, %add3A_1155 : i32
          %get3A_1157 = arith.index_cast %add3A_1156 : i32 to index
          %get3A_1158 = arith.constant 80 : index
          %get3A_1159 = tpu.vector_load %arg10[%get3A_1157, %get3A_1158] {strides = array<i32>} : memref<80x128xf32, #tpu.memory_space<vmem>>, vector<16xf32>,
          %get3A_1160 = arith.index_cast %add3A_1156 : i32 to index
          %get3A_1161 = arith.constant 80 : index
          %get3A_1162 = tpu.vector_load %arg13[%get3A_1160, %get3A_1161] {strides = array<i32>} : memref<80x128xf32, #tpu.memory_space<vmem>>, vector<16xf32>,
          %mul3A_1163 = arith.mulf %get3A_1159, %get3A_1162 : vector<16xf32>
          %add3A_1164 = arith.addf %add3A_1116, %mul3A_1163 : vector<16xf32>
          %add3A_1165 = arith.constant 8 : i32
          %add3A_1166 = arith.addi %mul3A_126, %add3A_1165 : i32
          %add3A_1167 = arith.constant 1 : i32
          %add3A_1168 = arith.addi %add3A_1166, %add3A_1167 : i32
          %get3A_1169 = arith.index_cast %add3A_1168 : i32 to index
          %get3A_1170 = arith.constant 80 : index
          %get3A_1171 = tpu.vector_load %arg10[%get3A_1169, %get3A_1170] {strides = array<i32>} : memref<80x128xf32, #tpu.memory_space<vmem>>, vector<16xf32>,
          %get3A_1172 = arith.index_cast %add3A_1168 : i32 to index
          %get3A_1173 = arith.constant 80 : index
          %get3A_1174 = tpu.vector_load %arg13[%get3A_1172, %get3A_1173] {strides = array<i32>} : memref<80x128xf32, #tpu.memory_space<vmem>>, vector<16xf32>,
          %mul3A_1175 = arith.mulf %get3A_1171, %get3A_1174 : vector<16xf32>
          %add3A_1176 = arith.addf %add3A_1128, %mul3A_1175 : vector<16xf32>
          %add3A_1177 = arith.constant 8 : i32
          %add3A_1178 = arith.addi %mul3A_126, %add3A_1177 : i32
          %add3A_1179 = arith.constant 2 : i32
          %add3A_1180 = arith.addi %add3A_1178, %add3A_1179 : i32
          %get3A_1181 = arith.index_cast %add3A_1180 : i32 to index
          %get3A_1182 = arith.constant 80 : index
          %get3A_1183 = tpu.vector_load %arg10[%get3A_1181, %get3A_1182] {strides = array<i32>} : memref<80x128xf32, #tpu.memory_space<vmem>>, vector<16xf32>,
          %get3A_1184 = arith.index_cast %add3A_1180 : i32 to index
          %get3A_1185 = arith.constant 80 : index
          %get3A_1186 = tpu.vector_load %arg13[%get3A_1184, %get3A_1185] {strides = array<i32>} : memref<80x128xf32, #tpu.memory_space<vmem>>, vector<16xf32>,
          %mul3A_1187 = arith.mulf %get3A_1183, %get3A_1186 : vector<16xf32>
          %add3A_1188 = arith.addf %add3A_1140, %mul3A_1187 : vector<16xf32>
          %add3A_1189 = arith.constant 8 : i32
          %add3A_1190 = arith.addi %mul3A_126, %add3A_1189 : i32
          %add3A_1191 = arith.constant 3 : i32
          %add3A_1192 = arith.addi %add3A_1190, %add3A_1191 : i32
          %get3A_1193 = arith.index_cast %add3A_1192 : i32 to index
          %get3A_1194 = arith.constant 80 : index
          %get3A_1195 = tpu.vector_load %arg10[%get3A_1193, %get3A_1194] {strides = array<i32>} : memref<80x128xf32, #tpu.memory_space<vmem>>, vector<16xf32>,
          %get3A_1196 = arith.index_cast %add3A_1192 : i32 to index
          %get3A_1197 = arith.constant 80 : index
          %get3A_1198 = tpu.vector_load %arg13[%get3A_1196, %get3A_1197] {strides = array<i32>} : memref<80x128xf32, #tpu.memory_space<vmem>>, vector<16xf32>,
          %mul3A_1199 = arith.mulf %get3A_1195, %get3A_1198 : vector<16xf32>
          %add3A_1200 = arith.addf %add3A_1152, %mul3A_1199 : vector<16xf32>
          %add3A_1201 = arith.constant 8 : i32
          %add3A_1202 = arith.addi %mul3A_126, %add3A_1201 : i32
          %add3A_1203 = arith.constant 0 : i32
          %add3A_1204 = arith.addi %add3A_1202, %add3A_1203 : i32
          %get3A_1205 = arith.index_cast %add3A_1204 : i32 to index
          %get3A_1206 = arith.constant 96 : index
          %get3A_1207 = tpu.vector_load %arg10[%get3A_1205, %get3A_1206] {strides = array<i32>} : memref<80x128xf32, #tpu.memory_space<vmem>>, vector<16xf32>,
          %get3A_1208 = arith.index_cast %add3A_1204 : i32 to index
          %get3A_1209 = arith.constant 96 : index
          %get3A_1210 = tpu.vector_load %arg13[%get3A_1208, %get3A_1209] {strides = array<i32>} : memref<80x128xf32, #tpu.memory_space<vmem>>, vector<16xf32>,
          %mul3A_1211 = arith.mulf %get3A_1207, %get3A_1210 : vector<16xf32>
          %add3A_1212 = arith.addf %add3A_1164, %mul3A_1211 : vector<16xf32>
          %add3A_1213 = arith.constant 8 : i32
          %add3A_1214 = arith.addi %mul3A_126, %add3A_1213 : i32
          %add3A_1215 = arith.constant 1 : i32
          %add3A_1216 = arith.addi %add3A_1214, %add3A_1215 : i32
          %get3A_1217 = arith.index_cast %add3A_1216 : i32 to index
          %get3A_1218 = arith.constant 96 : index
          %get3A_1219 = tpu.vector_load %arg10[%get3A_1217, %get3A_1218] {strides = array<i32>} : memref<80x128xf32, #tpu.memory_space<vmem>>, vector<16xf32>,
          %get3A_1220 = arith.index_cast %add3A_1216 : i32 to index
          %get3A_1221 = arith.constant 96 : index
          %get3A_1222 = tpu.vector_load %arg13[%get3A_1220, %get3A_1221] {strides = array<i32>} : memref<80x128xf32, #tpu.memory_space<vmem>>, vector<16xf32>,
          %mul3A_1223 = arith.mulf %get3A_1219, %get3A_1222 : vector<16xf32>
          %add3A_1224 = arith.addf %add3A_1176, %mul3A_1223 : vector<16xf32>
          %add3A_1225 = arith.constant 8 : i32
          %add3A_1226 = arith.addi %mul3A_126, %add3A_1225 : i32
          %add3A_1227 = arith.constant 2 : i32
          %add3A_1228 = arith.addi %add3A_1226, %add3A_1227 : i32
          %get3A_1229 = arith.index_cast %add3A_1228 : i32 to index
          %get3A_1230 = arith.constant 96 : index
          %get3A_1231 = tpu.vector_load %arg10[%get3A_1229, %get3A_1230] {strides = array<i32>} : memref<80x128xf32, #tpu.memory_space<vmem>>, vector<16xf32>,
          %get3A_1232 = arith.index_cast %add3A_1228 : i32 to index
          %get3A_1233 = arith.constant 96 : index
          %get3A_1234 = tpu.vector_load %arg13[%get3A_1232, %get3A_1233] {strides = array<i32>} : memref<80x128xf32, #tpu.memory_space<vmem>>, vector<16xf32>,
          %mul3A_1235 = arith.mulf %get3A_1231, %get3A_1234 : vector<16xf32>
          %add3A_1236 = arith.addf %add3A_1188, %mul3A_1235 : vector<16xf32>
          %add3A_1237 = arith.constant 8 : i32
          %add3A_1238 = arith.addi %mul3A_126, %add3A_1237 : i32
          %add3A_1239 = arith.constant 3 : i32
          %add3A_1240 = arith.addi %add3A_1238, %add3A_1239 : i32
          %get3A_1241 = arith.index_cast %add3A_1240 : i32 to index
          %get3A_1242 = arith.constant 96 : index
          %get3A_1243 = tpu.vector_load %arg10[%get3A_1241, %get3A_1242] {strides = array<i32>} : memref<80x128xf32, #tpu.memory_space<vmem>>, vector<16xf32>,
          %get3A_1244 = arith.index_cast %add3A_1240 : i32 to index
          %get3A_1245 = arith.constant 96 : index
          %get3A_1246 = tpu.vector_load %arg13[%get3A_1244, %get3A_1245] {strides = array<i32>} : memref<80x128xf32, #tpu.memory_space<vmem>>, vector<16xf32>,
          %mul3A_1247 = arith.mulf %get3A_1243, %get3A_1246 : vector<16xf32>
          %add3A_1248 = arith.addf %add3A_1200, %mul3A_1247 : vector<16xf32>
          %add3A_1249 = arith.constant 8 : i32
          %add3A_1250 = arith.addi %mul3A_126, %add3A_1249 : i32
          %add3A_1251 = arith.constant 0 : i32
          %add3A_1252 = arith.addi %add3A_1250, %add3A_1251 : i32
          %get3A_1253 = arith.index_cast %add3A_1252 : i32 to index
          %get3A_1254 = arith.constant 112 : index
          %get3A_1255 = tpu.vector_load %arg10[%get3A_1253, %get3A_1254] {strides = array<i32>} : memref<80x128xf32, #tpu.memory_space<vmem>>, vector<16xf32>,
          %get3A_1256 = arith.index_cast %add3A_1252 : i32 to index
          %get3A_1257 = arith.constant 112 : index
          %get3A_1258 = tpu.vector_load %arg13[%get3A_1256, %get3A_1257] {strides = array<i32>} : memref<80x128xf32, #tpu.memory_space<vmem>>, vector<16xf32>,
          %mul3A_1259 = arith.mulf %get3A_1255, %get3A_1258 : vector<16xf32>
          %add3A_1260 = arith.addf %add3A_1212, %mul3A_1259 : vector<16xf32>
          %add3A_1261 = arith.constant 8 : i32
          %add3A_1262 = arith.addi %mul3A_126, %add3A_1261 : i32
          %add3A_1263 = arith.constant 1 : i32
          %add3A_1264 = arith.addi %add3A_1262, %add3A_1263 : i32
          %get3A_1265 = arith.index_cast %add3A_1264 : i32 to index
          %get3A_1266 = arith.constant 112 : index
          %get3A_1267 = tpu.vector_load %arg10[%get3A_1265, %get3A_1266] {strides = array<i32>} : memref<80x128xf32, #tpu.memory_space<vmem>>, vector<16xf32>,
          %get3A_1268 = arith.index_cast %add3A_1264 : i32 to index
          %get3A_1269 = arith.constant 112 : index
          %get3A_1270 = tpu.vector_load %arg13[%get3A_1268, %get3A_1269] {strides = array<i32>} : memref<80x128xf32, #tpu.memory_space<vmem>>, vector<16xf32>,
          %mul3A_1271 = arith.mulf %get3A_1267, %get3A_1270 : vector<16xf32>
          %add3A_1272 = arith.addf %add3A_1224, %mul3A_1271 : vector<16xf32>
          %add3A_1273 = arith.constant 8 : i32
          %add3A_1274 = arith.addi %mul3A_126, %add3A_1273 : i32
          %add3A_1275 = arith.constant 2 : i32
          %add3A_1276 = arith.addi %add3A_1274, %add3A_1275 : i32
          %get3A_1277 = arith.index_cast %add3A_1276 : i32 to index
          %get3A_1278 = arith.constant 112 : index
          %get3A_1279 = tpu.vector_load %arg10[%get3A_1277, %get3A_1278] {strides = array<i32>} : memref<80x128xf32, #tpu.memory_space<vmem>>, vector<16xf32>,
          %get3A_1280 = arith.index_cast %add3A_1276 : i32 to index
          %get3A_1281 = arith.constant 112 : index
          %get3A_1282 = tpu.vector_load %arg13[%get3A_1280, %get3A_1281] {strides = array<i32>} : memref<80x128xf32, #tpu.memory_space<vmem>>, vector<16xf32>,
          %mul3A_1283 = arith.mulf %get3A_1279, %get3A_1282 : vector<16xf32>
          %add3A_1284 = arith.addf %add3A_1236, %mul3A_1283 : vector<16xf32>
          %add3A_1285 = arith.constant 8 : i32
          %add3A_1286 = arith.addi %mul3A_126, %add3A_1285 : i32
          %add3A_1287 = arith.constant 3 : i32
          %add3A_1288 = arith.addi %add3A_1286, %add3A_1287 : i32
          %get3A_1289 = arith.index_cast %add3A_1288 : i32 to index
          %get3A_1290 = arith.constant 112 : index
          %get3A_1291 = tpu.vector_load %arg10[%get3A_1289, %get3A_1290] {strides = array<i32>} : memref<80x128xf32, #tpu.memory_space<vmem>>, vector<16xf32>,
          %get3A_1292 = arith.index_cast %add3A_1288 : i32 to index
          %get3A_1293 = arith.constant 112 : index
          %get3A_1294 = tpu.vector_load %arg13[%get3A_1292, %get3A_1293] {strides = array<i32>} : memref<80x128xf32, #tpu.memory_space<vmem>>, vector<16xf32>,
          %mul3A_1295 = arith.mulf %get3A_1291, %get3A_1294 : vector<16xf32>
          %add3A_1296 = arith.addf %add3A_1248, %mul3A_1295 : vector<16xf32>
          %swap3A_1297 = arith.constant 8 : i32
          %swap3A_1298 = arith.index_cast %swap3A_1297 : i32 to index
          %swap3A_1299 = arith.constant 0 : index
          %swap3A_1300 = tpu.vector_load %arg17[%swap3A_1298, %swap3A_1299] {strides = array<i32>} : memref<16x16xf32, #tpu.memory_space<vmem>>, vector<16xf32>,
          tpu.vector_store %arg17[%swap3A_1298, %swap3A_1299], %add3A_1260 {strides = array<i32>} : memref<16x16xf32, #tpu.memory_space<vmem>>, vector<16xf32>,
          %swap3A_1301 = arith.constant 9 : i32
          %swap3A_1302 = arith.index_cast %swap3A_1301 : i32 to index
          %swap3A_1303 = arith.constant 0 : index
          %swap3A_1304 = tpu.vector_load %arg17[%swap3A_1302, %swap3A_1303] {strides = array<i32>} : memref<16x16xf32, #tpu.memory_space<vmem>>, vector<16xf32>,
          tpu.vector_store %arg17[%swap3A_1302, %swap3A_1303], %add3A_1272 {strides = array<i32>} : memref<16x16xf32, #tpu.memory_space<vmem>>, vector<16xf32>,
          %swap3A_1305 = arith.constant 10 : i32
          %swap3A_1306 = arith.index_cast %swap3A_1305 : i32 to index
          %swap3A_1307 = arith.constant 0 : index
          %swap3A_1308 = tpu.vector_load %arg17[%swap3A_1306, %swap3A_1307] {strides = array<i32>} : memref<16x16xf32, #tpu.memory_space<vmem>>, vector<16xf32>,
          tpu.vector_store %arg17[%swap3A_1306, %swap3A_1307], %add3A_1284 {strides = array<i32>} : memref<16x16xf32, #tpu.memory_space<vmem>>, vector<16xf32>,
          %swap3A_1309 = arith.constant 11 : i32
          %swap3A_1310 = arith.index_cast %swap3A_1309 : i32 to index
          %swap3A_1311 = arith.constant 0 : index
          %swap3A_1312 = tpu.vector_load %arg17[%swap3A_1310, %swap3A_1311] {strides = array<i32>} : memref<16x16xf32, #tpu.memory_space<vmem>>, vector<16xf32>,
          tpu.vector_store %arg17[%swap3A_1310, %swap3A_1311], %add3A_1296 {strides = array<i32>} : memref<16x16xf32, #tpu.memory_space<vmem>>, vector<16xf32>,
          %add3A_1313 = arith.constant 12 : i32
          %add3A_1314 = arith.addi %mul3A_126, %add3A_1313 : i32
          %add3A_1315 = arith.constant 0 : i32
          %add3A_1316 = arith.addi %add3A_1314, %add3A_1315 : i32
          %get3A_1317 = arith.index_cast %add3A_1316 : i32 to index
          %get3A_1318 = arith.constant 0 : index
          %get3A_1319 = tpu.vector_load %arg10[%get3A_1317, %get3A_1318] {strides = array<i32>} : memref<80x128xf32, #tpu.memory_space<vmem>>, vector<16xf32>,
          %get3A_1320 = arith.index_cast %add3A_1316 : i32 to index
          %get3A_1321 = arith.constant 0 : index
          %get3A_1322 = tpu.vector_load %arg13[%get3A_1320, %get3A_1321] {strides = array<i32>} : memref<80x128xf32, #tpu.memory_space<vmem>>, vector<16xf32>,
          %mul3A_1323 = arith.mulf %get3A_1319, %get3A_1322 : vector<16xf32>
          %add3A_1324 = arith.constant 12 : i32
          %add3A_1325 = arith.addi %mul3A_126, %add3A_1324 : i32
          %add3A_1326 = arith.constant 1 : i32
          %add3A_1327 = arith.addi %add3A_1325, %add3A_1326 : i32
          %get3A_1328 = arith.index_cast %add3A_1327 : i32 to index
          %get3A_1329 = arith.constant 0 : index
          %get3A_1330 = tpu.vector_load %arg10[%get3A_1328, %get3A_1329] {strides = array<i32>} : memref<80x128xf32, #tpu.memory_space<vmem>>, vector<16xf32>,
          %get3A_1331 = arith.index_cast %add3A_1327 : i32 to index
          %get3A_1332 = arith.constant 0 : index
          %get3A_1333 = tpu.vector_load %arg13[%get3A_1331, %get3A_1332] {strides = array<i32>} : memref<80x128xf32, #tpu.memory_space<vmem>>, vector<16xf32>,
          %mul3A_1334 = arith.mulf %get3A_1330, %get3A_1333 : vector<16xf32>
          %add3A_1335 = arith.constant 12 : i32
          %add3A_1336 = arith.addi %mul3A_126, %add3A_1335 : i32
          %add3A_1337 = arith.constant 2 : i32
          %add3A_1338 = arith.addi %add3A_1336, %add3A_1337 : i32
          %get3A_1339 = arith.index_cast %add3A_1338 : i32 to index
          %get3A_1340 = arith.constant 0 : index
          %get3A_1341 = tpu.vector_load %arg10[%get3A_1339, %get3A_1340] {strides = array<i32>} : memref<80x128xf32, #tpu.memory_space<vmem>>, vector<16xf32>,
          %get3A_1342 = arith.index_cast %add3A_1338 : i32 to index
          %get3A_1343 = arith.constant 0 : index
          %get3A_1344 = tpu.vector_load %arg13[%get3A_1342, %get3A_1343] {strides = array<i32>} : memref<80x128xf32, #tpu.memory_space<vmem>>, vector<16xf32>,
          %mul3A_1345 = arith.mulf %get3A_1341, %get3A_1344 : vector<16xf32>
          %add3A_1346 = arith.constant 12 : i32
          %add3A_1347 = arith.addi %mul3A_126, %add3A_1346 : i32
          %add3A_1348 = arith.constant 3 : i32
          %add3A_1349 = arith.addi %add3A_1347, %add3A_1348 : i32
          %get3A_1350 = arith.index_cast %add3A_1349 : i32 to index
          %get3A_1351 = arith.constant 0 : index
          %get3A_1352 = tpu.vector_load %arg10[%get3A_1350, %get3A_1351] {strides = array<i32>} : memref<80x128xf32, #tpu.memory_space<vmem>>, vector<16xf32>,
          %get3A_1353 = arith.index_cast %add3A_1349 : i32 to index
          %get3A_1354 = arith.constant 0 : index
          %get3A_1355 = tpu.vector_load %arg13[%get3A_1353, %get3A_1354] {strides = array<i32>} : memref<80x128xf32, #tpu.memory_space<vmem>>, vector<16xf32>,
          %mul3A_1356 = arith.mulf %get3A_1352, %get3A_1355 : vector<16xf32>
          %add3A_1357 = arith.constant 12 : i32
          %add3A_1358 = arith.addi %mul3A_126, %add3A_1357 : i32
          %add3A_1359 = arith.constant 0 : i32
          %add3A_1360 = arith.addi %add3A_1358, %add3A_1359 : i32
          %get3A_1361 = arith.index_cast %add3A_1360 : i32 to index
          %get3A_1362 = arith.constant 16 : index
          %get3A_1363 = tpu.vector_load %arg10[%get3A_1361, %get3A_1362] {strides = array<i32>} : memref<80x128xf32, #tpu.memory_space<vmem>>, vector<16xf32>,
          %get3A_1364 = arith.index_cast %add3A_1360 : i32 to index
          %get3A_1365 = arith.constant 16 : index
          %get3A_1366 = tpu.vector_load %arg13[%get3A_1364, %get3A_1365] {strides = array<i32>} : memref<80x128xf32, #tpu.memory_space<vmem>>, vector<16xf32>,
          %mul3A_1367 = arith.mulf %get3A_1363, %get3A_1366 : vector<16xf32>
          %add3A_1368 = arith.addf %mul3A_1323, %mul3A_1367 : vector<16xf32>
          %add3A_1369 = arith.constant 12 : i32
          %add3A_1370 = arith.addi %mul3A_126, %add3A_1369 : i32
          %add3A_1371 = arith.constant 1 : i32
          %add3A_1372 = arith.addi %add3A_1370, %add3A_1371 : i32
          %get3A_1373 = arith.index_cast %add3A_1372 : i32 to index
          %get3A_1374 = arith.constant 16 : index
          %get3A_1375 = tpu.vector_load %arg10[%get3A_1373, %get3A_1374] {strides = array<i32>} : memref<80x128xf32, #tpu.memory_space<vmem>>, vector<16xf32>,
          %get3A_1376 = arith.index_cast %add3A_1372 : i32 to index
          %get3A_1377 = arith.constant 16 : index
          %get3A_1378 = tpu.vector_load %arg13[%get3A_1376, %get3A_1377] {strides = array<i32>} : memref<80x128xf32, #tpu.memory_space<vmem>>, vector<16xf32>,
          %mul3A_1379 = arith.mulf %get3A_1375, %get3A_1378 : vector<16xf32>
          %add3A_1380 = arith.addf %mul3A_1334, %mul3A_1379 : vector<16xf32>
          %add3A_1381 = arith.constant 12 : i32
          %add3A_1382 = arith.addi %mul3A_126, %add3A_1381 : i32
          %add3A_1383 = arith.constant 2 : i32
          %add3A_1384 = arith.addi %add3A_1382, %add3A_1383 : i32
          %get3A_1385 = arith.index_cast %add3A_1384 : i32 to index
          %get3A_1386 = arith.constant 16 : index
          %get3A_1387 = tpu.vector_load %arg10[%get3A_1385, %get3A_1386] {strides = array<i32>} : memref<80x128xf32, #tpu.memory_space<vmem>>, vector<16xf32>,
          %get3A_1388 = arith.index_cast %add3A_1384 : i32 to index
          %get3A_1389 = arith.constant 16 : index
          %get3A_1390 = tpu.vector_load %arg13[%get3A_1388, %get3A_1389] {strides = array<i32>} : memref<80x128xf32, #tpu.memory_space<vmem>>, vector<16xf32>,
          %mul3A_1391 = arith.mulf %get3A_1387, %get3A_1390 : vector<16xf32>
          %add3A_1392 = arith.addf %mul3A_1345, %mul3A_1391 : vector<16xf32>
          %add3A_1393 = arith.constant 12 : i32
          %add3A_1394 = arith.addi %mul3A_126, %add3A_1393 : i32
          %add3A_1395 = arith.constant 3 : i32
          %add3A_1396 = arith.addi %add3A_1394, %add3A_1395 : i32
          %get3A_1397 = arith.index_cast %add3A_1396 : i32 to index
          %get3A_1398 = arith.constant 16 : index
          %get3A_1399 = tpu.vector_load %arg10[%get3A_1397, %get3A_1398] {strides = array<i32>} : memref<80x128xf32, #tpu.memory_space<vmem>>, vector<16xf32>,
          %get3A_1400 = arith.index_cast %add3A_1396 : i32 to index
          %get3A_1401 = arith.constant 16 : index
          %get3A_1402 = tpu.vector_load %arg13[%get3A_1400, %get3A_1401] {strides = array<i32>} : memref<80x128xf32, #tpu.memory_space<vmem>>, vector<16xf32>,
          %mul3A_1403 = arith.mulf %get3A_1399, %get3A_1402 : vector<16xf32>
          %add3A_1404 = arith.addf %mul3A_1356, %mul3A_1403 : vector<16xf32>
          %add3A_1405 = arith.constant 12 : i32
          %add3A_1406 = arith.addi %mul3A_126, %add3A_1405 : i32
          %add3A_1407 = arith.constant 0 : i32
          %add3A_1408 = arith.addi %add3A_1406, %add3A_1407 : i32
          %get3A_1409 = arith.index_cast %add3A_1408 : i32 to index
          %get3A_1410 = arith.constant 32 : index
          %get3A_1411 = tpu.vector_load %arg10[%get3A_1409, %get3A_1410] {strides = array<i32>} : memref<80x128xf32, #tpu.memory_space<vmem>>, vector<16xf32>,
          %get3A_1412 = arith.index_cast %add3A_1408 : i32 to index
          %get3A_1413 = arith.constant 32 : index
          %get3A_1414 = tpu.vector_load %arg13[%get3A_1412, %get3A_1413] {strides = array<i32>} : memref<80x128xf32, #tpu.memory_space<vmem>>, vector<16xf32>,
          %mul3A_1415 = arith.mulf %get3A_1411, %get3A_1414 : vector<16xf32>
          %add3A_1416 = arith.addf %add3A_1368, %mul3A_1415 : vector<16xf32>
          %add3A_1417 = arith.constant 12 : i32
          %add3A_1418 = arith.addi %mul3A_126, %add3A_1417 : i32
          %add3A_1419 = arith.constant 1 : i32
          %add3A_1420 = arith.addi %add3A_1418, %add3A_1419 : i32
          %get3A_1421 = arith.index_cast %add3A_1420 : i32 to index
          %get3A_1422 = arith.constant 32 : index
          %get3A_1423 = tpu.vector_load %arg10[%get3A_1421, %get3A_1422] {strides = array<i32>} : memref<80x128xf32, #tpu.memory_space<vmem>>, vector<16xf32>,
          %get3A_1424 = arith.index_cast %add3A_1420 : i32 to index
          %get3A_1425 = arith.constant 32 : index
          %get3A_1426 = tpu.vector_load %arg13[%get3A_1424, %get3A_1425] {strides = array<i32>} : memref<80x128xf32, #tpu.memory_space<vmem>>, vector<16xf32>,
          %mul3A_1427 = arith.mulf %get3A_1423, %get3A_1426 : vector<16xf32>
          %add3A_1428 = arith.addf %add3A_1380, %mul3A_1427 : vector<16xf32>
          %add3A_1429 = arith.constant 12 : i32
          %add3A_1430 = arith.addi %mul3A_126, %add3A_1429 : i32
          %add3A_1431 = arith.constant 2 : i32
          %add3A_1432 = arith.addi %add3A_1430, %add3A_1431 : i32
          %get3A_1433 = arith.index_cast %add3A_1432 : i32 to index
          %get3A_1434 = arith.constant 32 : index
          %get3A_1435 = tpu.vector_load %arg10[%get3A_1433, %get3A_1434] {strides = array<i32>} : memref<80x128xf32, #tpu.memory_space<vmem>>, vector<16xf32>,
          %get3A_1436 = arith.index_cast %add3A_1432 : i32 to index
          %get3A_1437 = arith.constant 32 : index
          %get3A_1438 = tpu.vector_load %arg13[%get3A_1436, %get3A_1437] {strides = array<i32>} : memref<80x128xf32, #tpu.memory_space<vmem>>, vector<16xf32>,
          %mul3A_1439 = arith.mulf %get3A_1435, %get3A_1438 : vector<16xf32>
          %add3A_1440 = arith.addf %add3A_1392, %mul3A_1439 : vector<16xf32>
          %add3A_1441 = arith.constant 12 : i32
          %add3A_1442 = arith.addi %mul3A_126, %add3A_1441 : i32
          %add3A_1443 = arith.constant 3 : i32
          %add3A_1444 = arith.addi %add3A_1442, %add3A_1443 : i32
          %get3A_1445 = arith.index_cast %add3A_1444 : i32 to index
          %get3A_1446 = arith.constant 32 : index
          %get3A_1447 = tpu.vector_load %arg10[%get3A_1445, %get3A_1446] {strides = array<i32>} : memref<80x128xf32, #tpu.memory_space<vmem>>, vector<16xf32>,
          %get3A_1448 = arith.index_cast %add3A_1444 : i32 to index
          %get3A_1449 = arith.constant 32 : index
          %get3A_1450 = tpu.vector_load %arg13[%get3A_1448, %get3A_1449] {strides = array<i32>} : memref<80x128xf32, #tpu.memory_space<vmem>>, vector<16xf32>,
          %mul3A_1451 = arith.mulf %get3A_1447, %get3A_1450 : vector<16xf32>
          %add3A_1452 = arith.addf %add3A_1404, %mul3A_1451 : vector<16xf32>
          %add3A_1453 = arith.constant 12 : i32
          %add3A_1454 = arith.addi %mul3A_126, %add3A_1453 : i32
          %add3A_1455 = arith.constant 0 : i32
          %add3A_1456 = arith.addi %add3A_1454, %add3A_1455 : i32
          %get3A_1457 = arith.index_cast %add3A_1456 : i32 to index
          %get3A_1458 = arith.constant 48 : index
          %get3A_1459 = tpu.vector_load %arg10[%get3A_1457, %get3A_1458] {strides = array<i32>} : memref<80x128xf32, #tpu.memory_space<vmem>>, vector<16xf32>,
          %get3A_1460 = arith.index_cast %add3A_1456 : i32 to index
          %get3A_1461 = arith.constant 48 : index
          %get3A_1462 = tpu.vector_load %arg13[%get3A_1460, %get3A_1461] {strides = array<i32>} : memref<80x128xf32, #tpu.memory_space<vmem>>, vector<16xf32>,
          %mul3A_1463 = arith.mulf %get3A_1459, %get3A_1462 : vector<16xf32>
          %add3A_1464 = arith.addf %add3A_1416, %mul3A_1463 : vector<16xf32>
          %add3A_1465 = arith.constant 12 : i32
          %add3A_1466 = arith.addi %mul3A_126, %add3A_1465 : i32
          %add3A_1467 = arith.constant 1 : i32
          %add3A_1468 = arith.addi %add3A_1466, %add3A_1467 : i32
          %get3A_1469 = arith.index_cast %add3A_1468 : i32 to index
          %get3A_1470 = arith.constant 48 : index
          %get3A_1471 = tpu.vector_load %arg10[%get3A_1469, %get3A_1470] {strides = array<i32>} : memref<80x128xf32, #tpu.memory_space<vmem>>, vector<16xf32>,
          %get3A_1472 = arith.index_cast %add3A_1468 : i32 to index
          %get3A_1473 = arith.constant 48 : index
          %get3A_1474 = tpu.vector_load %arg13[%get3A_1472, %get3A_1473] {strides = array<i32>} : memref<80x128xf32, #tpu.memory_space<vmem>>, vector<16xf32>,
          %mul3A_1475 = arith.mulf %get3A_1471, %get3A_1474 : vector<16xf32>
          %add3A_1476 = arith.addf %add3A_1428, %mul3A_1475 : vector<16xf32>
          %add3A_1477 = arith.constant 12 : i32
          %add3A_1478 = arith.addi %mul3A_126, %add3A_1477 : i32
          %add3A_1479 = arith.constant 2 : i32
          %add3A_1480 = arith.addi %add3A_1478, %add3A_1479 : i32
          %get3A_1481 = arith.index_cast %add3A_1480 : i32 to index
          %get3A_1482 = arith.constant 48 : index
          %get3A_1483 = tpu.vector_load %arg10[%get3A_1481, %get3A_1482] {strides = array<i32>} : memref<80x128xf32, #tpu.memory_space<vmem>>, vector<16xf32>,
          %get3A_1484 = arith.index_cast %add3A_1480 : i32 to index
          %get3A_1485 = arith.constant 48 : index
          %get3A_1486 = tpu.vector_load %arg13[%get3A_1484, %get3A_1485] {strides = array<i32>} : memref<80x128xf32, #tpu.memory_space<vmem>>, vector<16xf32>,
          %mul3A_1487 = arith.mulf %get3A_1483, %get3A_1486 : vector<16xf32>
          %add3A_1488 = arith.addf %add3A_1440, %mul3A_1487 : vector<16xf32>
          %add3A_1489 = arith.constant 12 : i32
          %add3A_1490 = arith.addi %mul3A_126, %add3A_1489 : i32
          %add3A_1491 = arith.constant 3 : i32
          %add3A_1492 = arith.addi %add3A_1490, %add3A_1491 : i32
          %get3A_1493 = arith.index_cast %add3A_1492 : i32 to index
          %get3A_1494 = arith.constant 48 : index
          %get3A_1495 = tpu.vector_load %arg10[%get3A_1493, %get3A_1494] {strides = array<i32>} : memref<80x128xf32, #tpu.memory_space<vmem>>, vector<16xf32>,
          %get3A_1496 = arith.index_cast %add3A_1492 : i32 to index
          %get3A_1497 = arith.constant 48 : index
          %get3A_1498 = tpu.vector_load %arg13[%get3A_1496, %get3A_1497] {strides = array<i32>} : memref<80x128xf32, #tpu.memory_space<vmem>>, vector<16xf32>,
          %mul3A_1499 = arith.mulf %get3A_1495, %get3A_1498 : vector<16xf32>
          %add3A_1500 = arith.addf %add3A_1452, %mul3A_1499 : vector<16xf32>
          %add3A_1501 = arith.constant 12 : i32
          %add3A_1502 = arith.addi %mul3A_126, %add3A_1501 : i32
          %add3A_1503 = arith.constant 0 : i32
          %add3A_1504 = arith.addi %add3A_1502, %add3A_1503 : i32
          %get3A_1505 = arith.index_cast %add3A_1504 : i32 to index
          %get3A_1506 = arith.constant 64 : index
          %get3A_1507 = tpu.vector_load %arg10[%get3A_1505, %get3A_1506] {strides = array<i32>} : memref<80x128xf32, #tpu.memory_space<vmem>>, vector<16xf32>,
          %get3A_1508 = arith.index_cast %add3A_1504 : i32 to index
          %get3A_1509 = arith.constant 64 : index
          %get3A_1510 = tpu.vector_load %arg13[%get3A_1508, %get3A_1509] {strides = array<i32>} : memref<80x128xf32, #tpu.memory_space<vmem>>, vector<16xf32>,
          %mul3A_1511 = arith.mulf %get3A_1507, %get3A_1510 : vector<16xf32>
          %add3A_1512 = arith.addf %add3A_1464, %mul3A_1511 : vector<16xf32>
          %add3A_1513 = arith.constant 12 : i32
          %add3A_1514 = arith.addi %mul3A_126, %add3A_1513 : i32
          %add3A_1515 = arith.constant 1 : i32
          %add3A_1516 = arith.addi %add3A_1514, %add3A_1515 : i32
          %get3A_1517 = arith.index_cast %add3A_1516 : i32 to index
          %get3A_1518 = arith.constant 64 : index
          %get3A_1519 = tpu.vector_load %arg10[%get3A_1517, %get3A_1518] {strides = array<i32>} : memref<80x128xf32, #tpu.memory_space<vmem>>, vector<16xf32>,
          %get3A_1520 = arith.index_cast %add3A_1516 : i32 to index
          %get3A_1521 = arith.constant 64 : index
          %get3A_1522 = tpu.vector_load %arg13[%get3A_1520, %get3A_1521] {strides = array<i32>} : memref<80x128xf32, #tpu.memory_space<vmem>>, vector<16xf32>,
          %mul3A_1523 = arith.mulf %get3A_1519, %get3A_1522 : vector<16xf32>
          %add3A_1524 = arith.addf %add3A_1476, %mul3A_1523 : vector<16xf32>
          %add3A_1525 = arith.constant 12 : i32
          %add3A_1526 = arith.addi %mul3A_126, %add3A_1525 : i32
          %add3A_1527 = arith.constant 2 : i32
          %add3A_1528 = arith.addi %add3A_1526, %add3A_1527 : i32
          %get3A_1529 = arith.index_cast %add3A_1528 : i32 to index
          %get3A_1530 = arith.constant 64 : index
          %get3A_1531 = tpu.vector_load %arg10[%get3A_1529, %get3A_1530] {strides = array<i32>} : memref<80x128xf32, #tpu.memory_space<vmem>>, vector<16xf32>,
          %get3A_1532 = arith.index_cast %add3A_1528 : i32 to index
          %get3A_1533 = arith.constant 64 : index
          %get3A_1534 = tpu.vector_load %arg13[%get3A_1532, %get3A_1533] {strides = array<i32>} : memref<80x128xf32, #tpu.memory_space<vmem>>, vector<16xf32>,
          %mul3A_1535 = arith.mulf %get3A_1531, %get3A_1534 : vector<16xf32>
          %add3A_1536 = arith.addf %add3A_1488, %mul3A_1535 : vector<16xf32>
          %add3A_1537 = arith.constant 12 : i32
          %add3A_1538 = arith.addi %mul3A_126, %add3A_1537 : i32
          %add3A_1539 = arith.constant 3 : i32
          %add3A_1540 = arith.addi %add3A_1538, %add3A_1539 : i32
          %get3A_1541 = arith.index_cast %add3A_1540 : i32 to index
          %get3A_1542 = arith.constant 64 : index
          %get3A_1543 = tpu.vector_load %arg10[%get3A_1541, %get3A_1542] {strides = array<i32>} : memref<80x128xf32, #tpu.memory_space<vmem>>, vector<16xf32>,
          %get3A_1544 = arith.index_cast %add3A_1540 : i32 to index
          %get3A_1545 = arith.constant 64 : index
          %get3A_1546 = tpu.vector_load %arg13[%get3A_1544, %get3A_1545] {strides = array<i32>} : memref<80x128xf32, #tpu.memory_space<vmem>>, vector<16xf32>,
          %mul3A_1547 = arith.mulf %get3A_1543, %get3A_1546 : vector<16xf32>
          %add3A_1548 = arith.addf %add3A_1500, %mul3A_1547 : vector<16xf32>
          %add3A_1549 = arith.constant 12 : i32
          %add3A_1550 = arith.addi %mul3A_126, %add3A_1549 : i32
          %add3A_1551 = arith.constant 0 : i32
          %add3A_1552 = arith.addi %add3A_1550, %add3A_1551 : i32
          %get3A_1553 = arith.index_cast %add3A_1552 : i32 to index
          %get3A_1554 = arith.constant 80 : index
          %get3A_1555 = tpu.vector_load %arg10[%get3A_1553, %get3A_1554] {strides = array<i32>} : memref<80x128xf32, #tpu.memory_space<vmem>>, vector<16xf32>,
          %get3A_1556 = arith.index_cast %add3A_1552 : i32 to index
          %get3A_1557 = arith.constant 80 : index
          %get3A_1558 = tpu.vector_load %arg13[%get3A_1556, %get3A_1557] {strides = array<i32>} : memref<80x128xf32, #tpu.memory_space<vmem>>, vector<16xf32>,
          %mul3A_1559 = arith.mulf %get3A_1555, %get3A_1558 : vector<16xf32>
          %add3A_1560 = arith.addf %add3A_1512, %mul3A_1559 : vector<16xf32>
          %add3A_1561 = arith.constant 12 : i32
          %add3A_1562 = arith.addi %mul3A_126, %add3A_1561 : i32
          %add3A_1563 = arith.constant 1 : i32
          %add3A_1564 = arith.addi %add3A_1562, %add3A_1563 : i32
          %get3A_1565 = arith.index_cast %add3A_1564 : i32 to index
          %get3A_1566 = arith.constant 80 : index
          %get3A_1567 = tpu.vector_load %arg10[%get3A_1565, %get3A_1566] {strides = array<i32>} : memref<80x128xf32, #tpu.memory_space<vmem>>, vector<16xf32>,
          %get3A_1568 = arith.index_cast %add3A_1564 : i32 to index
          %get3A_1569 = arith.constant 80 : index
          %get3A_1570 = tpu.vector_load %arg13[%get3A_1568, %get3A_1569] {strides = array<i32>} : memref<80x128xf32, #tpu.memory_space<vmem>>, vector<16xf32>,
          %mul3A_1571 = arith.mulf %get3A_1567, %get3A_1570 : vector<16xf32>
          %add3A_1572 = arith.addf %add3A_1524, %mul3A_1571 : vector<16xf32>
          %add3A_1573 = arith.constant 12 : i32
          %add3A_1574 = arith.addi %mul3A_126, %add3A_1573 : i32
          %add3A_1575 = arith.constant 2 : i32
          %add3A_1576 = arith.addi %add3A_1574, %add3A_1575 : i32
          %get3A_1577 = arith.index_cast %add3A_1576 : i32 to index
          %get3A_1578 = arith.constant 80 : index
          %get3A_1579 = tpu.vector_load %arg10[%get3A_1577, %get3A_1578] {strides = array<i32>} : memref<80x128xf32, #tpu.memory_space<vmem>>, vector<16xf32>,
          %get3A_1580 = arith.index_cast %add3A_1576 : i32 to index
          %get3A_1581 = arith.constant 80 : index
          %get3A_1582 = tpu.vector_load %arg13[%get3A_1580, %get3A_1581] {strides = array<i32>} : memref<80x128xf32, #tpu.memory_space<vmem>>, vector<16xf32>,
          %mul3A_1583 = arith.mulf %get3A_1579, %get3A_1582 : vector<16xf32>
          %add3A_1584 = arith.addf %add3A_1536, %mul3A_1583 : vector<16xf32>
          %add3A_1585 = arith.constant 12 : i32
          %add3A_1586 = arith.addi %mul3A_126, %add3A_1585 : i32
          %add3A_1587 = arith.constant 3 : i32
          %add3A_1588 = arith.addi %add3A_1586, %add3A_1587 : i32
          %get3A_1589 = arith.index_cast %add3A_1588 : i32 to index
          %get3A_1590 = arith.constant 80 : index
          %get3A_1591 = tpu.vector_load %arg10[%get3A_1589, %get3A_1590] {strides = array<i32>} : memref<80x128xf32, #tpu.memory_space<vmem>>, vector<16xf32>,
          %get3A_1592 = arith.index_cast %add3A_1588 : i32 to index
          %get3A_1593 = arith.constant 80 : index
          %get3A_1594 = tpu.vector_load %arg13[%get3A_1592, %get3A_1593] {strides = array<i32>} : memref<80x128xf32, #tpu.memory_space<vmem>>, vector<16xf32>,
          %mul3A_1595 = arith.mulf %get3A_1591, %get3A_1594 : vector<16xf32>
          %add3A_1596 = arith.addf %add3A_1548, %mul3A_1595 : vector<16xf32>
          %add3A_1597 = arith.constant 12 : i32
          %add3A_1598 = arith.addi %mul3A_126, %add3A_1597 : i32
          %add3A_1599 = arith.constant 0 : i32
          %add3A_1600 = arith.addi %add3A_1598, %add3A_1599 : i32
          %get3A_1601 = arith.index_cast %add3A_1600 : i32 to index
          %get3A_1602 = arith.constant 96 : index
          %get3A_1603 = tpu.vector_load %arg10[%get3A_1601, %get3A_1602] {strides = array<i32>} : memref<80x128xf32, #tpu.memory_space<vmem>>, vector<16xf32>,
          %get3A_1604 = arith.index_cast %add3A_1600 : i32 to index
          %get3A_1605 = arith.constant 96 : index
          %get3A_1606 = tpu.vector_load %arg13[%get3A_1604, %get3A_1605] {strides = array<i32>} : memref<80x128xf32, #tpu.memory_space<vmem>>, vector<16xf32>,
          %mul3A_1607 = arith.mulf %get3A_1603, %get3A_1606 : vector<16xf32>
          %add3A_1608 = arith.addf %add3A_1560, %mul3A_1607 : vector<16xf32>
          %add3A_1609 = arith.constant 12 : i32
          %add3A_1610 = arith.addi %mul3A_126, %add3A_1609 : i32
          %add3A_1611 = arith.constant 1 : i32
          %add3A_1612 = arith.addi %add3A_1610, %add3A_1611 : i32
          %get3A_1613 = arith.index_cast %add3A_1612 : i32 to index
          %get3A_1614 = arith.constant 96 : index
          %get3A_1615 = tpu.vector_load %arg10[%get3A_1613, %get3A_1614] {strides = array<i32>} : memref<80x128xf32, #tpu.memory_space<vmem>>, vector<16xf32>,
          %get3A_1616 = arith.index_cast %add3A_1612 : i32 to index
          %get3A_1617 = arith.constant 96 : index
          %get3A_1618 = tpu.vector_load %arg13[%get3A_1616, %get3A_1617] {strides = array<i32>} : memref<80x128xf32, #tpu.memory_space<vmem>>, vector<16xf32>,
          %mul3A_1619 = arith.mulf %get3A_1615, %get3A_1618 : vector<16xf32>
          %add3A_1620 = arith.addf %add3A_1572, %mul3A_1619 : vector<16xf32>
          %add3A_1621 = arith.constant 12 : i32
          %add3A_1622 = arith.addi %mul3A_126, %add3A_1621 : i32
          %add3A_1623 = arith.constant 2 : i32
          %add3A_1624 = arith.addi %add3A_1622, %add3A_1623 : i32
          %get3A_1625 = arith.index_cast %add3A_1624 : i32 to index
          %get3A_1626 = arith.constant 96 : index
          %get3A_1627 = tpu.vector_load %arg10[%get3A_1625, %get3A_1626] {strides = array<i32>} : memref<80x128xf32, #tpu.memory_space<vmem>>, vector<16xf32>,
          %get3A_1628 = arith.index_cast %add3A_1624 : i32 to index
          %get3A_1629 = arith.constant 96 : index
          %get3A_1630 = tpu.vector_load %arg13[%get3A_1628, %get3A_1629] {strides = array<i32>} : memref<80x128xf32, #tpu.memory_space<vmem>>, vector<16xf32>,
          %mul3A_1631 = arith.mulf %get3A_1627, %get3A_1630 : vector<16xf32>
          %add3A_1632 = arith.addf %add3A_1584, %mul3A_1631 : vector<16xf32>
          %add3A_1633 = arith.constant 12 : i32
          %add3A_1634 = arith.addi %mul3A_126, %add3A_1633 : i32
          %add3A_1635 = arith.constant 3 : i32
          %add3A_1636 = arith.addi %add3A_1634, %add3A_1635 : i32
          %get3A_1637 = arith.index_cast %add3A_1636 : i32 to index
          %get3A_1638 = arith.constant 96 : index
          %get3A_1639 = tpu.vector_load %arg10[%get3A_1637, %get3A_1638] {strides = array<i32>} : memref<80x128xf32, #tpu.memory_space<vmem>>, vector<16xf32>,
          %get3A_1640 = arith.index_cast %add3A_1636 : i32 to index
          %get3A_1641 = arith.constant 96 : index
          %get3A_1642 = tpu.vector_load %arg13[%get3A_1640, %get3A_1641] {strides = array<i32>} : memref<80x128xf32, #tpu.memory_space<vmem>>, vector<16xf32>,
          %mul3A_1643 = arith.mulf %get3A_1639, %get3A_1642 : vector<16xf32>
          %add3A_1644 = arith.addf %add3A_1596, %mul3A_1643 : vector<16xf32>
          %add3A_1645 = arith.constant 12 : i32
          %add3A_1646 = arith.addi %mul3A_126, %add3A_1645 : i32
          %add3A_1647 = arith.constant 0 : i32
          %add3A_1648 = arith.addi %add3A_1646, %add3A_1647 : i32
          %get3A_1649 = arith.index_cast %add3A_1648 : i32 to index
          %get3A_1650 = arith.constant 112 : index
          %get3A_1651 = tpu.vector_load %arg10[%get3A_1649, %get3A_1650] {strides = array<i32>} : memref<80x128xf32, #tpu.memory_space<vmem>>, vector<16xf32>,
          %get3A_1652 = arith.index_cast %add3A_1648 : i32 to index
          %get3A_1653 = arith.constant 112 : index
          %get3A_1654 = tpu.vector_load %arg13[%get3A_1652, %get3A_1653] {strides = array<i32>} : memref<80x128xf32, #tpu.memory_space<vmem>>, vector<16xf32>,
          %mul3A_1655 = arith.mulf %get3A_1651, %get3A_1654 : vector<16xf32>
          %add3A_1656 = arith.addf %add3A_1608, %mul3A_1655 : vector<16xf32>
          %add3A_1657 = arith.constant 12 : i32
          %add3A_1658 = arith.addi %mul3A_126, %add3A_1657 : i32
          %add3A_1659 = arith.constant 1 : i32
          %add3A_1660 = arith.addi %add3A_1658, %add3A_1659 : i32
          %get3A_1661 = arith.index_cast %add3A_1660 : i32 to index
          %get3A_1662 = arith.constant 112 : index
          %get3A_1663 = tpu.vector_load %arg10[%get3A_1661, %get3A_1662] {strides = array<i32>} : memref<80x128xf32, #tpu.memory_space<vmem>>, vector<16xf32>,
          %get3A_1664 = arith.index_cast %add3A_1660 : i32 to index
          %get3A_1665 = arith.constant 112 : index
          %get3A_1666 = tpu.vector_load %arg13[%get3A_1664, %get3A_1665] {strides = array<i32>} : memref<80x128xf32, #tpu.memory_space<vmem>>, vector<16xf32>,
          %mul3A_1667 = arith.mulf %get3A_1663, %get3A_1666 : vector<16xf32>
          %add3A_1668 = arith.addf %add3A_1620, %mul3A_1667 : vector<16xf32>
          %add3A_1669 = arith.constant 12 : i32
          %add3A_1670 = arith.addi %mul3A_126, %add3A_1669 : i32
          %add3A_1671 = arith.constant 2 : i32
          %add3A_1672 = arith.addi %add3A_1670, %add3A_1671 : i32
          %get3A_1673 = arith.index_cast %add3A_1672 : i32 to index
          %get3A_1674 = arith.constant 112 : index
          %get3A_1675 = tpu.vector_load %arg10[%get3A_1673, %get3A_1674] {strides = array<i32>} : memref<80x128xf32, #tpu.memory_space<vmem>>, vector<16xf32>,
          %get3A_1676 = arith.index_cast %add3A_1672 : i32 to index
          %get3A_1677 = arith.constant 112 : index
          %get3A_1678 = tpu.vector_load %arg13[%get3A_1676, %get3A_1677] {strides = array<i32>} : memref<80x128xf32, #tpu.memory_space<vmem>>, vector<16xf32>,
          %mul3A_1679 = arith.mulf %get3A_1675, %get3A_1678 : vector<16xf32>
          %add3A_1680 = arith.addf %add3A_1632, %mul3A_1679 : vector<16xf32>
          %add3A_1681 = arith.constant 12 : i32
          %add3A_1682 = arith.addi %mul3A_126, %add3A_1681 : i32
          %add3A_1683 = arith.constant 3 : i32
          %add3A_1684 = arith.addi %add3A_1682, %add3A_1683 : i32
          %get3A_1685 = arith.index_cast %add3A_1684 : i32 to index
          %get3A_1686 = arith.constant 112 : index
          %get3A_1687 = tpu.vector_load %arg10[%get3A_1685, %get3A_1686] {strides = array<i32>} : memref<80x128xf32, #tpu.memory_space<vmem>>, vector<16xf32>,
          %get3A_1688 = arith.index_cast %add3A_1684 : i32 to index
          %get3A_1689 = arith.constant 112 : index
          %get3A_1690 = tpu.vector_load %arg13[%get3A_1688, %get3A_1689] {strides = array<i32>} : memref<80x128xf32, #tpu.memory_space<vmem>>, vector<16xf32>,
          %mul3A_1691 = arith.mulf %get3A_1687, %get3A_1690 : vector<16xf32>
          %add3A_1692 = arith.addf %add3A_1644, %mul3A_1691 : vector<16xf32>
          %swap3A_1693 = arith.constant 12 : i32
          %swap3A_1694 = arith.index_cast %swap3A_1693 : i32 to index
          %swap3A_1695 = arith.constant 0 : index
          %swap3A_1696 = tpu.vector_load %arg17[%swap3A_1694, %swap3A_1695] {strides = array<i32>} : memref<16x16xf32, #tpu.memory_space<vmem>>, vector<16xf32>,
          tpu.vector_store %arg17[%swap3A_1694, %swap3A_1695], %add3A_1656 {strides = array<i32>} : memref<16x16xf32, #tpu.memory_space<vmem>>, vector<16xf32>,
          %swap3A_1697 = arith.constant 13 : i32
          %swap3A_1698 = arith.index_cast %swap3A_1697 : i32 to index
          %swap3A_1699 = arith.constant 0 : index
          %swap3A_1700 = tpu.vector_load %arg17[%swap3A_1698, %swap3A_1699] {strides = array<i32>} : memref<16x16xf32, #tpu.memory_space<vmem>>, vector<16xf32>,
          tpu.vector_store %arg17[%swap3A_1698, %swap3A_1699], %add3A_1668 {strides = array<i32>} : memref<16x16xf32, #tpu.memory_space<vmem>>, vector<16xf32>,
          %swap3A_1701 = arith.constant 14 : i32
          %swap3A_1702 = arith.index_cast %swap3A_1701 : i32 to index
          %swap3A_1703 = arith.constant 0 : index
          %swap3A_1704 = tpu.vector_load %arg17[%swap3A_1702, %swap3A_1703] {strides = array<i32>} : memref<16x16xf32, #tpu.memory_space<vmem>>, vector<16xf32>,
          tpu.vector_store %arg17[%swap3A_1702, %swap3A_1703], %add3A_1680 {strides = array<i32>} : memref<16x16xf32, #tpu.memory_space<vmem>>, vector<16xf32>,
          %swap3A_1705 = arith.constant 15 : i32
          %swap3A_1706 = arith.index_cast %swap3A_1705 : i32 to index
          %swap3A_1707 = arith.constant 0 : index
          %swap3A_1708 = tpu.vector_load %arg17[%swap3A_1706, %swap3A_1707] {strides = array<i32>} : memref<16x16xf32, #tpu.memory_space<vmem>>, vector<16xf32>,
          tpu.vector_store %arg17[%swap3A_1706, %swap3A_1707], %add3A_1692 {strides = array<i32>} : memref<16x16xf32, #tpu.memory_space<vmem>>, vector<16xf32>,
          %broadcast_in_dim3A = arith.constant 0 : i32
          %broadcast_in_dim3A_1709 = vector.broadcast %broadcast_in_dim3A : i32 to vector<16xi32>
          %gather3A = tpu.vector_load_idx %arg17[%iota3A, %broadcast_in_dim3A_1709] : memref<16x16xf32, #tpu.memory_space<vmem>>[vector<16xi32>, vector<16xi32>], vector<16xf32>,
          %broadcast_in_dim3A_1710 = arith.constant 1 : i32
          %broadcast_in_dim3A_1711 = vector.broadcast %broadcast_in_dim3A_1710 : i32 to vector<16xi32>
          %gather3A_1712 = tpu.vector_load_idx %arg17[%iota3A, %broadcast_in_dim3A_1711] : memref<16x16xf32, #tpu.memory_space<vmem>>[vector<16xi32>, vector<16xi32>], vector<16xf32>,
          %add3A_1713 = arith.addf %gather3A, %gather3A_1712 : vector<16xf32>
          %broadcast_in_dim3A_1714 = arith.constant 2 : i32
          %broadcast_in_dim3A_1715 = vector.broadcast %broadcast_in_dim3A_1714 : i32 to vector<16xi32>
          %gather3A_1716 = tpu.vector_load_idx %arg17[%iota3A, %broadcast_in_dim3A_1715] : memref<16x16xf32, #tpu.memory_space<vmem>>[vector<16xi32>, vector<16xi32>], vector<16xf32>,
          %add3A_1717 = arith.addf %add3A_1713, %gather3A_1716 : vector<16xf32>
          %broadcast_in_dim3A_1718 = arith.constant 3 : i32
          %broadcast_in_dim3A_1719 = vector.broadcast %broadcast_in_dim3A_1718 : i32 to vector<16xi32>
          %gather3A_1720 = tpu.vector_load_idx %arg17[%iota3A, %broadcast_in_dim3A_1719] : memref<16x16xf32, #tpu.memory_space<vmem>>[vector<16xi32>, vector<16xi32>], vector<16xf32>,
          %add3A_1721 = arith.addf %add3A_1717, %gather3A_1720 : vector<16xf32>
          %broadcast_in_dim3A_1722 = arith.constant 4 : i32
          %broadcast_in_dim3A_1723 = vector.broadcast %broadcast_in_dim3A_1722 : i32 to vector<16xi32>
          %gather3A_1724 = tpu.vector_load_idx %arg17[%iota3A, %broadcast_in_dim3A_1723] : memref<16x16xf32, #tpu.memory_space<vmem>>[vector<16xi32>, vector<16xi32>], vector<16xf32>,
          %add3A_1725 = arith.addf %add3A_1721, %gather3A_1724 : vector<16xf32>
          %broadcast_in_dim3A_1726 = arith.constant 5 : i32
          %broadcast_in_dim3A_1727 = vector.broadcast %broadcast_in_dim3A_1726 : i32 to vector<16xi32>
          %gather3A_1728 = tpu.vector_load_idx %arg17[%iota3A, %broadcast_in_dim3A_1727] : memref<16x16xf32, #tpu.memory_space<vmem>>[vector<16xi32>, vector<16xi32>], vector<16xf32>,
          %add3A_1729 = arith.addf %add3A_1725, %gather3A_1728 : vector<16xf32>
          %broadcast_in_dim3A_1730 = arith.constant 6 : i32
          %broadcast_in_dim3A_1731 = vector.broadcast %broadcast_in_dim3A_1730 : i32 to vector<16xi32>
          %gather3A_1732 = tpu.vector_load_idx %arg17[%iota3A, %broadcast_in_dim3A_1731] : memref<16x16xf32, #tpu.memory_space<vmem>>[vector<16xi32>, vector<16xi32>], vector<16xf32>,
          %add3A_1733 = arith.addf %add3A_1729, %gather3A_1732 : vector<16xf32>
          %broadcast_in_dim3A_1734 = arith.constant 7 : i32
          %broadcast_in_dim3A_1735 = vector.broadcast %broadcast_in_dim3A_1734 : i32 to vector<16xi32>
          %gather3A_1736 = tpu.vector_load_idx %arg17[%iota3A, %broadcast_in_dim3A_1735] : memref<16x16xf32, #tpu.memory_space<vmem>>[vector<16xi32>, vector<16xi32>], vector<16xf32>,
          %add3A_1737 = arith.addf %add3A_1733, %gather3A_1736 : vector<16xf32>
          %broadcast_in_dim3A_1738 = arith.constant 8 : i32
          %broadcast_in_dim3A_1739 = vector.broadcast %broadcast_in_dim3A_1738 : i32 to vector<16xi32>
          %gather3A_1740 = tpu.vector_load_idx %arg17[%iota3A, %broadcast_in_dim3A_1739] : memref<16x16xf32, #tpu.memory_space<vmem>>[vector<16xi32>, vector<16xi32>], vector<16xf32>,
          %add3A_1741 = arith.addf %add3A_1737, %gather3A_1740 : vector<16xf32>
          %broadcast_in_dim3A_1742 = arith.constant 9 : i32
          %broadcast_in_dim3A_1743 = vector.broadcast %broadcast_in_dim3A_1742 : i32 to vector<16xi32>
          %gather3A_1744 = tpu.vector_load_idx %arg17[%iota3A, %broadcast_in_dim3A_1743] : memref<16x16xf32, #tpu.memory_space<vmem>>[vector<16xi32>, vector<16xi32>], vector<16xf32>,
          %add3A_1745 = arith.addf %add3A_1741, %gather3A_1744 : vector<16xf32>
          %broadcast_in_dim3A_1746 = arith.constant 10 : i32
          %broadcast_in_dim3A_1747 = vector.broadcast %broadcast_in_dim3A_1746 : i32 to vector<16xi32>
          %gather3A_1748 = tpu.vector_load_idx %arg17[%iota3A, %broadcast_in_dim3A_1747] : memref<16x16xf32, #tpu.memory_space<vmem>>[vector<16xi32>, vector<16xi32>], vector<16xf32>,
          %add3A_1749 = arith.addf %add3A_1745, %gather3A_1748 : vector<16xf32>
          %broadcast_in_dim3A_1750 = arith.constant 11 : i32
          %broadcast_in_dim3A_1751 = vector.broadcast %broadcast_in_dim3A_1750 : i32 to vector<16xi32>
          %gather3A_1752 = tpu.vector_load_idx %arg17[%iota3A, %broadcast_in_dim3A_1751] : memref<16x16xf32, #tpu.memory_space<vmem>>[vector<16xi32>, vector<16xi32>], vector<16xf32>,
          %add3A_1753 = arith.addf %add3A_1749, %gather3A_1752 : vector<16xf32>
          %broadcast_in_dim3A_1754 = arith.constant 12 : i32
          %broadcast_in_dim3A_1755 = vector.broadcast %broadcast_in_dim3A_1754 : i32 to vector<16xi32>
          %gather3A_1756 = tpu.vector_load_idx %arg17[%iota3A, %broadcast_in_dim3A_1755] : memref<16x16xf32, #tpu.memory_space<vmem>>[vector<16xi32>, vector<16xi32>], vector<16xf32>,
          %add3A_1757 = arith.addf %add3A_1753, %gather3A_1756 : vector<16xf32>
          %broadcast_in_dim3A_1758 = arith.constant 13 : i32
          %broadcast_in_dim3A_1759 = vector.broadcast %broadcast_in_dim3A_1758 : i32 to vector<16xi32>
          %gather3A_1760 = tpu.vector_load_idx %arg17[%iota3A, %broadcast_in_dim3A_1759] : memref<16x16xf32, #tpu.memory_space<vmem>>[vector<16xi32>, vector<16xi32>], vector<16xf32>,
          %add3A_1761 = arith.addf %add3A_1757, %gather3A_1760 : vector<16xf32>
          %broadcast_in_dim3A_1762 = arith.constant 14 : i32
          %broadcast_in_dim3A_1763 = vector.broadcast %broadcast_in_dim3A_1762 : i32 to vector<16xi32>
          %gather3A_1764 = tpu.vector_load_idx %arg17[%iota3A, %broadcast_in_dim3A_1763] : memref<16x16xf32, #tpu.memory_space<vmem>>[vector<16xi32>, vector<16xi32>], vector<16xf32>,
          %add3A_1765 = arith.addf %add3A_1761, %gather3A_1764 : vector<16xf32>
          %broadcast_in_dim3A_1766 = arith.constant 15 : i32
          %broadcast_in_dim3A_1767 = vector.broadcast %broadcast_in_dim3A_1766 : i32 to vector<16xi32>
          %gather3A_1768 = tpu.vector_load_idx %arg17[%iota3A, %broadcast_in_dim3A_1767] : memref<16x16xf32, #tpu.memory_space<vmem>>[vector<16xi32>, vector<16xi32>], vector<16xf32>,
          %add3A_1769 = arith.addf %add3A_1765, %gather3A_1768 : vector<16xf32>
          %add3A_1770 = arith.constant 0.00320545211 : f32
          %add3A_1771 = vector.broadcast %add3A_1770 : f32 to vector<16xf32>
          %add3A_1772 = arith.addf %add3A_1769, %add3A_1771 : vector<16xf32>
          %neg3A = arith.constant 0.000000e+00 : f32
          %neg3A_1773 = vector.broadcast %neg3A : f32 to vector<16xf32>
          %neg3A_1774 = arith.subf %neg3A_1773, %add3A_1772 : vector<16xf32>
          %exp3A = math.exp %neg3A_1774 : vector<16xf32>
          %sub3A = arith.constant 1.000000e+00 : f32
          %sub3A_1775 = vector.broadcast %sub3A : f32 to vector<16xf32>
          %sub3A_1776 = arith.subf %sub3A_1775, %exp3A : vector<16xf32>
          %swap3A_1777 = arith.index_cast %mul3A_126 : i32 to index
          %swap3A_1778 = tpu.vector_load %arg16[%swap3A_1777] {strides = array<i32>} : memref<80xf32, #tpu.memory_space<vmem>>, vector<16xf32>,
          tpu.vector_store %arg16[%swap3A_1777], %sub3A_1776 {strides = array<i32>} : memref<80xf32, #tpu.memory_space<vmem>>, vector<16xf32>,
          %scan3A_1779 = arith.constant 0 : i32
          scf.yield %scan3A_1779 : i32
        }
        %scan3A_110 = arith.constant 5 : i32
        %add3A_111 = arith.constant 3 : i32
        %add3A_112 = arith.addi %add3A_81, %add3A_111 : i32
        %lt3A_113 = arith.constant 125 : i32
        %lt3A_114 = arith.cmpi slt, %add3A_112, %lt3A_113 : i32
        %convert_element_type3A_115 = arith.extui %lt3A_114 : i1 to i32
        %cond3A_116 = arith.constant 0 : i32
        %cond3A_117 = arith.cmpi ne, %convert_element_type3A_115, %cond3A_116 : i32
        scf.if %cond3A_117 {
          %add3A_123 = arith.constant 3 : i32
          %add3A_124 = arith.addi %add3A_81, %add3A_123 : i32
          %dma_start3A_125 = arith.constant 0 : i32
          %dma_start3A_126 = tpu.memref_slice %arg6[%add3A_124, %dma_start3A_125] : memref<125x80xi32, #tpu.memory_space<vmem>> -> memref<1x80xi32, #tpu.memory_space<vmem>>
          %dma_start3A_127 = tpu.memref_squeeze %dma_start3A_126 : memref<1x80xi32, #tpu.memory_space<vmem>> -> memref<80xi32, #tpu.memory_space<vmem>>
          %dma_start3A_128 = arith.constant 0 : i32
          %dma_start3A_129 = arith.constant 0 : i32
          %dma_start3A_130 = tpu.memref_slice %arg2[%dma_start3A_128, %dma_start3A_129] : memref<10000x128xf32, #tpu.memory_space<hbm>> -> memref<10000x128xf32, #tpu.memory_space<hbm>>
          tpu.enqueue_indirect_dma source(%dma_start3A_130 : memref<10000x128xf32, #tpu.memory_space<hbm>>) target(%arg10 : memref<80x128xf32, #tpu.memory_space<vmem>>) offsets(%dma_start3A_127 : memref<80xi32, #tpu.memory_space<vmem>>) semaphore(%arg20 : memref<!tpu.dma_semaphore, #tpu.memory_space<semaphore_mem>>)
          %dma_start3A_131 = arith.constant 0 : i32
          %dma_start3A_132 = tpu.memref_slice %arg7[%add3A_124, %dma_start3A_131] : memref<125x80xi32, #tpu.memory_space<vmem>> -> memref<1x80xi32, #tpu.memory_space<vmem>>
          %dma_start3A_133 = tpu.memref_squeeze %dma_start3A_132 : memref<1x80xi32, #tpu.memory_space<vmem>> -> memref<80xi32, #tpu.memory_space<vmem>>
          %dma_start3A_134 = arith.constant 0 : i32
          %dma_start3A_135 = arith.constant 0 : i32
          %dma_start3A_136 = tpu.memref_slice %arg2[%dma_start3A_134, %dma_start3A_135] : memref<10000x128xf32, #tpu.memory_space<hbm>> -> memref<10000x128xf32, #tpu.memory_space<hbm>>
          tpu.enqueue_indirect_dma source(%dma_start3A_136 : memref<10000x128xf32, #tpu.memory_space<hbm>>) target(%arg13 : memref<80x128xf32, #tpu.memory_space<vmem>>) offsets(%dma_start3A_133 : memref<80xi32, #tpu.memory_space<vmem>>) semaphore(%arg23 : memref<!tpu.dma_semaphore, #tpu.memory_space<semaphore_mem>>)
        } else {
        }
        %mul3A_118 = arith.constant 80 : i32
        %mul3A_119 = arith.muli %add3A_81, %mul3A_118 : i32
        %add3A_120 = arith.addi %mul3A_2, %mul3A_119 : i32
        %dma_start3A_121 = tpu.memref_slice %arg5[%add3A_120] : memref<320000xf32, #tpu.memory_space<hbm>> -> memref<80xf32, #tpu.memory_space<hbm>>
        %dma_start3A_122 = tpu.memref_slice %arg5[%add3A_120] : memref<320000xf32, #tpu.memory_space<hbm>> -> memref<80xf32, #tpu.memory_space<hbm>>
        tpu.enqueue_dma source(%arg16 : memref<80xf32, #tpu.memory_space<vmem>>) target(%dma_start3A_122 : memref<80xf32, #tpu.memory_space<hbm>>) target_semaphore(%arg26 : memref<!tpu.dma_semaphore, #tpu.memory_space<semaphore_mem>>)
      } else {
      }
      %scan3A_87 = arith.constant 0 : i32
      scf.yield %scan3A_87 : i32
    }
    %scan3A_49 = arith.constant 42 : i32
    %add3A_50 = arith.constant 9760 : i32
    %add3A_51 = arith.addi %mul3A_2, %add3A_50 : i32
    %dma_wait3A = tpu.memref_slice %arg5[%add3A_51] : memref<320000xf32, #tpu.memory_space<hbm>> -> memref<80xf32, #tpu.memory_space<hbm>>
    %dma_wait3A_52 = tpu.memref_slice %arg5[%add3A_51] : memref<320000xf32, #tpu.memory_space<hbm>> -> memref<80xf32, #tpu.memory_space<hbm>>
    tpu.wait_dma2 semaphore(%arg26 : memref<!tpu.dma_semaphore, #tpu.memory_space<semaphore_mem>>) src(%arg16 : memref<80xf32, #tpu.memory_space<vmem>>) dst(%dma_wait3A_52 : memref<80xf32, #tpu.memory_space<hbm>>)
    %add3A_53 = arith.constant 9840 : i32
    %add3A_54 = arith.addi %mul3A_2, %add3A_53 : i32
    %dma_wait3A_55 = tpu.memref_slice %arg5[%add3A_54] : memref<320000xf32, #tpu.memory_space<hbm>> -> memref<80xf32, #tpu.memory_space<hbm>>
    %dma_wait3A_56 = tpu.memref_slice %arg5[%add3A_54] : memref<320000xf32, #tpu.memory_space<hbm>> -> memref<80xf32, #tpu.memory_space<hbm>>
    tpu.wait_dma2 semaphore(%arg24 : memref<!tpu.dma_semaphore, #tpu.memory_space<semaphore_mem>>) src(%arg14 : memref<80xf32, #tpu.memory_space<vmem>>) dst(%dma_wait3A_56 : memref<80xf32, #tpu.memory_space<hbm>>)
    %add3A_57 = arith.constant 9920 : i32
    %add3A_58 = arith.addi %mul3A_2, %add3A_57 : i32
    %dma_wait3A_59 = tpu.memref_slice %arg5[%add3A_58] : memref<320000xf32, #tpu.memory_space<hbm>> -> memref<80xf32, #tpu.memory_space<hbm>>
    %dma_wait3A_60 = tpu.memref_slice %arg5[%add3A_58] : memref<320000xf32, #tpu.memory_space<hbm>> -> memref<80xf32, #tpu.memory_space<hbm>>
    tpu.wait_dma2 semaphore(%arg25 : memref<!tpu.dma_semaphore, #tpu.memory_space<semaphore_mem>>) src(%arg15 : memref<80xf32, #tpu.memory_space<vmem>>) dst(%dma_wait3A_60 : memref<80xf32, #tpu.memory_space<hbm>>)
    return
  }
}

</mosaic_0001>

<sc_bundles>
// kernel: kernel.3.cloned.1.call-start
scs
__scs_entry_jumppad:
0x0: {  	(pc) =	sbr.rel $0x88, $3  }
0x1: {  	(tag) =	ssettag $0x0;
	lr =	simm.s32 $0x1  }
0x2: {  	[smem:$0x3F9F] =	sst lr;
	_ =	strace $0xD0000000  }
0x3: {  	_ = 	snop  }
0x4: {  	_ = 	snop  }
0x5: {  	_ = 	snop  }
0x6: {  	_ = 	snop  }
0x7: {  	_ = 	snop  }
__scs_overlays_trampoline_lowered:
0x8: {  	[smem:$0x3FAE] =	sst s0  }
0x9: {  	[smem:$0x3FAF] =	sst s1  }
0xa: {  	[smem:$0x3FB0] =	sst s2  }
0xb: {  	[smem:$0x3FB1] =	sst s3  }
0xc: {  	[smem:$0x3FB2] =	sst s4  }
0xd: {  	[smem:$0x3FB3] =	sst s5  }
0xe: {  	[smem:$0x3FB4] =	sst s6  }
0xf: {  	[smem:$0x3FB5] =	sst s7  }
0x10: {  	[smem:$0x3FB6] =	sst s8  }
0x11: {  	[smem:$0x3FB7] =	sst s9;
	s0 =	simm.s32 @!p0 $0x0  }
0x12: {  	s1 =	sld [smem:$0x3F9D];
	s0 =	simm.s32 @p0 $0x1  }
0x13: {  	[smem:$0x3FB8] =	sst s0;
	s0 =	simm.s32 @!p1 $0x0  }
0x14: {  	s2 =	sld [smem:$0x3F9C];
	s0 =	simm.s32 @p1 $0x1  }
0x15: {  	[smem:$0x3FB9] =	sst s0;
	s0 =	simm.s32 @!p2 $0x0  }
0x16: {  	s3 =	sld [smem:$0x3FDB];
	s0 =	simm.s32 @p2 $0x1  }
0x17: {  	s4 =	simm.s32 $0x1BF5;
	[smem:$0x3FBB] =	sst s0  }
0x18: {  	s0 =	sld [smem:$0x3F9E];
	_ =	swait.ge [sflag:s4], $0x0  }
0x19: {  	s7 =	sld [smem:$0x3F9F]  }
0x1a: {  	s8 =	sadd.s32 $0xFFFFE003, lr  }
0x1b: {  	s9 =	sadd.s32 $0xFFFFFEF7, lr;
	s5 =	simm.s32 $0xFFFFFFFF;
	p2 =	slt.u32 s8, $0xFFFFF086  }
0x1c: {  	p1 =	slt.u32 s9, $0xF7A;
	s5 =	simm.s32 @!p2 $0x0  }
0x1d: {  	s5 =	simm.s32 @p1 $0x1;
	p0 =	seq.s32 s7, s2  }
0x1e: {  	s7 =	smul.u32 @!p0 $0xF7A, s2;
	p2 =	seq.s32 @!p0 s5, $0x0  }
0x1f: {  	s9 =	smul.u32 $0xF7A, s1;
	s8 =	simm.s32 @!p0 $0x1BF5;
	p2 =	por !p2, p0  }
0x20: {  	[sflag:s8] =	ssyncset.s32 @!p0 $0xFFFFF086;
	s6 =	sadd.s32 @!p0 s3, s7;
	s7 =	simm.s32 @!p0 $0x108  }
0x21: {  	s3 =	sadd.s32 s3, s9;
	s6 =	sadd.s32 @!p0 $0x88, s6;
	s7 =	simm.s32 @p2 $0x1082  }
0x22: {  	[simem:s7], [sflag:s8] =	dma.local @!p0 [hbm:s6], $0xF7A  }
0x23: {  	s9 =	sor.u32 $0xD0000000, s2;
	s6 =	simm.s32 $0x108;
	_ =	swait.ge @!p0 [sflag:s8], $0x0  }
0x24: {  	s3 =	sadd.s32 $0x88, s3;
	s6 =	simm.s32 @!p1 $0x1082;
	[sflag:s4] =	ssyncset.s32 $0xFFFFF086  }
0x25: {  	[simem:s6], [sflag:s4] =	dma.local [hbm:s3], $0xF7A  }
0x26: {  	[smem:$0x3F9F] =	sst s1;
	(tag) =	ssettag s2;
	_ =	strace s9  }
0x27: {  	s1 =	sld [smem:$0x3FAF]  }
0x28: {  	s2 =	sld [smem:$0x3FB0]  }
0x29: {  	s4 =	sld [smem:$0x3FB2]  }
0x2a: {  	p0 =	seq.s32 s5, $0x0;
	s5 =	sld [smem:$0x3FB3]  }
0x2b: {  	s6 =	sld [smem:$0x3FB4]  }
0x2c: {  	s7 =	sld [smem:$0x3FB5]  }
0x2d: {  	s3 =	simm.s32 $0x108;
	s8 =	sld [smem:$0x3FB6]  }
0x2e: {  	s3 =	simm.s32 @!p0 $0x1082;
	s9 =	sld [smem:$0x3FB7]  }
0x2f: {  	lr =	sadd.s32 s0, s3;
	s0 =	sld [smem:$0x3FAE]  }
0x30: {  	s3 =	sld [smem:$0x3FB1]  }
0x31: {  	[smem:$0x3FBA] =	sst s10  }
0x32: {  	s10 =	sld [smem:$0x3FB8];
	_ =	sdelay $0x3  }
0x33: {  	p0 =	seq.s32 s10, $0x1;
	s10 =	sld [smem:$0x3FBA];
	_ =	sdelay $0x3  }
0x34: {  	[smem:$0x3FBA] =	sst s10  }
0x35: {  	s10 =	sld [smem:$0x3FB9];
	_ =	sdelay $0x3  }
0x36: {  	p1 =	seq.s32 s10, $0x1;
	s10 =	sld [smem:$0x3FBA];
	_ =	sdelay $0x3  }
0x37: {  	[smem:$0x3FBA] =	sst s10  }
0x38: {  	s10 =	sld [smem:$0x3FBB]  }
0x39: {  	_ = 	snop;
	(pc) =	sbr.ind lr, $3  }
0x3a: {  	_ = 	snop  }
0x3b: {  	_ = 	snop  }
0x3c: {  	p2 =	seq.s32 s10, $0x1;
	s10 =	sld [smem:$0x3FBA]  }
0x3d: {  	_ =	shalt  }
0x3e: {  	_ =	shalt  }
0x3f: {  	_ =	shalt  }
0x40: {  	_ =	shalt  }
0x41: {  	_ =	shalt  }
0x42: {  	_ =	shalt  }
0x43: {  	_ =	shalt  }
0x44: {  	_ =	shalt  }
0x45: {  	_ =	shalt  }
0x46: {  	_ =	shalt  }
0x47: {  	_ =	shalt  }
0x48: {  	_ =	shalt  }
0x49: {  	_ =	shalt  }
0x4a: {  	_ =	shalt  }
0x4b: {  	_ =	shalt  }
0x4c: {  	_ =	shalt  }
0x4d: {  	_ =	shalt  }
0x4e: {  	_ =	shalt  }
0x4f: {  	_ =	shalt  }
0x50: {  	_ =	shalt  }
0x51: {  	_ =	shalt  }
0x52: {  	_ =	shalt  }
0x53: {  	_ =	shalt  }
0x54: {  	_ =	shalt  }
0x55: {  	_ =	shalt  }
0x56: {  	_ =	shalt  }
0x57: {  	_ =	shalt  }
0x58: {  	_ =	shalt  }
0x59: {  	_ =	shalt  }
0x5a: {  	_ =	shalt  }
0x5b: {  	_ =	shalt  }
0x5c: {  	_ =	shalt  }
0x5d: {  	_ =	shalt  }
0x5e: {  	_ =	shalt  }
0x5f: {  	_ =	shalt  }
0x60: {  	_ =	shalt  }
0x61: {  	_ =	shalt  }
0x62: {  	_ =	shalt  }
0x63: {  	_ =	shalt  }
0x64: {  	_ =	shalt  }
0x65: {  	_ =	shalt  }
0x66: {  	_ =	shalt  }
0x67: {  	_ =	shalt  }
0x68: {  	_ =	shalt  }
0x69: {  	_ =	shalt  }
0x6a: {  	_ =	shalt  }
0x6b: {  	_ =	shalt  }
0x6c: {  	_ =	shalt  }
0x6d: {  	_ =	shalt  }
0x6e: {  	_ =	shalt  }
0x6f: {  	_ =	shalt  }
0x70: {  	_ =	shalt  }
0x71: {  	_ =	shalt  }
0x72: {  	_ =	shalt  }
0x73: {  	_ =	shalt  }
0x74: {  	_ =	shalt  }
0x75: {  	_ =	shalt  }
0x76: {  	_ =	shalt  }
0x77: {  	_ =	shalt  }
0x78: {  	_ =	shalt  }
0x79: {  	_ =	shalt  }
0x7a: {  	_ =	shalt  }
0x7b: {  	_ =	shalt  }
0x7c: {  	_ =	shalt  }
0x7d: {  	_ =	shalt  }
0x7e: {  	_ =	shalt  }
0x7f: {  	_ =	shalt  }
0x80: {  	_ =	shalt  }
0x81: {  	_ =	shalt  }
0x82: {  	_ =	shalt  }
0x83: {  	_ =	shalt  }
0x84: {  	_ =	shalt  }
0x85: {  	_ =	shalt  }
0x86: {  	_ =	shalt  }
0x87: {  	_ =	shalt  }
.Lfunc_end0:
.L_simem_size_0:
called_computation_lowered:
.L_overlay_start_0:
0x88: {  	s2 =	sld [smem:$0x3FD9]  }
0x89: {  	s3 =	sld [smem:$0x3FFE];
	_ =	sdelay $0x1  }
0x8a: {  	s1 =	srdreg.scid  }
0x8b: {  	s0 =	sand.u32 $0x1, s1  }
0x8c: {  	s17 =	sshll.u32 s0, $0xA;
	s2 =	sadd.s32 s3, s2  }
0x8d: {  	s2 =	sadd.s32 s2, s17  }
0x8e: {  	[smem:$0x3FC6] =	sst s2  }
0x8f: {  	_ = 	snop  }
0x90: {  	s2 =	sld [smem:$0x3FC9]  }
0x91: {  	s18 =	sld [smem:$0x3FD0];
	(tm) =	ssettm $0x1  }
0x92: {  	s4 =	sld [smem:$0x3FFB];
	_ =	sdelay $0x3  }
0x93: {  	_ =	strace s4  }
0x94: {  	s4 =	sld [smem:$0x3FFC];
	_ =	sdelay $0x3  }
0x95: {  	_ =	strace s4  }
0x96: {  	s4 =	sld [smem:$0x3FFD];
	_ =	sdelay $0x3  }
0x97: {  	_ =	strace s4  }
0x98: {  	_ =	strace $0x8FFFFFFF  }
0x99: {  	s19 =	sld [smem:$0x3FDB];
	_ =	sdelay $0x1  }
0x9a: {  	s5 =	simm.s32 $_scs_section_size  }
0x9b: {  	s6 =	simm.s32 $_size__tile_overlayer_lowered;
	s7 =	simm.s32 $_tile_overlayer_lowered  }
0x9c: {  	s22 =	simm.s32 $0x1BFF;
	s21 =	sshll.u32 s7, $0x1;
	s4 =	sadd.s32 s5, s19  }
0x9d: {  	s8 =	simm.s32 $0x0;
	s20 =	sshll.u32 s6, $0x1;
	s6 =	sadd.s32 s21, s4  }
0x9e: {  	[timem:s8], [sflag:s22] =	dma.local [hbm:s6], s20  }
0x9f: {  	_ =	swait.ge [sflag:s22], s20  }
0xa0: {  	s5 =	ssub.s32 $0x0, s20;
	[sflag:s22] =	ssyncset.done $0x0  }
0xa1: {  	[sflag:s22] =	ssyncadd.s32 s5;
	_ =	sdelay $0x1  }
0xa2: {  	s23 =	simm.s32 $0x1B8B  }
0xa3: {  	_ =	swait.ge [sflag:s23], $0x1  }
0xa4: {  	[sflag:s23] =	ssyncset.done $0x0  }
0xa5: {  	s25 =	simm.s32 $0x1B8E;
	s24 =	sld [smem:$0x3FFE];
	[sflag:s23] =	ssyncadd.s32 $0xFFFFFFFF  }
0xa6: {  	s26 =	simm.s32 $execute0_lowered;
	[smem:$0x3FD2] =	sst s25  }
0xa7: {  	s6 =	sshll.u32 s26, $0x1;
	_ =	strace $0x80000046;
	[dreg:$0x1] =	wrdreg $0xFFFFFFFF  }
0xa8: {  	s28 =	simm.s32 $_size_execute0_lowered;
	s4 =	sadd.s32 s4, s6;
	[dreg:$0x0] =	wrdreg $0x0  }
0xa9: {  	s6 =	sshll.u32 s28, $0x1;
	[dreg:$0x2] =	wrdreg s4  }
0xaa: {  	[dreg:$0x3] =	wrdreg s6  }
0xab: {  	[dreg:$0x4] =	wrdreg $0xC0  }
0xac: {  	_ =	task [dreg:s8], $0x5FFFF  }
0xad: {  	[dreg:$0x1] =	wrdreg $0xFFFFFFFF  }
0xae: {  	[dreg:$0x0] =	wrdreg $0x60  }
0xaf: {  	[dreg:$0x2] =	wrdreg s2  }
0xb0: {  	[dreg:$0x3] =	wrdreg s24  }
0xb1: {  	[dreg:$0x4] =	wrdreg s18  }
0xb2: {  	[dreg:$0x5] =	wrdreg $0x9  }
0xb3: {  	_ =	task.clear_ibuf [dreg:s8], $0x6FFFF;
	_ =	strace $0x90000046  }
0xb4: {  	s29 =	simm.s32 $0x9;
	_ =	strace $0x80000048  }
0xb5: {  	_ =	swait.ge [sflag:s29], $0x1  }
0xb6: {  	[sflag:s29] =	ssyncadd.s32 $0xFFFFFFFF  }
0xb7: {  	_ =	strace $0x90000048  }
0xb8: {  	_ =	sfence  }
0xb9: {  	s30 =	sld [smem:$0x0];
	_ =	sdelay $0x2  }
0xba: {  	s31 =	sshll.u32 s1, $0xD;
	s1 =	sshrl.u32 s1, $0x2  }
0xbb: {  	s3 =	sand.u32 $0x4000, s31;
	s1 =	sadd.s32 s1, s30  }
0xbc: {  	s0 =	sor.u32 s3, s0;
	s1 =	sshll.u32 s1, $0x11  }
0xbd: {  	s0 =	sor.u32 s1, s0  }
0xbe: {  	s0 =	sadd.s32 $0x8F2B, s0  }
0xbf: {  	[sflag:s0] =	ssyncadd.remote.s32 $0x1  }
0xc0: {  	_ =	sfence.sel $0xFFFF  }
0xc1: {  	[dreg:$0x0] =	wrdreg $0xFFFFFFFF;
	(pc) =	sbr.abs _section_cstart, $3  }
0xc2: {  	[dreg:$0x1] =	wrdreg $0xFFFFFFFF  }
0xc3: {  	_ =	task.clear_ibuf [dreg:s8], $0x2FFFF;
	_ =	strace $0x9FFFFFFF  }
0xc4: {  	(tm) =	ssettm $0x7FFFFFFF  }
0xc5: {  	_ =	shalt  }
tec
execute0_lowered:
.L_overlay_start_1:
0x0: {  	(tag) =	ssettag $0x1  }
0x1: {  	s1 =	rddreg [dreg:$0x0]  }
0x2: {  	s0 =	rddreg [dreg:$0x1]  }
0x3: {  	s2 =	srdreg.scid;
	s4 =	stileid.u32  }
0x4: {  	s3 =	rddreg [dreg:$0x2];
	s12 =	simm.s32 $0xA;
	s14 =	simm.s32 $0x50  }
0x5: {  	s18 =	simm.s32 $0xA800;
	s20 =	simm.s32 $0x12000;
	s28 =	simm.s32 $0x17180  }
0x6: {  	s29 =	simm.s32 $0x17000;
	s30 =	simm.s32 $0x2;
	s31 =	simm.s32 $0x5  }
0x7: {  	s15 =	simm.s32 $0x7;
	s16 =	simm.s32 $0x8;
	s17 =	simm.s32 $0x3  }
0x8: {  	s19 =	simm.s32 $0x6;
	s21 =	simm.s32 $0x17100;
	s22 =	simm.s32 $0x0  }
0x9: {  	s2 =	sand.u32 $0x1, s2;
	s5 =	sshll.u32 s4, $0x1;
	s4 =	simm.s32 $0x0  }
0xa: {  	v0 =	vlaneseq.u32;
	s6 =	sor.u32 s2, s5;
	[smem:$0x7FF] =	sst s4;
	s2 =	ssub.s32 $0x2, s2  }
0xb: {  	v0 =	vmul.u32 $0x80, v0;
	s5 =	smul.u32 $0x2710, s6;
	s7 =	sshrl.u32 s2, $0x1;
	s6 =	sshll.u32 s6, $0xB  }
0xc: {  	_ =	strace $0x80000047;
	s2 =	ssub.s32 s2, s7;
	s6 =	sadd.s32 s0, s6  }
.Ltmp0:
0xd: {  	v1 =	vor.u32 $0x1, v0;
	v2 =	vor.u32 $0x2, v0;
	v3 =	vor.u32 $0x3, v0;
	s24 =	sshrl.u32 s5, $0x3;
	s25 =	sadd.s32 $0x10000, s6;
	(pc) =	sbr.rel .LBB2_1-.Ltmp0, $4  }
0xe: {  	v4 =	vor.u32 $0x4, v0;
	v5 =	vor.u32 $0x5, v0;
	v6 =	vor.u32 $0x6, v0;
	s8 =	sadd.s32 $0x50, s5;
	s9 =	sadd.s32 $0xA0, s5;
	s26 =	smax.u32 s2, $0x1  }
0xf: {  	v7 =	vor.u32 $0x7, v0;
	v8 =	vor.u32 $0x8, v0;
	v9 =	vor.u32 $0x9, v0;
	s2 =	simm.s32 $0x17080;
	[dreg:$0x4] =	wrdreg s25;
	s0 =	sadd.s32 s3, s24  }
0x10: {  	v10 =	vor.u32 $0xA, v0;
	v11 =	vor.u32 $0xB, v0;
	v12 =	vor.u32 $0xC, v0;
	[dreg:$0x6] =	wrdreg s26;
	s25 =	simm.s32 $0x1;
	s0 =	sadd.s32 $0x4D8, s0  }
0x11: {  	v13 =	vor.u32 $0xD, v0;
	v14 =	vor.u32 $0xE, v0;
	v15 =	vor.u32 $0xF, v0;
	s26 =	simm.s32 $0x4;
	[dreg:$0x5] =	wrdreg s0;
	s0 =	simm.s32 $0x9  }
.LBB2_12:
0x12: {  	s7 =	rddreg [dreg:$0x5]  }
0x13: {  	[hbm4b:s7+s4] =	stream.linear.scatter [tilespmem:s2], [sflag:$0x8], $0x50, $0x38;
	[tilespmem:$0x17980] =	vst v63  }
.LBB2_10:
0x14: {  	_ =	swait.ge [sflag:s0], $0x50  }
0x15: {  	[sflag:s0] =	ssyncset.done $0x0  }
0x16: {  	[sflag:s0] =	ssyncadd.s32 $0xFFFFFFB0  }
0x17: {  	_ =	swait.ge [sflag:s15], $0x50  }
0x18: {  	[sflag:s15] =	ssyncset.done $0x0  }
0x19: {  	[sflag:s15] =	ssyncadd.s32 $0xFFFFFFB0  }
0x1a: {  	_ =	swait.ge [sflag:s16], $0x50  }
0x1b: {  	s22 =	sadd.s32 $0x1, s22;
	s7 =	rddreg [dreg:$0x6]  }
0x1c: {  	p0 =	sne.s32 s22, s7  }
.Ltmp1:
0x1d: {  	_ = 	snop;
	(pc) =	sbr.rel @!p0 .LBB2_11-.Ltmp1, $3  }
0x1e: {  	_ =	sdelay $0x1  }
0x1f: {  	[sflag:s16] =	ssyncset.done $0x0  }
0x20: {  	[sflag:s16] =	ssyncadd.s32 $0xFFFFFFB0  }
.LBB2_1:
0x21: {  	s7 =	rddreg [dreg:$0x4]  }
0x22: {  	[tilespmem:s4], [sflag:$0xA] =	stream.linear.gather [hbm4b:s7+s4], $0x3E80, $0x38;
	[tilespmem:$0x17980] =	vst v63  }
0x23: {  	_ =	swait.ge [sflag:s12], $0x3E80  }
0x24: {  	[sflag:s12] =	ssyncset.done $0x0  }
0x25: {  	s13 =	simm.s32 $0x4000;
	[sflag:s12] =	ssyncadd.s32 $0xFFFFC180  }
0x26: {  	[tilespmem:s13], [sflag:$0xA] =	stream.linear.gather [hbm4b:s6+s4], $0x3E80, $0x38;
	[tilespmem:$0x17980] =	vst v63  }
0x27: {  	_ =	swait.ge [sflag:s12], $0x3E80  }
0x28: {  	[sflag:s12] =	ssyncset.done $0x0  }
0x29: {  	s10 =	simm.s32 $0x8000;
	[sflag:s12] =	ssyncadd.s32 $0xFFFFC180  }
0x2a: {  	[tilespmem:s10], [sflag:$0x1] =	stream.indirect.gather [hbm4b:s1+s14], $0x80, s4, s14, $0xb8;
	[tilespmem:$0x17980] =	vst v63  }
0x2b: {  	s23 =	simm.s32 $0xF800  }
0x2c: {  	[tilespmem:s23], [sflag:$0x4] =	stream.indirect.gather [hbm4b:s1+s14], $0x80, s13, s14, $0xb8;
	[tilespmem:$0x17980] =	vst v63  }
0x2d: {  	s24 =	simm.s32 $0x80  }
0x2e: {  	[tilespmem:s18], [sflag:$0x2] =	stream.indirect.gather [hbm4b:s1+s14], $0x80, s24, s14, $0xb8;
	[tilespmem:$0x17980] =	vst v63  }
0x2f: {  	s10 =	simm.s32 $0x4080  }
0x30: {  	[tilespmem:s20], [sflag:$0x5] =	stream.indirect.gather [hbm4b:s1+s14], $0x80, s10, s14, $0xb8;
	[tilespmem:$0x17980] =	vst v63  }
0x31: {  	s11 =	simm.s32 $0x100;
	s13 =	simm.s32 $0xD000  }
0x32: {  	[tilespmem:s13], [sflag:$0x3] =	stream.indirect.gather [hbm4b:s1+s14], $0x80, s11, s14, $0xb8;
	[tilespmem:$0x17980] =	vst v63  }
0x33: {  	s23 =	simm.s32 $0x4100;
	s24 =	simm.s32 $0x14800  }
0x34: {  	[tilespmem:s24], [sflag:$0x6] =	stream.indirect.gather [hbm4b:s1+s14], $0x80, s23, s14, $0xb8;
	[tilespmem:$0x17980] =	vst v63  }
0x35: {  	s23 =	simm.s32 $0x0  }
.LBB2_2:
0x36: {  	_ =	swait.ge [sflag:s25], $0x2800  }
0x37: {  	[sflag:s25] =	ssyncset.done $0x0  }
0x38: {  	[sflag:s25] =	ssyncadd.s32 $0xFFFFD800  }
0x39: {  	_ =	swait.ge [sflag:s26], $0x2800  }
0x3a: {  	p0 =	seq.s32 s23, $0x0;
	[sflag:s26] =	ssyncset.done $0x0  }
0x3b: {  	s7 =	simm.s32 @!p0 $0x7;
	[sflag:s26] =	ssyncadd.s32 $0xFFFFD800  }
0x3c: {  	_ =	swait.ge @!p0 [sflag:s7], $0x50  }
0x3d: {  	[sflag:s7] =	ssyncset.done @!p0 $0x0  }
0x3e: {  	s10 =	simm.s32 $0x0;
	[sflag:s7] =	ssyncadd.s32 @!p0 $0xFFFFFFB0  }
.LBB2_3:
0x3f: {  	s13 =	sshll.u32 s10, $0xB  }
0x40: {  	v16 =	vld [tilespmem:s13+$0x8000]  }
0x41: {  	v17 =	vld [tilespmem:s13+$0xF800]  }
0x42: {  	v18 =	vld [tilespmem:s13+$0x8080]  }
0x43: {  	v19 =	vld [tilespmem:s13+$0xF880]  }
0x44: {  	v20 =	vld [tilespmem:s13+$0x8100]  }
0x45: {  	v21 =	vld [tilespmem:s13+$0xF900]  }
0x46: {  	v22 =	vld [tilespmem:s13+$0x8180]  }
0x47: {  	v23 =	vld [tilespmem:s13+$0xF980]  }
0x48: {  	v24 =	vld [tilespmem:s13+$0x8010]  }
0x49: {  	v25 =	vld [tilespmem:s13+$0xF810]  }
0x4a: {  	v26 =	vld [tilespmem:s13+$0x8090]  }
0x4b: {  	v27 =	vld [tilespmem:s13+$0xF890]  }
0x4c: {  	v28 =	vld [tilespmem:s13+$0x8110]  }
0x4d: {  	v29 =	vld [tilespmem:s13+$0xF910]  }
0x4e: {  	v30 =	vld [tilespmem:s13+$0x8190]  }
0x4f: {  	v31 =	vld [tilespmem:s13+$0xF990]  }
0x50: {  	v32 =	vld [tilespmem:s13+$0x8020]  }
0x51: {  	v33 =	vld [tilespmem:s13+$0xF820]  }
0x52: {  	v34 =	vld [tilespmem:s13+$0x80A0]  }
0x53: {  	v35 =	vld [tilespmem:s13+$0xF8A0]  }
0x54: {  	v36 =	vld [tilespmem:s13+$0x8120]  }
0x55: {  	v37 =	vld [tilespmem:s13+$0xF920]  }
0x56: {  	v38 =	vld [tilespmem:s13+$0x81A0]  }
0x57: {  	v39 =	vld [tilespmem:s13+$0xF9A0]  }
0x58: {  	v40 =	vld [tilespmem:s13+$0x8030]  }
0x59: {  	v41 =	vld [tilespmem:s13+$0xF830]  }
0x5a: {  	v42 =	vld [tilespmem:s13+$0x80B0]  }
0x5b: {  	v43 =	vld [tilespmem:s13+$0xF8B0]  }
0x5c: {  	v44 =	vld [tilespmem:s13+$0x8130]  }
0x5d: {  	v45 =	vld [tilespmem:s13+$0xF930]  }
0x5e: {  	v46 =	vld [tilespmem:s13+$0x81B0]  }
0x5f: {  	v47 =	vld [tilespmem:s13+$0xF9B0]  }
0x60: {  	v48 =	vld [tilespmem:s13+$0x8040]  }
0x61: {  	v49 =	vld [tilespmem:s13+$0xF840]  }
0x62: {  	v50 =	vld [tilespmem:s13+$0x80C0]  }
0x63: {  	v51 =	vld [tilespmem:s13+$0xF8C0]  }
0x64: {  	v52 =	vld [tilespmem:s13+$0x8140]  }
0x65: {  	v53 =	vld [tilespmem:s13+$0xF940]  }
0x66: {  	v54 =	vld [tilespmem:s13+$0x81C0]  }
0x67: {  	v55 =	vld [tilespmem:s13+$0xF9C0]  }
0x68: {  	v56 =	vld [tilespmem:s13+$0x8050]  }
0x69: {  	v57 =	vld [tilespmem:s13+$0xF850]  }
0x6a: {  	v58 =	vld [tilespmem:s13+$0x80D0]  }
0x6b: {  	v59 =	vld [tilespmem:s13+$0xF8D0]  }
0x6c: {  	v60 =	vld [tilespmem:s13+$0x8150]  }
0x6d: {  	v61 =	vld [tilespmem:s13+$0xF950]  }
0x6e: {  	v62 =	vld [tilespmem:s13+$0x81D0]  }
0x6f: {  	v63 =	vld [tilespmem:s13+$0xF9D0];
	v16 =	vmul.f32 v17, v16;
	v18 =	vmul.f32 v19, v18  }
0x70: {  	v17 =	vld [tilespmem:s13+$0x8060];
	v19 =	vmul.f32 v21, v20;
	v21 =	vmul.f32 v25, v24  }
0x71: {  	v20 =	vld [tilespmem:s13+$0xF860];
	v24 =	vmul.f32 v27, v26;
	v22 =	vmul.f32 v23, v22  }
0x72: {  	v25 =	vld [tilespmem:s13+$0x80E0];
	v29 =	vmul.f32 v29, v28;
	v33 =	vmul.f32 v33, v32  }
0x73: {  	v26 =	vld [tilespmem:s13+$0xF8E0];
	v35 =	vmul.f32 v35, v34;
	v37 =	vmul.f32 v37, v36  }
0x74: {  	v28 =	vld [tilespmem:s13+$0xF960];
	v38 =	vmul.f32 v39, v38;
	v39 =	vmul.f32 v41, v40  }
0x75: {  	v40 =	vld [tilespmem:s13+$0xF9E0];
	v41 =	vmul.f32 v43, v42;
	v43 =	vmul.f32 v45, v44  }
0x76: {  	v42 =	vld [tilespmem:s13+$0x8070];
	v44 =	vmul.f32 v47, v46;
	v46 =	vmul.f32 v49, v48  }
0x77: {  	v45 =	vld [tilespmem:s13+$0xF870];
	v47 =	vmul.f32 v51, v50;
	v49 =	vmul.f32 v53, v52;
	v16 =	vadd.f32 v21, v16  }
0x78: {  	v48 =	vld [tilespmem:s13+$0x80F0];
	v51 =	vmul.f32 v55, v54;
	v18 =	vadd.f32 v24, v18;
	v21 =	vmul.f32 v31, v30  }
0x79: {  	v50 =	vld [tilespmem:s13+$0xF8F0];
	v53 =	vmul.f32 v57, v56;
	v19 =	vadd.f32 v29, v19;
	v16 =	vadd.f32 v33, v16  }
0x7a: {  	v52 =	vld [tilespmem:s13+$0x8170];
	v54 =	vmul.f32 v59, v58;
	v21 =	vadd.f32 v21, v22;
	v18 =	vadd.f32 v35, v18  }
0x7b: {  	v55 =	vld [tilespmem:s13+$0xF970];
	v56 =	vmul.f32 v61, v60;
	v19 =	vadd.f32 v37, v19;
	v16 =	vadd.f32 v39, v16  }
0x7c: {  	v57 =	vmul.f32 v63, v62;
	v24 =	vld [tilespmem:s13+$0x8160];
	v21 =	vadd.f32 v38, v21;
	v18 =	vadd.f32 v41, v18  }
0x7d: {  	v30 =	vld [tilespmem:s13+$0x81E0];
	v17 =	vmul.f32 v20, v17;
	v19 =	vadd.f32 v43, v19;
	v16 =	vadd.f32 v46, v16  }
0x7e: {  	v58 =	vld [tilespmem:s13+$0x81F0];
	v60 =	vmul.f32 v26, v25;
	v21 =	vadd.f32 v44, v21;
	v18 =	vadd.f32 v47, v18  }
0x7f: {  	v59 =	vld [tilespmem:s13+$0xF9F0];
	v61 =	vmul.f32 v45, v42;
	v19 =	vadd.f32 v49, v19;
	v16 =	vadd.f32 v53, v16  }
0x80: {  	v63 =	vmul.f32 v50, v48;
	v21 =	vadd.f32 v51, v21;
	v18 =	vadd.f32 v54, v18  }
0x81: {  	v19 =	vadd.f32 v56, v19;
	v16 =	vadd.f32 v17, v16;
	v17 =	vmul.f32 v28, v24  }
0x82: {  	v62 =	vmul.f32 v40, v30;
	v21 =	vadd.f32 v57, v21;
	v18 =	vadd.f32 v60, v18  }
0x83: {  	v28 =	vmul.f32 v55, v52;
	v17 =	vadd.f32 v17, v19;
	v16 =	vadd.f32 v61, v16  }
0x84: {  	v20 =	vmul.f32 v59, v58;
	v21 =	vadd.f32 v62, v21;
	v18 =	vadd.f32 v63, v18  }
0x85: {  	v17 =	vadd.f32 v28, v17;
	[tilespmem:$0x17180] =	vst v16  }
0x86: {  	v16 =	vadd.f32 v20, v21;
	[tilespmem:$0x17200] =	vst v18  }
0x87: {  	[tilespmem:$0x17280] =	vst v17  }
0x88: {  	[tilespmem:$0x17300] =	vst v16  }
0x89: {  	v16 =	vld [tilespmem:s13+$0x8200]  }
0x8a: {  	v17 =	vld [tilespmem:s13+$0xFA00]  }
0x8b: {  	v18 =	vld [tilespmem:s13+$0x8280]  }
0x8c: {  	v19 =	vld [tilespmem:s13+$0xFA80]  }
0x8d: {  	v20 =	vld [tilespmem:s13+$0x8300]  }
0x8e: {  	v21 =	vld [tilespmem:s13+$0xFB00]  }
0x8f: {  	v22 =	vld [tilespmem:s13+$0x8380]  }
0x90: {  	v23 =	vld [tilespmem:s13+$0xFB80]  }
0x91: {  	v24 =	vld [tilespmem:s13+$0x8210]  }
0x92: {  	v25 =	vld [tilespmem:s13+$0xFA10]  }
0x93: {  	v26 =	vld [tilespmem:s13+$0x8290]  }
0x94: {  	v27 =	vld [tilespmem:s13+$0xFA90]  }
0x95: {  	v28 =	vld [tilespmem:s13+$0x8310]  }
0x96: {  	v29 =	vld [tilespmem:s13+$0xFB10]  }
0x97: {  	v30 =	vld [tilespmem:s13+$0x8390]  }
0x98: {  	v31 =	vld [tilespmem:s13+$0xFB90]  }
0x99: {  	v32 =	vld [tilespmem:s13+$0x8220]  }
0x9a: {  	v33 =	vld [tilespmem:s13+$0xFA20]  }
0x9b: {  	v34 =	vld [tilespmem:s13+$0x82A0]  }
0x9c: {  	v35 =	vld [tilespmem:s13+$0xFAA0]  }
0x9d: {  	v36 =	vld [tilespmem:s13+$0x8320]  }
0x9e: {  	v37 =	vld [tilespmem:s13+$0xFB20]  }
0x9f: {  	v38 =	vld [tilespmem:s13+$0x83A0]  }
0xa0: {  	v39 =	vld [tilespmem:s13+$0xFBA0]  }
0xa1: {  	v40 =	vld [tilespmem:s13+$0x8230]  }
0xa2: {  	v41 =	vld [tilespmem:s13+$0xFA30]  }
0xa3: {  	v42 =	vld [tilespmem:s13+$0x82B0]  }
0xa4: {  	v43 =	vld [tilespmem:s13+$0xFAB0]  }
0xa5: {  	v44 =	vld [tilespmem:s13+$0x8330]  }
0xa6: {  	v45 =	vld [tilespmem:s13+$0xFB30]  }
0xa7: {  	v46 =	vld [tilespmem:s13+$0x83B0]  }
0xa8: {  	v47 =	vld [tilespmem:s13+$0xFBB0]  }
0xa9: {  	v48 =	vld [tilespmem:s13+$0x8240]  }
0xaa: {  	v49 =	vld [tilespmem:s13+$0xFA40]  }
0xab: {  	v50 =	vld [tilespmem:s13+$0x82C0]  }
0xac: {  	v51 =	vld [tilespmem:s13+$0xFAC0]  }
0xad: {  	v52 =	vld [tilespmem:s13+$0x8340]  }
0xae: {  	v53 =	vld [tilespmem:s13+$0xFB40]  }
0xaf: {  	v54 =	vld [tilespmem:s13+$0x83C0]  }
0xb0: {  	v55 =	vld [tilespmem:s13+$0xFBC0]  }
0xb1: {  	v56 =	vld [tilespmem:s13+$0x8250]  }
0xb2: {  	v57 =	vld [tilespmem:s13+$0xFA50]  }
0xb3: {  	v58 =	vld [tilespmem:s13+$0x82D0]  }
0xb4: {  	v59 =	vld [tilespmem:s13+$0xFAD0]  }
0xb5: {  	v60 =	vld [tilespmem:s13+$0x8350]  }
0xb6: {  	v61 =	vld [tilespmem:s13+$0xFB50]  }
0xb7: {  	v62 =	vld [tilespmem:s13+$0x83D0]  }
0xb8: {  	v63 =	vld [tilespmem:s13+$0xFBD0];
	v16 =	vmul.f32 v17, v16;
	v18 =	vmul.f32 v19, v18  }
0xb9: {  	v17 =	vld [tilespmem:s13+$0x8260];
	v19 =	vmul.f32 v21, v20;
	v21 =	vmul.f32 v25, v24  }
0xba: {  	v20 =	vld [tilespmem:s13+$0xFA60];
	v24 =	vmul.f32 v27, v26;
	v22 =	vmul.f32 v23, v22  }
0xbb: {  	v25 =	vld [tilespmem:s13+$0x82E0];
	v29 =	vmul.f32 v29, v28;
	v33 =	vmul.f32 v33, v32  }
0xbc: {  	v26 =	vld [tilespmem:s13+$0xFAE0];
	v35 =	vmul.f32 v35, v34;
	v37 =	vmul.f32 v37, v36  }
0xbd: {  	v28 =	vld [tilespmem:s13+$0xFB60];
	v38 =	vmul.f32 v39, v38;
	v39 =	vmul.f32 v41, v40  }
0xbe: {  	v40 =	vld [tilespmem:s13+$0xFBE0];
	v41 =	vmul.f32 v43, v42;
	v43 =	vmul.f32 v45, v44  }
0xbf: {  	v42 =	vld [tilespmem:s13+$0x8270];
	v44 =	vmul.f32 v47, v46;
	v46 =	vmul.f32 v49, v48  }
0xc0: {  	v45 =	vld [tilespmem:s13+$0xFA70];
	v47 =	vmul.f32 v51, v50;
	v49 =	vmul.f32 v53, v52;
	v16 =	vadd.f32 v21, v16  }
0xc1: {  	v48 =	vld [tilespmem:s13+$0x82F0];
	v51 =	vmul.f32 v55, v54;
	v18 =	vadd.f32 v24, v18;
	v21 =	vmul.f32 v31, v30  }
0xc2: {  	v50 =	vld [tilespmem:s13+$0xFAF0];
	v53 =	vmul.f32 v57, v56;
	v19 =	vadd.f32 v29, v19;
	v16 =	vadd.f32 v33, v16  }
0xc3: {  	v52 =	vld [tilespmem:s13+$0x8370];
	v54 =	vmul.f32 v59, v58;
	v21 =	vadd.f32 v21, v22;
	v18 =	vadd.f32 v35, v18  }
0xc4: {  	v55 =	vld [tilespmem:s13+$0xFB70];
	v56 =	vmul.f32 v61, v60;
	v19 =	vadd.f32 v37, v19;
	v16 =	vadd.f32 v39, v16  }
0xc5: {  	v57 =	vmul.f32 v63, v62;
	v24 =	vld [tilespmem:s13+$0x8360];
	v21 =	vadd.f32 v38, v21;
	v18 =	vadd.f32 v41, v18  }
0xc6: {  	v30 =	vld [tilespmem:s13+$0x83E0];
	v17 =	vmul.f32 v20, v17;
	v19 =	vadd.f32 v43, v19;
	v16 =	vadd.f32 v46, v16  }
0xc7: {  	v58 =	vld [tilespmem:s13+$0x83F0];
	v60 =	vmul.f32 v26, v25;
	v21 =	vadd.f32 v44, v21;
	v18 =	vadd.f32 v47, v18  }
0xc8: {  	v59 =	vld [tilespmem:s13+$0xFBF0];
	v61 =	vmul.f32 v45, v42;
	v19 =	vadd.f32 v49, v19;
	v16 =	vadd.f32 v53, v16  }
0xc9: {  	v63 =	vmul.f32 v50, v48;
	v21 =	vadd.f32 v51, v21;
	v18 =	vadd.f32 v54, v18  }
0xca: {  	v19 =	vadd.f32 v56, v19;
	v16 =	vadd.f32 v17, v16;
	v17 =	vmul.f32 v28, v24  }
0xcb: {  	v62 =	vmul.f32 v40, v30;
	v21 =	vadd.f32 v57, v21;
	v18 =	vadd.f32 v60, v18  }
0xcc: {  	v28 =	vmul.f32 v55, v52;
	v17 =	vadd.f32 v17, v19;
	v16 =	vadd.f32 v61, v16  }
0xcd: {  	v20 =	vmul.f32 v59, v58;
	v21 =	vadd.f32 v62, v21;
	v18 =	vadd.f32 v63, v18  }
0xce: {  	v17 =	vadd.f32 v28, v17;
	[tilespmem:$0x17380] =	vst v16  }
0xcf: {  	v16 =	vadd.f32 v20, v21;
	[tilespmem:$0x17400] =	vst v18  }
0xd0: {  	[tilespmem:$0x17480] =	vst v17  }
0xd1: {  	[tilespmem:$0x17500] =	vst v16  }
0xd2: {  	v16 =	vld [tilespmem:s13+$0x8400]  }
0xd3: {  	v17 =	vld [tilespmem:s13+$0xFC00]  }
0xd4: {  	v18 =	vld [tilespmem:s13+$0x8480]  }
0xd5: {  	v19 =	vld [tilespmem:s13+$0xFC80]  }
0xd6: {  	v20 =	vld [tilespmem:s13+$0x8500]  }
0xd7: {  	v21 =	vld [tilespmem:s13+$0xFD00]  }
0xd8: {  	v22 =	vld [tilespmem:s13+$0x8580]  }
0xd9: {  	v23 =	vld [tilespmem:s13+$0xFD80]  }
0xda: {  	v24 =	vld [tilespmem:s13+$0x8410]  }
0xdb: {  	v25 =	vld [tilespmem:s13+$0xFC10]  }
0xdc: {  	v26 =	vld [tilespmem:s13+$0x8490]  }
0xdd: {  	v27 =	vld [tilespmem:s13+$0xFC90]  }
0xde: {  	v28 =	vld [tilespmem:s13+$0x8510]  }
0xdf: {  	v29 =	vld [tilespmem:s13+$0xFD10]  }
0xe0: {  	v30 =	vld [tilespmem:s13+$0x8590]  }
0xe1: {  	v31 =	vld [tilespmem:s13+$0xFD90]  }
0xe2: {  	v32 =	vld [tilespmem:s13+$0x8420]  }
0xe3: {  	v33 =	vld [tilespmem:s13+$0xFC20]  }
0xe4: {  	v34 =	vld [tilespmem:s13+$0x84A0]  }
0xe5: {  	v35 =	vld [tilespmem:s13+$0xFCA0]  }
0xe6: {  	v36 =	vld [tilespmem:s13+$0x8520]  }
0xe7: {  	v37 =	vld [tilespmem:s13+$0xFD20]  }
0xe8: {  	v38 =	vld [tilespmem:s13+$0x85A0]  }
0xe9: {  	v39 =	vld [tilespmem:s13+$0xFDA0]  }
0xea: {  	v40 =	vld [tilespmem:s13+$0x8430]  }
0xeb: {  	v41 =	vld [tilespmem:s13+$0xFC30]  }
0xec: {  	v42 =	vld [tilespmem:s13+$0x84B0]  }
0xed: {  	v43 =	vld [tilespmem:s13+$0xFCB0]  }
0xee: {  	v44 =	vld [tilespmem:s13+$0x8530]  }
0xef: {  	v45 =	vld [tilespmem:s13+$0xFD30]  }
0xf0: {  	v46 =	vld [tilespmem:s13+$0x85B0]  }
0xf1: {  	v47 =	vld [tilespmem:s13+$0xFDB0]  }
0xf2: {  	v48 =	vld [tilespmem:s13+$0x8440]  }
0xf3: {  	v49 =	vld [tilespmem:s13+$0xFC40]  }
0xf4: {  	v50 =	vld [tilespmem:s13+$0x84C0]  }
0xf5: {  	v51 =	vld [tilespmem:s13+$0xFCC0]  }
0xf6: {  	v52 =	vld [tilespmem:s13+$0x8540]  }
0xf7: {  	v53 =	vld [tilespmem:s13+$0xFD40]  }
0xf8: {  	v54 =	vld [tilespmem:s13+$0x85C0]  }
0xf9: {  	v55 =	vld [tilespmem:s13+$0xFDC0]  }
0xfa: {  	v56 =	vld [tilespmem:s13+$0x8450]  }
0xfb: {  	v57 =	vld [tilespmem:s13+$0xFC50]  }
0xfc: {  	v58 =	vld [tilespmem:s13+$0x84D0]  }
0xfd: {  	v59 =	vld [tilespmem:s13+$0xFCD0]  }
0xfe: {  	v60 =	vld [tilespmem:s13+$0x8550]  }
0xff: {  	v61 =	vld [tilespmem:s13+$0xFD50]  }
0x100: {  	v62 =	vld [tilespmem:s13+$0x85D0]  }
0x101: {  	v63 =	vld [tilespmem:s13+$0xFDD0];
	v16 =	vmul.f32 v17, v16;
	v18 =	vmul.f32 v19, v18  }
0x102: {  	v17 =	vld [tilespmem:s13+$0x8460];
	v19 =	vmul.f32 v21, v20;
	v21 =	vmul.f32 v25, v24  }
0x103: {  	v20 =	vld [tilespmem:s13+$0xFC60];
	v24 =	vmul.f32 v27, v26;
	v22 =	vmul.f32 v23, v22  }
0x104: {  	v25 =	vld [tilespmem:s13+$0x84E0];
	v29 =	vmul.f32 v29, v28;
	v33 =	vmul.f32 v33, v32  }
0x105: {  	v26 =	vld [tilespmem:s13+$0xFCE0];
	v35 =	vmul.f32 v35, v34;
	v37 =	vmul.f32 v37, v36  }
0x106: {  	v28 =	vld [tilespmem:s13+$0xFD60];
	v38 =	vmul.f32 v39, v38;
	v39 =	vmul.f32 v41, v40  }
0x107: {  	v40 =	vld [tilespmem:s13+$0xFDE0];
	v41 =	vmul.f32 v43, v42;
	v43 =	vmul.f32 v45, v44  }
0x108: {  	v42 =	vld [tilespmem:s13+$0x8470];
	v44 =	vmul.f32 v47, v46;
	v46 =	vmul.f32 v49, v48  }
0x109: {  	v45 =	vld [tilespmem:s13+$0xFC70];
	v47 =	vmul.f32 v51, v50;
	v49 =	vmul.f32 v53, v52;
	v16 =	vadd.f32 v21, v16  }
0x10a: {  	v48 =	vld [tilespmem:s13+$0x84F0];
	v51 =	vmul.f32 v55, v54;
	v18 =	vadd.f32 v24, v18;
	v21 =	vmul.f32 v31, v30  }
0x10b: {  	v50 =	vld [tilespmem:s13+$0xFCF0];
	v53 =	vmul.f32 v57, v56;
	v19 =	vadd.f32 v29, v19;
	v16 =	vadd.f32 v33, v16  }
0x10c: {  	v52 =	vld [tilespmem:s13+$0x8570];
	v54 =	vmul.f32 v59, v58;
	v21 =	vadd.f32 v21, v22;
	v18 =	vadd.f32 v35, v18  }
0x10d: {  	v55 =	vld [tilespmem:s13+$0xFD70];
	v56 =	vmul.f32 v61, v60;
	v19 =	vadd.f32 v37, v19;
	v16 =	vadd.f32 v39, v16  }
0x10e: {  	v57 =	vmul.f32 v63, v62;
	v24 =	vld [tilespmem:s13+$0x8560];
	v21 =	vadd.f32 v38, v21;
	v18 =	vadd.f32 v41, v18  }
0x10f: {  	v30 =	vld [tilespmem:s13+$0x85E0];
	v17 =	vmul.f32 v20, v17;
	v19 =	vadd.f32 v43, v19;
	v16 =	vadd.f32 v46, v16  }
0x110: {  	v58 =	vld [tilespmem:s13+$0x85F0];
	v60 =	vmul.f32 v26, v25;
	v21 =	vadd.f32 v44, v21;
	v18 =	vadd.f32 v47, v18  }
0x111: {  	v59 =	vld [tilespmem:s13+$0xFDF0];
	v61 =	vmul.f32 v45, v42;
	v19 =	vadd.f32 v49, v19;
	v16 =	vadd.f32 v53, v16  }
0x112: {  	v63 =	vmul.f32 v50, v48;
	v21 =	vadd.f32 v51, v21;
	v18 =	vadd.f32 v54, v18  }
0x113: {  	v19 =	vadd.f32 v56, v19;
	v16 =	vadd.f32 v17, v16;
	v17 =	vmul.f32 v28, v24  }
0x114: {  	v62 =	vmul.f32 v40, v30;
	v21 =	vadd.f32 v57, v21;
	v18 =	vadd.f32 v60, v18  }
0x115: {  	v28 =	vmul.f32 v55, v52;
	v17 =	vadd.f32 v17, v19;
	v16 =	vadd.f32 v61, v16  }
0x116: {  	v20 =	vmul.f32 v59, v58;
	v21 =	vadd.f32 v62, v21;
	v18 =	vadd.f32 v63, v18  }
0x117: {  	v17 =	vadd.f32 v28, v17;
	[tilespmem:$0x17580] =	vst v16  }
0x118: {  	v16 =	vadd.f32 v20, v21;
	[tilespmem:$0x17600] =	vst v18  }
0x119: {  	[tilespmem:$0x17680] =	vst v17  }
0x11a: {  	[tilespmem:$0x17700] =	vst v16  }
0x11b: {  	v16 =	vld [tilespmem:s13+$0x8600]  }
0x11c: {  	v17 =	vld [tilespmem:s13+$0xFE00]  }
0x11d: {  	v18 =	vld [tilespmem:s13+$0x8680]  }
0x11e: {  	v19 =	vld [tilespmem:s13+$0xFE80]  }
0x11f: {  	v20 =	vld [tilespmem:s13+$0x8700]  }
0x120: {  	v21 =	vld [tilespmem:s13+$0xFF00]  }
0x121: {  	v22 =	vld [tilespmem:s13+$0x8780]  }
0x122: {  	v23 =	vld [tilespmem:s13+$0xFF80]  }
0x123: {  	v24 =	vld [tilespmem:s13+$0x8610]  }
0x124: {  	v25 =	vld [tilespmem:s13+$0xFE10]  }
0x125: {  	v26 =	vld [tilespmem:s13+$0x8690]  }
0x126: {  	v27 =	vld [tilespmem:s13+$0xFE90]  }
0x127: {  	v28 =	vld [tilespmem:s13+$0x8710]  }
0x128: {  	v29 =	vld [tilespmem:s13+$0xFF10]  }
0x129: {  	v30 =	vld [tilespmem:s13+$0x8790]  }
0x12a: {  	v31 =	vld [tilespmem:s13+$0xFF90]  }
0x12b: {  	v32 =	vld [tilespmem:s13+$0x8620]  }
0x12c: {  	v33 =	vld [tilespmem:s13+$0xFE20]  }
0x12d: {  	v34 =	vld [tilespmem:s13+$0x86A0]  }
0x12e: {  	v35 =	vld [tilespmem:s13+$0xFEA0]  }
0x12f: {  	v36 =	vld [tilespmem:s13+$0x8720]  }
0x130: {  	v37 =	vld [tilespmem:s13+$0xFF20]  }
0x131: {  	v38 =	vld [tilespmem:s13+$0x87A0]  }
0x132: {  	v39 =	vld [tilespmem:s13+$0xFFA0]  }
0x133: {  	v40 =	vld [tilespmem:s13+$0x8630]  }
0x134: {  	v41 =	vld [tilespmem:s13+$0xFE30]  }
0x135: {  	v42 =	vld [tilespmem:s13+$0x86B0]  }
0x136: {  	v43 =	vld [tilespmem:s13+$0xFEB0]  }
0x137: {  	v44 =	vld [tilespmem:s13+$0x8730]  }
0x138: {  	v45 =	vld [tilespmem:s13+$0xFF30]  }
0x139: {  	v46 =	vld [tilespmem:s13+$0x87B0]  }
0x13a: {  	v47 =	vld [tilespmem:s13+$0xFFB0]  }
0x13b: {  	v48 =	vld [tilespmem:s13+$0x8640]  }
0x13c: {  	v49 =	vld [tilespmem:s13+$0xFE40]  }
0x13d: {  	v50 =	vld [tilespmem:s13+$0x86C0]  }
0x13e: {  	v51 =	vld [tilespmem:s13+$0xFEC0]  }
0x13f: {  	v52 =	vld [tilespmem:s13+$0x8740]  }
0x140: {  	v53 =	vld [tilespmem:s13+$0xFF40]  }
0x141: {  	v54 =	vld [tilespmem:s13+$0x87C0]  }
0x142: {  	v55 =	vld [tilespmem:s13+$0xFFC0]  }
0x143: {  	v56 =	vld [tilespmem:s13+$0x8650]  }
0x144: {  	v57 =	vld [tilespmem:s13+$0xFE50]  }
0x145: {  	v58 =	vld [tilespmem:s13+$0x86D0]  }
0x146: {  	v59 =	vld [tilespmem:s13+$0xFED0]  }
0x147: {  	v60 =	vld [tilespmem:s13+$0x8750]  }
0x148: {  	v61 =	vld [tilespmem:s13+$0xFF50]  }
0x149: {  	v62 =	vld [tilespmem:s13+$0x87D0]  }
0x14a: {  	v63 =	vld [tilespmem:s13+$0xFFD0];
	v16 =	vmul.f32 v17, v16;
	v18 =	vmul.f32 v19, v18  }
0x14b: {  	v17 =	vld [tilespmem:s13+$0x8660];
	v19 =	vmul.f32 v21, v20;
	v21 =	vmul.f32 v25, v24  }
0x14c: {  	v20 =	vld [tilespmem:s13+$0xFE60];
	v24 =	vmul.f32 v27, v26;
	v22 =	vmul.f32 v23, v22  }
0x14d: {  	v25 =	vld [tilespmem:s13+$0x86E0];
	v29 =	vmul.f32 v29, v28;
	v33 =	vmul.f32 v33, v32  }
0x14e: {  	v26 =	vld [tilespmem:s13+$0xFEE0];
	v35 =	vmul.f32 v35, v34;
	v37 =	vmul.f32 v37, v36  }
0x14f: {  	v28 =	vld [tilespmem:s13+$0xFF60];
	v39 =	vmul.f32 v39, v38;
	v41 =	vmul.f32 v41, v40  }
0x150: {  	v27 =	vld [tilespmem:s13+$0xFFE0];
	v43 =	vmul.f32 v43, v42;
	v45 =	vmul.f32 v45, v44  }
0x151: {  	v36 =	vmul.f32 v47, v46;
	v32 =	vld [tilespmem:s13+$0xFE70];
	v38 =	vmul.f32 v51, v50  }
0x152: {  	v34 =	vld [tilespmem:s13+$0x86F0];
	v44 =	vmul.f32 v59, v58;
	v16 =	vadd.f32 v21, v16;
	v21 =	vmul.f32 v31, v30  }
0x153: {  	v40 =	vld [tilespmem:s13+$0xFEF0];
	v46 =	vmul.f32 v61, v60;
	v18 =	vadd.f32 v24, v18;
	v19 =	vadd.f32 v29, v19  }
0x154: {  	v42 =	vld [tilespmem:s13+$0x8770];
	v47 =	vmul.f32 v63, v62;
	v21 =	vadd.f32 v21, v22;
	v16 =	vadd.f32 v33, v16  }
0x155: {  	v24 =	vld [tilespmem:s13+$0x8760];
	v18 =	vadd.f32 v35, v18;
	v19 =	vadd.f32 v37, v19;
	v37 =	vmul.f32 v49, v48  }
0x156: {  	v29 =	vld [tilespmem:s13+$0x8670];
	v17 =	vmul.f32 v20, v17;
	v21 =	vadd.f32 v39, v21;
	v16 =	vadd.f32 v41, v16  }
0x157: {  	v30 =	vld [tilespmem:s13+$0x87E0];
	v50 =	vmul.f32 v26, v25;
	v18 =	vadd.f32 v43, v18;
	v19 =	vadd.f32 v45, v19  }
0x158: {  	v48 =	vld [tilespmem:s13+$0x87F0];
	v39 =	vmul.f32 v53, v52;
	v43 =	vmul.f32 v57, v56;
	v16 =	vadd.f32 v37, v16  }
0x159: {  	v41 =	vmul.f32 v55, v54;
	v45 =	vld [tilespmem:s13+$0xFF70];
	v21 =	vadd.f32 v36, v21;
	v18 =	vadd.f32 v38, v18  }
0x15a: {  	v49 =	vld [tilespmem:s13+$0xFFF0];
	v53 =	vmul.f32 v40, v34;
	v19 =	vadd.f32 v39, v19;
	v16 =	vadd.f32 v43, v16  }
0x15b: {  	v51 =	vmul.f32 v32, v29;
	v21 =	vadd.f32 v41, v21;
	v18 =	vadd.f32 v44, v18  }
0x15c: {  	v19 =	vadd.f32 v46, v19;
	v16 =	vadd.f32 v17, v16;
	v17 =	vmul.f32 v28, v24  }
0x15d: {  	v52 =	vmul.f32 v27, v30;
	v21 =	vadd.f32 v47, v21;
	v18 =	vadd.f32 v50, v18  }
0x15e: {  	v54 =	vmul.f32 v45, v42;
	v17 =	vadd.f32 v17, v19;
	v16 =	vadd.f32 v51, v16  }
0x15f: {  	v20 =	vmul.f32 v49, v48;
	v21 =	vadd.f32 v52, v21;
	v18 =	vadd.f32 v53, v18  }
0x160: {  	v17 =	vadd.f32 v54, v17;
	[tilespmem:$0x17780] =	vst v16  }
0x161: {  	v16 =	vadd.f32 v20, v21;
	[tilespmem:$0x17800] =	vst v18  }
0x162: {  	[tilespmem:$0x17880] =	vst v17  }
0x163: {  	[tilespmem:$0x17900] =	vst v16  }
0x164: {  	v16 =	vld.idx.msk [tilespmem:v0+s28+$0x0], $0xffff  }
0x165: {  	v17 =	vld.idx.msk [tilespmem:v1+s28+$0x0], $0xffff;
	_ =	sdelay $0x1  }
0x166: {  	v18 =	vld.idx.msk [tilespmem:v2+s28+$0x0], $0xffff;
	_ =	sdelay $0x1  }
0x167: {  	v55 =	vld.idx.msk [tilespmem:v3+s28+$0x0], $0xffff  }
0x168: {  	v16 =	vadd.f32 v17, v16  }
0x169: {  	v17 =	vld.idx.msk [tilespmem:v4+s28+$0x0], $0xffff  }
0x16a: {  	v16 =	vadd.f32 v18, v16  }
0x16b: {  	v56 =	vld.idx.msk [tilespmem:v5+s28+$0x0], $0xffff  }
0x16c: {  	v16 =	vadd.f32 v55, v16  }
0x16d: {  	v57 =	vld.idx.msk [tilespmem:v6+s28+$0x0], $0xffff  }
0x16e: {  	v16 =	vadd.f32 v17, v16  }
0x16f: {  	v17 =	vld.idx.msk [tilespmem:v7+s28+$0x0], $0xffff  }
0x170: {  	v16 =	vadd.f32 v56, v16  }
0x171: {  	v58 =	vld.idx.msk [tilespmem:v8+s28+$0x0], $0xffff  }
0x172: {  	v16 =	vadd.f32 v57, v16  }
0x173: {  	v59 =	vld.idx.msk [tilespmem:v9+s28+$0x0], $0xffff  }
0x174: {  	v16 =	vadd.f32 v17, v16  }
0x175: {  	v17 =	vld.idx.msk [tilespmem:v10+s28+$0x0], $0xffff  }
0x176: {  	v16 =	vadd.f32 v58, v16  }
0x177: {  	v60 =	vld.idx.msk [tilespmem:v11+s28+$0x0], $0xffff  }
0x178: {  	v16 =	vadd.f32 v59, v16  }
0x179: {  	v61 =	vld.idx.msk [tilespmem:v12+s28+$0x0], $0xffff  }
0x17a: {  	v16 =	vadd.f32 v17, v16  }
0x17b: {  	v17 =	vld.idx.msk [tilespmem:v13+s28+$0x0], $0xffff  }
0x17c: {  	v16 =	vadd.f32 v60, v16  }
0x17d: {  	v62 =	vld.idx.msk [tilespmem:v14+s28+$0x0], $0xffff  }
0x17e: {  	v16 =	vadd.f32 v61, v16  }
0x17f: {  	v63 =	vld.idx.msk [tilespmem:v15+s28+$0x0], $0xffff  }
0x180: {  	v16 =	vadd.f32 v17, v16;
	_ =	sdelay $0x1  }
0x181: {  	v16 =	vadd.f32 v62, v16;
	_ =	sdelay $0x1  }
0x182: {  	v16 =	vadd.f32 v63, v16;
	_ =	sdelay $0x1  }
0x183: {  	v16 =	vadd.f32 $3.205452110e-03, v16;
	_ =	sdelay $0x1  }
0x184: {  	v16 =	vsub.f32 $0.0e+00, v16;
	_ =	sdelay $0x1  }
0x185: {  	v16 =	vmul.f32 $1.442695020e+00, v16;
	_ =	sdelay $0x1  }
0x186: {  	(erf) = vpow2.f32 v16;
	_ =	sdelay $0x6  }
0x187: {  	p1 =	sne.s32 s10, $0x4  }
.Ltmp2:
0x188: {  	_ = 	snop;
	(pc) =	sbr.rel @p1 .LBB2_3-.Ltmp2, $4  }
0x189: {  	v16 =	vpop (erf)  }
0x18a: {  	s7 =	sshll.u32 s10, $0x4;
	v16 =	vsub.f32 $1.000000000e+00, v16  }
0x18b: {  	s7 =	sand.u32 $0x3FFFFFF0, s7  }
0x18c: {  	s10 =	sadd.s32 $0x1, s10;
	[tilespmem:s7+$0x17000] =	vst v16  }
0x18d: {  	p1 =	seq.s32 s23, $0x29  }
0x18e: {  	s7 =	smul.u32 @!p1 $0x180, s23;
	_ =	sdelay $0x1  }
0x18f: {  	s13 =	simm.s32 @!p1 $0x50;
	s24 =	simm.s32 @!p1 $0x8000;
	s10 =	sadd.s32 @!p1 $0x180, s7  }
0x190: {  	[tilespmem:s24], [sflag:$0x1] =	stream.indirect.gather @!p1 [hbm4b:s1+s13], $0x80, s10, s13, $0xb8;
	[tilespmem:$0x17980] =	vst v63  }
0x191: {  	s7 =	sadd.s32 @!p1 $0x4180, s7;
	s10 =	simm.s32 @!p1 $0xF800;
	s24 =	smul.u32 $0xF0, s23  }
0x192: {  	[tilespmem:s10], [sflag:$0x4] =	stream.indirect.gather @!p1 [hbm4b:s1+s13], $0x80, s7, s13, $0xb8;
	[tilespmem:$0x17980] =	vst v63  }
0x193: {  	s13 =	sadd.s32 s5, s24  }
0x194: {  	s7 =	sshrl.u32 s13, $0x3  }
0x195: {  	s7 =	sadd.s32 s3, s7  }
0x196: {  	[hbm4b:s7+s4] =	stream.linear.scatter [tilespmem:s29], [sflag:$0x7], $0x50, $0x38;
	[tilespmem:$0x17980] =	vst v63  }
0x197: {  	_ =	swait.ge [sflag:s30], $0x2800  }
0x198: {  	[sflag:s30] =	ssyncset.done $0x0  }
0x199: {  	[sflag:s30] =	ssyncadd.s32 $0xFFFFD800  }
0x19a: {  	_ =	swait.ge [sflag:s31], $0x2800  }
0x19b: {  	[sflag:s31] =	ssyncset.done $0x0  }
0x19c: {  	s7 =	simm.s32 @!p0 $0x8;
	[sflag:s31] =	ssyncadd.s32 $0xFFFFD800  }
0x19d: {  	_ =	swait.ge @!p0 [sflag:s7], $0x50  }
0x19e: {  	[sflag:s7] =	ssyncset.done @!p0 $0x0  }
0x19f: {  	s10 =	simm.s32 $0x0;
	[sflag:s7] =	ssyncadd.s32 @!p0 $0xFFFFFFB0  }
.LBB2_5:
0x1a0: {  	s13 =	sshll.u32 s10, $0xB  }
0x1a1: {  	v16 =	vld [tilespmem:s13+$0xA800]  }
0x1a2: {  	v17 =	vld [tilespmem:s13+$0x12000]  }
0x1a3: {  	v18 =	vld [tilespmem:s13+$0xA880]  }
0x1a4: {  	v19 =	vld [tilespmem:s13+$0x12080]  }
0x1a5: {  	v20 =	vld [tilespmem:s13+$0xA900]  }
0x1a6: {  	v21 =	vld [tilespmem:s13+$0x12100]  }
0x1a7: {  	v22 =	vld [tilespmem:s13+$0xA980]  }
0x1a8: {  	v23 =	vld [tilespmem:s13+$0x12180]  }
0x1a9: {  	v24 =	vld [tilespmem:s13+$0xA810]  }
0x1aa: {  	v25 =	vld [tilespmem:s13+$0x12010]  }
0x1ab: {  	v26 =	vld [tilespmem:s13+$0xA890]  }
0x1ac: {  	v27 =	vld [tilespmem:s13+$0x12090]  }
0x1ad: {  	v28 =	vld [tilespmem:s13+$0xA910]  }
0x1ae: {  	v29 =	vld [tilespmem:s13+$0x12110]  }
0x1af: {  	v30 =	vld [tilespmem:s13+$0xA990]  }
0x1b0: {  	v31 =	vld [tilespmem:s13+$0x12190]  }
0x1b1: {  	v32 =	vld [tilespmem:s13+$0xA820]  }
0x1b2: {  	v33 =	vld [tilespmem:s13+$0x12020]  }
0x1b3: {  	v34 =	vld [tilespmem:s13+$0xA8A0]  }
0x1b4: {  	v35 =	vld [tilespmem:s13+$0x120A0]  }
0x1b5: {  	v36 =	vld [tilespmem:s13+$0xA920]  }
0x1b6: {  	v37 =	vld [tilespmem:s13+$0x12120]  }
0x1b7: {  	v38 =	vld [tilespmem:s13+$0xA9A0]  }
0x1b8: {  	v39 =	vld [tilespmem:s13+$0x121A0]  }
0x1b9: {  	v40 =	vld [tilespmem:s13+$0xA830]  }
0x1ba: {  	v41 =	vld [tilespmem:s13+$0x12030]  }
0x1bb: {  	v42 =	vld [tilespmem:s13+$0xA8B0]  }
0x1bc: {  	v43 =	vld [tilespmem:s13+$0x120B0]  }
0x1bd: {  	v44 =	vld [tilespmem:s13+$0xA930]  }
0x1be: {  	v45 =	vld [tilespmem:s13+$0x12130]  }
0x1bf: {  	v46 =	vld [tilespmem:s13+$0xA9B0]  }
0x1c0: {  	v47 =	vld [tilespmem:s13+$0x121B0]  }
0x1c1: {  	v48 =	vld [tilespmem:s13+$0xA840]  }
0x1c2: {  	v49 =	vld [tilespmem:s13+$0x12040]  }
0x1c3: {  	v50 =	vld [tilespmem:s13+$0xA8C0]  }
0x1c4: {  	v51 =	vld [tilespmem:s13+$0x120C0]  }
0x1c5: {  	v52 =	vld [tilespmem:s13+$0xA940]  }
0x1c6: {  	v53 =	vld [tilespmem:s13+$0x12140]  }
0x1c7: {  	v54 =	vld [tilespmem:s13+$0xA9C0]  }
0x1c8: {  	v55 =	vld [tilespmem:s13+$0x121C0]  }
0x1c9: {  	v56 =	vld [tilespmem:s13+$0xA850]  }
0x1ca: {  	v57 =	vld [tilespmem:s13+$0x12050]  }
0x1cb: {  	v58 =	vld [tilespmem:s13+$0xA8D0]  }
0x1cc: {  	v59 =	vld [tilespmem:s13+$0x120D0]  }
0x1cd: {  	v60 =	vld [tilespmem:s13+$0xA950]  }
0x1ce: {  	v61 =	vld [tilespmem:s13+$0x12150]  }
0x1cf: {  	v62 =	vld [tilespmem:s13+$0xA9D0]  }
0x1d0: {  	v63 =	vld [tilespmem:s13+$0x121D0];
	v16 =	vmul.f32 v17, v16;
	v18 =	vmul.f32 v19, v18  }
0x1d1: {  	v17 =	vld [tilespmem:s13+$0xA860];
	v19 =	vmul.f32 v21, v20;
	v21 =	vmul.f32 v25, v24  }
0x1d2: {  	v20 =	vld [tilespmem:s13+$0x12060];
	v24 =	vmul.f32 v27, v26;
	v22 =	vmul.f32 v23, v22  }
0x1d3: {  	v25 =	vld [tilespmem:s13+$0xA8E0];
	v29 =	vmul.f32 v29, v28;
	v33 =	vmul.f32 v33, v32  }
0x1d4: {  	v26 =	vld [tilespmem:s13+$0x120E0];
	v35 =	vmul.f32 v35, v34;
	v37 =	vmul.f32 v37, v36  }
0x1d5: {  	v28 =	vld [tilespmem:s13+$0x12160];
	v38 =	vmul.f32 v39, v38;
	v39 =	vmul.f32 v41, v40  }
0x1d6: {  	v40 =	vld [tilespmem:s13+$0x121E0];
	v41 =	vmul.f32 v43, v42;
	v43 =	vmul.f32 v45, v44  }
0x1d7: {  	v42 =	vld [tilespmem:s13+$0xA870];
	v44 =	vmul.f32 v47, v46;
	v46 =	vmul.f32 v49, v48  }
0x1d8: {  	v45 =	vld [tilespmem:s13+$0x12070];
	v47 =	vmul.f32 v51, v50;
	v49 =	vmul.f32 v53, v52;
	v16 =	vadd.f32 v21, v16  }
0x1d9: {  	v48 =	vld [tilespmem:s13+$0xA8F0];
	v51 =	vmul.f32 v55, v54;
	v18 =	vadd.f32 v24, v18;
	v21 =	vmul.f32 v31, v30  }
0x1da: {  	v50 =	vld [tilespmem:s13+$0x120F0];
	v53 =	vmul.f32 v57, v56;
	v19 =	vadd.f32 v29, v19;
	v16 =	vadd.f32 v33, v16  }
0x1db: {  	v52 =	vld [tilespmem:s13+$0xA970];
	v54 =	vmul.f32 v59, v58;
	v21 =	vadd.f32 v21, v22;
	v18 =	vadd.f32 v35, v18  }
0x1dc: {  	v55 =	vld [tilespmem:s13+$0x12170];
	v56 =	vmul.f32 v61, v60;
	v19 =	vadd.f32 v37, v19;
	v16 =	vadd.f32 v39, v16  }
0x1dd: {  	v57 =	vmul.f32 v63, v62;
	v24 =	vld [tilespmem:s13+$0xA960];
	v21 =	vadd.f32 v38, v21;
	v18 =	vadd.f32 v41, v18  }
0x1de: {  	v30 =	vld [tilespmem:s13+$0xA9E0];
	v17 =	vmul.f32 v20, v17;
	v19 =	vadd.f32 v43, v19;
	v16 =	vadd.f32 v46, v16  }
0x1df: {  	v58 =	vld [tilespmem:s13+$0xA9F0];
	v60 =	vmul.f32 v26, v25;
	v21 =	vadd.f32 v44, v21;
	v18 =	vadd.f32 v47, v18  }
0x1e0: {  	v59 =	vld [tilespmem:s13+$0x121F0];
	v61 =	vmul.f32 v45, v42;
	v19 =	vadd.f32 v49, v19;
	v16 =	vadd.f32 v53, v16  }
0x1e1: {  	v63 =	vmul.f32 v50, v48;
	v21 =	vadd.f32 v51, v21;
	v18 =	vadd.f32 v54, v18  }
0x1e2: {  	v19 =	vadd.f32 v56, v19;
	v16 =	vadd.f32 v17, v16;
	v17 =	vmul.f32 v28, v24  }
0x1e3: {  	v62 =	vmul.f32 v40, v30;
	v21 =	vadd.f32 v57, v21;
	v18 =	vadd.f32 v60, v18  }
0x1e4: {  	v28 =	vmul.f32 v55, v52;
	v17 =	vadd.f32 v17, v19;
	v16 =	vadd.f32 v61, v16  }
0x1e5: {  	v20 =	vmul.f32 v59, v58;
	v21 =	vadd.f32 v62, v21;
	v18 =	vadd.f32 v63, v18  }
0x1e6: {  	v17 =	vadd.f32 v28, v17;
	[tilespmem:$0x17180] =	vst v16  }
0x1e7: {  	v16 =	vadd.f32 v20, v21;
	[tilespmem:$0x17200] =	vst v18  }
0x1e8: {  	[tilespmem:$0x17280] =	vst v17  }
0x1e9: {  	[tilespmem:$0x17300] =	vst v16  }
0x1ea: {  	v16 =	vld [tilespmem:s13+$0xAA00]  }
0x1eb: {  	v17 =	vld [tilespmem:s13+$0x12200]  }
0x1ec: {  	v18 =	vld [tilespmem:s13+$0xAA80]  }
0x1ed: {  	v19 =	vld [tilespmem:s13+$0x12280]  }
0x1ee: {  	v20 =	vld [tilespmem:s13+$0xAB00]  }
0x1ef: {  	v21 =	vld [tilespmem:s13+$0x12300]  }
0x1f0: {  	v22 =	vld [tilespmem:s13+$0xAB80]  }
0x1f1: {  	v23 =	vld [tilespmem:s13+$0x12380]  }
0x1f2: {  	v24 =	vld [tilespmem:s13+$0xAA10]  }
0x1f3: {  	v25 =	vld [tilespmem:s13+$0x12210]  }
0x1f4: {  	v26 =	vld [tilespmem:s13+$0xAA90]  }
0x1f5: {  	v27 =	vld [tilespmem:s13+$0x12290]  }
0x1f6: {  	v28 =	vld [tilespmem:s13+$0xAB10]  }
0x1f7: {  	v29 =	vld [tilespmem:s13+$0x12310]  }
0x1f8: {  	v30 =	vld [tilespmem:s13+$0xAB90]  }
0x1f9: {  	v31 =	vld [tilespmem:s13+$0x12390]  }
0x1fa: {  	v32 =	vld [tilespmem:s13+$0xAA20]  }
0x1fb: {  	v33 =	vld [tilespmem:s13+$0x12220]  }
0x1fc: {  	v34 =	vld [tilespmem:s13+$0xAAA0]  }
0x1fd: {  	v35 =	vld [tilespmem:s13+$0x122A0]  }
0x1fe: {  	v36 =	vld [tilespmem:s13+$0xAB20]  }
0x1ff: {  	v37 =	vld [tilespmem:s13+$0x12320]  }
0x200: {  	v38 =	vld [tilespmem:s13+$0xABA0]  }
0x201: {  	v39 =	vld [tilespmem:s13+$0x123A0]  }
0x202: {  	v40 =	vld [tilespmem:s13+$0xAA30]  }
0x203: {  	v41 =	vld [tilespmem:s13+$0x12230]  }
0x204: {  	v42 =	vld [tilespmem:s13+$0xAAB0]  }
0x205: {  	v43 =	vld [tilespmem:s13+$0x122B0]  }
0x206: {  	v44 =	vld [tilespmem:s13+$0xAB30]  }
0x207: {  	v45 =	vld [tilespmem:s13+$0x12330]  }
0x208: {  	v46 =	vld [tilespmem:s13+$0xABB0]  }
0x209: {  	v47 =	vld [tilespmem:s13+$0x123B0]  }
0x20a: {  	v48 =	vld [tilespmem:s13+$0xAA40]  }
0x20b: {  	v49 =	vld [tilespmem:s13+$0x12240]  }
0x20c: {  	v50 =	vld [tilespmem:s13+$0xAAC0]  }
0x20d: {  	v51 =	vld [tilespmem:s13+$0x122C0]  }
0x20e: {  	v52 =	vld [tilespmem:s13+$0xAB40]  }
0x20f: {  	v53 =	vld [tilespmem:s13+$0x12340]  }
0x210: {  	v54 =	vld [tilespmem:s13+$0xABC0]  }
0x211: {  	v55 =	vld [tilespmem:s13+$0x123C0]  }
0x212: {  	v56 =	vld [tilespmem:s13+$0xAA50]  }
0x213: {  	v57 =	vld [tilespmem:s13+$0x12250]  }
0x214: {  	v58 =	vld [tilespmem:s13+$0xAAD0]  }
0x215: {  	v59 =	vld [tilespmem:s13+$0x122D0]  }
0x216: {  	v60 =	vld [tilespmem:s13+$0xAB50]  }
0x217: {  	v61 =	vld [tilespmem:s13+$0x12350]  }
0x218: {  	v62 =	vld [tilespmem:s13+$0xABD0]  }
0x219: {  	v63 =	vld [tilespmem:s13+$0x123D0];
	v16 =	vmul.f32 v17, v16;
	v18 =	vmul.f32 v19, v18  }
0x21a: {  	v17 =	vld [tilespmem:s13+$0xAA60];
	v19 =	vmul.f32 v21, v20;
	v21 =	vmul.f32 v25, v24  }
0x21b: {  	v20 =	vld [tilespmem:s13+$0x12260];
	v24 =	vmul.f32 v27, v26;
	v22 =	vmul.f32 v23, v22  }
0x21c: {  	v25 =	vld [tilespmem:s13+$0xAAE0];
	v29 =	vmul.f32 v29, v28;
	v33 =	vmul.f32 v33, v32  }
0x21d: {  	v26 =	vld [tilespmem:s13+$0x122E0];
	v35 =	vmul.f32 v35, v34;
	v37 =	vmul.f32 v37, v36  }
0x21e: {  	v28 =	vld [tilespmem:s13+$0x12360];
	v38 =	vmul.f32 v39, v38;
	v39 =	vmul.f32 v41, v40  }
0x21f: {  	v40 =	vld [tilespmem:s13+$0x123E0];
	v41 =	vmul.f32 v43, v42;
	v43 =	vmul.f32 v45, v44  }
0x220: {  	v42 =	vld [tilespmem:s13+$0xAA70];
	v44 =	vmul.f32 v47, v46;
	v46 =	vmul.f32 v49, v48  }
0x221: {  	v45 =	vld [tilespmem:s13+$0x12270];
	v47 =	vmul.f32 v51, v50;
	v49 =	vmul.f32 v53, v52;
	v16 =	vadd.f32 v21, v16  }
0x222: {  	v48 =	vld [tilespmem:s13+$0xAAF0];
	v51 =	vmul.f32 v55, v54;
	v18 =	vadd.f32 v24, v18;
	v21 =	vmul.f32 v31, v30  }
0x223: {  	v50 =	vld [tilespmem:s13+$0x122F0];
	v53 =	vmul.f32 v57, v56;
	v19 =	vadd.f32 v29, v19;
	v16 =	vadd.f32 v33, v16  }
0x224: {  	v52 =	vld [tilespmem:s13+$0xAB70];
	v54 =	vmul.f32 v59, v58;
	v21 =	vadd.f32 v21, v22;
	v18 =	vadd.f32 v35, v18  }
0x225: {  	v55 =	vld [tilespmem:s13+$0x12370];
	v56 =	vmul.f32 v61, v60;
	v19 =	vadd.f32 v37, v19;
	v16 =	vadd.f32 v39, v16  }
0x226: {  	v57 =	vmul.f32 v63, v62;
	v24 =	vld [tilespmem:s13+$0xAB60];
	v21 =	vadd.f32 v38, v21;
	v18 =	vadd.f32 v41, v18  }
0x227: {  	v30 =	vld [tilespmem:s13+$0xABE0];
	v17 =	vmul.f32 v20, v17;
	v19 =	vadd.f32 v43, v19;
	v16 =	vadd.f32 v46, v16  }
0x228: {  	v58 =	vld [tilespmem:s13+$0xABF0];
	v60 =	vmul.f32 v26, v25;
	v21 =	vadd.f32 v44, v21;
	v18 =	vadd.f32 v47, v18  }
0x229: {  	v59 =	vld [tilespmem:s13+$0x123F0];
	v61 =	vmul.f32 v45, v42;
	v19 =	vadd.f32 v49, v19;
	v16 =	vadd.f32 v53, v16  }
0x22a: {  	v63 =	vmul.f32 v50, v48;
	v21 =	vadd.f32 v51, v21;
	v18 =	vadd.f32 v54, v18  }
0x22b: {  	v19 =	vadd.f32 v56, v19;
	v16 =	vadd.f32 v17, v16;
	v17 =	vmul.f32 v28, v24  }
0x22c: {  	v62 =	vmul.f32 v40, v30;
	v21 =	vadd.f32 v57, v21;
	v18 =	vadd.f32 v60, v18  }
0x22d: {  	v28 =	vmul.f32 v55, v52;
	v17 =	vadd.f32 v17, v19;
	v16 =	vadd.f32 v61, v16  }
0x22e: {  	v20 =	vmul.f32 v59, v58;
	v21 =	vadd.f32 v62, v21;
	v18 =	vadd.f32 v63, v18  }
0x22f: {  	v17 =	vadd.f32 v28, v17;
	[tilespmem:$0x17380] =	vst v16  }
0x230: {  	v16 =	vadd.f32 v20, v21;
	[tilespmem:$0x17400] =	vst v18  }
0x231: {  	[tilespmem:$0x17480] =	vst v17  }
0x232: {  	[tilespmem:$0x17500] =	vst v16  }
0x233: {  	v16 =	vld [tilespmem:s13+$0xAC00]  }
0x234: {  	v17 =	vld [tilespmem:s13+$0x12400]  }
0x235: {  	v18 =	vld [tilespmem:s13+$0xAC80]  }
0x236: {  	v19 =	vld [tilespmem:s13+$0x12480]  }
0x237: {  	v20 =	vld [tilespmem:s13+$0xAD00]  }
0x238: {  	v21 =	vld [tilespmem:s13+$0x12500]  }
0x239: {  	v22 =	vld [tilespmem:s13+$0xAD80]  }
0x23a: {  	v23 =	vld [tilespmem:s13+$0x12580]  }
0x23b: {  	v24 =	vld [tilespmem:s13+$0xAC10]  }
0x23c: {  	v25 =	vld [tilespmem:s13+$0x12410]  }
0x23d: {  	v26 =	vld [tilespmem:s13+$0xAC90]  }
0x23e: {  	v27 =	vld [tilespmem:s13+$0x12490]  }
0x23f: {  	v28 =	vld [tilespmem:s13+$0xAD10]  }
0x240: {  	v29 =	vld [tilespmem:s13+$0x12510]  }
0x241: {  	v30 =	vld [tilespmem:s13+$0xAD90]  }
0x242: {  	v31 =	vld [tilespmem:s13+$0x12590]  }
0x243: {  	v32 =	vld [tilespmem:s13+$0xAC20]  }
0x244: {  	v33 =	vld [tilespmem:s13+$0x12420]  }
0x245: {  	v34 =	vld [tilespmem:s13+$0xACA0]  }
0x246: {  	v35 =	vld [tilespmem:s13+$0x124A0]  }
0x247: {  	v36 =	vld [tilespmem:s13+$0xAD20]  }
0x248: {  	v37 =	vld [tilespmem:s13+$0x12520]  }
0x249: {  	v38 =	vld [tilespmem:s13+$0xADA0]  }
0x24a: {  	v39 =	vld [tilespmem:s13+$0x125A0]  }
0x24b: {  	v40 =	vld [tilespmem:s13+$0xAC30]  }
0x24c: {  	v41 =	vld [tilespmem:s13+$0x12430]  }
0x24d: {  	v42 =	vld [tilespmem:s13+$0xACB0]  }
0x24e: {  	v43 =	vld [tilespmem:s13+$0x124B0]  }
0x24f: {  	v44 =	vld [tilespmem:s13+$0xAD30]  }
0x250: {  	v45 =	vld [tilespmem:s13+$0x12530]  }
0x251: {  	v46 =	vld [tilespmem:s13+$0xADB0]  }
0x252: {  	v47 =	vld [tilespmem:s13+$0x125B0]  }
0x253: {  	v48 =	vld [tilespmem:s13+$0xAC40]  }
0x254: {  	v49 =	vld [tilespmem:s13+$0x12440]  }
0x255: {  	v50 =	vld [tilespmem:s13+$0xACC0]  }
0x256: {  	v51 =	vld [tilespmem:s13+$0x124C0]  }
0x257: {  	v52 =	vld [tilespmem:s13+$0xAD40]  }
0x258: {  	v53 =	vld [tilespmem:s13+$0x12540]  }
0x259: {  	v54 =	vld [tilespmem:s13+$0xADC0]  }
0x25a: {  	v55 =	vld [tilespmem:s13+$0x125C0]  }
0x25b: {  	v56 =	vld [tilespmem:s13+$0xAC50]  }
0x25c: {  	v57 =	vld [tilespmem:s13+$0x12450]  }
0x25d: {  	v58 =	vld [tilespmem:s13+$0xACD0]  }
0x25e: {  	v59 =	vld [tilespmem:s13+$0x124D0]  }
0x25f: {  	v60 =	vld [tilespmem:s13+$0xAD50]  }
0x260: {  	v61 =	vld [tilespmem:s13+$0x12550]  }
0x261: {  	v62 =	vld [tilespmem:s13+$0xADD0]  }
0x262: {  	v63 =	vld [tilespmem:s13+$0x125D0];
	v16 =	vmul.f32 v17, v16;
	v18 =	vmul.f32 v19, v18  }
0x263: {  	v17 =	vld [tilespmem:s13+$0xAC60];
	v19 =	vmul.f32 v21, v20;
	v21 =	vmul.f32 v25, v24  }
0x264: {  	v20 =	vld [tilespmem:s13+$0x12460];
	v24 =	vmul.f32 v27, v26;
	v22 =	vmul.f32 v23, v22  }
0x265: {  	v25 =	vld [tilespmem:s13+$0xACE0];
	v29 =	vmul.f32 v29, v28;
	v33 =	vmul.f32 v33, v32  }
0x266: {  	v26 =	vld [tilespmem:s13+$0x124E0];
	v35 =	vmul.f32 v35, v34;
	v37 =	vmul.f32 v37, v36  }
0x267: {  	v28 =	vld [tilespmem:s13+$0x12560];
	v38 =	vmul.f32 v39, v38;
	v39 =	vmul.f32 v41, v40  }
0x268: {  	v40 =	vld [tilespmem:s13+$0x125E0];
	v41 =	vmul.f32 v43, v42;
	v43 =	vmul.f32 v45, v44  }
0x269: {  	v42 =	vld [tilespmem:s13+$0xAC70];
	v44 =	vmul.f32 v47, v46;
	v46 =	vmul.f32 v49, v48  }
0x26a: {  	v45 =	vld [tilespmem:s13+$0x12470];
	v47 =	vmul.f32 v51, v50;
	v49 =	vmul.f32 v53, v52;
	v16 =	vadd.f32 v21, v16  }
0x26b: {  	v48 =	vld [tilespmem:s13+$0xACF0];
	v51 =	vmul.f32 v55, v54;
	v18 =	vadd.f32 v24, v18;
	v21 =	vmul.f32 v31, v30  }
0x26c: {  	v50 =	vld [tilespmem:s13+$0x124F0];
	v53 =	vmul.f32 v57, v56;
	v19 =	vadd.f32 v29, v19;
	v16 =	vadd.f32 v33, v16  }
0x26d: {  	v52 =	vld [tilespmem:s13+$0xAD70];
	v54 =	vmul.f32 v59, v58;
	v21 =	vadd.f32 v21, v22;
	v18 =	vadd.f32 v35, v18  }
0x26e: {  	v55 =	vld [tilespmem:s13+$0x12570];
	v56 =	vmul.f32 v61, v60;
	v19 =	vadd.f32 v37, v19;
	v16 =	vadd.f32 v39, v16  }
0x26f: {  	v57 =	vmul.f32 v63, v62;
	v24 =	vld [tilespmem:s13+$0xAD60];
	v21 =	vadd.f32 v38, v21;
	v18 =	vadd.f32 v41, v18  }
0x270: {  	v30 =	vld [tilespmem:s13+$0xADE0];
	v17 =	vmul.f32 v20, v17;
	v19 =	vadd.f32 v43, v19;
	v16 =	vadd.f32 v46, v16  }
0x271: {  	v58 =	vld [tilespmem:s13+$0xADF0];
	v60 =	vmul.f32 v26, v25;
	v21 =	vadd.f32 v44, v21;
	v18 =	vadd.f32 v47, v18  }
0x272: {  	v59 =	vld [tilespmem:s13+$0x125F0];
	v61 =	vmul.f32 v45, v42;
	v19 =	vadd.f32 v49, v19;
	v16 =	vadd.f32 v53, v16  }
0x273: {  	v63 =	vmul.f32 v50, v48;
	v21 =	vadd.f32 v51, v21;
	v18 =	vadd.f32 v54, v18  }
0x274: {  	v19 =	vadd.f32 v56, v19;
	v16 =	vadd.f32 v17, v16;
	v17 =	vmul.f32 v28, v24  }
0x275: {  	v62 =	vmul.f32 v40, v30;
	v21 =	vadd.f32 v57, v21;
	v18 =	vadd.f32 v60, v18  }
0x276: {  	v28 =	vmul.f32 v55, v52;
	v17 =	vadd.f32 v17, v19;
	v16 =	vadd.f32 v61, v16  }
0x277: {  	v20 =	vmul.f32 v59, v58;
	v21 =	vadd.f32 v62, v21;
	v18 =	vadd.f32 v63, v18  }
0x278: {  	v17 =	vadd.f32 v28, v17;
	[tilespmem:$0x17580] =	vst v16  }
0x279: {  	v16 =	vadd.f32 v20, v21;
	[tilespmem:$0x17600] =	vst v18  }
0x27a: {  	[tilespmem:$0x17680] =	vst v17  }
0x27b: {  	[tilespmem:$0x17700] =	vst v16  }
0x27c: {  	v16 =	vld [tilespmem:s13+$0xAE00]  }
0x27d: {  	v17 =	vld [tilespmem:s13+$0x12600]  }
0x27e: {  	v18 =	vld [tilespmem:s13+$0xAE80]  }
0x27f: {  	v19 =	vld [tilespmem:s13+$0x12680]  }
0x280: {  	v20 =	vld [tilespmem:s13+$0xAF00]  }
0x281: {  	v21 =	vld [tilespmem:s13+$0x12700]  }
0x282: {  	v22 =	vld [tilespmem:s13+$0xAF80]  }
0x283: {  	v23 =	vld [tilespmem:s13+$0x12780]  }
0x284: {  	v24 =	vld [tilespmem:s13+$0xAE10]  }
0x285: {  	v25 =	vld [tilespmem:s13+$0x12610]  }
0x286: {  	v26 =	vld [tilespmem:s13+$0xAE90]  }
0x287: {  	v27 =	vld [tilespmem:s13+$0x12690]  }
0x288: {  	v28 =	vld [tilespmem:s13+$0xAF10]  }
0x289: {  	v29 =	vld [tilespmem:s13+$0x12710]  }
0x28a: {  	v30 =	vld [tilespmem:s13+$0xAF90]  }
0x28b: {  	v31 =	vld [tilespmem:s13+$0x12790]  }
0x28c: {  	v32 =	vld [tilespmem:s13+$0xAE20]  }
0x28d: {  	v33 =	vld [tilespmem:s13+$0x12620]  }
0x28e: {  	v34 =	vld [tilespmem:s13+$0xAEA0]  }
0x28f: {  	v35 =	vld [tilespmem:s13+$0x126A0]  }
0x290: {  	v36 =	vld [tilespmem:s13+$0xAF20]  }
0x291: {  	v37 =	vld [tilespmem:s13+$0x12720]  }
0x292: {  	v38 =	vld [tilespmem:s13+$0xAFA0]  }
0x293: {  	v39 =	vld [tilespmem:s13+$0x127A0]  }
0x294: {  	v40 =	vld [tilespmem:s13+$0xAE30]  }
0x295: {  	v41 =	vld [tilespmem:s13+$0x12630]  }
0x296: {  	v42 =	vld [tilespmem:s13+$0xAEB0]  }
0x297: {  	v43 =	vld [tilespmem:s13+$0x126B0]  }
0x298: {  	v44 =	vld [tilespmem:s13+$0xAF30]  }
0x299: {  	v45 =	vld [tilespmem:s13+$0x12730]  }
0x29a: {  	v46 =	vld [tilespmem:s13+$0xAFB0]  }
0x29b: {  	v47 =	vld [tilespmem:s13+$0x127B0]  }
0x29c: {  	v48 =	vld [tilespmem:s13+$0xAE40]  }
0x29d: {  	v49 =	vld [tilespmem:s13+$0x12640]  }
0x29e: {  	v50 =	vld [tilespmem:s13+$0xAEC0]  }
0x29f: {  	v51 =	vld [tilespmem:s13+$0x126C0]  }
0x2a0: {  	v52 =	vld [tilespmem:s13+$0xAF40]  }
0x2a1: {  	v53 =	vld [tilespmem:s13+$0x12740]  }
0x2a2: {  	v54 =	vld [tilespmem:s13+$0xAFC0]  }
0x2a3: {  	v55 =	vld [tilespmem:s13+$0x127C0]  }
0x2a4: {  	v56 =	vld [tilespmem:s13+$0xAE50]  }
0x2a5: {  	v57 =	vld [tilespmem:s13+$0x12650]  }
0x2a6: {  	v58 =	vld [tilespmem:s13+$0xAED0]  }
0x2a7: {  	v59 =	vld [tilespmem:s13+$0x126D0]  }
0x2a8: {  	v60 =	vld [tilespmem:s13+$0xAF50]  }
0x2a9: {  	v61 =	vld [tilespmem:s13+$0x12750]  }
0x2aa: {  	v62 =	vld [tilespmem:s13+$0xAFD0]  }
0x2ab: {  	v63 =	vld [tilespmem:s13+$0x127D0];
	v16 =	vmul.f32 v17, v16;
	v18 =	vmul.f32 v19, v18  }
0x2ac: {  	v17 =	vld [tilespmem:s13+$0xAE60];
	v19 =	vmul.f32 v21, v20;
	v21 =	vmul.f32 v25, v24  }
0x2ad: {  	v20 =	vld [tilespmem:s13+$0x12660];
	v24 =	vmul.f32 v27, v26;
	v22 =	vmul.f32 v23, v22  }
0x2ae: {  	v25 =	vld [tilespmem:s13+$0xAEE0];
	v29 =	vmul.f32 v29, v28;
	v33 =	vmul.f32 v33, v32  }
0x2af: {  	v26 =	vld [tilespmem:s13+$0x126E0];
	v35 =	vmul.f32 v35, v34;
	v37 =	vmul.f32 v37, v36  }
0x2b0: {  	v28 =	vld [tilespmem:s13+$0x12760];
	v39 =	vmul.f32 v39, v38;
	v41 =	vmul.f32 v41, v40  }
0x2b1: {  	v27 =	vld [tilespmem:s13+$0x127E0];
	v43 =	vmul.f32 v43, v42;
	v45 =	vmul.f32 v45, v44  }
0x2b2: {  	v36 =	vmul.f32 v47, v46;
	v32 =	vld [tilespmem:s13+$0x12670];
	v38 =	vmul.f32 v51, v50  }
0x2b3: {  	v34 =	vld [tilespmem:s13+$0xAEF0];
	v44 =	vmul.f32 v59, v58;
	v16 =	vadd.f32 v21, v16;
	v21 =	vmul.f32 v31, v30  }
0x2b4: {  	v40 =	vld [tilespmem:s13+$0x126F0];
	v46 =	vmul.f32 v61, v60;
	v18 =	vadd.f32 v24, v18;
	v19 =	vadd.f32 v29, v19  }
0x2b5: {  	v42 =	vld [tilespmem:s13+$0xAF70];
	v47 =	vmul.f32 v63, v62;
	v21 =	vadd.f32 v21, v22;
	v16 =	vadd.f32 v33, v16  }
0x2b6: {  	v24 =	vld [tilespmem:s13+$0xAF60];
	v18 =	vadd.f32 v35, v18;
	v19 =	vadd.f32 v37, v19;
	v37 =	vmul.f32 v49, v48  }
0x2b7: {  	v29 =	vld [tilespmem:s13+$0xAE70];
	v17 =	vmul.f32 v20, v17;
	v21 =	vadd.f32 v39, v21;
	v16 =	vadd.f32 v41, v16  }
0x2b8: {  	v30 =	vld [tilespmem:s13+$0xAFE0];
	v50 =	vmul.f32 v26, v25;
	v18 =	vadd.f32 v43, v18;
	v19 =	vadd.f32 v45, v19  }
0x2b9: {  	v48 =	vld [tilespmem:s13+$0xAFF0];
	v39 =	vmul.f32 v53, v52;
	v43 =	vmul.f32 v57, v56;
	v16 =	vadd.f32 v37, v16  }
0x2ba: {  	v41 =	vmul.f32 v55, v54;
	v45 =	vld [tilespmem:s13+$0x12770];
	v21 =	vadd.f32 v36, v21;
	v18 =	vadd.f32 v38, v18  }
0x2bb: {  	v49 =	vld [tilespmem:s13+$0x127F0];
	v53 =	vmul.f32 v40, v34;
	v19 =	vadd.f32 v39, v19;
	v16 =	vadd.f32 v43, v16  }
0x2bc: {  	v51 =	vmul.f32 v32, v29;
	v21 =	vadd.f32 v41, v21;
	v18 =	vadd.f32 v44, v18  }
0x2bd: {  	v19 =	vadd.f32 v46, v19;
	v16 =	vadd.f32 v17, v16;
	v17 =	vmul.f32 v28, v24  }
0x2be: {  	v52 =	vmul.f32 v27, v30;
	v21 =	vadd.f32 v47, v21;
	v18 =	vadd.f32 v50, v18  }
0x2bf: {  	v54 =	vmul.f32 v45, v42;
	v17 =	vadd.f32 v17, v19;
	v16 =	vadd.f32 v51, v16  }
0x2c0: {  	v20 =	vmul.f32 v49, v48;
	v21 =	vadd.f32 v52, v21;
	v18 =	vadd.f32 v53, v18  }
0x2c1: {  	v17 =	vadd.f32 v54, v17;
	[tilespmem:$0x17780] =	vst v16  }
0x2c2: {  	v16 =	vadd.f32 v20, v21;
	[tilespmem:$0x17800] =	vst v18  }
0x2c3: {  	[tilespmem:$0x17880] =	vst v17  }
0x2c4: {  	[tilespmem:$0x17900] =	vst v16  }
0x2c5: {  	v16 =	vld.idx.msk [tilespmem:v0+s28+$0x0], $0xffff  }
0x2c6: {  	v17 =	vld.idx.msk [tilespmem:v1+s28+$0x0], $0xffff;
	_ =	sdelay $0x1  }
0x2c7: {  	v18 =	vld.idx.msk [tilespmem:v2+s28+$0x0], $0xffff;
	_ =	sdelay $0x1  }
0x2c8: {  	v55 =	vld.idx.msk [tilespmem:v3+s28+$0x0], $0xffff  }
0x2c9: {  	v16 =	vadd.f32 v17, v16  }
0x2ca: {  	v17 =	vld.idx.msk [tilespmem:v4+s28+$0x0], $0xffff  }
0x2cb: {  	v16 =	vadd.f32 v18, v16  }
0x2cc: {  	v56 =	vld.idx.msk [tilespmem:v5+s28+$0x0], $0xffff  }
0x2cd: {  	v16 =	vadd.f32 v55, v16  }
0x2ce: {  	v57 =	vld.idx.msk [tilespmem:v6+s28+$0x0], $0xffff  }
0x2cf: {  	v16 =	vadd.f32 v17, v16  }
0x2d0: {  	v17 =	vld.idx.msk [tilespmem:v7+s28+$0x0], $0xffff  }
0x2d1: {  	v16 =	vadd.f32 v56, v16  }
0x2d2: {  	v58 =	vld.idx.msk [tilespmem:v8+s28+$0x0], $0xffff  }
0x2d3: {  	v16 =	vadd.f32 v57, v16  }
0x2d4: {  	v59 =	vld.idx.msk [tilespmem:v9+s28+$0x0], $0xffff  }
0x2d5: {  	v16 =	vadd.f32 v17, v16  }
0x2d6: {  	v17 =	vld.idx.msk [tilespmem:v10+s28+$0x0], $0xffff  }
0x2d7: {  	v16 =	vadd.f32 v58, v16  }
0x2d8: {  	v60 =	vld.idx.msk [tilespmem:v11+s28+$0x0], $0xffff  }
0x2d9: {  	v16 =	vadd.f32 v59, v16  }
0x2da: {  	v61 =	vld.idx.msk [tilespmem:v12+s28+$0x0], $0xffff  }
0x2db: {  	v16 =	vadd.f32 v17, v16  }
0x2dc: {  	v17 =	vld.idx.msk [tilespmem:v13+s28+$0x0], $0xffff  }
0x2dd: {  	v16 =	vadd.f32 v60, v16  }
0x2de: {  	v62 =	vld.idx.msk [tilespmem:v14+s28+$0x0], $0xffff  }
0x2df: {  	v16 =	vadd.f32 v61, v16  }
0x2e0: {  	v63 =	vld.idx.msk [tilespmem:v15+s28+$0x0], $0xffff  }
0x2e1: {  	v16 =	vadd.f32 v17, v16;
	_ =	sdelay $0x1  }
0x2e2: {  	v16 =	vadd.f32 v62, v16;
	_ =	sdelay $0x1  }
0x2e3: {  	v16 =	vadd.f32 v63, v16;
	_ =	sdelay $0x1  }
0x2e4: {  	v16 =	vadd.f32 $3.205452110e-03, v16;
	_ =	sdelay $0x1  }
0x2e5: {  	v16 =	vsub.f32 $0.0e+00, v16;
	_ =	sdelay $0x1  }
0x2e6: {  	v16 =	vmul.f32 $1.442695020e+00, v16;
	_ =	sdelay $0x1  }
0x2e7: {  	(erf) = vpow2.f32 v16;
	_ =	sdelay $0x6  }
0x2e8: {  	p2 =	sne.s32 s10, $0x4  }
.Ltmp3:
0x2e9: {  	_ = 	snop;
	(pc) =	sbr.rel @p2 .LBB2_5-.Ltmp3, $4  }
0x2ea: {  	v16 =	vpop (erf)  }
0x2eb: {  	s7 =	sshll.u32 s10, $0x4;
	v16 =	vsub.f32 $1.000000000e+00, v16  }
0x2ec: {  	s7 =	sand.u32 $0x3FFFFFF0, s7  }
0x2ed: {  	s10 =	sadd.s32 $0x1, s10;
	[tilespmem:s7+$0x17080] =	vst v16  }
.Ltmp4:
0x2ee: {  	(pc) =	sbr.rel @p1 .LBB2_12-.Ltmp4, $1  }
0x2ef: {  	_ =	sdelay $0x3  }
0x2f0: {  	s10 =	smul.u32 $0x180, s23;
	_ =	sdelay $0x1  }
0x2f1: {  	s13 =	sadd.s32 s24, s8;
	s7 =	sadd.s32 $0x200, s10  }
0x2f2: {  	[tilespmem:s18], [sflag:$0x2] =	stream.indirect.gather [hbm4b:s1+s14], $0x80, s7, s14, $0xb8;
	[tilespmem:$0x17980] =	vst v63  }
0x2f3: {  	s11 =	sadd.s32 $0x4200, s10;
	s7 =	sshrl.u32 s13, $0x3  }
0x2f4: {  	[tilespmem:s20], [sflag:$0x5] =	stream.indirect.gather [hbm4b:s1+s14], $0x80, s11, s14, $0xb8;
	[tilespmem:$0x17980] =	vst v63  }
0x2f5: {  	s7 =	sadd.s32 s3, s7  }
0x2f6: {  	[hbm4b:s7+s4] =	stream.linear.scatter [tilespmem:s2], [sflag:$0x8], $0x50, $0x38;
	[tilespmem:$0x17980] =	vst v63  }
0x2f7: {  	_ =	swait.ge [sflag:s17], $0x2800  }
0x2f8: {  	[sflag:s17] =	ssyncset.done $0x0  }
0x2f9: {  	[sflag:s17] =	ssyncadd.s32 $0xFFFFD800  }
0x2fa: {  	_ =	swait.ge [sflag:s19], $0x2800  }
0x2fb: {  	[sflag:s19] =	ssyncset.done $0x0  }
0x2fc: {  	s7 =	simm.s32 @!p0 $0x9;
	[sflag:s19] =	ssyncadd.s32 $0xFFFFD800  }
0x2fd: {  	_ =	swait.ge @!p0 [sflag:s7], $0x50  }
0x2fe: {  	[sflag:s7] =	ssyncset.done @!p0 $0x0  }
0x2ff: {  	s13 =	simm.s32 $0x0;
	[sflag:s7] =	ssyncadd.s32 @!p0 $0xFFFFFFB0  }
.LBB2_8:
0x300: {  	s7 =	sshll.u32 s13, $0xB  }
0x301: {  	v16 =	vld [tilespmem:s7+$0xD000]  }
0x302: {  	v17 =	vld [tilespmem:s7+$0x14800]  }
0x303: {  	v18 =	vld [tilespmem:s7+$0xD080]  }
0x304: {  	v19 =	vld [tilespmem:s7+$0x14880]  }
0x305: {  	v20 =	vld [tilespmem:s7+$0xD100]  }
0x306: {  	v21 =	vld [tilespmem:s7+$0x14900]  }
0x307: {  	v22 =	vld [tilespmem:s7+$0xD180]  }
0x308: {  	v23 =	vld [tilespmem:s7+$0x14980]  }
0x309: {  	v24 =	vld [tilespmem:s7+$0xD010]  }
0x30a: {  	v25 =	vld [tilespmem:s7+$0x14810]  }
0x30b: {  	v26 =	vld [tilespmem:s7+$0xD090]  }
0x30c: {  	v27 =	vld [tilespmem:s7+$0x14890]  }
0x30d: {  	v28 =	vld [tilespmem:s7+$0xD110]  }
0x30e: {  	v29 =	vld [tilespmem:s7+$0x14910]  }
0x30f: {  	v30 =	vld [tilespmem:s7+$0xD190]  }
0x310: {  	v31 =	vld [tilespmem:s7+$0x14990]  }
0x311: {  	v32 =	vld [tilespmem:s7+$0xD020]  }
0x312: {  	v33 =	vld [tilespmem:s7+$0x14820]  }
0x313: {  	v34 =	vld [tilespmem:s7+$0xD0A0]  }
0x314: {  	v35 =	vld [tilespmem:s7+$0x148A0]  }
0x315: {  	v36 =	vld [tilespmem:s7+$0xD120]  }
0x316: {  	v37 =	vld [tilespmem:s7+$0x14920]  }
0x317: {  	v38 =	vld [tilespmem:s7+$0xD1A0]  }
0x318: {  	v39 =	vld [tilespmem:s7+$0x149A0]  }
0x319: {  	v40 =	vld [tilespmem:s7+$0xD030]  }
0x31a: {  	v41 =	vld [tilespmem:s7+$0x14830]  }
0x31b: {  	v42 =	vld [tilespmem:s7+$0xD0B0]  }
0x31c: {  	v43 =	vld [tilespmem:s7+$0x148B0]  }
0x31d: {  	v44 =	vld [tilespmem:s7+$0xD130]  }
0x31e: {  	v45 =	vld [tilespmem:s7+$0x14930]  }
0x31f: {  	v46 =	vld [tilespmem:s7+$0xD1B0]  }
0x320: {  	v47 =	vld [tilespmem:s7+$0x149B0]  }
0x321: {  	v48 =	vld [tilespmem:s7+$0xD040]  }
0x322: {  	v49 =	vld [tilespmem:s7+$0x14840]  }
0x323: {  	v50 =	vld [tilespmem:s7+$0xD0C0]  }
0x324: {  	v51 =	vld [tilespmem:s7+$0x148C0]  }
0x325: {  	v52 =	vld [tilespmem:s7+$0xD140]  }
0x326: {  	v53 =	vld [tilespmem:s7+$0x14940]  }
0x327: {  	v54 =	vld [tilespmem:s7+$0xD1C0]  }
0x328: {  	v55 =	vld [tilespmem:s7+$0x149C0]  }
0x329: {  	v56 =	vld [tilespmem:s7+$0xD050]  }
0x32a: {  	v57 =	vld [tilespmem:s7+$0x14850]  }
0x32b: {  	v58 =	vld [tilespmem:s7+$0xD0D0]  }
0x32c: {  	v59 =	vld [tilespmem:s7+$0x148D0]  }
0x32d: {  	v60 =	vld [tilespmem:s7+$0xD150]  }
0x32e: {  	v61 =	vld [tilespmem:s7+$0x14950]  }
0x32f: {  	v62 =	vld [tilespmem:s7+$0xD1D0]  }
0x330: {  	v63 =	vld [tilespmem:s7+$0x149D0];
	v16 =	vmul.f32 v17, v16;
	v18 =	vmul.f32 v19, v18  }
0x331: {  	v17 =	vld [tilespmem:s7+$0xD060];
	v19 =	vmul.f32 v21, v20;
	v21 =	vmul.f32 v25, v24  }
0x332: {  	v20 =	vld [tilespmem:s7+$0x14860];
	v24 =	vmul.f32 v27, v26;
	v22 =	vmul.f32 v23, v22  }
0x333: {  	v25 =	vld [tilespmem:s7+$0xD0E0];
	v29 =	vmul.f32 v29, v28;
	v33 =	vmul.f32 v33, v32  }
0x334: {  	v26 =	vld [tilespmem:s7+$0x148E0];
	v35 =	vmul.f32 v35, v34;
	v37 =	vmul.f32 v37, v36  }
0x335: {  	v28 =	vld [tilespmem:s7+$0x14960];
	v38 =	vmul.f32 v39, v38;
	v39 =	vmul.f32 v41, v40  }
0x336: {  	v40 =	vld [tilespmem:s7+$0x149E0];
	v41 =	vmul.f32 v43, v42;
	v43 =	vmul.f32 v45, v44  }
0x337: {  	v42 =	vld [tilespmem:s7+$0xD070];
	v44 =	vmul.f32 v47, v46;
	v46 =	vmul.f32 v49, v48  }
0x338: {  	v45 =	vld [tilespmem:s7+$0x14870];
	v47 =	vmul.f32 v51, v50;
	v49 =	vmul.f32 v53, v52;
	v16 =	vadd.f32 v21, v16  }
0x339: {  	v48 =	vld [tilespmem:s7+$0xD0F0];
	v51 =	vmul.f32 v55, v54;
	v18 =	vadd.f32 v24, v18;
	v21 =	vmul.f32 v31, v30  }
0x33a: {  	v50 =	vld [tilespmem:s7+$0x148F0];
	v53 =	vmul.f32 v57, v56;
	v19 =	vadd.f32 v29, v19;
	v16 =	vadd.f32 v33, v16  }
0x33b: {  	v52 =	vld [tilespmem:s7+$0xD170];
	v54 =	vmul.f32 v59, v58;
	v21 =	vadd.f32 v21, v22;
	v18 =	vadd.f32 v35, v18  }
0x33c: {  	v55 =	vld [tilespmem:s7+$0x14970];
	v56 =	vmul.f32 v61, v60;
	v19 =	vadd.f32 v37, v19;
	v16 =	vadd.f32 v39, v16  }
0x33d: {  	v57 =	vmul.f32 v63, v62;
	v24 =	vld [tilespmem:s7+$0xD160];
	v21 =	vadd.f32 v38, v21;
	v18 =	vadd.f32 v41, v18  }
0x33e: {  	v30 =	vld [tilespmem:s7+$0xD1E0];
	v17 =	vmul.f32 v20, v17;
	v19 =	vadd.f32 v43, v19;
	v16 =	vadd.f32 v46, v16  }
0x33f: {  	v58 =	vld [tilespmem:s7+$0xD1F0];
	v60 =	vmul.f32 v26, v25;
	v21 =	vadd.f32 v44, v21;
	v18 =	vadd.f32 v47, v18  }
0x340: {  	v59 =	vld [tilespmem:s7+$0x149F0];
	v61 =	vmul.f32 v45, v42;
	v19 =	vadd.f32 v49, v19;
	v16 =	vadd.f32 v53, v16  }
0x341: {  	v63 =	vmul.f32 v50, v48;
	v21 =	vadd.f32 v51, v21;
	v18 =	vadd.f32 v54, v18  }
0x342: {  	v19 =	vadd.f32 v56, v19;
	v16 =	vadd.f32 v17, v16;
	v17 =	vmul.f32 v28, v24  }
0x343: {  	v62 =	vmul.f32 v40, v30;
	v21 =	vadd.f32 v57, v21;
	v18 =	vadd.f32 v60, v18  }
0x344: {  	v28 =	vmul.f32 v55, v52;
	v17 =	vadd.f32 v17, v19;
	v16 =	vadd.f32 v61, v16  }
0x345: {  	v20 =	vmul.f32 v59, v58;
	v21 =	vadd.f32 v62, v21;
	v18 =	vadd.f32 v63, v18  }
0x346: {  	v17 =	vadd.f32 v28, v17;
	[tilespmem:$0x17180] =	vst v16  }
0x347: {  	v16 =	vadd.f32 v20, v21;
	[tilespmem:$0x17200] =	vst v18  }
0x348: {  	[tilespmem:$0x17280] =	vst v17  }
0x349: {  	[tilespmem:$0x17300] =	vst v16  }
0x34a: {  	v16 =	vld [tilespmem:s7+$0xD200]  }
0x34b: {  	v17 =	vld [tilespmem:s7+$0x14A00]  }
0x34c: {  	v18 =	vld [tilespmem:s7+$0xD280]  }
0x34d: {  	v19 =	vld [tilespmem:s7+$0x14A80]  }
0x34e: {  	v20 =	vld [tilespmem:s7+$0xD300]  }
0x34f: {  	v21 =	vld [tilespmem:s7+$0x14B00]  }
0x350: {  	v22 =	vld [tilespmem:s7+$0xD380]  }
0x351: {  	v23 =	vld [tilespmem:s7+$0x14B80]  }
0x352: {  	v24 =	vld [tilespmem:s7+$0xD210]  }
0x353: {  	v25 =	vld [tilespmem:s7+$0x14A10]  }
0x354: {  	v26 =	vld [tilespmem:s7+$0xD290]  }
0x355: {  	v27 =	vld [tilespmem:s7+$0x14A90]  }
0x356: {  	v28 =	vld [tilespmem:s7+$0xD310]  }
0x357: {  	v29 =	vld [tilespmem:s7+$0x14B10]  }
0x358: {  	v30 =	vld [tilespmem:s7+$0xD390]  }
0x359: {  	v31 =	vld [tilespmem:s7+$0x14B90]  }
0x35a: {  	v32 =	vld [tilespmem:s7+$0xD220]  }
0x35b: {  	v33 =	vld [tilespmem:s7+$0x14A20]  }
0x35c: {  	v34 =	vld [tilespmem:s7+$0xD2A0]  }
0x35d: {  	v35 =	vld [tilespmem:s7+$0x14AA0]  }
0x35e: {  	v36 =	vld [tilespmem:s7+$0xD320]  }
0x35f: {  	v37 =	vld [tilespmem:s7+$0x14B20]  }
0x360: {  	v38 =	vld [tilespmem:s7+$0xD3A0]  }
0x361: {  	v39 =	vld [tilespmem:s7+$0x14BA0]  }
0x362: {  	v40 =	vld [tilespmem:s7+$0xD230]  }
0x363: {  	v41 =	vld [tilespmem:s7+$0x14A30]  }
0x364: {  	v42 =	vld [tilespmem:s7+$0xD2B0]  }
0x365: {  	v43 =	vld [tilespmem:s7+$0x14AB0]  }
0x366: {  	v44 =	vld [tilespmem:s7+$0xD330]  }
0x367: {  	v45 =	vld [tilespmem:s7+$0x14B30]  }
0x368: {  	v46 =	vld [tilespmem:s7+$0xD3B0]  }
0x369: {  	v47 =	vld [tilespmem:s7+$0x14BB0]  }
0x36a: {  	v48 =	vld [tilespmem:s7+$0xD240]  }
0x36b: {  	v49 =	vld [tilespmem:s7+$0x14A40]  }
0x36c: {  	v50 =	vld [tilespmem:s7+$0xD2C0]  }
0x36d: {  	v51 =	vld [tilespmem:s7+$0x14AC0]  }
0x36e: {  	v52 =	vld [tilespmem:s7+$0xD340]  }
0x36f: {  	v53 =	vld [tilespmem:s7+$0x14B40]  }
0x370: {  	v54 =	vld [tilespmem:s7+$0xD3C0]  }
0x371: {  	v55 =	vld [tilespmem:s7+$0x14BC0]  }
0x372: {  	v56 =	vld [tilespmem:s7+$0xD250]  }
0x373: {  	v57 =	vld [tilespmem:s7+$0x14A50]  }
0x374: {  	v58 =	vld [tilespmem:s7+$0xD2D0]  }
0x375: {  	v59 =	vld [tilespmem:s7+$0x14AD0]  }
0x376: {  	v60 =	vld [tilespmem:s7+$0xD350]  }
0x377: {  	v61 =	vld [tilespmem:s7+$0x14B50]  }
0x378: {  	v62 =	vld [tilespmem:s7+$0xD3D0]  }
0x379: {  	v63 =	vld [tilespmem:s7+$0x14BD0];
	v16 =	vmul.f32 v17, v16;
	v18 =	vmul.f32 v19, v18  }
0x37a: {  	v17 =	vld [tilespmem:s7+$0xD260];
	v19 =	vmul.f32 v21, v20;
	v21 =	vmul.f32 v25, v24  }
0x37b: {  	v20 =	vld [tilespmem:s7+$0x14A60];
	v24 =	vmul.f32 v27, v26;
	v22 =	vmul.f32 v23, v22  }
0x37c: {  	v25 =	vld [tilespmem:s7+$0xD2E0];
	v29 =	vmul.f32 v29, v28;
	v33 =	vmul.f32 v33, v32  }
0x37d: {  	v26 =	vld [tilespmem:s7+$0x14AE0];
	v35 =	vmul.f32 v35, v34;
	v37 =	vmul.f32 v37, v36  }
0x37e: {  	v28 =	vld [tilespmem:s7+$0x14B60];
	v38 =	vmul.f32 v39, v38;
	v39 =	vmul.f32 v41, v40  }
0x37f: {  	v40 =	vld [tilespmem:s7+$0x14BE0];
	v41 =	vmul.f32 v43, v42;
	v43 =	vmul.f32 v45, v44  }
0x380: {  	v42 =	vld [tilespmem:s7+$0xD270];
	v44 =	vmul.f32 v47, v46;
	v46 =	vmul.f32 v49, v48  }
0x381: {  	v45 =	vld [tilespmem:s7+$0x14A70];
	v47 =	vmul.f32 v51, v50;
	v49 =	vmul.f32 v53, v52;
	v16 =	vadd.f32 v21, v16  }
0x382: {  	v48 =	vld [tilespmem:s7+$0xD2F0];
	v51 =	vmul.f32 v55, v54;
	v18 =	vadd.f32 v24, v18;
	v21 =	vmul.f32 v31, v30  }
0x383: {  	v50 =	vld [tilespmem:s7+$0x14AF0];
	v53 =	vmul.f32 v57, v56;
	v19 =	vadd.f32 v29, v19;
	v16 =	vadd.f32 v33, v16  }
0x384: {  	v52 =	vld [tilespmem:s7+$0xD370];
	v54 =	vmul.f32 v59, v58;
	v21 =	vadd.f32 v21, v22;
	v18 =	vadd.f32 v35, v18  }
0x385: {  	v55 =	vld [tilespmem:s7+$0x14B70];
	v56 =	vmul.f32 v61, v60;
	v19 =	vadd.f32 v37, v19;
	v16 =	vadd.f32 v39, v16  }
0x386: {  	v57 =	vmul.f32 v63, v62;
	v24 =	vld [tilespmem:s7+$0xD360];
	v21 =	vadd.f32 v38, v21;
	v18 =	vadd.f32 v41, v18  }
0x387: {  	v30 =	vld [tilespmem:s7+$0xD3E0];
	v17 =	vmul.f32 v20, v17;
	v19 =	vadd.f32 v43, v19;
	v16 =	vadd.f32 v46, v16  }
0x388: {  	v58 =	vld [tilespmem:s7+$0xD3F0];
	v60 =	vmul.f32 v26, v25;
	v21 =	vadd.f32 v44, v21;
	v18 =	vadd.f32 v47, v18  }
0x389: {  	v59 =	vld [tilespmem:s7+$0x14BF0];
	v61 =	vmul.f32 v45, v42;
	v19 =	vadd.f32 v49, v19;
	v16 =	vadd.f32 v53, v16  }
0x38a: {  	v63 =	vmul.f32 v50, v48;
	v21 =	vadd.f32 v51, v21;
	v18 =	vadd.f32 v54, v18  }
0x38b: {  	v19 =	vadd.f32 v56, v19;
	v16 =	vadd.f32 v17, v16;
	v17 =	vmul.f32 v28, v24  }
0x38c: {  	v62 =	vmul.f32 v40, v30;
	v21 =	vadd.f32 v57, v21;
	v18 =	vadd.f32 v60, v18  }
0x38d: {  	v28 =	vmul.f32 v55, v52;
	v17 =	vadd.f32 v17, v19;
	v16 =	vadd.f32 v61, v16  }
0x38e: {  	v20 =	vmul.f32 v59, v58;
	v21 =	vadd.f32 v62, v21;
	v18 =	vadd.f32 v63, v18  }
0x38f: {  	v17 =	vadd.f32 v28, v17;
	[tilespmem:$0x17380] =	vst v16  }
0x390: {  	v16 =	vadd.f32 v20, v21;
	[tilespmem:$0x17400] =	vst v18  }
0x391: {  	[tilespmem:$0x17480] =	vst v17  }
0x392: {  	[tilespmem:$0x17500] =	vst v16  }
0x393: {  	v16 =	vld [tilespmem:s7+$0xD400]  }
0x394: {  	v17 =	vld [tilespmem:s7+$0x14C00]  }
0x395: {  	v18 =	vld [tilespmem:s7+$0xD480]  }
0x396: {  	v19 =	vld [tilespmem:s7+$0x14C80]  }
0x397: {  	v20 =	vld [tilespmem:s7+$0xD500]  }
0x398: {  	v21 =	vld [tilespmem:s7+$0x14D00]  }
0x399: {  	v22 =	vld [tilespmem:s7+$0xD580]  }
0x39a: {  	v23 =	vld [tilespmem:s7+$0x14D80]  }
0x39b: {  	v24 =	vld [tilespmem:s7+$0xD410]  }
0x39c: {  	v25 =	vld [tilespmem:s7+$0x14C10]  }
0x39d: {  	v26 =	vld [tilespmem:s7+$0xD490]  }
0x39e: {  	v27 =	vld [tilespmem:s7+$0x14C90]  }
0x39f: {  	v28 =	vld [tilespmem:s7+$0xD510]  }
0x3a0: {  	v29 =	vld [tilespmem:s7+$0x14D10]  }
0x3a1: {  	v30 =	vld [tilespmem:s7+$0xD590]  }
0x3a2: {  	v31 =	vld [tilespmem:s7+$0x14D90]  }
0x3a3: {  	v32 =	vld [tilespmem:s7+$0xD420]  }
0x3a4: {  	v33 =	vld [tilespmem:s7+$0x14C20]  }
0x3a5: {  	v34 =	vld [tilespmem:s7+$0xD4A0]  }
0x3a6: {  	v35 =	vld [tilespmem:s7+$0x14CA0]  }
0x3a7: {  	v36 =	vld [tilespmem:s7+$0xD520]  }
0x3a8: {  	v37 =	vld [tilespmem:s7+$0x14D20]  }
0x3a9: {  	v38 =	vld [tilespmem:s7+$0xD5A0]  }
0x3aa: {  	v39 =	vld [tilespmem:s7+$0x14DA0]  }
0x3ab: {  	v40 =	vld [tilespmem:s7+$0xD430]  }
0x3ac: {  	v41 =	vld [tilespmem:s7+$0x14C30]  }
0x3ad: {  	v42 =	vld [tilespmem:s7+$0xD4B0]  }
0x3ae: {  	v43 =	vld [tilespmem:s7+$0x14CB0]  }
0x3af: {  	v44 =	vld [tilespmem:s7+$0xD530]  }
0x3b0: {  	v45 =	vld [tilespmem:s7+$0x14D30]  }
0x3b1: {  	v46 =	vld [tilespmem:s7+$0xD5B0]  }
0x3b2: {  	v47 =	vld [tilespmem:s7+$0x14DB0]  }
0x3b3: {  	v48 =	vld [tilespmem:s7+$0xD440]  }
0x3b4: {  	v49 =	vld [tilespmem:s7+$0x14C40]  }
0x3b5: {  	v50 =	vld [tilespmem:s7+$0xD4C0]  }
0x3b6: {  	v51 =	vld [tilespmem:s7+$0x14CC0]  }
0x3b7: {  	v52 =	vld [tilespmem:s7+$0xD540]  }
0x3b8: {  	v53 =	vld [tilespmem:s7+$0x14D40]  }
0x3b9: {  	v54 =	vld [tilespmem:s7+$0xD5C0]  }
0x3ba: {  	v55 =	vld [tilespmem:s7+$0x14DC0]  }
0x3bb: {  	v56 =	vld [tilespmem:s7+$0xD450]  }
0x3bc: {  	v57 =	vld [tilespmem:s7+$0x14C50]  }
0x3bd: {  	v58 =	vld [tilespmem:s7+$0xD4D0]  }
0x3be: {  	v59 =	vld [tilespmem:s7+$0x14CD0]  }
0x3bf: {  	v60 =	vld [tilespmem:s7+$0xD550]  }
0x3c0: {  	v61 =	vld [tilespmem:s7+$0x14D50]  }
0x3c1: {  	v62 =	vld [tilespmem:s7+$0xD5D0]  }
0x3c2: {  	v63 =	vld [tilespmem:s7+$0x14DD0];
	v16 =	vmul.f32 v17, v16;
	v18 =	vmul.f32 v19, v18  }
0x3c3: {  	v17 =	vld [tilespmem:s7+$0xD460];
	v19 =	vmul.f32 v21, v20;
	v21 =	vmul.f32 v25, v24  }
0x3c4: {  	v20 =	vld [tilespmem:s7+$0x14C60];
	v24 =	vmul.f32 v27, v26;
	v22 =	vmul.f32 v23, v22  }
0x3c5: {  	v25 =	vld [tilespmem:s7+$0xD4E0];
	v29 =	vmul.f32 v29, v28;
	v33 =	vmul.f32 v33, v32  }
0x3c6: {  	v26 =	vld [tilespmem:s7+$0x14CE0];
	v35 =	vmul.f32 v35, v34;
	v37 =	vmul.f32 v37, v36  }
0x3c7: {  	v28 =	vld [tilespmem:s7+$0x14D60];
	v38 =	vmul.f32 v39, v38;
	v39 =	vmul.f32 v41, v40  }
0x3c8: {  	v40 =	vld [tilespmem:s7+$0x14DE0];
	v41 =	vmul.f32 v43, v42;
	v43 =	vmul.f32 v45, v44  }
0x3c9: {  	v42 =	vld [tilespmem:s7+$0xD470];
	v44 =	vmul.f32 v47, v46;
	v46 =	vmul.f32 v49, v48  }
0x3ca: {  	v45 =	vld [tilespmem:s7+$0x14C70];
	v47 =	vmul.f32 v51, v50;
	v49 =	vmul.f32 v53, v52;
	v16 =	vadd.f32 v21, v16  }
0x3cb: {  	v48 =	vld [tilespmem:s7+$0xD4F0];
	v51 =	vmul.f32 v55, v54;
	v18 =	vadd.f32 v24, v18;
	v21 =	vmul.f32 v31, v30  }
0x3cc: {  	v50 =	vld [tilespmem:s7+$0x14CF0];
	v53 =	vmul.f32 v57, v56;
	v19 =	vadd.f32 v29, v19;
	v16 =	vadd.f32 v33, v16  }
0x3cd: {  	v52 =	vld [tilespmem:s7+$0xD570];
	v54 =	vmul.f32 v59, v58;
	v21 =	vadd.f32 v21, v22;
	v18 =	vadd.f32 v35, v18  }
0x3ce: {  	v55 =	vld [tilespmem:s7+$0x14D70];
	v56 =	vmul.f32 v61, v60;
	v19 =	vadd.f32 v37, v19;
	v16 =	vadd.f32 v39, v16  }
0x3cf: {  	v57 =	vmul.f32 v63, v62;
	v24 =	vld [tilespmem:s7+$0xD560];
	v21 =	vadd.f32 v38, v21;
	v18 =	vadd.f32 v41, v18  }
0x3d0: {  	v30 =	vld [tilespmem:s7+$0xD5E0];
	v17 =	vmul.f32 v20, v17;
	v19 =	vadd.f32 v43, v19;
	v16 =	vadd.f32 v46, v16  }
0x3d1: {  	v58 =	vld [tilespmem:s7+$0xD5F0];
	v60 =	vmul.f32 v26, v25;
	v21 =	vadd.f32 v44, v21;
	v18 =	vadd.f32 v47, v18  }
0x3d2: {  	v59 =	vld [tilespmem:s7+$0x14DF0];
	v61 =	vmul.f32 v45, v42;
	v19 =	vadd.f32 v49, v19;
	v16 =	vadd.f32 v53, v16  }
0x3d3: {  	v63 =	vmul.f32 v50, v48;
	v21 =	vadd.f32 v51, v21;
	v18 =	vadd.f32 v54, v18  }
0x3d4: {  	v19 =	vadd.f32 v56, v19;
	v16 =	vadd.f32 v17, v16;
	v17 =	vmul.f32 v28, v24  }
0x3d5: {  	v62 =	vmul.f32 v40, v30;
	v21 =	vadd.f32 v57, v21;
	v18 =	vadd.f32 v60, v18  }
0x3d6: {  	v28 =	vmul.f32 v55, v52;
	v17 =	vadd.f32 v17, v19;
	v16 =	vadd.f32 v61, v16  }
0x3d7: {  	v20 =	vmul.f32 v59, v58;
	v21 =	vadd.f32 v62, v21;
	v18 =	vadd.f32 v63, v18  }
0x3d8: {  	v17 =	vadd.f32 v28, v17;
	[tilespmem:$0x17580] =	vst v16  }
0x3d9: {  	v16 =	vadd.f32 v20, v21;
	[tilespmem:$0x17600] =	vst v18  }
0x3da: {  	[tilespmem:$0x17680] =	vst v17  }
0x3db: {  	[tilespmem:$0x17700] =	vst v16  }
0x3dc: {  	v16 =	vld [tilespmem:s7+$0xD600]  }
0x3dd: {  	v17 =	vld [tilespmem:s7+$0x14E00]  }
0x3de: {  	v18 =	vld [tilespmem:s7+$0xD680]  }
0x3df: {  	v19 =	vld [tilespmem:s7+$0x14E80]  }
0x3e0: {  	v20 =	vld [tilespmem:s7+$0xD700]  }
0x3e1: {  	v21 =	vld [tilespmem:s7+$0x14F00]  }
0x3e2: {  	v22 =	vld [tilespmem:s7+$0xD780]  }
0x3e3: {  	v23 =	vld [tilespmem:s7+$0x14F80]  }
0x3e4: {  	v24 =	vld [tilespmem:s7+$0xD610]  }
0x3e5: {  	v25 =	vld [tilespmem:s7+$0x14E10]  }
0x3e6: {  	v26 =	vld [tilespmem:s7+$0xD690]  }
0x3e7: {  	v27 =	vld [tilespmem:s7+$0x14E90]  }
0x3e8: {  	v28 =	vld [tilespmem:s7+$0xD710]  }
0x3e9: {  	v29 =	vld [tilespmem:s7+$0x14F10]  }
0x3ea: {  	v30 =	vld [tilespmem:s7+$0xD790]  }
0x3eb: {  	v31 =	vld [tilespmem:s7+$0x14F90]  }
0x3ec: {  	v32 =	vld [tilespmem:s7+$0xD620]  }
0x3ed: {  	v33 =	vld [tilespmem:s7+$0x14E20]  }
0x3ee: {  	v34 =	vld [tilespmem:s7+$0xD6A0]  }
0x3ef: {  	v35 =	vld [tilespmem:s7+$0x14EA0]  }
0x3f0: {  	v36 =	vld [tilespmem:s7+$0xD720]  }
0x3f1: {  	v37 =	vld [tilespmem:s7+$0x14F20]  }
0x3f2: {  	v38 =	vld [tilespmem:s7+$0xD7A0]  }
0x3f3: {  	v39 =	vld [tilespmem:s7+$0x14FA0]  }
0x3f4: {  	v40 =	vld [tilespmem:s7+$0xD630]  }
0x3f5: {  	v41 =	vld [tilespmem:s7+$0x14E30]  }
0x3f6: {  	v42 =	vld [tilespmem:s7+$0xD6B0]  }
0x3f7: {  	v43 =	vld [tilespmem:s7+$0x14EB0]  }
0x3f8: {  	v44 =	vld [tilespmem:s7+$0xD730]  }
0x3f9: {  	v45 =	vld [tilespmem:s7+$0x14F30]  }
0x3fa: {  	v46 =	vld [tilespmem:s7+$0xD7B0]  }
0x3fb: {  	v47 =	vld [tilespmem:s7+$0x14FB0]  }
0x3fc: {  	v48 =	vld [tilespmem:s7+$0xD640]  }
0x3fd: {  	v49 =	vld [tilespmem:s7+$0x14E40]  }
0x3fe: {  	v50 =	vld [tilespmem:s7+$0xD6C0]  }
0x3ff: {  	v51 =	vld [tilespmem:s7+$0x14EC0]  }
0x400: {  	v52 =	vld [tilespmem:s7+$0xD740]  }
0x401: {  	v53 =	vld [tilespmem:s7+$0x14F40]  }
0x402: {  	v54 =	vld [tilespmem:s7+$0xD7C0]  }
0x403: {  	v55 =	vld [tilespmem:s7+$0x14FC0]  }
0x404: {  	v56 =	vld [tilespmem:s7+$0xD650]  }
0x405: {  	v57 =	vld [tilespmem:s7+$0x14E50]  }
0x406: {  	v58 =	vld [tilespmem:s7+$0xD6D0]  }
0x407: {  	v59 =	vld [tilespmem:s7+$0x14ED0]  }
0x408: {  	v60 =	vld [tilespmem:s7+$0xD750]  }
0x409: {  	v61 =	vld [tilespmem:s7+$0x14F50]  }
0x40a: {  	v62 =	vld [tilespmem:s7+$0xD7D0]  }
0x40b: {  	v63 =	vld [tilespmem:s7+$0x14FD0];
	v16 =	vmul.f32 v17, v16;
	v18 =	vmul.f32 v19, v18  }
0x40c: {  	v17 =	vld [tilespmem:s7+$0xD660];
	v19 =	vmul.f32 v21, v20;
	v21 =	vmul.f32 v25, v24  }
0x40d: {  	v20 =	vld [tilespmem:s7+$0x14E60];
	v24 =	vmul.f32 v27, v26;
	v22 =	vmul.f32 v23, v22  }
0x40e: {  	v25 =	vld [tilespmem:s7+$0xD6E0];
	v29 =	vmul.f32 v29, v28;
	v33 =	vmul.f32 v33, v32  }
0x40f: {  	v26 =	vld [tilespmem:s7+$0x14EE0];
	v35 =	vmul.f32 v35, v34;
	v37 =	vmul.f32 v37, v36  }
0x410: {  	v28 =	vld [tilespmem:s7+$0x14F60];
	v39 =	vmul.f32 v39, v38;
	v41 =	vmul.f32 v41, v40  }
0x411: {  	v27 =	vld [tilespmem:s7+$0x14FE0];
	v43 =	vmul.f32 v43, v42;
	v45 =	vmul.f32 v45, v44  }
0x412: {  	v36 =	vmul.f32 v47, v46;
	v32 =	vld [tilespmem:s7+$0x14E70];
	v38 =	vmul.f32 v51, v50  }
0x413: {  	v34 =	vld [tilespmem:s7+$0xD6F0];
	v44 =	vmul.f32 v59, v58;
	v16 =	vadd.f32 v21, v16;
	v21 =	vmul.f32 v31, v30  }
0x414: {  	v40 =	vld [tilespmem:s7+$0x14EF0];
	v46 =	vmul.f32 v61, v60;
	v18 =	vadd.f32 v24, v18;
	v19 =	vadd.f32 v29, v19  }
0x415: {  	v42 =	vld [tilespmem:s7+$0xD770];
	v47 =	vmul.f32 v63, v62;
	v21 =	vadd.f32 v21, v22;
	v16 =	vadd.f32 v33, v16  }
0x416: {  	v24 =	vld [tilespmem:s7+$0xD760];
	v18 =	vadd.f32 v35, v18;
	v19 =	vadd.f32 v37, v19;
	v37 =	vmul.f32 v49, v48  }
0x417: {  	v29 =	vld [tilespmem:s7+$0xD670];
	v17 =	vmul.f32 v20, v17;
	v21 =	vadd.f32 v39, v21;
	v16 =	vadd.f32 v41, v16  }
0x418: {  	v30 =	vld [tilespmem:s7+$0xD7E0];
	v50 =	vmul.f32 v26, v25;
	v18 =	vadd.f32 v43, v18;
	v19 =	vadd.f32 v45, v19  }
0x419: {  	v48 =	vld [tilespmem:s7+$0xD7F0];
	v39 =	vmul.f32 v53, v52;
	v43 =	vmul.f32 v57, v56;
	v16 =	vadd.f32 v37, v16  }
0x41a: {  	v41 =	vmul.f32 v55, v54;
	v45 =	vld [tilespmem:s7+$0x14F70];
	v21 =	vadd.f32 v36, v21;
	v18 =	vadd.f32 v38, v18  }
0x41b: {  	v49 =	vld [tilespmem:s7+$0x14FF0];
	v53 =	vmul.f32 v40, v34;
	v19 =	vadd.f32 v39, v19;
	v16 =	vadd.f32 v43, v16  }
0x41c: {  	v51 =	vmul.f32 v32, v29;
	v21 =	vadd.f32 v41, v21;
	v18 =	vadd.f32 v44, v18  }
0x41d: {  	v19 =	vadd.f32 v46, v19;
	v16 =	vadd.f32 v17, v16;
	v17 =	vmul.f32 v28, v24  }
0x41e: {  	v52 =	vmul.f32 v27, v30;
	v21 =	vadd.f32 v47, v21;
	v18 =	vadd.f32 v50, v18  }
0x41f: {  	v54 =	vmul.f32 v45, v42;
	v17 =	vadd.f32 v17, v19;
	v16 =	vadd.f32 v51, v16  }
0x420: {  	v20 =	vmul.f32 v49, v48;
	v21 =	vadd.f32 v52, v21;
	v18 =	vadd.f32 v53, v18  }
0x421: {  	v17 =	vadd.f32 v54, v17;
	[tilespmem:$0x17780] =	vst v16  }
0x422: {  	v16 =	vadd.f32 v20, v21;
	[tilespmem:$0x17800] =	vst v18  }
0x423: {  	[tilespmem:$0x17880] =	vst v17  }
0x424: {  	[tilespmem:$0x17900] =	vst v16  }
0x425: {  	v16 =	vld.idx.msk [tilespmem:v0+s28+$0x0], $0xffff  }
0x426: {  	v17 =	vld.idx.msk [tilespmem:v1+s28+$0x0], $0xffff;
	_ =	sdelay $0x1  }
0x427: {  	v18 =	vld.idx.msk [tilespmem:v2+s28+$0x0], $0xffff;
	_ =	sdelay $0x1  }
0x428: {  	v55 =	vld.idx.msk [tilespmem:v3+s28+$0x0], $0xffff  }
0x429: {  	v16 =	vadd.f32 v17, v16  }
0x42a: {  	v17 =	vld.idx.msk [tilespmem:v4+s28+$0x0], $0xffff  }
0x42b: {  	v16 =	vadd.f32 v18, v16  }
0x42c: {  	v56 =	vld.idx.msk [tilespmem:v5+s28+$0x0], $0xffff  }
0x42d: {  	v16 =	vadd.f32 v55, v16  }
0x42e: {  	v57 =	vld.idx.msk [tilespmem:v6+s28+$0x0], $0xffff  }
0x42f: {  	v16 =	vadd.f32 v17, v16  }
0x430: {  	v17 =	vld.idx.msk [tilespmem:v7+s28+$0x0], $0xffff  }
0x431: {  	v16 =	vadd.f32 v56, v16  }
0x432: {  	v58 =	vld.idx.msk [tilespmem:v8+s28+$0x0], $0xffff  }
0x433: {  	v16 =	vadd.f32 v57, v16  }
0x434: {  	v59 =	vld.idx.msk [tilespmem:v9+s28+$0x0], $0xffff  }
0x435: {  	v16 =	vadd.f32 v17, v16  }
0x436: {  	v17 =	vld.idx.msk [tilespmem:v10+s28+$0x0], $0xffff  }
0x437: {  	v16 =	vadd.f32 v58, v16  }
0x438: {  	v60 =	vld.idx.msk [tilespmem:v11+s28+$0x0], $0xffff  }
0x439: {  	v16 =	vadd.f32 v59, v16  }
0x43a: {  	v61 =	vld.idx.msk [tilespmem:v12+s28+$0x0], $0xffff  }
0x43b: {  	v16 =	vadd.f32 v17, v16  }
0x43c: {  	v17 =	vld.idx.msk [tilespmem:v13+s28+$0x0], $0xffff  }
0x43d: {  	v16 =	vadd.f32 v60, v16  }
0x43e: {  	v62 =	vld.idx.msk [tilespmem:v14+s28+$0x0], $0xffff  }
0x43f: {  	v16 =	vadd.f32 v61, v16  }
0x440: {  	v63 =	vld.idx.msk [tilespmem:v15+s28+$0x0], $0xffff  }
0x441: {  	v16 =	vadd.f32 v17, v16;
	_ =	sdelay $0x1  }
0x442: {  	v16 =	vadd.f32 v62, v16;
	_ =	sdelay $0x1  }
0x443: {  	v16 =	vadd.f32 v63, v16;
	_ =	sdelay $0x1  }
0x444: {  	v16 =	vadd.f32 $3.205452110e-03, v16;
	_ =	sdelay $0x1  }
0x445: {  	v16 =	vsub.f32 $0.0e+00, v16;
	_ =	sdelay $0x1  }
0x446: {  	v16 =	vmul.f32 $1.442695020e+00, v16;
	_ =	sdelay $0x1  }
0x447: {  	(erf) = vpow2.f32 v16;
	_ =	sdelay $0x6  }
0x448: {  	p0 =	sne.s32 s13, $0x4  }
.Ltmp5:
0x449: {  	_ = 	snop;
	(pc) =	sbr.rel @p0 .LBB2_8-.Ltmp5, $4  }
0x44a: {  	v16 =	vpop (erf)  }
0x44b: {  	s11 =	sshll.u32 s13, $0x4;
	v16 =	vsub.f32 $1.000000000e+00, v16  }
0x44c: {  	s7 =	sand.u32 $0x3FFFFFF0, s11  }
0x44d: {  	s13 =	sadd.s32 $0x1, s13;
	[tilespmem:s7+$0x17100] =	vst v16  }
0x44e: {  	p0 =	sgt.u32 s23, $0x27  }
0x44f: {  	s7 =	sadd.s32 @!p0 $0x280, s10;
	s13 =	simm.s32 @!p0 $0x50;
	s11 =	simm.s32 @!p0 $0xD000  }
0x450: {  	[tilespmem:s11], [sflag:$0x3] =	stream.indirect.gather @!p0 [hbm4b:s1+s13], $0x80, s7, s13, $0xb8;
	[tilespmem:$0x17980] =	vst v63  }
0x451: {  	s23 =	sadd.s32 $0x1, s23;
	s7 =	sadd.s32 @!p0 $0x4280, s10;
	s10 =	simm.s32 @!p0 $0x14800  }
0x452: {  	[tilespmem:s10], [sflag:$0x6] =	stream.indirect.gather @!p0 [hbm4b:s1+s13], $0x80, s7, s13, $0xb8;
	[tilespmem:$0x17980] =	vst v63  }
0x453: {  	p0 =	sne.s32 s23, $0x2A  }
.Ltmp6:
0x454: {  	_ = 	snop;
	(pc) =	sbr.rel @p0 .LBB2_2-.Ltmp6, $4  }
.Ltmp7:
0x455: {  	s24 =	sadd.s32 s24, s9;
	(pc) =	sbr.rel @!p0 .LBB2_10-.Ltmp7, $4  }
0x456: {  	s7 =	sshrl.u32 s24, $0x3  }
0x457: {  	s7 =	sadd.s32 s3, s7  }
0x458: {  	[hbm4b:s7+s4] =	stream.linear.scatter [tilespmem:s21], [sflag:$0x9], $0x50, $0x38;
	[tilespmem:$0x17980] =	vst v63  }
0x459: {  	_ = 	snop  }
.LBB2_11:
0x45a: {  	_ =	sfence.sel $0x180000  }
0x45b: {  	[bflag:$0x0] =	sbarrier.arrive $0xFFFF  }
0x45c: {  	_ =	strace $0x90000047  }
0x45d: {  	s0 =	stileid.u32;
	[bflag:$0x2] =	sbarrier.arrive $0xFFFF  }
0x45e: {  	p0 =	sne.s32 s0, $0x0;
	s0 =	rddreg [dreg:$0x3]  }
0x45f: {  	s0 =	sadd.s32 @!p0 $0x100000, s0  }
0x460: {  	[sflag:s0] =	ssyncadd.tile.s32 @!p0 $0x1;
	_ =	shalt  }
.Lfunc_end2:
_tile_overlayer_lowered:
.L_overlay_start_2:
0x461: {  	(tag) =	ssettag $0x2  }
0x462: {  	s0 =	rddreg [dreg:$0x0];
	s2 =	stileid.u32  }
0x463: {  	s1 =	rddreg [dreg:$0x1];
	p0 =	sne.s32 s2, $0x0  }
0x464: {  	s3 =	rddreg [dreg:$0x2];
	[bflag:$0x3] =	sbarrier.arrive $0xFFFF;
	s2 =	simm.s32 @!p0 $0x1C0A  }
0x465: {  	[timem:s3], [sflag:s2] =	dma.local @!p0 [hbm:s0], s1  }
0x466: {  	s0 =	simm.s32 @!p0 $0xA  }
0x467: {  	_ =	swait.ge @!p0 [sflag:s0], s1  }
0x468: {  	s1 =	ssub.s32 @!p0 $0x0, s1;
	[sflag:s0] =	ssyncset.done @!p0 $0x0  }
0x469: {  	[sflag:s0] =	ssyncadd.s32 @!p0 s1  }
0x46a: {  	[bflag:$0x3] =	sbarrier.arrive $0xFFFF  }
0x46b: {  	_ =	shalt  }

</sc_bundles>
